<compile_context>
chip_gen: v7x
topology: tpu7x:2x2x1
jax: 0.10.2.dev20260603
libtpu: 0.0.44.dev20260713+nightly
codegen_flags: <defaults>
</compile_context>

<pallas_src>
import functools

import jax
import jax.numpy as jnp
from jax import lax
from jax.experimental import pallas as pl
from jax.experimental.pallas import tpu as pltpu
from jax.experimental.pallas import tpu_sc as plsc

E = 64
TOPK = 2
D = 768
F = 256
SEQ = 2048
TRIM = 32
NS = SEQ - TRIM
NA = NS * TOPK
BLK = 64
NB = 128
P = NB * BLK
TB = 32
NTB = NS // TB
NAP = 4096


def _grouped_mlp_body(be_ref, xg_ref, w1_ref, w2_ref, out_ref):
    @pl.when(pl.program_id(0) < be_ref[NB])
    def _():
        h = jax.nn.gelu(
            jnp.dot(xg_ref[...].astype(jnp.bfloat16), w1_ref[0],
                    preferred_element_type=jnp.float32)
        )
        out_ref[...] = jnp.dot(h.astype(jnp.bfloat16), w2_ref[0],
                               preferred_element_type=jnp.float32)


def _sparse_out_body(rows_ref, w_ref, eid_ref, _buf_in, y_ref, buf_ref):
    rows = rows_ref[...].astype(jnp.float32)
    w = w_ref[...]
    acc = rows[:, 0, :] * w[:, 0:1] + rows[:, 1, :] * w[:, 1:2]
    y_ref[...] = acc
    buf_ref[...] = jnp.zeros((TB, E, D), jnp.float32)
    for t in range(TB):
        e0 = eid_ref[t, 0]
        e1 = eid_ref[t, 1]
        dup = e0 == e1
        both = rows[t, 0, :] + rows[t, 1, :]
        v0 = jnp.where(dup, both, rows[t, 0, :])
        v1 = jnp.where(dup, both, rows[t, 1, :])
        buf_ref[t, e0, :] = v0
        buf_ref[t, e1, :] = v1


EG = 8


def _dense_body(xd_ref, w1_ref, w2_ref, sc_ref, y_ref, buf_ref):
    eg = pl.program_id(0)
    xd = xd_ref[...].astype(jnp.bfloat16)
    r = jax.lax.broadcasted_iota(jnp.int32, (E, EG), 0)
    c = jax.lax.broadcasted_iota(jnp.int32, (E, EG), 1)
    onehot = (r == EG * eg + c).astype(jnp.float32)
    w8 = jnp.dot(sc_ref[...], onehot, preferred_element_type=jnp.float32)

    outs = []
    acc = jnp.zeros((TRIM, D), jnp.float32)
    for j in range(EG):
        h = jax.nn.gelu(
            jnp.dot(xd, w1_ref[j], preferred_element_type=jnp.float32))
        out = jnp.dot(h.astype(jnp.bfloat16), w2_ref[j],
                      preferred_element_type=jnp.float32)
        outs.append(out)
        acc += out * w8[:, j:j + 1]
    buf_ref[...] = jnp.stack(outs, axis=1)

    @pl.when(eg == 0)
    def _():
        y_ref[...] = jnp.zeros((TRIM, D), jnp.float32)

    y_ref[...] += acc



_NV = NA // 16


def _sc_meta_body(eid_hbm, bexp_hbm, inv_hbm, gtok_hbm,
                  ev, hist, base, bstart, counters, tmp, inv_v, gtok_v,
                  bexp_v, occ_v, last_v):
    wid = lax.axis_index("s") * 2 + lax.axis_index("c")

    @pl.when(wid == 0)
    def _():
        iota = lax.iota(jnp.int32, 16)
        zeros16 = jnp.zeros((16,), jnp.int32)
        pltpu.sync_copy(eid_hbm, ev)

        def _z(i, _):
            gtok_v[pl.ds(i * 16, 16)] = (i * 16 + iota) & 1023
            return 0
        lax.fori_loop(0, P // 16, _z, 0)
        for vi in range(4):
            hist[pl.ds(vi * 16, 16)] = zeros16
            counters[pl.ds(vi * 16, 16)] = zeros16
        tmp[pl.ds(0, 16)] = zeros16
        tmp[pl.ds(16, 16)] = zeros16
        tmp[pl.ds(32, 16)] = zeros16
        for vi in range((NAP - NA) // 16):
            inv_v[pl.ds(NA + vi * 16, 16)] = zeros16

        def _hist_step(i, _):
            v = ev[pl.ds(i * 16, 16)]

            def _dup(m, carry):
                occ, cntl = carry
                sp = plsc.load_gather(ev, [jnp.zeros((16,), jnp.int32)
                                           + (i * 16 + m)])
                eq = v == sp
                occ = occ + jnp.where(eq & (iota > m), 1, 0)
                cntl = cntl + jnp.where(eq & (iota < m), 1, 0)
                return occ, cntl
            occ, cntl = lax.fori_loop(0, 16, _dup, (zeros16, zeros16))
            is_last = cntl == 0
            prior = plsc.load_gather(hist, [v])
            plsc.store_scatter(hist, [v], prior + occ + 1, mask=is_last)
            occ_v[pl.ds(i * 16, 16)] = occ
            last_v[pl.ds(i * 16, 16)] = jnp.where(is_last, 1, 0)
            return 0
        lax.fori_loop(0, _NV, _hist_step, 0)

        def _incl_scan(vec):
            cur = vec
            for sh in (1, 2, 4, 8):
                tmp[pl.ds(16, 16)] = cur
                cur = cur + tmp[pl.ds(16 - sh, 16)]
            tmp[pl.ds(32, 16)] = cur
            return cur

        carry_p = jnp.zeros((16,), jnp.int32)
        carry_b = jnp.zeros((16,), jnp.int32)
        full15 = jnp.full((16,), 15, jnp.int32)
        for vi in range(4):
            h = hist[pl.ds(vi * 16, 16)]
            nb = (h + 63) >> 6
            pad = nb * BLK
            incl_p = _incl_scan(pad)
            base[pl.ds(vi * 16, 16)] = incl_p - pad + carry_p
            carry_p = carry_p + plsc.load_gather(tmp, [full15 + 32])
            incl_b = _incl_scan(nb)
            bstart[pl.ds(vi * 16, 16)] = incl_b - nb + carry_b
            carry_b = carry_b + plsc.load_gather(tmp, [full15 + 32])

        for bi in range(NB // 16):
            bvec = bi * 16 + iota

            def _acc(e, a):
                bs_e = plsc.load_gather(bstart, [jnp.zeros((16,), jnp.int32)
                                                 + e])
                return a + jnp.where(bvec >= bs_e, 1, 0)
            bexp_v[pl.ds(bi * 16, 16)] = lax.fori_loop(
                0, E, _acc, jnp.full((16,), -1, jnp.int32))
        bexp_v[pl.ds(NB, 16)] = carry_b

        def _slot_step(i, _):
            v = ev[pl.ds(i * 16, 16)]
            occ = occ_v[pl.ds(i * 16, 16)]
            is_last = last_v[pl.ds(i * 16, 16)] == 1
            prior = plsc.load_gather(counters, [v])
            rank = prior + occ
            plsc.store_scatter(counters, [v], rank + 1, mask=is_last)
            slot = plsc.load_gather(base, [v]) + rank
            jg = i * 16 + iota
            inv_v[pl.ds(i * 16, 16)] = slot
            plsc.store_scatter(gtok_v, [slot], jg >> 1)
            return 0
        lax.fori_loop(0, _NV, _slot_step, 0)

        pltpu.sync_copy(bexp_v, bexp_hbm)
        pltpu.sync_copy(inv_v, inv_hbm)
        pltpu.sync_copy(gtok_v, gtok_hbm)


def _sc_row_gather(table, idx, chunk):
    n_rows, d = idx.shape[0], table.shape[1]
    dt = table.dtype
    nw = 32
    per_w = n_rows // nw
    nch = per_w // chunk
    mesh = plsc.VectorSubcoreMesh(core_axis_name="c", subcore_axis_name="s")

    def body(table_hbm, idx_hbm, out_hbm, idx_v, rows_v, sem):
        wid = lax.axis_index("s") * 2 + lax.axis_index("c")
        base = wid * per_w
        for c in range(nch):
            b = base + c * chunk
            pltpu.sync_copy(idx_hbm.at[pl.ds(b, chunk)], idx_v)
            pltpu.async_copy(table_hbm.at[idx_v], rows_v, sem).wait()
            pltpu.sync_copy(rows_v, out_hbm.at[pl.ds(b, chunk)])

    k = functools.partial(
        pl.kernel, mesh=mesh,
        out_type=jax.ShapeDtypeStruct((n_rows, d), dt),
        scratch_types=[
            pltpu.VMEM((chunk,), jnp.int32),
            pltpu.VMEM((chunk, d), dt),
            pltpu.SemaphoreType.DMA,
        ],
    )(body)
    return k(table, idx)


def _sc_metadata(eid_flat):
    mesh = plsc.VectorSubcoreMesh(core_axis_name="c", subcore_axis_name="s")
    k = functools.partial(
        pl.kernel, mesh=mesh,
        compiler_params=pltpu.CompilerParams(needs_layout_passes=False),
        out_type=[
            jax.ShapeDtypeStruct((NB + 16,), jnp.int32),
            jax.ShapeDtypeStruct((NAP,), jnp.int32),
            jax.ShapeDtypeStruct((P,), jnp.int32),
        ],
        scratch_types=[
            pltpu.VMEM((NA,), jnp.int32),
            pltpu.VMEM((E,), jnp.int32),
            pltpu.VMEM((E,), jnp.int32),
            pltpu.VMEM((E,), jnp.int32),
            pltpu.VMEM((E,), jnp.int32),
            pltpu.VMEM((48,), jnp.int32),
            pltpu.VMEM((NAP,), jnp.int32),
            pltpu.VMEM((P,), jnp.int32),
            pltpu.VMEM((NB + 16,), jnp.int32),
            pltpu.VMEM((NA,), jnp.int32),
            pltpu.VMEM((NA,), jnp.int32),
        ],
    )(_sc_meta_body)
    return k(eid_flat)


def kernel(x, expert_weights, expert_indices, scores, W1, W2):
    x2 = x.reshape(SEQ, D)
    x_d = x2[:TRIM]
    x_s = x2[TRIM:]
    w_s = expert_weights.reshape(SEQ, TOPK)[TRIM:]
    eid = expert_indices.reshape(SEQ, TOPK)[TRIM:].astype(jnp.int32)
    sc_d = scores[:TRIM]

    block_expert, invperm, gather_tok = _sc_metadata(eid.reshape(-1))

    W1b = W1.astype(jnp.bfloat16)
    W2b = W2.astype(jnp.bfloat16)
    xg = _sc_row_gather(x_s, gather_tok, 128)
    out_sorted = pl.pallas_call(
        _grouped_mlp_body,
        grid_spec=pltpu.PrefetchScalarGridSpec(
            num_scalar_prefetch=1,
            grid=(NB,),
            in_specs=[
                pl.BlockSpec((BLK, D), lambda b, s: (b, 0)),
                pl.BlockSpec((1, D, F), lambda b, s: (s[b], 0, 0)),
                pl.BlockSpec((1, F, D), lambda b, s: (s[b], 0, 0)),
            ],
            out_specs=pl.BlockSpec((BLK, D), lambda b, s: (b, 0)),
        ),
        out_shape=jax.ShapeDtypeStruct((P, D), jnp.float32),
    )(block_expert, xg, W1b, W2b)

    y_d, buffer = pl.pallas_call(
        _dense_body,
        grid=(E // EG,),
        in_specs=[
            pl.BlockSpec((TRIM, D), lambda e: (0, 0)),
            pl.BlockSpec((EG, D, F), lambda e: (e, 0, 0)),
            pl.BlockSpec((EG, F, D), lambda e: (e, 0, 0)),
            pl.BlockSpec((TRIM, E), lambda e: (0, 0)),
        ],
        out_specs=[
            pl.BlockSpec((TRIM, D), lambda e: (0, 0)),
            pl.BlockSpec((TRIM, EG, D), lambda e: (0, e, 0)),
        ],
        out_shape=[
            jax.ShapeDtypeStruct((TRIM, D), jnp.float32),
            jax.ShapeDtypeStruct((SEQ, E, D), jnp.float32),
        ],
    )(x_d, W1b, W2b, sc_d)

    rows = _sc_row_gather(out_sorted, invperm, 128).reshape(
        NAP // TOPK, TOPK, D)
    y_s, buffer = pl.pallas_call(
        _sparse_out_body,
        grid=(NTB,),
        in_specs=[
            pl.BlockSpec((TB, TOPK, D), lambda i: (i, 0, 0)),
            pl.BlockSpec((TB, TOPK), lambda i: (i, 0)),
            pl.BlockSpec((TB, TOPK), lambda i: (i, 0), memory_space=pltpu.SMEM),
            pl.BlockSpec(memory_space=pltpu.MemorySpace.HBM),
        ],
        out_specs=[
            pl.BlockSpec((TB, D), lambda i: (i, 0)),
            pl.BlockSpec((TB, E, D), lambda i: (i + TRIM // TB, 0, 0)),
        ],
        out_shape=[
            jax.ShapeDtypeStruct((NS, D), jnp.float32),
            jax.ShapeDtypeStruct((SEQ, E, D), jnp.float32),
        ],
        input_output_aliases={3: 1},
    )(rows, w_s, eid, buffer)

    x_out = jnp.concatenate([y_d, y_s], axis=0).reshape(SEQ, 1, D)
    return (x_out, jnp.asarray(TRIM, jnp.int32), buffer.reshape(SEQ, E, D))

# --- scband reference (transcript-rebuilt; emitter-appended) ---
"""Pipeline reference for scband-parallel-dropless-mo-e-12661563588728 (READ-ONLY COPY).

The authoritative reference and input builder live on the scoring server;
editing this copy changes nothing except your own understanding.
"""

import jax, jax.numpy as jnp
import numpy as np

NUM_EXPERTS = 64
TOP_K = 2
HIDDEN = 768
FFN = 256
SEQ = 2048
BS = 1


def setup_inputs(seed: int = 0) -> dict:
    key = jax.random.key(seed)
    ks = jax.random.split(key, 6)
    return {
        "x": jax.random.normal(ks[0], (SEQ, BS, HIDDEN), dtype=jnp.float32),
        "expert_weights": jax.random.uniform(ks[1], (SEQ * BS, TOP_K), dtype=jnp.float32),
        "expert_indices": jax.random.randint(ks[2], (SEQ * BS, TOP_K), 0, NUM_EXPERTS),
        "scores": jax.random.uniform(ks[3], (SEQ * BS, NUM_EXPERTS), dtype=jnp.float32),
        "W1": jax.random.normal(ks[4], (NUM_EXPERTS, HIDDEN, FFN), dtype=jnp.float32) * 0.02,
        "W2": jax.random.normal(ks[5], (NUM_EXPERTS, FFN, HIDDEN), dtype=jnp.float32) * 0.02,
    }


def _indices_and_bins(top_expert, num_experts):
    # megablocks.ops.sort -> stable argsort; histogram -> bincount
    te = top_expert.astype(jnp.int32)
    order = jnp.argsort(te)  # jax argsort is stable
    bin_ids = te[order]
    tpe = jnp.bincount(te, length=num_experts)
    return order, bin_ids, tpe


def _grouped_mlp(xg, bin_ids, W1, W2):
    # ParallelGroupedMLP (regular): per-expert gelu MLP on contiguous sorted token groups
    out = jnp.zeros((xg.shape[0], W2.shape[-1]), xg.dtype)
    for e in range(W1.shape[0]):
        ye = jax.nn.gelu(xg @ W1[e]) @ W2[e]
        out = jnp.where((bin_ids == e)[:, None], ye, out)
    return out


def _permute_and_compute(inp, order, bin_ids, weights, tpe, top_k, n_tok, num_experts, W1, W2):
    d = inp.shape[-1]
    tok = order // top_k  # megablocks.ops.gather source token index
    xg = inp[tok]
    out = _grouped_mlp(xg, bin_ids, W1, W2)
    # buffer.index_add_(0, num_experts * input_indices + bin_ids, output.detach())
    buf_idx = num_experts * tok + bin_ids
    buffer = jnp.zeros((n_tok * num_experts, d), inp.dtype).at[buf_idx].add(jax.lax.stop_gradient(out))
    # megablocks.ops.scatter: weighted scatter-add back to token order
    y = jnp.zeros((n_tok, d), inp.dtype).at[tok].add(weights[order][:, None] * out)
    return y, buffer


def reference(x, expert_weights, expert_indices, scores, W1, W2):
    sl, bs, d = x.shape
    E, tk = NUM_EXPERTS, TOP_K
    trim = max(sl // E, 1)
    dense_x = x[:trim].reshape(-1, d)
    sparse_x = x[trim:].reshape(-1, d)
    dense_w = scores.reshape(sl, bs, E)[:trim].reshape(-1)
    sparse_w = expert_weights.reshape(sl, bs, tk)[trim:].reshape(-1)
    dense_idx = jnp.tile(jnp.arange(E, dtype=jnp.int32), trim * bs)
    sparse_idx = expert_indices.reshape(sl, bs, tk)[trim:].reshape(-1)
    d_order, d_bin, d_tpe = _indices_and_bins(dense_idx, E)
    s_order, s_bin, s_tpe = _indices_and_bins(sparse_idx, E)
    y_d, buf_d = _permute_and_compute(dense_x, d_order, d_bin, dense_w, d_tpe, E, trim * bs, E, W1, W2)
    y_s, buf_s = _permute_and_compute(sparse_x, s_order, s_bin, sparse_w, s_tpe, tk, (sl - trim) * bs, E, W1, W2)
    x_out = jnp.concatenate([y_d.reshape(trim, bs, d), y_s.reshape(sl - trim, bs, d)], axis=0)
    buffer = jnp.concatenate(
        [buf_d.reshape(trim, bs, E, d), buf_s.reshape(sl - trim, bs, E, d)], axis=0
    ).reshape(sl * bs, E, d)
    return (x_out, jnp.asarray(trim), buffer)

if __name__ == "__main__":
    import jax
    _d = setup_inputs()
    print(jax.jit(kernel)(*tuple(_d.values())))

</pallas_src>

<mosaic_0001>
#map = affine_map<(d0, d1) -> (0, 0)>
#map1 = affine_map<(d0, d1) -> (0)>
module attributes {stable_mosaic.version = 14 : i64} {
  func.func @body(%arg0: i32, %arg1: i32, %arg2: memref<8192x768xf32, #tpu.memory_space<hbm>>, %arg3: memref<4096xi32, #tpu.memory_space<hbm>>, %arg4: memref<4096x768xf32, #tpu.memory_space<hbm>>, %arg5: memref<128xi32, #tpu.memory_space<vmem>>, %arg6: memref<128x768xf32, #tpu.memory_space<vmem>>, %arg7: memref<!tpu.dma_semaphore, #tpu.memory_space<semaphore_mem>>) attributes {dimension_semantics = [#tpu.dimension_semantics<core_parallel>, #tpu.dimension_semantics<subcore_parallel>], iteration_bounds = array<i64: 2, 16>, scalar_prefetch = 0 : i64, scratch_operands = 3 : i64, tpu.core_type = #tpu.core_type<sc_vector_subcore>, window_params = [{transform_indices = #map}, {transform_indices = #map1}, {transform_indices = #map}]} {
    %mul3A = arith.constant 2 : i32
    %mul3A_0 = arith.muli %arg1, %mul3A : i32
    %add3A = arith.addi %mul3A_0, %arg0 : i32
    %mul3A_1 = arith.constant 128 : i32
    %mul3A_2 = arith.muli %add3A, %mul3A_1 : i32
    %add3A_3 = arith.constant 0 : i32
    %add3A_4 = arith.addi %mul3A_2, %add3A_3 : i32
    "tpu.region"() ({
      %run_scoped3A = tpu.sem_alloc : memref<!tpu.dma_semaphore, #tpu.memory_space<semaphore_mem>>
      %dma_start3A_9 = tpu.memref_slice %arg3[%add3A_4] : memref<4096xi32, #tpu.memory_space<hbm>> -> memref<128xi32, #tpu.memory_space<hbm>>
      %dma_start3A_10 = tpu.memref_slice %arg3[%add3A_4] : memref<4096xi32, #tpu.memory_space<hbm>> -> memref<128xi32, #tpu.memory_space<hbm>>
      tpu.enqueue_dma source(%dma_start3A_10 : memref<128xi32, #tpu.memory_space<hbm>>) target(%arg5 : memref<128xi32, #tpu.memory_space<vmem>>) target_semaphore(%run_scoped3A : memref<!tpu.dma_semaphore, #tpu.memory_space<semaphore_mem>>)
      %dma_wait3A_11 = tpu.memref_slice %arg3[%add3A_4] : memref<4096xi32, #tpu.memory_space<hbm>> -> memref<128xi32, #tpu.memory_space<hbm>>
      %dma_wait3A_12 = tpu.memref_slice %arg3[%add3A_4] : memref<4096xi32, #tpu.memory_space<hbm>> -> memref<128xi32, #tpu.memory_space<hbm>>
      tpu.wait_dma2 semaphore(%run_scoped3A : memref<!tpu.dma_semaphore, #tpu.memory_space<semaphore_mem>>) src(%dma_wait3A_12 : memref<128xi32, #tpu.memory_space<hbm>>) dst(%arg5 : memref<128xi32, #tpu.memory_space<vmem>>)
      tpu.yield
    }) : () -> ()
    %dma_start3A = arith.constant 0 : i32
    %dma_start3A_5 = arith.constant 0 : i32
    %dma_start3A_6 = tpu.memref_slice %arg2[%dma_start3A, %dma_start3A_5] : memref<8192x768xf32, #tpu.memory_space<hbm>> -> memref<8192x768xf32, #tpu.memory_space<hbm>>
    tpu.enqueue_indirect_dma source(%dma_start3A_6 : memref<8192x768xf32, #tpu.memory_space<hbm>>) target(%arg6 : memref<128x768xf32, #tpu.memory_space<vmem>>) offsets(%arg5 : memref<128xi32, #tpu.memory_space<vmem>>) semaphore(%arg7 : memref<!tpu.dma_semaphore, #tpu.memory_space<semaphore_mem>>)
    %dma_wait3A = arith.constant 0 : i32
    %dma_wait3A_7 = arith.constant 0 : i32
    %dma_wait3A_8 = tpu.memref_slice %arg2[%dma_wait3A, %dma_wait3A_7] : memref<8192x768xf32, #tpu.memory_space<hbm>> -> memref<8192x768xf32, #tpu.memory_space<hbm>>
    tpu.wait_indirect_dma semaphore(%arg7 : memref<!tpu.dma_semaphore, #tpu.memory_space<semaphore_mem>>) src(%dma_wait3A_8 : memref<8192x768xf32, #tpu.memory_space<hbm>>) dst(%arg6 : memref<128x768xf32, #tpu.memory_space<vmem>>)
    "tpu.region"() ({
      %run_scoped3A = tpu.sem_alloc : memref<!tpu.dma_semaphore, #tpu.memory_space<semaphore_mem>>
      %dma_start3A_9 = arith.constant 0 : i32
      %dma_start3A_10 = tpu.memref_slice %arg4[%add3A_4, %dma_start3A_9] : memref<4096x768xf32, #tpu.memory_space<hbm>> -> memref<128x768xf32, #tpu.memory_space<hbm>>
      %dma_start3A_11 = arith.constant 0 : i32
      %dma_start3A_12 = tpu.memref_slice %arg4[%add3A_4, %dma_start3A_11] : memref<4096x768xf32, #tpu.memory_space<hbm>> -> memref<128x768xf32, #tpu.memory_space<hbm>>
      tpu.enqueue_dma source(%arg6 : memref<128x768xf32, #tpu.memory_space<vmem>>) target(%dma_start3A_12 : memref<128x768xf32, #tpu.memory_space<hbm>>) target_semaphore(%run_scoped3A : memref<!tpu.dma_semaphore, #tpu.memory_space<semaphore_mem>>)
      %dma_wait3A_13 = arith.constant 0 : i32
      %dma_wait3A_14 = tpu.memref_slice %arg4[%add3A_4, %dma_wait3A_13] : memref<4096x768xf32, #tpu.memory_space<hbm>> -> memref<128x768xf32, #tpu.memory_space<hbm>>
      %dma_wait3A_15 = arith.constant 0 : i32
      %dma_wait3A_16 = tpu.memref_slice %arg4[%add3A_4, %dma_wait3A_15] : memref<4096x768xf32, #tpu.memory_space<hbm>> -> memref<128x768xf32, #tpu.memory_space<hbm>>
      tpu.wait_dma2 semaphore(%run_scoped3A : memref<!tpu.dma_semaphore, #tpu.memory_space<semaphore_mem>>) src(%arg6 : memref<128x768xf32, #tpu.memory_space<vmem>>) dst(%dma_wait3A_16 : memref<128x768xf32, #tpu.memory_space<hbm>>)
      tpu.yield
    }) : () -> ()
    return
  }
}

#map = affine_map<(d0, d1) -> (0, 0)>
#map1 = affine_map<(d0, d1) -> (0)>
module attributes {stable_mosaic.version = 14 : i64} {
  func.func @body(%arg0: i32, %arg1: i32, %arg2: memref<2016x768xf32, #tpu.memory_space<hbm>>, %arg3: memref<8192xi32, #tpu.memory_space<hbm>>, %arg4: memref<8192x768xf32, #tpu.memory_space<hbm>>, %arg5: memref<128xi32, #tpu.memory_space<vmem>>, %arg6: memref<128x768xf32, #tpu.memory_space<vmem>>, %arg7: memref<!tpu.dma_semaphore, #tpu.memory_space<semaphore_mem>>) attributes {dimension_semantics = [#tpu.dimension_semantics<core_parallel>, #tpu.dimension_semantics<subcore_parallel>], iteration_bounds = array<i64: 2, 16>, scalar_prefetch = 0 : i64, scratch_operands = 3 : i64, tpu.core_type = #tpu.core_type<sc_vector_subcore>, window_params = [{transform_indices = #map}, {transform_indices = #map1}, {transform_indices = #map}]} {
    %mul3A = arith.constant 2 : i32
    %mul3A_0 = arith.muli %arg1, %mul3A : i32
    %add3A = arith.addi %mul3A_0, %arg0 : i32
    %mul3A_1 = arith.constant 256 : i32
    %mul3A_2 = arith.muli %add3A, %mul3A_1 : i32
    %add3A_3 = arith.constant 0 : i32
    %add3A_4 = arith.addi %mul3A_2, %add3A_3 : i32
    "tpu.region"() ({
      %run_scoped3A = tpu.sem_alloc : memref<!tpu.dma_semaphore, #tpu.memory_space<semaphore_mem>>
      %dma_start3A_17 = tpu.memref_slice %arg3[%add3A_4] : memref<8192xi32, #tpu.memory_space<hbm>> -> memref<128xi32, #tpu.memory_space<hbm>>
      %dma_start3A_18 = tpu.memref_slice %arg3[%add3A_4] : memref<8192xi32, #tpu.memory_space<hbm>> -> memref<128xi32, #tpu.memory_space<hbm>>
      tpu.enqueue_dma source(%dma_start3A_18 : memref<128xi32, #tpu.memory_space<hbm>>) target(%arg5 : memref<128xi32, #tpu.memory_space<vmem>>) target_semaphore(%run_scoped3A : memref<!tpu.dma_semaphore, #tpu.memory_space<semaphore_mem>>)
      %dma_wait3A_19 = tpu.memref_slice %arg3[%add3A_4] : memref<8192xi32, #tpu.memory_space<hbm>> -> memref<128xi32, #tpu.memory_space<hbm>>
      %dma_wait3A_20 = tpu.memref_slice %arg3[%add3A_4] : memref<8192xi32, #tpu.memory_space<hbm>> -> memref<128xi32, #tpu.memory_space<hbm>>
      tpu.wait_dma2 semaphore(%run_scoped3A : memref<!tpu.dma_semaphore, #tpu.memory_space<semaphore_mem>>) src(%dma_wait3A_20 : memref<128xi32, #tpu.memory_space<hbm>>) dst(%arg5 : memref<128xi32, #tpu.memory_space<vmem>>)
      tpu.yield
    }) : () -> ()
    %dma_start3A = arith.constant 0 : i32
    %dma_start3A_5 = arith.constant 0 : i32
    %dma_start3A_6 = tpu.memref_slice %arg2[%dma_start3A, %dma_start3A_5] : memref<2016x768xf32, #tpu.memory_space<hbm>> -> memref<2016x768xf32, #tpu.memory_space<hbm>>
    tpu.enqueue_indirect_dma source(%dma_start3A_6 : memref<2016x768xf32, #tpu.memory_space<hbm>>) target(%arg6 : memref<128x768xf32, #tpu.memory_space<vmem>>) offsets(%arg5 : memref<128xi32, #tpu.memory_space<vmem>>) semaphore(%arg7 : memref<!tpu.dma_semaphore, #tpu.memory_space<semaphore_mem>>)
    %dma_wait3A = arith.constant 0 : i32
    %dma_wait3A_7 = arith.constant 0 : i32
    %dma_wait3A_8 = tpu.memref_slice %arg2[%dma_wait3A, %dma_wait3A_7] : memref<2016x768xf32, #tpu.memory_space<hbm>> -> memref<2016x768xf32, #tpu.memory_space<hbm>>
    tpu.wait_indirect_dma semaphore(%arg7 : memref<!tpu.dma_semaphore, #tpu.memory_space<semaphore_mem>>) src(%dma_wait3A_8 : memref<2016x768xf32, #tpu.memory_space<hbm>>) dst(%arg6 : memref<128x768xf32, #tpu.memory_space<vmem>>)
    "tpu.region"() ({
      %run_scoped3A = tpu.sem_alloc : memref<!tpu.dma_semaphore, #tpu.memory_space<semaphore_mem>>
      %dma_start3A_17 = arith.constant 0 : i32
      %dma_start3A_18 = tpu.memref_slice %arg4[%add3A_4, %dma_start3A_17] : memref<8192x768xf32, #tpu.memory_space<hbm>> -> memref<128x768xf32, #tpu.memory_space<hbm>>
      %dma_start3A_19 = arith.constant 0 : i32
      %dma_start3A_20 = tpu.memref_slice %arg4[%add3A_4, %dma_start3A_19] : memref<8192x768xf32, #tpu.memory_space<hbm>> -> memref<128x768xf32, #tpu.memory_space<hbm>>
      tpu.enqueue_dma source(%arg6 : memref<128x768xf32, #tpu.memory_space<vmem>>) target(%dma_start3A_20 : memref<128x768xf32, #tpu.memory_space<hbm>>) target_semaphore(%run_scoped3A : memref<!tpu.dma_semaphore, #tpu.memory_space<semaphore_mem>>)
      %dma_wait3A_21 = arith.constant 0 : i32
      %dma_wait3A_22 = tpu.memref_slice %arg4[%add3A_4, %dma_wait3A_21] : memref<8192x768xf32, #tpu.memory_space<hbm>> -> memref<128x768xf32, #tpu.memory_space<hbm>>
      %dma_wait3A_23 = arith.constant 0 : i32
      %dma_wait3A_24 = tpu.memref_slice %arg4[%add3A_4, %dma_wait3A_23] : memref<8192x768xf32, #tpu.memory_space<hbm>> -> memref<128x768xf32, #tpu.memory_space<hbm>>
      tpu.wait_dma2 semaphore(%run_scoped3A : memref<!tpu.dma_semaphore, #tpu.memory_space<semaphore_mem>>) src(%arg6 : memref<128x768xf32, #tpu.memory_space<vmem>>) dst(%dma_wait3A_24 : memref<128x768xf32, #tpu.memory_space<hbm>>)
      tpu.yield
    }) : () -> ()
    %add3A_9 = arith.constant 128 : i32
    %add3A_10 = arith.addi %mul3A_2, %add3A_9 : i32
    "tpu.region"() ({
      %run_scoped3A = tpu.sem_alloc : memref<!tpu.dma_semaphore, #tpu.memory_space<semaphore_mem>>
      %dma_start3A_17 = tpu.memref_slice %arg3[%add3A_10] : memref<8192xi32, #tpu.memory_space<hbm>> -> memref<128xi32, #tpu.memory_space<hbm>>
      %dma_start3A_18 = tpu.memref_slice %arg3[%add3A_10] : memref<8192xi32, #tpu.memory_space<hbm>> -> memref<128xi32, #tpu.memory_space<hbm>>
      tpu.enqueue_dma source(%dma_start3A_18 : memref<128xi32, #tpu.memory_space<hbm>>) target(%arg5 : memref<128xi32, #tpu.memory_space<vmem>>) target_semaphore(%run_scoped3A : memref<!tpu.dma_semaphore, #tpu.memory_space<semaphore_mem>>)
      %dma_wait3A_19 = tpu.memref_slice %arg3[%add3A_10] : memref<8192xi32, #tpu.memory_space<hbm>> -> memref<128xi32, #tpu.memory_space<hbm>>
      %dma_wait3A_20 = tpu.memref_slice %arg3[%add3A_10] : memref<8192xi32, #tpu.memory_space<hbm>> -> memref<128xi32, #tpu.memory_space<hbm>>
      tpu.wait_dma2 semaphore(%run_scoped3A : memref<!tpu.dma_semaphore, #tpu.memory_space<semaphore_mem>>) src(%dma_wait3A_20 : memref<128xi32, #tpu.memory_space<hbm>>) dst(%arg5 : memref<128xi32, #tpu.memory_space<vmem>>)
      tpu.yield
    }) : () -> ()
    %dma_start3A_11 = arith.constant 0 : i32
    %dma_start3A_12 = arith.constant 0 : i32
    %dma_start3A_13 = tpu.memref_slice %arg2[%dma_start3A_11, %dma_start3A_12] : memref<2016x768xf32, #tpu.memory_space<hbm>> -> memref<2016x768xf32, #tpu.memory_space<hbm>>
    tpu.enqueue_indirect_dma source(%dma_start3A_13 : memref<2016x768xf32, #tpu.memory_space<hbm>>) target(%arg6 : memref<128x768xf32, #tpu.memory_space<vmem>>) offsets(%arg5 : memref<128xi32, #tpu.memory_space<vmem>>) semaphore(%arg7 : memref<!tpu.dma_semaphore, #tpu.memory_space<semaphore_mem>>)
    %dma_wait3A_14 = arith.constant 0 : i32
    %dma_wait3A_15 = arith.constant 0 : i32
    %dma_wait3A_16 = tpu.memref_slice %arg2[%dma_wait3A_14, %dma_wait3A_15] : memref<2016x768xf32, #tpu.memory_space<hbm>> -> memref<2016x768xf32, #tpu.memory_space<hbm>>
    tpu.wait_indirect_dma semaphore(%arg7 : memref<!tpu.dma_semaphore, #tpu.memory_space<semaphore_mem>>) src(%dma_wait3A_16 : memref<2016x768xf32, #tpu.memory_space<hbm>>) dst(%arg6 : memref<128x768xf32, #tpu.memory_space<vmem>>)
    "tpu.region"() ({
      %run_scoped3A = tpu.sem_alloc : memref<!tpu.dma_semaphore, #tpu.memory_space<semaphore_mem>>
      %dma_start3A_17 = arith.constant 0 : i32
      %dma_start3A_18 = tpu.memref_slice %arg4[%add3A_10, %dma_start3A_17] : memref<8192x768xf32, #tpu.memory_space<hbm>> -> memref<128x768xf32, #tpu.memory_space<hbm>>
      %dma_start3A_19 = arith.constant 0 : i32
      %dma_start3A_20 = tpu.memref_slice %arg4[%add3A_10, %dma_start3A_19] : memref<8192x768xf32, #tpu.memory_space<hbm>> -> memref<128x768xf32, #tpu.memory_space<hbm>>
      tpu.enqueue_dma source(%arg6 : memref<128x768xf32, #tpu.memory_space<vmem>>) target(%dma_start3A_20 : memref<128x768xf32, #tpu.memory_space<hbm>>) target_semaphore(%run_scoped3A : memref<!tpu.dma_semaphore, #tpu.memory_space<semaphore_mem>>)
      %dma_wait3A_21 = arith.constant 0 : i32
      %dma_wait3A_22 = tpu.memref_slice %arg4[%add3A_10, %dma_wait3A_21] : memref<8192x768xf32, #tpu.memory_space<hbm>> -> memref<128x768xf32, #tpu.memory_space<hbm>>
      %dma_wait3A_23 = arith.constant 0 : i32
      %dma_wait3A_24 = tpu.memref_slice %arg4[%add3A_10, %dma_wait3A_23] : memref<8192x768xf32, #tpu.memory_space<hbm>> -> memref<128x768xf32, #tpu.memory_space<hbm>>
      tpu.wait_dma2 semaphore(%run_scoped3A : memref<!tpu.dma_semaphore, #tpu.memory_space<semaphore_mem>>) src(%arg6 : memref<128x768xf32, #tpu.memory_space<vmem>>) dst(%dma_wait3A_24 : memref<128x768xf32, #tpu.memory_space<hbm>>)
      tpu.yield
    }) : () -> ()
    return
  }
}

#map = affine_map<(d0, d1) -> (0)>
module attributes {stable_mosaic.version = 14 : i64} {
  func.func @_sc_meta_body(%arg0: i32, %arg1: i32, %arg2: memref<4032xi32, #tpu.memory_space<hbm>>, %arg3: memref<144xi32, #tpu.memory_space<hbm>>, %arg4: memref<4096xi32, #tpu.memory_space<hbm>>, %arg5: memref<8192xi32, #tpu.memory_space<hbm>>, %arg6: memref<4032xi32, #tpu.memory_space<vmem>>, %arg7: memref<64xi32, #tpu.memory_space<vmem>>, %arg8: memref<64xi32, #tpu.memory_space<vmem>>, %arg9: memref<64xi32, #tpu.memory_space<vmem>>, %arg10: memref<64xi32, #tpu.memory_space<vmem>>, %arg11: memref<48xi32, #tpu.memory_space<vmem>>, %arg12: memref<4096xi32, #tpu.memory_space<vmem>>, %arg13: memref<8192xi32, #tpu.memory_space<vmem>>, %arg14: memref<144xi32, #tpu.memory_space<vmem>>, %arg15: memref<4032xi32, #tpu.memory_space<vmem>>, %arg16: memref<4032xi32, #tpu.memory_space<vmem>>) attributes {dimension_semantics = [#tpu.dimension_semantics<core_parallel>, #tpu.dimension_semantics<subcore_parallel>], iteration_bounds = array<i64: 2, 16>, scalar_prefetch = 0 : i64, scratch_operands = 11 : i64, tpu.core_type = #tpu.core_type<sc_vector_subcore>, window_params = [{transform_indices = #map}, {transform_indices = #map}, {transform_indices = #map}, {transform_indices = #map}]} {
    %mul3A = arith.constant 2 : i32
    %mul3A_0 = arith.muli %arg1, %mul3A : i32
    %add3A = arith.addi %mul3A_0, %arg0 : i32
    %eq3A = arith.constant 0 : i32
    %eq3A_1 = arith.cmpi eq, %add3A, %eq3A : i32
    %convert_element_type3A = arith.extui %eq3A_1 : i1 to i32
    %cond3A = arith.constant 0 : i32
    %cond3A_2 = arith.cmpi ne, %convert_element_type3A, %cond3A : i32
    scf.if %cond3A_2 {
      %iota3A = tpu.iota {dimensions = array<i32: 0>} : vector<16xi32>
      %broadcast_in_dim3A = arith.constant 0 : i32
      %broadcast_in_dim3A_3 = vector.broadcast %broadcast_in_dim3A : i32 to vector<16xi32>
      "tpu.region"() ({
        %run_scoped3A = tpu.sem_alloc : memref<!tpu.dma_semaphore, #tpu.memory_space<semaphore_mem>>
        tpu.enqueue_dma source(%arg2 : memref<4032xi32, #tpu.memory_space<hbm>>) target(%arg6 : memref<4032xi32, #tpu.memory_space<vmem>>) target_semaphore(%run_scoped3A : memref<!tpu.dma_semaphore, #tpu.memory_space<semaphore_mem>>)
        tpu.wait_dma2 semaphore(%run_scoped3A : memref<!tpu.dma_semaphore, #tpu.memory_space<semaphore_mem>>) src(%arg2 : memref<4032xi32, #tpu.memory_space<hbm>>) dst(%arg6 : memref<4032xi32, #tpu.memory_space<vmem>>)
        tpu.yield
      }) : () -> ()
      %scan3A = arith.constant 0 : i32
      %scan3A_4 = arith.constant 0 : i32
      %scan3A_5 = arith.constant 512 : i32
      %scan3A_6 = arith.addi %scan3A_4, %scan3A_5 : i32
      %scan3A_7 = arith.constant 1 : i32
      %scan3A_8 = scf.for %scan3A_453 = %scan3A_4 to %scan3A_6 step %scan3A_7 iter_args(%scan3A_454 = %scan3A) -> (i32)  : i32 {
        %mul3A_455 = arith.constant 16 : i32
        %mul3A_456 = arith.muli %scan3A_453, %mul3A_455 : i32
        %add3A_457 = vector.broadcast %mul3A_456 : i32 to vector<16xi32>
        %add3A_458 = arith.addi %add3A_457, %iota3A : vector<16xi32>
        %and3A = arith.constant 1023 : i32
        %and3A_459 = vector.broadcast %and3A : i32 to vector<16xi32>
        %and3A_460 = arith.andi %add3A_458, %and3A_459 : vector<16xi32>
        %mul3A_461 = arith.constant 16 : i32
        %mul3A_462 = arith.muli %scan3A_453, %mul3A_461 : i32
        %swap3A_463 = arith.index_cast %mul3A_462 : i32 to index
        %swap3A_464 = tpu.vector_load %arg13[%swap3A_463] {strides = array<i32>} : memref<8192xi32, #tpu.memory_space<vmem>>, vector<16xi32>,
        tpu.vector_store %arg13[%swap3A_463], %and3A_460 {strides = array<i32>} : memref<8192xi32, #tpu.memory_space<vmem>>, vector<16xi32>,
        %scan3A_465 = arith.constant 0 : i32
        scf.yield %scan3A_465 : i32
      }
      %scan3A_9 = arith.constant 512 : i32
      %swap3A = arith.constant 0 : index
      %swap3A_10 = tpu.vector_load %arg7[%swap3A] {strides = array<i32>} : memref<64xi32, #tpu.memory_space<vmem>>, vector<16xi32>,
      tpu.vector_store %arg7[%swap3A], %broadcast_in_dim3A_3 {strides = array<i32>} : memref<64xi32, #tpu.memory_space<vmem>>, vector<16xi32>,
      %swap3A_11 = arith.constant 0 : index
      %swap3A_12 = tpu.vector_load %arg10[%swap3A_11] {strides = array<i32>} : memref<64xi32, #tpu.memory_space<vmem>>, vector<16xi32>,
      tpu.vector_store %arg10[%swap3A_11], %broadcast_in_dim3A_3 {strides = array<i32>} : memref<64xi32, #tpu.memory_space<vmem>>, vector<16xi32>,
      %swap3A_13 = arith.constant 16 : index
      %swap3A_14 = tpu.vector_load %arg7[%swap3A_13] {strides = array<i32>} : memref<64xi32, #tpu.memory_space<vmem>>, vector<16xi32>,
      tpu.vector_store %arg7[%swap3A_13], %broadcast_in_dim3A_3 {strides = array<i32>} : memref<64xi32, #tpu.memory_space<vmem>>, vector<16xi32>,
      %swap3A_15 = arith.constant 16 : index
      %swap3A_16 = tpu.vector_load %arg10[%swap3A_15] {strides = array<i32>} : memref<64xi32, #tpu.memory_space<vmem>>, vector<16xi32>,
      tpu.vector_store %arg10[%swap3A_15], %broadcast_in_dim3A_3 {strides = array<i32>} : memref<64xi32, #tpu.memory_space<vmem>>, vector<16xi32>,
      %swap3A_17 = arith.constant 32 : index
      %swap3A_18 = tpu.vector_load %arg7[%swap3A_17] {strides = array<i32>} : memref<64xi32, #tpu.memory_space<vmem>>, vector<16xi32>,
      tpu.vector_store %arg7[%swap3A_17], %broadcast_in_dim3A_3 {strides = array<i32>} : memref<64xi32, #tpu.memory_space<vmem>>, vector<16xi32>,
      %swap3A_19 = arith.constant 32 : index
      %swap3A_20 = tpu.vector_load %arg10[%swap3A_19] {strides = array<i32>} : memref<64xi32, #tpu.memory_space<vmem>>, vector<16xi32>,
      tpu.vector_store %arg10[%swap3A_19], %broadcast_in_dim3A_3 {strides = array<i32>} : memref<64xi32, #tpu.memory_space<vmem>>, vector<16xi32>,
      %swap3A_21 = arith.constant 48 : index
      %swap3A_22 = tpu.vector_load %arg7[%swap3A_21] {strides = array<i32>} : memref<64xi32, #tpu.memory_space<vmem>>, vector<16xi32>,
      tpu.vector_store %arg7[%swap3A_21], %broadcast_in_dim3A_3 {strides = array<i32>} : memref<64xi32, #tpu.memory_space<vmem>>, vector<16xi32>,
      %swap3A_23 = arith.constant 48 : index
      %swap3A_24 = tpu.vector_load %arg10[%swap3A_23] {strides = array<i32>} : memref<64xi32, #tpu.memory_space<vmem>>, vector<16xi32>,
      tpu.vector_store %arg10[%swap3A_23], %broadcast_in_dim3A_3 {strides = array<i32>} : memref<64xi32, #tpu.memory_space<vmem>>, vector<16xi32>,
      %swap3A_25 = arith.constant 0 : index
      %swap3A_26 = tpu.vector_load %arg11[%swap3A_25] {strides = array<i32>} : memref<48xi32, #tpu.memory_space<vmem>>, vector<16xi32>,
      tpu.vector_store %arg11[%swap3A_25], %broadcast_in_dim3A_3 {strides = array<i32>} : memref<48xi32, #tpu.memory_space<vmem>>, vector<16xi32>,
      %swap3A_27 = arith.constant 16 : index
      %swap3A_28 = tpu.vector_load %arg11[%swap3A_27] {strides = array<i32>} : memref<48xi32, #tpu.memory_space<vmem>>, vector<16xi32>,
      tpu.vector_store %arg11[%swap3A_27], %broadcast_in_dim3A_3 {strides = array<i32>} : memref<48xi32, #tpu.memory_space<vmem>>, vector<16xi32>,
      %swap3A_29 = arith.constant 32 : index
      %swap3A_30 = tpu.vector_load %arg11[%swap3A_29] {strides = array<i32>} : memref<48xi32, #tpu.memory_space<vmem>>, vector<16xi32>,
      tpu.vector_store %arg11[%swap3A_29], %broadcast_in_dim3A_3 {strides = array<i32>} : memref<48xi32, #tpu.memory_space<vmem>>, vector<16xi32>,
      %swap3A_31 = arith.constant 4032 : index
      %swap3A_32 = tpu.vector_load %arg12[%swap3A_31] {strides = array<i32>} : memref<4096xi32, #tpu.memory_space<vmem>>, vector<16xi32>,
      tpu.vector_store %arg12[%swap3A_31], %broadcast_in_dim3A_3 {strides = array<i32>} : memref<4096xi32, #tpu.memory_space<vmem>>, vector<16xi32>,
      %swap3A_33 = arith.constant 4048 : index
      %swap3A_34 = tpu.vector_load %arg12[%swap3A_33] {strides = array<i32>} : memref<4096xi32, #tpu.memory_space<vmem>>, vector<16xi32>,
      tpu.vector_store %arg12[%swap3A_33], %broadcast_in_dim3A_3 {strides = array<i32>} : memref<4096xi32, #tpu.memory_space<vmem>>, vector<16xi32>,
      %swap3A_35 = arith.constant 4064 : index
      %swap3A_36 = tpu.vector_load %arg12[%swap3A_35] {strides = array<i32>} : memref<4096xi32, #tpu.memory_space<vmem>>, vector<16xi32>,
      tpu.vector_store %arg12[%swap3A_35], %broadcast_in_dim3A_3 {strides = array<i32>} : memref<4096xi32, #tpu.memory_space<vmem>>, vector<16xi32>,
      %swap3A_37 = arith.constant 4080 : index
      %swap3A_38 = tpu.vector_load %arg12[%swap3A_37] {strides = array<i32>} : memref<4096xi32, #tpu.memory_space<vmem>>, vector<16xi32>,
      tpu.vector_store %arg12[%swap3A_37], %broadcast_in_dim3A_3 {strides = array<i32>} : memref<4096xi32, #tpu.memory_space<vmem>>, vector<16xi32>,
      %scan3A_39 = arith.constant 0 : i32
      %scan3A_40 = arith.constant 0 : i32
      %scan3A_41 = arith.constant 252 : i32
      %scan3A_42 = arith.addi %scan3A_40, %scan3A_41 : i32
      %scan3A_43 = arith.constant 1 : i32
      %scan3A_44 = scf.for %scan3A_453 = %scan3A_40 to %scan3A_42 step %scan3A_43 iter_args(%scan3A_454 = %scan3A_39) -> (i32)  : i32 {
        %mul3A_455 = arith.constant 16 : i32
        %mul3A_456 = arith.muli %scan3A_453, %mul3A_455 : i32
        %get3A_457 = arith.index_cast %mul3A_456 : i32 to index
        %get3A_458 = tpu.vector_load %arg6[%get3A_457] {strides = array<i32>} : memref<4032xi32, #tpu.memory_space<vmem>>, vector<16xi32>,
        %scan3A_459 = arith.constant 0 : i32
        %scan3A_460 = arith.constant 16 : i32
        %scan3A_461 = arith.addi %scan3A_459, %scan3A_460 : i32
        %scan3A_462 = arith.constant 1 : i32
        %scan3A_463:2 = scf.for %scan3A_485 = %scan3A_459 to %scan3A_461 step %scan3A_462 iter_args(%scan3A_486 = %broadcast_in_dim3A_3, %scan3A_487 = %broadcast_in_dim3A_3) -> (vector<16xi32>, vector<16xi32>)  : i32 {
          %broadcast_in_dim3A_488 = arith.constant 0 : i32
          %broadcast_in_dim3A_489 = vector.broadcast %broadcast_in_dim3A_488 : i32 to vector<16xi32>
          %mul3A_490 = arith.constant 16 : i32
          %mul3A_491 = arith.muli %scan3A_453, %mul3A_490 : i32
          %add3A_492 = arith.addi %mul3A_491, %scan3A_485 : i32
          %add3A_493 = vector.broadcast %add3A_492 : i32 to vector<16xi32>
          %add3A_494 = arith.addi %broadcast_in_dim3A_489, %add3A_493 : vector<16xi32>
          %gather3A_495 = tpu.vector_load_idx %arg6[%add3A_494] : memref<4032xi32, #tpu.memory_space<vmem>>[vector<16xi32>], vector<16xi32>,
          %eq3A_496 = arith.cmpi eq, %get3A_458, %gather3A_495 : vector<16xi32>
          %gt3A = vector.broadcast %scan3A_485 : i32 to vector<16xi32>
          %gt3A_497 = arith.cmpi sgt, %iota3A, %gt3A : vector<16xi32>
          %and3A = arith.andi %eq3A_496, %gt3A_497 : vector<16xi1>
          %jit3A_498 = arith.constant 1 : i32
          %jit3A_499 = arith.constant 0 : i32
          %broadcast_in_dim3A_500 = vector.broadcast %jit3A_498 : i32 to vector<16xi32>
          %broadcast_in_dim3A_501 = vector.broadcast %jit3A_499 : i32 to vector<16xi32>
          %select_n3A_502 = arith.select %and3A, %broadcast_in_dim3A_500, %broadcast_in_dim3A_501 : vector<16xi1>, vector<16xi32>
          %add3A_503 = arith.addi %scan3A_486, %select_n3A_502 : vector<16xi32>
          %lt3A = vector.broadcast %scan3A_485 : i32 to vector<16xi32>
          %lt3A_504 = arith.cmpi slt, %iota3A, %lt3A : vector<16xi32>
          %and3A_505 = arith.andi %eq3A_496, %lt3A_504 : vector<16xi1>
          %jit3A_506 = arith.constant 1 : i32
          %jit3A_507 = arith.constant 0 : i32
          %broadcast_in_dim3A_508 = vector.broadcast %jit3A_506 : i32 to vector<16xi32>
          %broadcast_in_dim3A_509 = vector.broadcast %jit3A_507 : i32 to vector<16xi32>
          %select_n3A_510 = arith.select %and3A_505, %broadcast_in_dim3A_508, %broadcast_in_dim3A_509 : vector<16xi1>, vector<16xi32>
          %add3A_511 = arith.addi %scan3A_487, %select_n3A_510 : vector<16xi32>
          scf.yield %add3A_503, %add3A_511 : vector<16xi32>, vector<16xi32>
        }
        %scan3A_464 = arith.constant 16 : i32
        %eq3A_465 = arith.constant 0 : i32
        %eq3A_466 = vector.broadcast %eq3A_465 : i32 to vector<16xi32>
        %eq3A_467 = arith.cmpi eq, %scan3A_463#1, %eq3A_466 : vector<16xi32>
        %gather3A_468 = tpu.vector_load_idx %arg7[%get3A_458] : memref<64xi32, #tpu.memory_space<vmem>>[vector<16xi32>], vector<16xi32>,
        %add3A_469 = arith.addi %gather3A_468, %scan3A_463#0 : vector<16xi32>
        %add3A_470 = arith.constant 1 : i32
        %add3A_471 = vector.broadcast %add3A_470 : i32 to vector<16xi32>
        %add3A_472 = arith.addi %add3A_469, %add3A_471 : vector<16xi32>
        tpu.vector_store_idx %arg7[%get3A_458], %add3A_472 masked %eq3A_467 : memref<64xi32, #tpu.memory_space<vmem>>[vector<16xi32>], vector<16xi32>, vector<16xi1>
        %mul3A_473 = arith.constant 16 : i32
        %mul3A_474 = arith.muli %scan3A_453, %mul3A_473 : i32
        %swap3A_475 = arith.index_cast %mul3A_474 : i32 to index
        %swap3A_476 = tpu.vector_load %arg15[%swap3A_475] {strides = array<i32>} : memref<4032xi32, #tpu.memory_space<vmem>>, vector<16xi32>,
        tpu.vector_store %arg15[%swap3A_475], %scan3A_463#0 {strides = array<i32>} : memref<4032xi32, #tpu.memory_space<vmem>>, vector<16xi32>,
        %jit3A = arith.constant 1 : i32
        %jit3A_477 = arith.constant 0 : i32
        %broadcast_in_dim3A_478 = vector.broadcast %jit3A : i32 to vector<16xi32>
        %broadcast_in_dim3A_479 = vector.broadcast %jit3A_477 : i32 to vector<16xi32>
        %select_n3A = arith.select %eq3A_467, %broadcast_in_dim3A_478, %broadcast_in_dim3A_479 : vector<16xi1>, vector<16xi32>
        %mul3A_480 = arith.constant 16 : i32
        %mul3A_481 = arith.muli %scan3A_453, %mul3A_480 : i32
        %swap3A_482 = arith.index_cast %mul3A_481 : i32 to index
        %swap3A_483 = tpu.vector_load %arg16[%swap3A_482] {strides = array<i32>} : memref<4032xi32, #tpu.memory_space<vmem>>, vector<16xi32>,
        tpu.vector_store %arg16[%swap3A_482], %select_n3A {strides = array<i32>} : memref<4032xi32, #tpu.memory_space<vmem>>, vector<16xi32>,
        %scan3A_484 = arith.constant 0 : i32
        scf.yield %scan3A_484 : i32
      }
      %scan3A_45 = arith.constant 252 : i32
      %broadcast_in_dim3A_46 = arith.constant 0 : i32
      %broadcast_in_dim3A_47 = vector.broadcast %broadcast_in_dim3A_46 : i32 to vector<16xi32>
      %broadcast_in_dim3A_48 = arith.constant 0 : i32
      %broadcast_in_dim3A_49 = vector.broadcast %broadcast_in_dim3A_48 : i32 to vector<16xi32>
      %broadcast_in_dim3A_50 = arith.constant 15 : i32
      %broadcast_in_dim3A_51 = vector.broadcast %broadcast_in_dim3A_50 : i32 to vector<16xi32>
      %get3A = arith.constant 0 : index
      %get3A_52 = tpu.vector_load %arg7[%get3A] {strides = array<i32>} : memref<64xi32, #tpu.memory_space<vmem>>, vector<16xi32>,
      %add3A_53 = arith.constant 63 : i32
      %add3A_54 = vector.broadcast %add3A_53 : i32 to vector<16xi32>
      %add3A_55 = arith.addi %get3A_52, %add3A_54 : vector<16xi32>
      %shift_right_arithmetic3A = arith.constant 6 : i32
      %shift_right_arithmetic3A_56 = vector.broadcast %shift_right_arithmetic3A : i32 to vector<16xi32>
      %shift_right_arithmetic3A_57 = arith.shrsi %add3A_55, %shift_right_arithmetic3A_56 : vector<16xi32>
      %mul3A_58 = arith.constant 64 : i32
      %mul3A_59 = vector.broadcast %mul3A_58 : i32 to vector<16xi32>
      %mul3A_60 = arith.muli %shift_right_arithmetic3A_57, %mul3A_59 : vector<16xi32>
      %swap3A_61 = arith.constant 16 : index
      %swap3A_62 = tpu.vector_load %arg11[%swap3A_61] {strides = array<i32>} : memref<48xi32, #tpu.memory_space<vmem>>, vector<16xi32>,
      tpu.vector_store %arg11[%swap3A_61], %mul3A_60 {strides = array<i32>} : memref<48xi32, #tpu.memory_space<vmem>>, vector<16xi32>,
      %get3A_63 = arith.constant 15 : index
      %get3A_64 = tpu.vector_load %arg11[%get3A_63] {strides = array<i32>} : memref<48xi32, #tpu.memory_space<vmem>>, vector<16xi32>,
      %add3A_65 = arith.addi %mul3A_60, %get3A_64 : vector<16xi32>
      %swap3A_66 = arith.constant 16 : index
      %swap3A_67 = tpu.vector_load %arg11[%swap3A_66] {strides = array<i32>} : memref<48xi32, #tpu.memory_space<vmem>>, vector<16xi32>,
      tpu.vector_store %arg11[%swap3A_66], %add3A_65 {strides = array<i32>} : memref<48xi32, #tpu.memory_space<vmem>>, vector<16xi32>,
      %get3A_68 = arith.constant 14 : index
      %get3A_69 = tpu.vector_load %arg11[%get3A_68] {strides = array<i32>} : memref<48xi32, #tpu.memory_space<vmem>>, vector<16xi32>,
      %add3A_70 = arith.addi %add3A_65, %get3A_69 : vector<16xi32>
      %swap3A_71 = arith.constant 16 : index
      %swap3A_72 = tpu.vector_load %arg11[%swap3A_71] {strides = array<i32>} : memref<48xi32, #tpu.memory_space<vmem>>, vector<16xi32>,
      tpu.vector_store %arg11[%swap3A_71], %add3A_70 {strides = array<i32>} : memref<48xi32, #tpu.memory_space<vmem>>, vector<16xi32>,
      %get3A_73 = arith.constant 12 : index
      %get3A_74 = tpu.vector_load %arg11[%get3A_73] {strides = array<i32>} : memref<48xi32, #tpu.memory_space<vmem>>, vector<16xi32>,
      %add3A_75 = arith.addi %add3A_70, %get3A_74 : vector<16xi32>
      %swap3A_76 = arith.constant 16 : index
      %swap3A_77 = tpu.vector_load %arg11[%swap3A_76] {strides = array<i32>} : memref<48xi32, #tpu.memory_space<vmem>>, vector<16xi32>,
      tpu.vector_store %arg11[%swap3A_76], %add3A_75 {strides = array<i32>} : memref<48xi32, #tpu.memory_space<vmem>>, vector<16xi32>,
      %get3A_78 = arith.constant 8 : index
      %get3A_79 = tpu.vector_load %arg11[%get3A_78] {strides = array<i32>} : memref<48xi32, #tpu.memory_space<vmem>>, vector<16xi32>,
      %add3A_80 = arith.addi %add3A_75, %get3A_79 : vector<16xi32>
      %swap3A_81 = arith.constant 32 : index
      %swap3A_82 = tpu.vector_load %arg11[%swap3A_81] {strides = array<i32>} : memref<48xi32, #tpu.memory_space<vmem>>, vector<16xi32>,
      tpu.vector_store %arg11[%swap3A_81], %add3A_80 {strides = array<i32>} : memref<48xi32, #tpu.memory_space<vmem>>, vector<16xi32>,
      %sub3A = arith.subi %add3A_80, %mul3A_60 : vector<16xi32>
      %add3A_83 = arith.addi %sub3A, %broadcast_in_dim3A_47 : vector<16xi32>
      %swap3A_84 = arith.constant 0 : index
      %swap3A_85 = tpu.vector_load %arg8[%swap3A_84] {strides = array<i32>} : memref<64xi32, #tpu.memory_space<vmem>>, vector<16xi32>,
      tpu.vector_store %arg8[%swap3A_84], %add3A_83 {strides = array<i32>} : memref<64xi32, #tpu.memory_space<vmem>>, vector<16xi32>,
      %add3A_86 = arith.constant 32 : i32
      %add3A_87 = vector.broadcast %add3A_86 : i32 to vector<16xi32>
      %add3A_88 = arith.addi %broadcast_in_dim3A_51, %add3A_87 : vector<16xi32>
      %gather3A = tpu.vector_load_idx %arg11[%add3A_88] : memref<48xi32, #tpu.memory_space<vmem>>[vector<16xi32>], vector<16xi32>,
      %add3A_89 = arith.addi %broadcast_in_dim3A_47, %gather3A : vector<16xi32>
      %swap3A_90 = arith.constant 16 : index
      %swap3A_91 = tpu.vector_load %arg11[%swap3A_90] {strides = array<i32>} : memref<48xi32, #tpu.memory_space<vmem>>, vector<16xi32>,
      tpu.vector_store %arg11[%swap3A_90], %shift_right_arithmetic3A_57 {strides = array<i32>} : memref<48xi32, #tpu.memory_space<vmem>>, vector<16xi32>,
      %get3A_92 = arith.constant 15 : index
      %get3A_93 = tpu.vector_load %arg11[%get3A_92] {strides = array<i32>} : memref<48xi32, #tpu.memory_space<vmem>>, vector<16xi32>,
      %add3A_94 = arith.addi %shift_right_arithmetic3A_57, %get3A_93 : vector<16xi32>
      %swap3A_95 = arith.constant 16 : index
      %swap3A_96 = tpu.vector_load %arg11[%swap3A_95] {strides = array<i32>} : memref<48xi32, #tpu.memory_space<vmem>>, vector<16xi32>,
      tpu.vector_store %arg11[%swap3A_95], %add3A_94 {strides = array<i32>} : memref<48xi32, #tpu.memory_space<vmem>>, vector<16xi32>,
      %get3A_97 = arith.constant 14 : index
      %get3A_98 = tpu.vector_load %arg11[%get3A_97] {strides = array<i32>} : memref<48xi32, #tpu.memory_space<vmem>>, vector<16xi32>,
      %add3A_99 = arith.addi %add3A_94, %get3A_98 : vector<16xi32>
      %swap3A_100 = arith.constant 16 : index
      %swap3A_101 = tpu.vector_load %arg11[%swap3A_100] {strides = array<i32>} : memref<48xi32, #tpu.memory_space<vmem>>, vector<16xi32>,
      tpu.vector_store %arg11[%swap3A_100], %add3A_99 {strides = array<i32>} : memref<48xi32, #tpu.memory_space<vmem>>, vector<16xi32>,
      %get3A_102 = arith.constant 12 : index
      %get3A_103 = tpu.vector_load %arg11[%get3A_102] {strides = array<i32>} : memref<48xi32, #tpu.memory_space<vmem>>, vector<16xi32>,
      %add3A_104 = arith.addi %add3A_99, %get3A_103 : vector<16xi32>
      %swap3A_105 = arith.constant 16 : index
      %swap3A_106 = tpu.vector_load %arg11[%swap3A_105] {strides = array<i32>} : memref<48xi32, #tpu.memory_space<vmem>>, vector<16xi32>,
      tpu.vector_store %arg11[%swap3A_105], %add3A_104 {strides = array<i32>} : memref<48xi32, #tpu.memory_space<vmem>>, vector<16xi32>,
      %get3A_107 = arith.constant 8 : index
      %get3A_108 = tpu.vector_load %arg11[%get3A_107] {strides = array<i32>} : memref<48xi32, #tpu.memory_space<vmem>>, vector<16xi32>,
      %add3A_109 = arith.addi %add3A_104, %get3A_108 : vector<16xi32>
      %swap3A_110 = arith.constant 32 : index
      %swap3A_111 = tpu.vector_load %arg11[%swap3A_110] {strides = array<i32>} : memref<48xi32, #tpu.memory_space<vmem>>, vector<16xi32>,
      tpu.vector_store %arg11[%swap3A_110], %add3A_109 {strides = array<i32>} : memref<48xi32, #tpu.memory_space<vmem>>, vector<16xi32>,
      %sub3A_112 = arith.subi %add3A_109, %shift_right_arithmetic3A_57 : vector<16xi32>
      %add3A_113 = arith.addi %sub3A_112, %broadcast_in_dim3A_49 : vector<16xi32>
      %swap3A_114 = arith.constant 0 : index
      %swap3A_115 = tpu.vector_load %arg9[%swap3A_114] {strides = array<i32>} : memref<64xi32, #tpu.memory_space<vmem>>, vector<16xi32>,
      tpu.vector_store %arg9[%swap3A_114], %add3A_113 {strides = array<i32>} : memref<64xi32, #tpu.memory_space<vmem>>, vector<16xi32>,
      %add3A_116 = arith.constant 32 : i32
      %add3A_117 = vector.broadcast %add3A_116 : i32 to vector<16xi32>
      %add3A_118 = arith.addi %broadcast_in_dim3A_51, %add3A_117 : vector<16xi32>
      %gather3A_119 = tpu.vector_load_idx %arg11[%add3A_118] : memref<48xi32, #tpu.memory_space<vmem>>[vector<16xi32>], vector<16xi32>,
      %add3A_120 = arith.addi %broadcast_in_dim3A_49, %gather3A_119 : vector<16xi32>
      %get3A_121 = arith.constant 16 : index
      %get3A_122 = tpu.vector_load %arg7[%get3A_121] {strides = array<i32>} : memref<64xi32, #tpu.memory_space<vmem>>, vector<16xi32>,
      %add3A_123 = arith.constant 63 : i32
      %add3A_124 = vector.broadcast %add3A_123 : i32 to vector<16xi32>
      %add3A_125 = arith.addi %get3A_122, %add3A_124 : vector<16xi32>
      %shift_right_arithmetic3A_126 = arith.constant 6 : i32
      %shift_right_arithmetic3A_127 = vector.broadcast %shift_right_arithmetic3A_126 : i32 to vector<16xi32>
      %shift_right_arithmetic3A_128 = arith.shrsi %add3A_125, %shift_right_arithmetic3A_127 : vector<16xi32>
      %mul3A_129 = arith.constant 64 : i32
      %mul3A_130 = vector.broadcast %mul3A_129 : i32 to vector<16xi32>
      %mul3A_131 = arith.muli %shift_right_arithmetic3A_128, %mul3A_130 : vector<16xi32>
      %swap3A_132 = arith.constant 16 : index
      %swap3A_133 = tpu.vector_load %arg11[%swap3A_132] {strides = array<i32>} : memref<48xi32, #tpu.memory_space<vmem>>, vector<16xi32>,
      tpu.vector_store %arg11[%swap3A_132], %mul3A_131 {strides = array<i32>} : memref<48xi32, #tpu.memory_space<vmem>>, vector<16xi32>,
      %get3A_134 = arith.constant 15 : index
      %get3A_135 = tpu.vector_load %arg11[%get3A_134] {strides = array<i32>} : memref<48xi32, #tpu.memory_space<vmem>>, vector<16xi32>,
      %add3A_136 = arith.addi %mul3A_131, %get3A_135 : vector<16xi32>
      %swap3A_137 = arith.constant 16 : index
      %swap3A_138 = tpu.vector_load %arg11[%swap3A_137] {strides = array<i32>} : memref<48xi32, #tpu.memory_space<vmem>>, vector<16xi32>,
      tpu.vector_store %arg11[%swap3A_137], %add3A_136 {strides = array<i32>} : memref<48xi32, #tpu.memory_space<vmem>>, vector<16xi32>,
      %get3A_139 = arith.constant 14 : index
      %get3A_140 = tpu.vector_load %arg11[%get3A_139] {strides = array<i32>} : memref<48xi32, #tpu.memory_space<vmem>>, vector<16xi32>,
      %add3A_141 = arith.addi %add3A_136, %get3A_140 : vector<16xi32>
      %swap3A_142 = arith.constant 16 : index
      %swap3A_143 = tpu.vector_load %arg11[%swap3A_142] {strides = array<i32>} : memref<48xi32, #tpu.memory_space<vmem>>, vector<16xi32>,
      tpu.vector_store %arg11[%swap3A_142], %add3A_141 {strides = array<i32>} : memref<48xi32, #tpu.memory_space<vmem>>, vector<16xi32>,
      %get3A_144 = arith.constant 12 : index
      %get3A_145 = tpu.vector_load %arg11[%get3A_144] {strides = array<i32>} : memref<48xi32, #tpu.memory_space<vmem>>, vector<16xi32>,
      %add3A_146 = arith.addi %add3A_141, %get3A_145 : vector<16xi32>
      %swap3A_147 = arith.constant 16 : index
      %swap3A_148 = tpu.vector_load %arg11[%swap3A_147] {strides = array<i32>} : memref<48xi32, #tpu.memory_space<vmem>>, vector<16xi32>,
      tpu.vector_store %arg11[%swap3A_147], %add3A_146 {strides = array<i32>} : memref<48xi32, #tpu.memory_space<vmem>>, vector<16xi32>,
      %get3A_149 = arith.constant 8 : index
      %get3A_150 = tpu.vector_load %arg11[%get3A_149] {strides = array<i32>} : memref<48xi32, #tpu.memory_space<vmem>>, vector<16xi32>,
      %add3A_151 = arith.addi %add3A_146, %get3A_150 : vector<16xi32>
      %swap3A_152 = arith.constant 32 : index
      %swap3A_153 = tpu.vector_load %arg11[%swap3A_152] {strides = array<i32>} : memref<48xi32, #tpu.memory_space<vmem>>, vector<16xi32>,
      tpu.vector_store %arg11[%swap3A_152], %add3A_151 {strides = array<i32>} : memref<48xi32, #tpu.memory_space<vmem>>, vector<16xi32>,
      %sub3A_154 = arith.subi %add3A_151, %mul3A_131 : vector<16xi32>
      %add3A_155 = arith.addi %sub3A_154, %add3A_89 : vector<16xi32>
      %swap3A_156 = arith.constant 16 : index
      %swap3A_157 = tpu.vector_load %arg8[%swap3A_156] {strides = array<i32>} : memref<64xi32, #tpu.memory_space<vmem>>, vector<16xi32>,
      tpu.vector_store %arg8[%swap3A_156], %add3A_155 {strides = array<i32>} : memref<64xi32, #tpu.memory_space<vmem>>, vector<16xi32>,
      %add3A_158 = arith.constant 32 : i32
      %add3A_159 = vector.broadcast %add3A_158 : i32 to vector<16xi32>
      %add3A_160 = arith.addi %broadcast_in_dim3A_51, %add3A_159 : vector<16xi32>
      %gather3A_161 = tpu.vector_load_idx %arg11[%add3A_160] : memref<48xi32, #tpu.memory_space<vmem>>[vector<16xi32>], vector<16xi32>,
      %add3A_162 = arith.addi %add3A_89, %gather3A_161 : vector<16xi32>
      %swap3A_163 = arith.constant 16 : index
      %swap3A_164 = tpu.vector_load %arg11[%swap3A_163] {strides = array<i32>} : memref<48xi32, #tpu.memory_space<vmem>>, vector<16xi32>,
      tpu.vector_store %arg11[%swap3A_163], %shift_right_arithmetic3A_128 {strides = array<i32>} : memref<48xi32, #tpu.memory_space<vmem>>, vector<16xi32>,
      %get3A_165 = arith.constant 15 : index
      %get3A_166 = tpu.vector_load %arg11[%get3A_165] {strides = array<i32>} : memref<48xi32, #tpu.memory_space<vmem>>, vector<16xi32>,
      %add3A_167 = arith.addi %shift_right_arithmetic3A_128, %get3A_166 : vector<16xi32>
      %swap3A_168 = arith.constant 16 : index
      %swap3A_169 = tpu.vector_load %arg11[%swap3A_168] {strides = array<i32>} : memref<48xi32, #tpu.memory_space<vmem>>, vector<16xi32>,
      tpu.vector_store %arg11[%swap3A_168], %add3A_167 {strides = array<i32>} : memref<48xi32, #tpu.memory_space<vmem>>, vector<16xi32>,
      %get3A_170 = arith.constant 14 : index
      %get3A_171 = tpu.vector_load %arg11[%get3A_170] {strides = array<i32>} : memref<48xi32, #tpu.memory_space<vmem>>, vector<16xi32>,
      %add3A_172 = arith.addi %add3A_167, %get3A_171 : vector<16xi32>
      %swap3A_173 = arith.constant 16 : index
      %swap3A_174 = tpu.vector_load %arg11[%swap3A_173] {strides = array<i32>} : memref<48xi32, #tpu.memory_space<vmem>>, vector<16xi32>,
      tpu.vector_store %arg11[%swap3A_173], %add3A_172 {strides = array<i32>} : memref<48xi32, #tpu.memory_space<vmem>>, vector<16xi32>,
      %get3A_175 = arith.constant 12 : index
      %get3A_176 = tpu.vector_load %arg11[%get3A_175] {strides = array<i32>} : memref<48xi32, #tpu.memory_space<vmem>>, vector<16xi32>,
      %add3A_177 = arith.addi %add3A_172, %get3A_176 : vector<16xi32>
      %swap3A_178 = arith.constant 16 : index
      %swap3A_179 = tpu.vector_load %arg11[%swap3A_178] {strides = array<i32>} : memref<48xi32, #tpu.memory_space<vmem>>, vector<16xi32>,
      tpu.vector_store %arg11[%swap3A_178], %add3A_177 {strides = array<i32>} : memref<48xi32, #tpu.memory_space<vmem>>, vector<16xi32>,
      %get3A_180 = arith.constant 8 : index
      %get3A_181 = tpu.vector_load %arg11[%get3A_180] {strides = array<i32>} : memref<48xi32, #tpu.memory_space<vmem>>, vector<16xi32>,
      %add3A_182 = arith.addi %add3A_177, %get3A_181 : vector<16xi32>
      %swap3A_183 = arith.constant 32 : index
      %swap3A_184 = tpu.vector_load %arg11[%swap3A_183] {strides = array<i32>} : memref<48xi32, #tpu.memory_space<vmem>>, vector<16xi32>,
      tpu.vector_store %arg11[%swap3A_183], %add3A_182 {strides = array<i32>} : memref<48xi32, #tpu.memory_space<vmem>>, vector<16xi32>,
      %sub3A_185 = arith.subi %add3A_182, %shift_right_arithmetic3A_128 : vector<16xi32>
      %add3A_186 = arith.addi %sub3A_185, %add3A_120 : vector<16xi32>
      %swap3A_187 = arith.constant 16 : index
      %swap3A_188 = tpu.vector_load %arg9[%swap3A_187] {strides = array<i32>} : memref<64xi32, #tpu.memory_space<vmem>>, vector<16xi32>,
      tpu.vector_store %arg9[%swap3A_187], %add3A_186 {strides = array<i32>} : memref<64xi32, #tpu.memory_space<vmem>>, vector<16xi32>,
      %add3A_189 = arith.constant 32 : i32
      %add3A_190 = vector.broadcast %add3A_189 : i32 to vector<16xi32>
      %add3A_191 = arith.addi %broadcast_in_dim3A_51, %add3A_190 : vector<16xi32>
      %gather3A_192 = tpu.vector_load_idx %arg11[%add3A_191] : memref<48xi32, #tpu.memory_space<vmem>>[vector<16xi32>], vector<16xi32>,
      %add3A_193 = arith.addi %add3A_120, %gather3A_192 : vector<16xi32>
      %get3A_194 = arith.constant 32 : index
      %get3A_195 = tpu.vector_load %arg7[%get3A_194] {strides = array<i32>} : memref<64xi32, #tpu.memory_space<vmem>>, vector<16xi32>,
      %add3A_196 = arith.constant 63 : i32
      %add3A_197 = vector.broadcast %add3A_196 : i32 to vector<16xi32>
      %add3A_198 = arith.addi %get3A_195, %add3A_197 : vector<16xi32>
      %shift_right_arithmetic3A_199 = arith.constant 6 : i32
      %shift_right_arithmetic3A_200 = vector.broadcast %shift_right_arithmetic3A_199 : i32 to vector<16xi32>
      %shift_right_arithmetic3A_201 = arith.shrsi %add3A_198, %shift_right_arithmetic3A_200 : vector<16xi32>
      %mul3A_202 = arith.constant 64 : i32
      %mul3A_203 = vector.broadcast %mul3A_202 : i32 to vector<16xi32>
      %mul3A_204 = arith.muli %shift_right_arithmetic3A_201, %mul3A_203 : vector<16xi32>
      %swap3A_205 = arith.constant 16 : index
      %swap3A_206 = tpu.vector_load %arg11[%swap3A_205] {strides = array<i32>} : memref<48xi32, #tpu.memory_space<vmem>>, vector<16xi32>,
      tpu.vector_store %arg11[%swap3A_205], %mul3A_204 {strides = array<i32>} : memref<48xi32, #tpu.memory_space<vmem>>, vector<16xi32>,
      %get3A_207 = arith.constant 15 : index
      %get3A_208 = tpu.vector_load %arg11[%get3A_207] {strides = array<i32>} : memref<48xi32, #tpu.memory_space<vmem>>, vector<16xi32>,
      %add3A_209 = arith.addi %mul3A_204, %get3A_208 : vector<16xi32>
      %swap3A_210 = arith.constant 16 : index
      %swap3A_211 = tpu.vector_load %arg11[%swap3A_210] {strides = array<i32>} : memref<48xi32, #tpu.memory_space<vmem>>, vector<16xi32>,
      tpu.vector_store %arg11[%swap3A_210], %add3A_209 {strides = array<i32>} : memref<48xi32, #tpu.memory_space<vmem>>, vector<16xi32>,
      %get3A_212 = arith.constant 14 : index
      %get3A_213 = tpu.vector_load %arg11[%get3A_212] {strides = array<i32>} : memref<48xi32, #tpu.memory_space<vmem>>, vector<16xi32>,
      %add3A_214 = arith.addi %add3A_209, %get3A_213 : vector<16xi32>
      %swap3A_215 = arith.constant 16 : index
      %swap3A_216 = tpu.vector_load %arg11[%swap3A_215] {strides = array<i32>} : memref<48xi32, #tpu.memory_space<vmem>>, vector<16xi32>,
      tpu.vector_store %arg11[%swap3A_215], %add3A_214 {strides = array<i32>} : memref<48xi32, #tpu.memory_space<vmem>>, vector<16xi32>,
      %get3A_217 = arith.constant 12 : index
      %get3A_218 = tpu.vector_load %arg11[%get3A_217] {strides = array<i32>} : memref<48xi32, #tpu.memory_space<vmem>>, vector<16xi32>,
      %add3A_219 = arith.addi %add3A_214, %get3A_218 : vector<16xi32>
      %swap3A_220 = arith.constant 16 : index
      %swap3A_221 = tpu.vector_load %arg11[%swap3A_220] {strides = array<i32>} : memref<48xi32, #tpu.memory_space<vmem>>, vector<16xi32>,
      tpu.vector_store %arg11[%swap3A_220], %add3A_219 {strides = array<i32>} : memref<48xi32, #tpu.memory_space<vmem>>, vector<16xi32>,
      %get3A_222 = arith.constant 8 : index
      %get3A_223 = tpu.vector_load %arg11[%get3A_222] {strides = array<i32>} : memref<48xi32, #tpu.memory_space<vmem>>, vector<16xi32>,
      %add3A_224 = arith.addi %add3A_219, %get3A_223 : vector<16xi32>
      %swap3A_225 = arith.constant 32 : index
      %swap3A_226 = tpu.vector_load %arg11[%swap3A_225] {strides = array<i32>} : memref<48xi32, #tpu.memory_space<vmem>>, vector<16xi32>,
      tpu.vector_store %arg11[%swap3A_225], %add3A_224 {strides = array<i32>} : memref<48xi32, #tpu.memory_space<vmem>>, vector<16xi32>,
      %sub3A_227 = arith.subi %add3A_224, %mul3A_204 : vector<16xi32>
      %add3A_228 = arith.addi %sub3A_227, %add3A_162 : vector<16xi32>
      %swap3A_229 = arith.constant 32 : index
      %swap3A_230 = tpu.vector_load %arg8[%swap3A_229] {strides = array<i32>} : memref<64xi32, #tpu.memory_space<vmem>>, vector<16xi32>,
      tpu.vector_store %arg8[%swap3A_229], %add3A_228 {strides = array<i32>} : memref<64xi32, #tpu.memory_space<vmem>>, vector<16xi32>,
      %add3A_231 = arith.constant 32 : i32
      %add3A_232 = vector.broadcast %add3A_231 : i32 to vector<16xi32>
      %add3A_233 = arith.addi %broadcast_in_dim3A_51, %add3A_232 : vector<16xi32>
      %gather3A_234 = tpu.vector_load_idx %arg11[%add3A_233] : memref<48xi32, #tpu.memory_space<vmem>>[vector<16xi32>], vector<16xi32>,
      %add3A_235 = arith.addi %add3A_162, %gather3A_234 : vector<16xi32>
      %swap3A_236 = arith.constant 16 : index
      %swap3A_237 = tpu.vector_load %arg11[%swap3A_236] {strides = array<i32>} : memref<48xi32, #tpu.memory_space<vmem>>, vector<16xi32>,
      tpu.vector_store %arg11[%swap3A_236], %shift_right_arithmetic3A_201 {strides = array<i32>} : memref<48xi32, #tpu.memory_space<vmem>>, vector<16xi32>,
      %get3A_238 = arith.constant 15 : index
      %get3A_239 = tpu.vector_load %arg11[%get3A_238] {strides = array<i32>} : memref<48xi32, #tpu.memory_space<vmem>>, vector<16xi32>,
      %add3A_240 = arith.addi %shift_right_arithmetic3A_201, %get3A_239 : vector<16xi32>
      %swap3A_241 = arith.constant 16 : index
      %swap3A_242 = tpu.vector_load %arg11[%swap3A_241] {strides = array<i32>} : memref<48xi32, #tpu.memory_space<vmem>>, vector<16xi32>,
      tpu.vector_store %arg11[%swap3A_241], %add3A_240 {strides = array<i32>} : memref<48xi32, #tpu.memory_space<vmem>>, vector<16xi32>,
      %get3A_243 = arith.constant 14 : index
      %get3A_244 = tpu.vector_load %arg11[%get3A_243] {strides = array<i32>} : memref<48xi32, #tpu.memory_space<vmem>>, vector<16xi32>,
      %add3A_245 = arith.addi %add3A_240, %get3A_244 : vector<16xi32>
      %swap3A_246 = arith.constant 16 : index
      %swap3A_247 = tpu.vector_load %arg11[%swap3A_246] {strides = array<i32>} : memref<48xi32, #tpu.memory_space<vmem>>, vector<16xi32>,
      tpu.vector_store %arg11[%swap3A_246], %add3A_245 {strides = array<i32>} : memref<48xi32, #tpu.memory_space<vmem>>, vector<16xi32>,
      %get3A_248 = arith.constant 12 : index
      %get3A_249 = tpu.vector_load %arg11[%get3A_248] {strides = array<i32>} : memref<48xi32, #tpu.memory_space<vmem>>, vector<16xi32>,
      %add3A_250 = arith.addi %add3A_245, %get3A_249 : vector<16xi32>
      %swap3A_251 = arith.constant 16 : index
      %swap3A_252 = tpu.vector_load %arg11[%swap3A_251] {strides = array<i32>} : memref<48xi32, #tpu.memory_space<vmem>>, vector<16xi32>,
      tpu.vector_store %arg11[%swap3A_251], %add3A_250 {strides = array<i32>} : memref<48xi32, #tpu.memory_space<vmem>>, vector<16xi32>,
      %get3A_253 = arith.constant 8 : index
      %get3A_254 = tpu.vector_load %arg11[%get3A_253] {strides = array<i32>} : memref<48xi32, #tpu.memory_space<vmem>>, vector<16xi32>,
      %add3A_255 = arith.addi %add3A_250, %get3A_254 : vector<16xi32>
      %swap3A_256 = arith.constant 32 : index
      %swap3A_257 = tpu.vector_load %arg11[%swap3A_256] {strides = array<i32>} : memref<48xi32, #tpu.memory_space<vmem>>, vector<16xi32>,
      tpu.vector_store %arg11[%swap3A_256], %add3A_255 {strides = array<i32>} : memref<48xi32, #tpu.memory_space<vmem>>, vector<16xi32>,
      %sub3A_258 = arith.subi %add3A_255, %shift_right_arithmetic3A_201 : vector<16xi32>
      %add3A_259 = arith.addi %sub3A_258, %add3A_193 : vector<16xi32>
      %swap3A_260 = arith.constant 32 : index
      %swap3A_261 = tpu.vector_load %arg9[%swap3A_260] {strides = array<i32>} : memref<64xi32, #tpu.memory_space<vmem>>, vector<16xi32>,
      tpu.vector_store %arg9[%swap3A_260], %add3A_259 {strides = array<i32>} : memref<64xi32, #tpu.memory_space<vmem>>, vector<16xi32>,
      %add3A_262 = arith.constant 32 : i32
      %add3A_263 = vector.broadcast %add3A_262 : i32 to vector<16xi32>
      %add3A_264 = arith.addi %broadcast_in_dim3A_51, %add3A_263 : vector<16xi32>
      %gather3A_265 = tpu.vector_load_idx %arg11[%add3A_264] : memref<48xi32, #tpu.memory_space<vmem>>[vector<16xi32>], vector<16xi32>,
      %add3A_266 = arith.addi %add3A_193, %gather3A_265 : vector<16xi32>
      %get3A_267 = arith.constant 48 : index
      %get3A_268 = tpu.vector_load %arg7[%get3A_267] {strides = array<i32>} : memref<64xi32, #tpu.memory_space<vmem>>, vector<16xi32>,
      %add3A_269 = arith.constant 63 : i32
      %add3A_270 = vector.broadcast %add3A_269 : i32 to vector<16xi32>
      %add3A_271 = arith.addi %get3A_268, %add3A_270 : vector<16xi32>
      %shift_right_arithmetic3A_272 = arith.constant 6 : i32
      %shift_right_arithmetic3A_273 = vector.broadcast %shift_right_arithmetic3A_272 : i32 to vector<16xi32>
      %shift_right_arithmetic3A_274 = arith.shrsi %add3A_271, %shift_right_arithmetic3A_273 : vector<16xi32>
      %mul3A_275 = arith.constant 64 : i32
      %mul3A_276 = vector.broadcast %mul3A_275 : i32 to vector<16xi32>
      %mul3A_277 = arith.muli %shift_right_arithmetic3A_274, %mul3A_276 : vector<16xi32>
      %swap3A_278 = arith.constant 16 : index
      %swap3A_279 = tpu.vector_load %arg11[%swap3A_278] {strides = array<i32>} : memref<48xi32, #tpu.memory_space<vmem>>, vector<16xi32>,
      tpu.vector_store %arg11[%swap3A_278], %mul3A_277 {strides = array<i32>} : memref<48xi32, #tpu.memory_space<vmem>>, vector<16xi32>,
      %get3A_280 = arith.constant 15 : index
      %get3A_281 = tpu.vector_load %arg11[%get3A_280] {strides = array<i32>} : memref<48xi32, #tpu.memory_space<vmem>>, vector<16xi32>,
      %add3A_282 = arith.addi %mul3A_277, %get3A_281 : vector<16xi32>
      %swap3A_283 = arith.constant 16 : index
      %swap3A_284 = tpu.vector_load %arg11[%swap3A_283] {strides = array<i32>} : memref<48xi32, #tpu.memory_space<vmem>>, vector<16xi32>,
      tpu.vector_store %arg11[%swap3A_283], %add3A_282 {strides = array<i32>} : memref<48xi32, #tpu.memory_space<vmem>>, vector<16xi32>,
      %get3A_285 = arith.constant 14 : index
      %get3A_286 = tpu.vector_load %arg11[%get3A_285] {strides = array<i32>} : memref<48xi32, #tpu.memory_space<vmem>>, vector<16xi32>,
      %add3A_287 = arith.addi %add3A_282, %get3A_286 : vector<16xi32>
      %swap3A_288 = arith.constant 16 : index
      %swap3A_289 = tpu.vector_load %arg11[%swap3A_288] {strides = array<i32>} : memref<48xi32, #tpu.memory_space<vmem>>, vector<16xi32>,
      tpu.vector_store %arg11[%swap3A_288], %add3A_287 {strides = array<i32>} : memref<48xi32, #tpu.memory_space<vmem>>, vector<16xi32>,
      %get3A_290 = arith.constant 12 : index
      %get3A_291 = tpu.vector_load %arg11[%get3A_290] {strides = array<i32>} : memref<48xi32, #tpu.memory_space<vmem>>, vector<16xi32>,
      %add3A_292 = arith.addi %add3A_287, %get3A_291 : vector<16xi32>
      %swap3A_293 = arith.constant 16 : index
      %swap3A_294 = tpu.vector_load %arg11[%swap3A_293] {strides = array<i32>} : memref<48xi32, #tpu.memory_space<vmem>>, vector<16xi32>,
      tpu.vector_store %arg11[%swap3A_293], %add3A_292 {strides = array<i32>} : memref<48xi32, #tpu.memory_space<vmem>>, vector<16xi32>,
      %get3A_295 = arith.constant 8 : index
      %get3A_296 = tpu.vector_load %arg11[%get3A_295] {strides = array<i32>} : memref<48xi32, #tpu.memory_space<vmem>>, vector<16xi32>,
      %add3A_297 = arith.addi %add3A_292, %get3A_296 : vector<16xi32>
      %swap3A_298 = arith.constant 32 : index
      %swap3A_299 = tpu.vector_load %arg11[%swap3A_298] {strides = array<i32>} : memref<48xi32, #tpu.memory_space<vmem>>, vector<16xi32>,
      tpu.vector_store %arg11[%swap3A_298], %add3A_297 {strides = array<i32>} : memref<48xi32, #tpu.memory_space<vmem>>, vector<16xi32>,
      %sub3A_300 = arith.subi %add3A_297, %mul3A_277 : vector<16xi32>
      %add3A_301 = arith.addi %sub3A_300, %add3A_235 : vector<16xi32>
      %swap3A_302 = arith.constant 48 : index
      %swap3A_303 = tpu.vector_load %arg8[%swap3A_302] {strides = array<i32>} : memref<64xi32, #tpu.memory_space<vmem>>, vector<16xi32>,
      tpu.vector_store %arg8[%swap3A_302], %add3A_301 {strides = array<i32>} : memref<64xi32, #tpu.memory_space<vmem>>, vector<16xi32>,
      %add3A_304 = arith.constant 32 : i32
      %add3A_305 = vector.broadcast %add3A_304 : i32 to vector<16xi32>
      %add3A_306 = arith.addi %broadcast_in_dim3A_51, %add3A_305 : vector<16xi32>
      %gather3A_307 = tpu.vector_load_idx %arg11[%add3A_306] : memref<48xi32, #tpu.memory_space<vmem>>[vector<16xi32>], vector<16xi32>,
      %add3A_308 = arith.addi %add3A_235, %gather3A_307 : vector<16xi32>
      %swap3A_309 = arith.constant 16 : index
      %swap3A_310 = tpu.vector_load %arg11[%swap3A_309] {strides = array<i32>} : memref<48xi32, #tpu.memory_space<vmem>>, vector<16xi32>,
      tpu.vector_store %arg11[%swap3A_309], %shift_right_arithmetic3A_274 {strides = array<i32>} : memref<48xi32, #tpu.memory_space<vmem>>, vector<16xi32>,
      %get3A_311 = arith.constant 15 : index
      %get3A_312 = tpu.vector_load %arg11[%get3A_311] {strides = array<i32>} : memref<48xi32, #tpu.memory_space<vmem>>, vector<16xi32>,
      %add3A_313 = arith.addi %shift_right_arithmetic3A_274, %get3A_312 : vector<16xi32>
      %swap3A_314 = arith.constant 16 : index
      %swap3A_315 = tpu.vector_load %arg11[%swap3A_314] {strides = array<i32>} : memref<48xi32, #tpu.memory_space<vmem>>, vector<16xi32>,
      tpu.vector_store %arg11[%swap3A_314], %add3A_313 {strides = array<i32>} : memref<48xi32, #tpu.memory_space<vmem>>, vector<16xi32>,
      %get3A_316 = arith.constant 14 : index
      %get3A_317 = tpu.vector_load %arg11[%get3A_316] {strides = array<i32>} : memref<48xi32, #tpu.memory_space<vmem>>, vector<16xi32>,
      %add3A_318 = arith.addi %add3A_313, %get3A_317 : vector<16xi32>
      %swap3A_319 = arith.constant 16 : index
      %swap3A_320 = tpu.vector_load %arg11[%swap3A_319] {strides = array<i32>} : memref<48xi32, #tpu.memory_space<vmem>>, vector<16xi32>,
      tpu.vector_store %arg11[%swap3A_319], %add3A_318 {strides = array<i32>} : memref<48xi32, #tpu.memory_space<vmem>>, vector<16xi32>,
      %get3A_321 = arith.constant 12 : index
      %get3A_322 = tpu.vector_load %arg11[%get3A_321] {strides = array<i32>} : memref<48xi32, #tpu.memory_space<vmem>>, vector<16xi32>,
      %add3A_323 = arith.addi %add3A_318, %get3A_322 : vector<16xi32>
      %swap3A_324 = arith.constant 16 : index
      %swap3A_325 = tpu.vector_load %arg11[%swap3A_324] {strides = array<i32>} : memref<48xi32, #tpu.memory_space<vmem>>, vector<16xi32>,
      tpu.vector_store %arg11[%swap3A_324], %add3A_323 {strides = array<i32>} : memref<48xi32, #tpu.memory_space<vmem>>, vector<16xi32>,
      %get3A_326 = arith.constant 8 : index
      %get3A_327 = tpu.vector_load %arg11[%get3A_326] {strides = array<i32>} : memref<48xi32, #tpu.memory_space<vmem>>, vector<16xi32>,
      %add3A_328 = arith.addi %add3A_323, %get3A_327 : vector<16xi32>
      %swap3A_329 = arith.constant 32 : index
      %swap3A_330 = tpu.vector_load %arg11[%swap3A_329] {strides = array<i32>} : memref<48xi32, #tpu.memory_space<vmem>>, vector<16xi32>,
      tpu.vector_store %arg11[%swap3A_329], %add3A_328 {strides = array<i32>} : memref<48xi32, #tpu.memory_space<vmem>>, vector<16xi32>,
      %sub3A_331 = arith.subi %add3A_328, %shift_right_arithmetic3A_274 : vector<16xi32>
      %add3A_332 = arith.addi %sub3A_331, %add3A_266 : vector<16xi32>
      %swap3A_333 = arith.constant 48 : index
      %swap3A_334 = tpu.vector_load %arg9[%swap3A_333] {strides = array<i32>} : memref<64xi32, #tpu.memory_space<vmem>>, vector<16xi32>,
      tpu.vector_store %arg9[%swap3A_333], %add3A_332 {strides = array<i32>} : memref<64xi32, #tpu.memory_space<vmem>>, vector<16xi32>,
      %add3A_335 = arith.constant 32 : i32
      %add3A_336 = vector.broadcast %add3A_335 : i32 to vector<16xi32>
      %add3A_337 = arith.addi %broadcast_in_dim3A_51, %add3A_336 : vector<16xi32>
      %gather3A_338 = tpu.vector_load_idx %arg11[%add3A_337] : memref<48xi32, #tpu.memory_space<vmem>>[vector<16xi32>], vector<16xi32>,
      %add3A_339 = arith.addi %add3A_266, %gather3A_338 : vector<16xi32>
      %add3A_340 = arith.constant 0 : i32
      %add3A_341 = vector.broadcast %add3A_340 : i32 to vector<16xi32>
      %add3A_342 = arith.addi %add3A_341, %iota3A : vector<16xi32>
      %broadcast_in_dim3A_343 = arith.constant -1 : i32
      %broadcast_in_dim3A_344 = vector.broadcast %broadcast_in_dim3A_343 : i32 to vector<16xi32>
      %scan3A_345 = arith.constant 0 : i32
      %scan3A_346 = arith.constant 64 : i32
      %scan3A_347 = arith.addi %scan3A_345, %scan3A_346 : i32
      %scan3A_348 = arith.constant 1 : i32
      %scan3A_349 = scf.for %scan3A_453 = %scan3A_345 to %scan3A_347 step %scan3A_348 iter_args(%scan3A_454 = %broadcast_in_dim3A_344) -> (vector<16xi32>)  : i32 {
        %broadcast_in_dim3A_455 = arith.constant 0 : i32
        %broadcast_in_dim3A_456 = vector.broadcast %broadcast_in_dim3A_455 : i32 to vector<16xi32>
        %add3A_457 = vector.broadcast %scan3A_453 : i32 to vector<16xi32>
        %add3A_458 = arith.addi %broadcast_in_dim3A_456, %add3A_457 : vector<16xi32>
        %gather3A_459 = tpu.vector_load_idx %arg9[%add3A_458] : memref<64xi32, #tpu.memory_space<vmem>>[vector<16xi32>], vector<16xi32>,
        %ge3A = arith.cmpi sge, %add3A_342, %gather3A_459 : vector<16xi32>
        %jit3A = arith.constant 1 : i32
        %jit3A_460 = arith.constant 0 : i32
        %broadcast_in_dim3A_461 = vector.broadcast %jit3A : i32 to vector<16xi32>
        %broadcast_in_dim3A_462 = vector.broadcast %jit3A_460 : i32 to vector<16xi32>
        %select_n3A = arith.select %ge3A, %broadcast_in_dim3A_461, %broadcast_in_dim3A_462 : vector<16xi1>, vector<16xi32>
        %add3A_463 = arith.addi %scan3A_454, %select_n3A : vector<16xi32>
        scf.yield %add3A_463 : vector<16xi32>
      }
      %scan3A_350 = arith.constant 64 : i32
      %swap3A_351 = arith.constant 0 : index
      %swap3A_352 = tpu.vector_load %arg14[%swap3A_351] {strides = array<i32>} : memref<144xi32, #tpu.memory_space<vmem>>, vector<16xi32>,
      tpu.vector_store %arg14[%swap3A_351], %scan3A_349 {strides = array<i32>} : memref<144xi32, #tpu.memory_space<vmem>>, vector<16xi32>,
      %add3A_353 = arith.constant 16 : i32
      %add3A_354 = vector.broadcast %add3A_353 : i32 to vector<16xi32>
      %add3A_355 = arith.addi %add3A_354, %iota3A : vector<16xi32>
      %broadcast_in_dim3A_356 = arith.constant -1 : i32
      %broadcast_in_dim3A_357 = vector.broadcast %broadcast_in_dim3A_356 : i32 to vector<16xi32>
      %scan3A_358 = arith.constant 0 : i32
      %scan3A_359 = arith.constant 64 : i32
      %scan3A_360 = arith.addi %scan3A_358, %scan3A_359 : i32
      %scan3A_361 = arith.constant 1 : i32
      %scan3A_362 = scf.for %scan3A_453 = %scan3A_358 to %scan3A_360 step %scan3A_361 iter_args(%scan3A_454 = %broadcast_in_dim3A_357) -> (vector<16xi32>)  : i32 {
        %broadcast_in_dim3A_455 = arith.constant 0 : i32
        %broadcast_in_dim3A_456 = vector.broadcast %broadcast_in_dim3A_455 : i32 to vector<16xi32>
        %add3A_457 = vector.broadcast %scan3A_453 : i32 to vector<16xi32>
        %add3A_458 = arith.addi %broadcast_in_dim3A_456, %add3A_457 : vector<16xi32>
        %gather3A_459 = tpu.vector_load_idx %arg9[%add3A_458] : memref<64xi32, #tpu.memory_space<vmem>>[vector<16xi32>], vector<16xi32>,
        %ge3A = arith.cmpi sge, %add3A_355, %gather3A_459 : vector<16xi32>
        %jit3A = arith.constant 1 : i32
        %jit3A_460 = arith.constant 0 : i32
        %broadcast_in_dim3A_461 = vector.broadcast %jit3A : i32 to vector<16xi32>
        %broadcast_in_dim3A_462 = vector.broadcast %jit3A_460 : i32 to vector<16xi32>
        %select_n3A = arith.select %ge3A, %broadcast_in_dim3A_461, %broadcast_in_dim3A_462 : vector<16xi1>, vector<16xi32>
        %add3A_463 = arith.addi %scan3A_454, %select_n3A : vector<16xi32>
        scf.yield %add3A_463 : vector<16xi32>
      }
      %scan3A_363 = arith.constant 64 : i32
      %swap3A_364 = arith.constant 16 : index
      %swap3A_365 = tpu.vector_load %arg14[%swap3A_364] {strides = array<i32>} : memref<144xi32, #tpu.memory_space<vmem>>, vector<16xi32>,
      tpu.vector_store %arg14[%swap3A_364], %scan3A_362 {strides = array<i32>} : memref<144xi32, #tpu.memory_space<vmem>>, vector<16xi32>,
      %add3A_366 = arith.constant 32 : i32
      %add3A_367 = vector.broadcast %add3A_366 : i32 to vector<16xi32>
      %add3A_368 = arith.addi %add3A_367, %iota3A : vector<16xi32>
      %broadcast_in_dim3A_369 = arith.constant -1 : i32
      %broadcast_in_dim3A_370 = vector.broadcast %broadcast_in_dim3A_369 : i32 to vector<16xi32>
      %scan3A_371 = arith.constant 0 : i32
      %scan3A_372 = arith.constant 64 : i32
      %scan3A_373 = arith.addi %scan3A_371, %scan3A_372 : i32
      %scan3A_374 = arith.constant 1 : i32
      %scan3A_375 = scf.for %scan3A_453 = %scan3A_371 to %scan3A_373 step %scan3A_374 iter_args(%scan3A_454 = %broadcast_in_dim3A_370) -> (vector<16xi32>)  : i32 {
        %broadcast_in_dim3A_455 = arith.constant 0 : i32
        %broadcast_in_dim3A_456 = vector.broadcast %broadcast_in_dim3A_455 : i32 to vector<16xi32>
        %add3A_457 = vector.broadcast %scan3A_453 : i32 to vector<16xi32>
        %add3A_458 = arith.addi %broadcast_in_dim3A_456, %add3A_457 : vector<16xi32>
        %gather3A_459 = tpu.vector_load_idx %arg9[%add3A_458] : memref<64xi32, #tpu.memory_space<vmem>>[vector<16xi32>], vector<16xi32>,
        %ge3A = arith.cmpi sge, %add3A_368, %gather3A_459 : vector<16xi32>
        %jit3A = arith.constant 1 : i32
        %jit3A_460 = arith.constant 0 : i32
        %broadcast_in_dim3A_461 = vector.broadcast %jit3A : i32 to vector<16xi32>
        %broadcast_in_dim3A_462 = vector.broadcast %jit3A_460 : i32 to vector<16xi32>
        %select_n3A = arith.select %ge3A, %broadcast_in_dim3A_461, %broadcast_in_dim3A_462 : vector<16xi1>, vector<16xi32>
        %add3A_463 = arith.addi %scan3A_454, %select_n3A : vector<16xi32>
        scf.yield %add3A_463 : vector<16xi32>
      }
      %scan3A_376 = arith.constant 64 : i32
      %swap3A_377 = arith.constant 32 : index
      %swap3A_378 = tpu.vector_load %arg14[%swap3A_377] {strides = array<i32>} : memref<144xi32, #tpu.memory_space<vmem>>, vector<16xi32>,
      tpu.vector_store %arg14[%swap3A_377], %scan3A_375 {strides = array<i32>} : memref<144xi32, #tpu.memory_space<vmem>>, vector<16xi32>,
      %add3A_379 = arith.constant 48 : i32
      %add3A_380 = vector.broadcast %add3A_379 : i32 to vector<16xi32>
      %add3A_381 = arith.addi %add3A_380, %iota3A : vector<16xi32>
      %broadcast_in_dim3A_382 = arith.constant -1 : i32
      %broadcast_in_dim3A_383 = vector.broadcast %broadcast_in_dim3A_382 : i32 to vector<16xi32>
      %scan3A_384 = arith.constant 0 : i32
      %scan3A_385 = arith.constant 64 : i32
      %scan3A_386 = arith.addi %scan3A_384, %scan3A_385 : i32
      %scan3A_387 = arith.constant 1 : i32
      %scan3A_388 = scf.for %scan3A_453 = %scan3A_384 to %scan3A_386 step %scan3A_387 iter_args(%scan3A_454 = %broadcast_in_dim3A_383) -> (vector<16xi32>)  : i32 {
        %broadcast_in_dim3A_455 = arith.constant 0 : i32
        %broadcast_in_dim3A_456 = vector.broadcast %broadcast_in_dim3A_455 : i32 to vector<16xi32>
        %add3A_457 = vector.broadcast %scan3A_453 : i32 to vector<16xi32>
        %add3A_458 = arith.addi %broadcast_in_dim3A_456, %add3A_457 : vector<16xi32>
        %gather3A_459 = tpu.vector_load_idx %arg9[%add3A_458] : memref<64xi32, #tpu.memory_space<vmem>>[vector<16xi32>], vector<16xi32>,
        %ge3A = arith.cmpi sge, %add3A_381, %gather3A_459 : vector<16xi32>
        %jit3A = arith.constant 1 : i32
        %jit3A_460 = arith.constant 0 : i32
        %broadcast_in_dim3A_461 = vector.broadcast %jit3A : i32 to vector<16xi32>
        %broadcast_in_dim3A_462 = vector.broadcast %jit3A_460 : i32 to vector<16xi32>
        %select_n3A = arith.select %ge3A, %broadcast_in_dim3A_461, %broadcast_in_dim3A_462 : vector<16xi1>, vector<16xi32>
        %add3A_463 = arith.addi %scan3A_454, %select_n3A : vector<16xi32>
        scf.yield %add3A_463 : vector<16xi32>
      }
      %scan3A_389 = arith.constant 64 : i32
      %swap3A_390 = arith.constant 48 : index
      %swap3A_391 = tpu.vector_load %arg14[%swap3A_390] {strides = array<i32>} : memref<144xi32, #tpu.memory_space<vmem>>, vector<16xi32>,
      tpu.vector_store %arg14[%swap3A_390], %scan3A_388 {strides = array<i32>} : memref<144xi32, #tpu.memory_space<vmem>>, vector<16xi32>,
      %add3A_392 = arith.constant 64 : i32
      %add3A_393 = vector.broadcast %add3A_392 : i32 to vector<16xi32>
      %add3A_394 = arith.addi %add3A_393, %iota3A : vector<16xi32>
      %broadcast_in_dim3A_395 = arith.constant -1 : i32
      %broadcast_in_dim3A_396 = vector.broadcast %broadcast_in_dim3A_395 : i32 to vector<16xi32>
      %scan3A_397 = arith.constant 0 : i32
      %scan3A_398 = arith.constant 64 : i32
      %scan3A_399 = arith.addi %scan3A_397, %scan3A_398 : i32
      %scan3A_400 = arith.constant 1 : i32
      %scan3A_401 = scf.for %scan3A_453 = %scan3A_397 to %scan3A_399 step %scan3A_400 iter_args(%scan3A_454 = %broadcast_in_dim3A_396) -> (vector<16xi32>)  : i32 {
        %broadcast_in_dim3A_455 = arith.constant 0 : i32
        %broadcast_in_dim3A_456 = vector.broadcast %broadcast_in_dim3A_455 : i32 to vector<16xi32>
        %add3A_457 = vector.broadcast %scan3A_453 : i32 to vector<16xi32>
        %add3A_458 = arith.addi %broadcast_in_dim3A_456, %add3A_457 : vector<16xi32>
        %gather3A_459 = tpu.vector_load_idx %arg9[%add3A_458] : memref<64xi32, #tpu.memory_space<vmem>>[vector<16xi32>], vector<16xi32>,
        %ge3A = arith.cmpi sge, %add3A_394, %gather3A_459 : vector<16xi32>
        %jit3A = arith.constant 1 : i32
        %jit3A_460 = arith.constant 0 : i32
        %broadcast_in_dim3A_461 = vector.broadcast %jit3A : i32 to vector<16xi32>
        %broadcast_in_dim3A_462 = vector.broadcast %jit3A_460 : i32 to vector<16xi32>
        %select_n3A = arith.select %ge3A, %broadcast_in_dim3A_461, %broadcast_in_dim3A_462 : vector<16xi1>, vector<16xi32>
        %add3A_463 = arith.addi %scan3A_454, %select_n3A : vector<16xi32>
        scf.yield %add3A_463 : vector<16xi32>
      }
      %scan3A_402 = arith.constant 64 : i32
      %swap3A_403 = arith.constant 64 : index
      %swap3A_404 = tpu.vector_load %arg14[%swap3A_403] {strides = array<i32>} : memref<144xi32, #tpu.memory_space<vmem>>, vector<16xi32>,
      tpu.vector_store %arg14[%swap3A_403], %scan3A_401 {strides = array<i32>} : memref<144xi32, #tpu.memory_space<vmem>>, vector<16xi32>,
      %add3A_405 = arith.constant 80 : i32
      %add3A_406 = vector.broadcast %add3A_405 : i32 to vector<16xi32>
      %add3A_407 = arith.addi %add3A_406, %iota3A : vector<16xi32>
      %broadcast_in_dim3A_408 = arith.constant -1 : i32
      %broadcast_in_dim3A_409 = vector.broadcast %broadcast_in_dim3A_408 : i32 to vector<16xi32>
      %scan3A_410 = arith.constant 0 : i32
      %scan3A_411 = arith.constant 64 : i32
      %scan3A_412 = arith.addi %scan3A_410, %scan3A_411 : i32
      %scan3A_413 = arith.constant 1 : i32
      %scan3A_414 = scf.for %scan3A_453 = %scan3A_410 to %scan3A_412 step %scan3A_413 iter_args(%scan3A_454 = %broadcast_in_dim3A_409) -> (vector<16xi32>)  : i32 {
        %broadcast_in_dim3A_455 = arith.constant 0 : i32
        %broadcast_in_dim3A_456 = vector.broadcast %broadcast_in_dim3A_455 : i32 to vector<16xi32>
        %add3A_457 = vector.broadcast %scan3A_453 : i32 to vector<16xi32>
        %add3A_458 = arith.addi %broadcast_in_dim3A_456, %add3A_457 : vector<16xi32>
        %gather3A_459 = tpu.vector_load_idx %arg9[%add3A_458] : memref<64xi32, #tpu.memory_space<vmem>>[vector<16xi32>], vector<16xi32>,
        %ge3A = arith.cmpi sge, %add3A_407, %gather3A_459 : vector<16xi32>
        %jit3A = arith.constant 1 : i32
        %jit3A_460 = arith.constant 0 : i32
        %broadcast_in_dim3A_461 = vector.broadcast %jit3A : i32 to vector<16xi32>
        %broadcast_in_dim3A_462 = vector.broadcast %jit3A_460 : i32 to vector<16xi32>
        %select_n3A = arith.select %ge3A, %broadcast_in_dim3A_461, %broadcast_in_dim3A_462 : vector<16xi1>, vector<16xi32>
        %add3A_463 = arith.addi %scan3A_454, %select_n3A : vector<16xi32>
        scf.yield %add3A_463 : vector<16xi32>
      }
      %scan3A_415 = arith.constant 64 : i32
      %swap3A_416 = arith.constant 80 : index
      %swap3A_417 = tpu.vector_load %arg14[%swap3A_416] {strides = array<i32>} : memref<144xi32, #tpu.memory_space<vmem>>, vector<16xi32>,
      tpu.vector_store %arg14[%swap3A_416], %scan3A_414 {strides = array<i32>} : memref<144xi32, #tpu.memory_space<vmem>>, vector<16xi32>,
      %add3A_418 = arith.constant 96 : i32
      %add3A_419 = vector.broadcast %add3A_418 : i32 to vector<16xi32>
      %add3A_420 = arith.addi %add3A_419, %iota3A : vector<16xi32>
      %broadcast_in_dim3A_421 = arith.constant -1 : i32
      %broadcast_in_dim3A_422 = vector.broadcast %broadcast_in_dim3A_421 : i32 to vector<16xi32>
      %scan3A_423 = arith.constant 0 : i32
      %scan3A_424 = arith.constant 64 : i32
      %scan3A_425 = arith.addi %scan3A_423, %scan3A_424 : i32
      %scan3A_426 = arith.constant 1 : i32
      %scan3A_427 = scf.for %scan3A_453 = %scan3A_423 to %scan3A_425 step %scan3A_426 iter_args(%scan3A_454 = %broadcast_in_dim3A_422) -> (vector<16xi32>)  : i32 {
        %broadcast_in_dim3A_455 = arith.constant 0 : i32
        %broadcast_in_dim3A_456 = vector.broadcast %broadcast_in_dim3A_455 : i32 to vector<16xi32>
        %add3A_457 = vector.broadcast %scan3A_453 : i32 to vector<16xi32>
        %add3A_458 = arith.addi %broadcast_in_dim3A_456, %add3A_457 : vector<16xi32>
        %gather3A_459 = tpu.vector_load_idx %arg9[%add3A_458] : memref<64xi32, #tpu.memory_space<vmem>>[vector<16xi32>], vector<16xi32>,
        %ge3A = arith.cmpi sge, %add3A_420, %gather3A_459 : vector<16xi32>
        %jit3A = arith.constant 1 : i32
        %jit3A_460 = arith.constant 0 : i32
        %broadcast_in_dim3A_461 = vector.broadcast %jit3A : i32 to vector<16xi32>
        %broadcast_in_dim3A_462 = vector.broadcast %jit3A_460 : i32 to vector<16xi32>
        %select_n3A = arith.select %ge3A, %broadcast_in_dim3A_461, %broadcast_in_dim3A_462 : vector<16xi1>, vector<16xi32>
        %add3A_463 = arith.addi %scan3A_454, %select_n3A : vector<16xi32>
        scf.yield %add3A_463 : vector<16xi32>
      }
      %scan3A_428 = arith.constant 64 : i32
      %swap3A_429 = arith.constant 96 : index
      %swap3A_430 = tpu.vector_load %arg14[%swap3A_429] {strides = array<i32>} : memref<144xi32, #tpu.memory_space<vmem>>, vector<16xi32>,
      tpu.vector_store %arg14[%swap3A_429], %scan3A_427 {strides = array<i32>} : memref<144xi32, #tpu.memory_space<vmem>>, vector<16xi32>,
      %add3A_431 = arith.constant 112 : i32
      %add3A_432 = vector.broadcast %add3A_431 : i32 to vector<16xi32>
      %add3A_433 = arith.addi %add3A_432, %iota3A : vector<16xi32>
      %broadcast_in_dim3A_434 = arith.constant -1 : i32
      %broadcast_in_dim3A_435 = vector.broadcast %broadcast_in_dim3A_434 : i32 to vector<16xi32>
      %scan3A_436 = arith.constant 0 : i32
      %scan3A_437 = arith.constant 64 : i32
      %scan3A_438 = arith.addi %scan3A_436, %scan3A_437 : i32
      %scan3A_439 = arith.constant 1 : i32
      %scan3A_440 = scf.for %scan3A_453 = %scan3A_436 to %scan3A_438 step %scan3A_439 iter_args(%scan3A_454 = %broadcast_in_dim3A_435) -> (vector<16xi32>)  : i32 {
        %broadcast_in_dim3A_455 = arith.constant 0 : i32
        %broadcast_in_dim3A_456 = vector.broadcast %broadcast_in_dim3A_455 : i32 to vector<16xi32>
        %add3A_457 = vector.broadcast %scan3A_453 : i32 to vector<16xi32>
        %add3A_458 = arith.addi %broadcast_in_dim3A_456, %add3A_457 : vector<16xi32>
        %gather3A_459 = tpu.vector_load_idx %arg9[%add3A_458] : memref<64xi32, #tpu.memory_space<vmem>>[vector<16xi32>], vector<16xi32>,
        %ge3A = arith.cmpi sge, %add3A_433, %gather3A_459 : vector<16xi32>
        %jit3A = arith.constant 1 : i32
        %jit3A_460 = arith.constant 0 : i32
        %broadcast_in_dim3A_461 = vector.broadcast %jit3A : i32 to vector<16xi32>
        %broadcast_in_dim3A_462 = vector.broadcast %jit3A_460 : i32 to vector<16xi32>
        %select_n3A = arith.select %ge3A, %broadcast_in_dim3A_461, %broadcast_in_dim3A_462 : vector<16xi1>, vector<16xi32>
        %add3A_463 = arith.addi %scan3A_454, %select_n3A : vector<16xi32>
        scf.yield %add3A_463 : vector<16xi32>
      }
      %scan3A_441 = arith.constant 64 : i32
      %swap3A_442 = arith.constant 112 : index
      %swap3A_443 = tpu.vector_load %arg14[%swap3A_442] {strides = array<i32>} : memref<144xi32, #tpu.memory_space<vmem>>, vector<16xi32>,
      tpu.vector_store %arg14[%swap3A_442], %scan3A_440 {strides = array<i32>} : memref<144xi32, #tpu.memory_space<vmem>>, vector<16xi32>,
      %swap3A_444 = arith.constant 128 : index
      %swap3A_445 = tpu.vector_load %arg14[%swap3A_444] {strides = array<i32>} : memref<144xi32, #tpu.memory_space<vmem>>, vector<16xi32>,
      tpu.vector_store %arg14[%swap3A_444], %add3A_339 {strides = array<i32>} : memref<144xi32, #tpu.memory_space<vmem>>, vector<16xi32>,
      %scan3A_446 = arith.constant 0 : i32
      %scan3A_447 = arith.constant 0 : i32
      %scan3A_448 = arith.constant 252 : i32
      %scan3A_449 = arith.addi %scan3A_447, %scan3A_448 : i32
      %scan3A_450 = arith.constant 1 : i32
      %scan3A_451 = scf.for %scan3A_453 = %scan3A_447 to %scan3A_449 step %scan3A_450 iter_args(%scan3A_454 = %scan3A_446) -> (i32)  : i32 {
        %mul3A_455 = arith.constant 16 : i32
        %mul3A_456 = arith.muli %scan3A_453, %mul3A_455 : i32
        %get3A_457 = arith.index_cast %mul3A_456 : i32 to index
        %get3A_458 = tpu.vector_load %arg6[%get3A_457] {strides = array<i32>} : memref<4032xi32, #tpu.memory_space<vmem>>, vector<16xi32>,
        %mul3A_459 = arith.constant 16 : i32
        %mul3A_460 = arith.muli %scan3A_453, %mul3A_459 : i32
        %get3A_461 = arith.index_cast %mul3A_460 : i32 to index
        %get3A_462 = tpu.vector_load %arg15[%get3A_461] {strides = array<i32>} : memref<4032xi32, #tpu.memory_space<vmem>>, vector<16xi32>,
        %mul3A_463 = arith.constant 16 : i32
        %mul3A_464 = arith.muli %scan3A_453, %mul3A_463 : i32
        %get3A_465 = arith.index_cast %mul3A_464 : i32 to index
        %get3A_466 = tpu.vector_load %arg16[%get3A_465] {strides = array<i32>} : memref<4032xi32, #tpu.memory_space<vmem>>, vector<16xi32>,
        %eq3A_467 = arith.constant 1 : i32
        %eq3A_468 = vector.broadcast %eq3A_467 : i32 to vector<16xi32>
        %eq3A_469 = arith.cmpi eq, %get3A_466, %eq3A_468 : vector<16xi32>
        %gather3A_470 = tpu.vector_load_idx %arg10[%get3A_458] : memref<64xi32, #tpu.memory_space<vmem>>[vector<16xi32>], vector<16xi32>,
        %add3A_471 = arith.addi %gather3A_470, %get3A_462 : vector<16xi32>
        %add3A_472 = arith.constant 1 : i32
        %add3A_473 = vector.broadcast %add3A_472 : i32 to vector<16xi32>
        %add3A_474 = arith.addi %add3A_471, %add3A_473 : vector<16xi32>
        tpu.vector_store_idx %arg10[%get3A_458], %add3A_474 masked %eq3A_469 : memref<64xi32, #tpu.memory_space<vmem>>[vector<16xi32>], vector<16xi32>, vector<16xi1>
        %gather3A_475 = tpu.vector_load_idx %arg8[%get3A_458] : memref<64xi32, #tpu.memory_space<vmem>>[vector<16xi32>], vector<16xi32>,
        %add3A_476 = arith.addi %gather3A_475, %add3A_471 : vector<16xi32>
        %mul3A_477 = arith.constant 16 : i32
        %mul3A_478 = arith.muli %scan3A_453, %mul3A_477 : i32
        %add3A_479 = vector.broadcast %mul3A_478 : i32 to vector<16xi32>
        %add3A_480 = arith.addi %add3A_479, %iota3A : vector<16xi32>
        %mul3A_481 = arith.constant 16 : i32
        %mul3A_482 = arith.muli %scan3A_453, %mul3A_481 : i32
        %swap3A_483 = arith.index_cast %mul3A_482 : i32 to index
        %swap3A_484 = tpu.vector_load %arg12[%swap3A_483] {strides = array<i32>} : memref<4096xi32, #tpu.memory_space<vmem>>, vector<16xi32>,
        tpu.vector_store %arg12[%swap3A_483], %add3A_476 {strides = array<i32>} : memref<4096xi32, #tpu.memory_space<vmem>>, vector<16xi32>,
        %shift_right_arithmetic3A_485 = arith.constant 1 : i32
        %shift_right_arithmetic3A_486 = vector.broadcast %shift_right_arithmetic3A_485 : i32 to vector<16xi32>
        %shift_right_arithmetic3A_487 = arith.shrsi %add3A_480, %shift_right_arithmetic3A_486 : vector<16xi32>
        tpu.vector_store_idx %arg13[%add3A_476], %shift_right_arithmetic3A_487 : memref<8192xi32, #tpu.memory_space<vmem>>[vector<16xi32>], vector<16xi32>,
        %scan3A_488 = arith.constant 0 : i32
        scf.yield %scan3A_488 : i32
      }
      %scan3A_452 = arith.constant 252 : i32
      "tpu.region"() ({
        %run_scoped3A = tpu.sem_alloc : memref<!tpu.dma_semaphore, #tpu.memory_space<semaphore_mem>>
        tpu.enqueue_dma source(%arg14 : memref<144xi32, #tpu.memory_space<vmem>>) target(%arg3 : memref<144xi32, #tpu.memory_space<hbm>>) target_semaphore(%run_scoped3A : memref<!tpu.dma_semaphore, #tpu.memory_space<semaphore_mem>>)
        tpu.wait_dma2 semaphore(%run_scoped3A : memref<!tpu.dma_semaphore, #tpu.memory_space<semaphore_mem>>) src(%arg14 : memref<144xi32, #tpu.memory_space<vmem>>) dst(%arg3 : memref<144xi32, #tpu.memory_space<hbm>>)
        tpu.yield
      }) : () -> ()
      "tpu.region"() ({
        %run_scoped3A = tpu.sem_alloc : memref<!tpu.dma_semaphore, #tpu.memory_space<semaphore_mem>>
        tpu.enqueue_dma source(%arg12 : memref<4096xi32, #tpu.memory_space<vmem>>) target(%arg4 : memref<4096xi32, #tpu.memory_space<hbm>>) target_semaphore(%run_scoped3A : memref<!tpu.dma_semaphore, #tpu.memory_space<semaphore_mem>>)
        tpu.wait_dma2 semaphore(%run_scoped3A : memref<!tpu.dma_semaphore, #tpu.memory_space<semaphore_mem>>) src(%arg12 : memref<4096xi32, #tpu.memory_space<vmem>>) dst(%arg4 : memref<4096xi32, #tpu.memory_space<hbm>>)
        tpu.yield
      }) : () -> ()
      "tpu.region"() ({
        %run_scoped3A = tpu.sem_alloc : memref<!tpu.dma_semaphore, #tpu.memory_space<semaphore_mem>>
        tpu.enqueue_dma source(%arg13 : memref<8192xi32, #tpu.memory_space<vmem>>) target(%arg5 : memref<8192xi32, #tpu.memory_space<hbm>>) target_semaphore(%run_scoped3A : memref<!tpu.dma_semaphore, #tpu.memory_space<semaphore_mem>>)
        tpu.wait_dma2 semaphore(%run_scoped3A : memref<!tpu.dma_semaphore, #tpu.memory_space<semaphore_mem>>) src(%arg13 : memref<8192xi32, #tpu.memory_space<vmem>>) dst(%arg5 : memref<8192xi32, #tpu.memory_space<hbm>>)
        tpu.yield
      }) : () -> ()
    } else {
    }
    return
  }
}

module attributes {stable_mosaic.version = 14 : i64} {
  func.func @_grouped_mlp_body(%arg0: i32, %arg1: memref<144xi32, #tpu.memory_space<smem>>, %arg2: memref<64x768xf32, #tpu.memory_space<vmem>>, %arg3: memref<1x768x256xbf16, #tpu.memory_space<vmem>>, %arg4: memref<1x256x768xbf16, #tpu.memory_space<vmem>>, %arg5: memref<64x768xf32, #tpu.memory_space<vmem>>) attributes {dimension_semantics = [#tpu.dimension_semantics<arbitrary>], iteration_bounds = array<i64: 128>, scalar_prefetch = 1 : i64, scratch_operands = 0 : i64, tpu.core_type = #tpu.core_type<tc>, window_params = [{transform_indices = @transform_0, window_bounds = array<i64: 64, 768>}, {transform_indices = @transform_1, window_bounds = array<i64: 1, 768, 256>}, {transform_indices = @transform_2, window_bounds = array<i64: 1, 256, 768>}, {transform_indices = @transform_3, window_bounds = array<i64: 64, 768>}]} {
    %get3A = arith.constant 128 : index
    %get3A_0 = memref.load %arg1[%get3A] : memref<144xi32, #tpu.memory_space<smem>>
    %lt3A = arith.cmpi slt, %arg0, %get3A_0 : i32
    %convert_element_type3A = arith.extui %lt3A : i1 to i32
    %cond3A = arith.constant 0 : i32
    %cond3A_1 = arith.cmpi ne, %convert_element_type3A, %cond3A : i32
    scf.if %cond3A_1 {
      %get3A_2 = arith.constant 0 : index
      %get3A_3 = arith.constant 0 : index
      %get3A_4 = vector.load %arg2[%get3A_2, %get3A_3] : memref<64x768xf32, #tpu.memory_space<vmem>>, vector<64x768xf32>
      %convert_element_type3A_5 = arith.truncf %get3A_4 : vector<64x768xf32> to vector<64x768xbf16>
      %get3A_6 = arith.constant 0 : index
      %get3A_7 = arith.constant 0 : index
      %get3A_8 = arith.constant 0 : index
      %get3A_9 = vector.load %arg3[%get3A_6, %get3A_7, %get3A_8] : memref<1x768x256xbf16, #tpu.memory_space<vmem>>, vector<1x768x256xbf16>
      %get3A_10 = vector.shape_cast %get3A_9 : vector<1x768x256xbf16> to vector<768x256xbf16>
      %dot_general3A = arith.constant dense<0.000000e+00> : vector<64x256xf32>
      %dot_general3A_11 = tpu.matmul %convert_element_type3A_5, %get3A_10, %dot_general3A {dimension_numbers = #tpu.dot_dimension_numbers<[1], [0], [0], [1], [0, 0, 1, 1], [], []>, transpose_lhs_hint = false} : vector<64x768xbf16>, vector<768x256xbf16>, vector<64x256xf32> -> vector<64x256xf32>
      %integer_pow3A = arith.mulf %dot_general3A_11, %dot_general3A_11 : vector<64x256xf32>
      %integer_pow3A_12 = arith.mulf %dot_general3A_11, %integer_pow3A : vector<64x256xf32>
      %mul3A = arith.constant 4.471500e-02 : f32
      %mul3A_13 = vector.broadcast %mul3A : f32 to vector<64x256xf32>
      %mul3A_14 = arith.mulf %mul3A_13, %integer_pow3A_12 : vector<64x256xf32>
      %add3A = arith.addf %dot_general3A_11, %mul3A_14 : vector<64x256xf32>
      %mul3A_15 = arith.constant 0.797884583 : f32
      %mul3A_16 = vector.broadcast %mul3A_15 : f32 to vector<64x256xf32>
      %mul3A_17 = arith.mulf %mul3A_16, %add3A : vector<64x256xf32>
      %tanh3A = math.tanh %mul3A_17 : vector<64x256xf32>
      %add3A_18 = arith.constant 1.000000e+00 : f32
      %add3A_19 = vector.broadcast %add3A_18 : f32 to vector<64x256xf32>
      %add3A_20 = arith.addf %add3A_19, %tanh3A : vector<64x256xf32>
      %mul3A_21 = arith.constant 5.000000e-01 : f32
      %mul3A_22 = vector.broadcast %mul3A_21 : f32 to vector<64x256xf32>
      %mul3A_23 = arith.mulf %mul3A_22, %add3A_20 : vector<64x256xf32>
      %mul3A_24 = arith.mulf %dot_general3A_11, %mul3A_23 : vector<64x256xf32>
      %convert_element_type3A_25 = arith.truncf %mul3A_24 : vector<64x256xf32> to vector<64x256xbf16>
      %get3A_26 = arith.constant 0 : index
      %get3A_27 = arith.constant 0 : index
      %get3A_28 = arith.constant 0 : index
      %get3A_29 = vector.load %arg4[%get3A_26, %get3A_27, %get3A_28] : memref<1x256x768xbf16, #tpu.memory_space<vmem>>, vector<1x256x768xbf16>
      %get3A_30 = vector.shape_cast %get3A_29 : vector<1x256x768xbf16> to vector<256x768xbf16>
      %dot_general3A_31 = arith.constant dense<0.000000e+00> : vector<64x768xf32>
      %dot_general3A_32 = tpu.matmul %convert_element_type3A_25, %get3A_30, %dot_general3A_31 {dimension_numbers = #tpu.dot_dimension_numbers<[1], [0], [0], [1], [0, 0, 1, 1], [], []>, transpose_lhs_hint = false} : vector<64x256xbf16>, vector<256x768xbf16>, vector<64x768xf32> -> vector<64x768xf32>
      %swap3A = arith.constant 0 : index
      %swap3A_33 = arith.constant 0 : index
      %swap3A_34 = vector.load %arg5[%swap3A, %swap3A_33] : memref<64x768xf32, #tpu.memory_space<vmem>>, vector<64x768xf32>
      tpu.vector_store %arg5[%swap3A, %swap3A_33], %dot_general3A_32 {strides = array<i32>} : memref<64x768xf32, #tpu.memory_space<vmem>>, vector<64x768xf32>,
    } else {
    }
    return
  }
  func.func @transform_0(%arg0: i32, %arg1: memref<144xi32, #tpu.memory_space<smem>>) -> (i32, i32) {
    %c0_i32 = arith.constant 0 : i32
    %c0_i32_0 = arith.constant 0 : i32
    return %arg0, %c0_i32 : i32, i32
  }
  func.func @transform_1(%arg0: i32, %arg1: memref<144xi32, #tpu.memory_space<smem>>) -> (i32, i32, i32) {
    %get3A = arith.index_cast %arg0 : i32 to index
    %get3A_0 = memref.load %arg1[%get3A] : memref<144xi32, #tpu.memory_space<smem>>
    %c0_i32 = arith.constant 0 : i32
    %c0_i32_1 = arith.constant 0 : i32
    %c0_i32_2 = arith.constant 0 : i32
    return %get3A_0, %c0_i32, %c0_i32_1 : i32, i32, i32
  }
  func.func @transform_2(%arg0: i32, %arg1: memref<144xi32, #tpu.memory_space<smem>>) -> (i32, i32, i32) {
    %get3A = arith.index_cast %arg0 : i32 to index
    %get3A_0 = memref.load %arg1[%get3A] : memref<144xi32, #tpu.memory_space<smem>>
    %c0_i32 = arith.constant 0 : i32
    %c0_i32_1 = arith.constant 0 : i32
    %c0_i32_2 = arith.constant 0 : i32
    return %get3A_0, %c0_i32, %c0_i32_1 : i32, i32, i32
  }
  func.func @transform_3(%arg0: i32, %arg1: memref<144xi32, #tpu.memory_space<smem>>) -> (i32, i32) {
    %c0_i32 = arith.constant 0 : i32
    %c0_i32_0 = arith.constant 0 : i32
    return %arg0, %c0_i32 : i32, i32
  }
}

module attributes {stable_mosaic.version = 14 : i64} {
  func.func @_dense_body(%arg0: i32, %arg1: memref<32x768xf32, #tpu.memory_space<vmem>>, %arg2: memref<8x768x256xbf16, #tpu.memory_space<vmem>>, %arg3: memref<8x256x768xbf16, #tpu.memory_space<vmem>>, %arg4: memref<32x64xf32, #tpu.memory_space<vmem>>, %arg5: memref<32x768xf32, #tpu.memory_space<vmem>>, %arg6: memref<32x8x768xf32, #tpu.memory_space<vmem>>) attributes {dimension_semantics = [#tpu.dimension_semantics<arbitrary>], iteration_bounds = array<i64: 8>, scalar_prefetch = 0 : i64, scratch_operands = 0 : i64, tpu.core_type = #tpu.core_type<tc>, window_params = [{pipeline_mode = #tpu.pipeline_mode<synchronous>, transform_indices = @transform_0, window_bounds = array<i64: 32, 768>}, {transform_indices = @transform_1, window_bounds = array<i64: 8, 768, 256>}, {transform_indices = @transform_2, window_bounds = array<i64: 8, 256, 768>}, {pipeline_mode = #tpu.pipeline_mode<synchronous>, transform_indices = @transform_3, window_bounds = array<i64: 32, 64>}, {pipeline_mode = #tpu.pipeline_mode<synchronous>, transform_indices = @transform_4, window_bounds = array<i64: 32, 768>}, {transform_indices = @transform_5, window_bounds = array<i64: 32, 8, 768>}]} {
    %get3A = arith.constant 0 : index
    %get3A_0 = arith.constant 0 : index
    %get3A_1 = vector.load %arg1[%get3A, %get3A_0] : memref<32x768xf32, #tpu.memory_space<vmem>>, vector<32x768xf32>
    %convert_element_type3A = arith.truncf %get3A_1 : vector<32x768xf32> to vector<32x768xbf16>
    %iota3A = tpu.iota {dimensions = array<i32: 0>} : vector<64x8xi32>
    %iota3A_2 = tpu.iota {dimensions = array<i32: 1>} : vector<64x8xi32>
    %mul3A = arith.constant 8 : i32
    %mul3A_3 = arith.muli %mul3A, %arg0 : i32
    %add3A = vector.broadcast %mul3A_3 : i32 to vector<64x8xi32>
    %add3A_4 = arith.addi %add3A, %iota3A_2 : vector<64x8xi32>
    %eq3A = arith.cmpi eq, %iota3A, %add3A_4 : vector<64x8xi32>
    %convert_element_type3A_5 = arith.extui %eq3A : vector<64x8xi1> to vector<64x8xi32>
    %convert_element_type3A_6 = arith.sitofp %convert_element_type3A_5 : vector<64x8xi32> to vector<64x8xf32>
    %get3A_7 = arith.constant 0 : index
    %get3A_8 = arith.constant 0 : index
    %get3A_9 = vector.load %arg4[%get3A_7, %get3A_8] : memref<32x64xf32, #tpu.memory_space<vmem>>, vector<32x64xf32>
    %dot_general3A = arith.constant dense<0.000000e+00> : vector<32x8xf32>
    %dot_general3A_10 = tpu.matmul %get3A_9, %convert_element_type3A_6, %dot_general3A {dimension_numbers = #tpu.dot_dimension_numbers<[1], [0], [0], [1], [0, 0, 1, 1], [], []>, transpose_lhs_hint = false} : vector<32x64xf32>, vector<64x8xf32>, vector<32x8xf32> -> vector<32x8xf32>
    %broadcast_in_dim3A = arith.constant 0.000000e+00 : f32
    %broadcast_in_dim3A_11 = vector.broadcast %broadcast_in_dim3A : f32 to vector<32x768xf32>
    %get3A_12 = arith.constant 0 : index
    %get3A_13 = arith.constant 0 : index
    %get3A_14 = arith.constant 0 : index
    %get3A_15 = vector.load %arg2[%get3A_12, %get3A_13, %get3A_14] : memref<8x768x256xbf16, #tpu.memory_space<vmem>>, vector<1x768x256xbf16>
    %get3A_16 = vector.shape_cast %get3A_15 : vector<1x768x256xbf16> to vector<768x256xbf16>
    %dot_general3A_17 = arith.constant dense<0.000000e+00> : vector<32x256xf32>
    %dot_general3A_18 = tpu.matmul %convert_element_type3A, %get3A_16, %dot_general3A_17 {dimension_numbers = #tpu.dot_dimension_numbers<[1], [0], [0], [1], [0, 0, 1, 1], [], []>, transpose_lhs_hint = false} : vector<32x768xbf16>, vector<768x256xbf16>, vector<32x256xf32> -> vector<32x256xf32>
    %integer_pow3A = arith.mulf %dot_general3A_18, %dot_general3A_18 : vector<32x256xf32>
    %integer_pow3A_19 = arith.mulf %dot_general3A_18, %integer_pow3A : vector<32x256xf32>
    %mul3A_20 = arith.constant 4.471500e-02 : f32
    %mul3A_21 = vector.broadcast %mul3A_20 : f32 to vector<32x256xf32>
    %mul3A_22 = arith.mulf %mul3A_21, %integer_pow3A_19 : vector<32x256xf32>
    %add3A_23 = arith.addf %dot_general3A_18, %mul3A_22 : vector<32x256xf32>
    %mul3A_24 = arith.constant 0.797884583 : f32
    %mul3A_25 = vector.broadcast %mul3A_24 : f32 to vector<32x256xf32>
    %mul3A_26 = arith.mulf %mul3A_25, %add3A_23 : vector<32x256xf32>
    %tanh3A = math.tanh %mul3A_26 : vector<32x256xf32>
    %add3A_27 = arith.constant 1.000000e+00 : f32
    %add3A_28 = vector.broadcast %add3A_27 : f32 to vector<32x256xf32>
    %add3A_29 = arith.addf %add3A_28, %tanh3A : vector<32x256xf32>
    %mul3A_30 = arith.constant 5.000000e-01 : f32
    %mul3A_31 = vector.broadcast %mul3A_30 : f32 to vector<32x256xf32>
    %mul3A_32 = arith.mulf %mul3A_31, %add3A_29 : vector<32x256xf32>
    %mul3A_33 = arith.mulf %dot_general3A_18, %mul3A_32 : vector<32x256xf32>
    %convert_element_type3A_34 = arith.truncf %mul3A_33 : vector<32x256xf32> to vector<32x256xbf16>
    %get3A_35 = arith.constant 0 : index
    %get3A_36 = arith.constant 0 : index
    %get3A_37 = arith.constant 0 : index
    %get3A_38 = vector.load %arg3[%get3A_35, %get3A_36, %get3A_37] : memref<8x256x768xbf16, #tpu.memory_space<vmem>>, vector<1x256x768xbf16>
    %get3A_39 = vector.shape_cast %get3A_38 : vector<1x256x768xbf16> to vector<256x768xbf16>
    %dot_general3A_40 = arith.constant dense<0.000000e+00> : vector<32x768xf32>
    %dot_general3A_41 = tpu.matmul %convert_element_type3A_34, %get3A_39, %dot_general3A_40 {dimension_numbers = #tpu.dot_dimension_numbers<[1], [0], [0], [1], [0, 0, 1, 1], [], []>, transpose_lhs_hint = false} : vector<32x256xbf16>, vector<256x768xbf16>, vector<32x768xf32> -> vector<32x768xf32>
    %slice3A = vector.extract_strided_slice %dot_general3A_10 {offsets = [0, 0], sizes = [32, 1], strides = [1, 1]} : vector<32x8xf32> to vector<32x1xf32>
    %mul3A_42 = vector.broadcast %slice3A : vector<32x1xf32> to vector<32x768xf32>
    %mul3A_43 = arith.mulf %dot_general3A_41, %mul3A_42 : vector<32x768xf32>
    %add3A_44 = arith.addf %broadcast_in_dim3A_11, %mul3A_43 : vector<32x768xf32>
    %get3A_45 = arith.constant 1 : index
    %get3A_46 = arith.constant 0 : index
    %get3A_47 = arith.constant 0 : index
    %get3A_48 = vector.load %arg2[%get3A_45, %get3A_46, %get3A_47] : memref<8x768x256xbf16, #tpu.memory_space<vmem>>, vector<1x768x256xbf16>
    %get3A_49 = vector.shape_cast %get3A_48 : vector<1x768x256xbf16> to vector<768x256xbf16>
    %dot_general3A_50 = arith.constant dense<0.000000e+00> : vector<32x256xf32>
    %dot_general3A_51 = tpu.matmul %convert_element_type3A, %get3A_49, %dot_general3A_50 {dimension_numbers = #tpu.dot_dimension_numbers<[1], [0], [0], [1], [0, 0, 1, 1], [], []>, transpose_lhs_hint = false} : vector<32x768xbf16>, vector<768x256xbf16>, vector<32x256xf32> -> vector<32x256xf32>
    %integer_pow3A_52 = arith.mulf %dot_general3A_51, %dot_general3A_51 : vector<32x256xf32>
    %integer_pow3A_53 = arith.mulf %dot_general3A_51, %integer_pow3A_52 : vector<32x256xf32>
    %mul3A_54 = arith.constant 4.471500e-02 : f32
    %mul3A_55 = vector.broadcast %mul3A_54 : f32 to vector<32x256xf32>
    %mul3A_56 = arith.mulf %mul3A_55, %integer_pow3A_53 : vector<32x256xf32>
    %add3A_57 = arith.addf %dot_general3A_51, %mul3A_56 : vector<32x256xf32>
    %mul3A_58 = arith.constant 0.797884583 : f32
    %mul3A_59 = vector.broadcast %mul3A_58 : f32 to vector<32x256xf32>
    %mul3A_60 = arith.mulf %mul3A_59, %add3A_57 : vector<32x256xf32>
    %tanh3A_61 = math.tanh %mul3A_60 : vector<32x256xf32>
    %add3A_62 = arith.constant 1.000000e+00 : f32
    %add3A_63 = vector.broadcast %add3A_62 : f32 to vector<32x256xf32>
    %add3A_64 = arith.addf %add3A_63, %tanh3A_61 : vector<32x256xf32>
    %mul3A_65 = arith.constant 5.000000e-01 : f32
    %mul3A_66 = vector.broadcast %mul3A_65 : f32 to vector<32x256xf32>
    %mul3A_67 = arith.mulf %mul3A_66, %add3A_64 : vector<32x256xf32>
    %mul3A_68 = arith.mulf %dot_general3A_51, %mul3A_67 : vector<32x256xf32>
    %convert_element_type3A_69 = arith.truncf %mul3A_68 : vector<32x256xf32> to vector<32x256xbf16>
    %get3A_70 = arith.constant 1 : index
    %get3A_71 = arith.constant 0 : index
    %get3A_72 = arith.constant 0 : index
    %get3A_73 = vector.load %arg3[%get3A_70, %get3A_71, %get3A_72] : memref<8x256x768xbf16, #tpu.memory_space<vmem>>, vector<1x256x768xbf16>
    %get3A_74 = vector.shape_cast %get3A_73 : vector<1x256x768xbf16> to vector<256x768xbf16>
    %dot_general3A_75 = arith.constant dense<0.000000e+00> : vector<32x768xf32>
    %dot_general3A_76 = tpu.matmul %convert_element_type3A_69, %get3A_74, %dot_general3A_75 {dimension_numbers = #tpu.dot_dimension_numbers<[1], [0], [0], [1], [0, 0, 1, 1], [], []>, transpose_lhs_hint = false} : vector<32x256xbf16>, vector<256x768xbf16>, vector<32x768xf32> -> vector<32x768xf32>
    %slice3A_77 = vector.extract_strided_slice %dot_general3A_10 {offsets = [0, 1], sizes = [32, 1], strides = [1, 1]} : vector<32x8xf32> to vector<32x1xf32>
    %mul3A_78 = vector.broadcast %slice3A_77 : vector<32x1xf32> to vector<32x768xf32>
    %mul3A_79 = arith.mulf %dot_general3A_76, %mul3A_78 : vector<32x768xf32>
    %add3A_80 = arith.addf %add3A_44, %mul3A_79 : vector<32x768xf32>
    %get3A_81 = arith.constant 2 : index
    %get3A_82 = arith.constant 0 : index
    %get3A_83 = arith.constant 0 : index
    %get3A_84 = vector.load %arg2[%get3A_81, %get3A_82, %get3A_83] : memref<8x768x256xbf16, #tpu.memory_space<vmem>>, vector<1x768x256xbf16>
    %get3A_85 = vector.shape_cast %get3A_84 : vector<1x768x256xbf16> to vector<768x256xbf16>
    %dot_general3A_86 = arith.constant dense<0.000000e+00> : vector<32x256xf32>
    %dot_general3A_87 = tpu.matmul %convert_element_type3A, %get3A_85, %dot_general3A_86 {dimension_numbers = #tpu.dot_dimension_numbers<[1], [0], [0], [1], [0, 0, 1, 1], [], []>, transpose_lhs_hint = false} : vector<32x768xbf16>, vector<768x256xbf16>, vector<32x256xf32> -> vector<32x256xf32>
    %integer_pow3A_88 = arith.mulf %dot_general3A_87, %dot_general3A_87 : vector<32x256xf32>
    %integer_pow3A_89 = arith.mulf %dot_general3A_87, %integer_pow3A_88 : vector<32x256xf32>
    %mul3A_90 = arith.constant 4.471500e-02 : f32
    %mul3A_91 = vector.broadcast %mul3A_90 : f32 to vector<32x256xf32>
    %mul3A_92 = arith.mulf %mul3A_91, %integer_pow3A_89 : vector<32x256xf32>
    %add3A_93 = arith.addf %dot_general3A_87, %mul3A_92 : vector<32x256xf32>
    %mul3A_94 = arith.constant 0.797884583 : f32
    %mul3A_95 = vector.broadcast %mul3A_94 : f32 to vector<32x256xf32>
    %mul3A_96 = arith.mulf %mul3A_95, %add3A_93 : vector<32x256xf32>
    %tanh3A_97 = math.tanh %mul3A_96 : vector<32x256xf32>
    %add3A_98 = arith.constant 1.000000e+00 : f32
    %add3A_99 = vector.broadcast %add3A_98 : f32 to vector<32x256xf32>
    %add3A_100 = arith.addf %add3A_99, %tanh3A_97 : vector<32x256xf32>
    %mul3A_101 = arith.constant 5.000000e-01 : f32
    %mul3A_102 = vector.broadcast %mul3A_101 : f32 to vector<32x256xf32>
    %mul3A_103 = arith.mulf %mul3A_102, %add3A_100 : vector<32x256xf32>
    %mul3A_104 = arith.mulf %dot_general3A_87, %mul3A_103 : vector<32x256xf32>
    %convert_element_type3A_105 = arith.truncf %mul3A_104 : vector<32x256xf32> to vector<32x256xbf16>
    %get3A_106 = arith.constant 2 : index
    %get3A_107 = arith.constant 0 : index
    %get3A_108 = arith.constant 0 : index
    %get3A_109 = vector.load %arg3[%get3A_106, %get3A_107, %get3A_108] : memref<8x256x768xbf16, #tpu.memory_space<vmem>>, vector<1x256x768xbf16>
    %get3A_110 = vector.shape_cast %get3A_109 : vector<1x256x768xbf16> to vector<256x768xbf16>
    %dot_general3A_111 = arith.constant dense<0.000000e+00> : vector<32x768xf32>
    %dot_general3A_112 = tpu.matmul %convert_element_type3A_105, %get3A_110, %dot_general3A_111 {dimension_numbers = #tpu.dot_dimension_numbers<[1], [0], [0], [1], [0, 0, 1, 1], [], []>, transpose_lhs_hint = false} : vector<32x256xbf16>, vector<256x768xbf16>, vector<32x768xf32> -> vector<32x768xf32>
    %slice3A_113 = vector.extract_strided_slice %dot_general3A_10 {offsets = [0, 2], sizes = [32, 1], strides = [1, 1]} : vector<32x8xf32> to vector<32x1xf32>
    %mul3A_114 = vector.broadcast %slice3A_113 : vector<32x1xf32> to vector<32x768xf32>
    %mul3A_115 = arith.mulf %dot_general3A_112, %mul3A_114 : vector<32x768xf32>
    %add3A_116 = arith.addf %add3A_80, %mul3A_115 : vector<32x768xf32>
    %get3A_117 = arith.constant 3 : index
    %get3A_118 = arith.constant 0 : index
    %get3A_119 = arith.constant 0 : index
    %get3A_120 = vector.load %arg2[%get3A_117, %get3A_118, %get3A_119] : memref<8x768x256xbf16, #tpu.memory_space<vmem>>, vector<1x768x256xbf16>
    %get3A_121 = vector.shape_cast %get3A_120 : vector<1x768x256xbf16> to vector<768x256xbf16>
    %dot_general3A_122 = arith.constant dense<0.000000e+00> : vector<32x256xf32>
    %dot_general3A_123 = tpu.matmul %convert_element_type3A, %get3A_121, %dot_general3A_122 {dimension_numbers = #tpu.dot_dimension_numbers<[1], [0], [0], [1], [0, 0, 1, 1], [], []>, transpose_lhs_hint = false} : vector<32x768xbf16>, vector<768x256xbf16>, vector<32x256xf32> -> vector<32x256xf32>
    %integer_pow3A_124 = arith.mulf %dot_general3A_123, %dot_general3A_123 : vector<32x256xf32>
    %integer_pow3A_125 = arith.mulf %dot_general3A_123, %integer_pow3A_124 : vector<32x256xf32>
    %mul3A_126 = arith.constant 4.471500e-02 : f32
    %mul3A_127 = vector.broadcast %mul3A_126 : f32 to vector<32x256xf32>
    %mul3A_128 = arith.mulf %mul3A_127, %integer_pow3A_125 : vector<32x256xf32>
    %add3A_129 = arith.addf %dot_general3A_123, %mul3A_128 : vector<32x256xf32>
    %mul3A_130 = arith.constant 0.797884583 : f32
    %mul3A_131 = vector.broadcast %mul3A_130 : f32 to vector<32x256xf32>
    %mul3A_132 = arith.mulf %mul3A_131, %add3A_129 : vector<32x256xf32>
    %tanh3A_133 = math.tanh %mul3A_132 : vector<32x256xf32>
    %add3A_134 = arith.constant 1.000000e+00 : f32
    %add3A_135 = vector.broadcast %add3A_134 : f32 to vector<32x256xf32>
    %add3A_136 = arith.addf %add3A_135, %tanh3A_133 : vector<32x256xf32>
    %mul3A_137 = arith.constant 5.000000e-01 : f32
    %mul3A_138 = vector.broadcast %mul3A_137 : f32 to vector<32x256xf32>
    %mul3A_139 = arith.mulf %mul3A_138, %add3A_136 : vector<32x256xf32>
    %mul3A_140 = arith.mulf %dot_general3A_123, %mul3A_139 : vector<32x256xf32>
    %convert_element_type3A_141 = arith.truncf %mul3A_140 : vector<32x256xf32> to vector<32x256xbf16>
    %get3A_142 = arith.constant 3 : index
    %get3A_143 = arith.constant 0 : index
    %get3A_144 = arith.constant 0 : index
    %get3A_145 = vector.load %arg3[%get3A_142, %get3A_143, %get3A_144] : memref<8x256x768xbf16, #tpu.memory_space<vmem>>, vector<1x256x768xbf16>
    %get3A_146 = vector.shape_cast %get3A_145 : vector<1x256x768xbf16> to vector<256x768xbf16>
    %dot_general3A_147 = arith.constant dense<0.000000e+00> : vector<32x768xf32>
    %dot_general3A_148 = tpu.matmul %convert_element_type3A_141, %get3A_146, %dot_general3A_147 {dimension_numbers = #tpu.dot_dimension_numbers<[1], [0], [0], [1], [0, 0, 1, 1], [], []>, transpose_lhs_hint = false} : vector<32x256xbf16>, vector<256x768xbf16>, vector<32x768xf32> -> vector<32x768xf32>
    %slice3A_149 = vector.extract_strided_slice %dot_general3A_10 {offsets = [0, 3], sizes = [32, 1], strides = [1, 1]} : vector<32x8xf32> to vector<32x1xf32>
    %mul3A_150 = vector.broadcast %slice3A_149 : vector<32x1xf32> to vector<32x768xf32>
    %mul3A_151 = arith.mulf %dot_general3A_148, %mul3A_150 : vector<32x768xf32>
    %add3A_152 = arith.addf %add3A_116, %mul3A_151 : vector<32x768xf32>
    %get3A_153 = arith.constant 4 : index
    %get3A_154 = arith.constant 0 : index
    %get3A_155 = arith.constant 0 : index
    %get3A_156 = vector.load %arg2[%get3A_153, %get3A_154, %get3A_155] : memref<8x768x256xbf16, #tpu.memory_space<vmem>>, vector<1x768x256xbf16>
    %get3A_157 = vector.shape_cast %get3A_156 : vector<1x768x256xbf16> to vector<768x256xbf16>
    %dot_general3A_158 = arith.constant dense<0.000000e+00> : vector<32x256xf32>
    %dot_general3A_159 = tpu.matmul %convert_element_type3A, %get3A_157, %dot_general3A_158 {dimension_numbers = #tpu.dot_dimension_numbers<[1], [0], [0], [1], [0, 0, 1, 1], [], []>, transpose_lhs_hint = false} : vector<32x768xbf16>, vector<768x256xbf16>, vector<32x256xf32> -> vector<32x256xf32>
    %integer_pow3A_160 = arith.mulf %dot_general3A_159, %dot_general3A_159 : vector<32x256xf32>
    %integer_pow3A_161 = arith.mulf %dot_general3A_159, %integer_pow3A_160 : vector<32x256xf32>
    %mul3A_162 = arith.constant 4.471500e-02 : f32
    %mul3A_163 = vector.broadcast %mul3A_162 : f32 to vector<32x256xf32>
    %mul3A_164 = arith.mulf %mul3A_163, %integer_pow3A_161 : vector<32x256xf32>
    %add3A_165 = arith.addf %dot_general3A_159, %mul3A_164 : vector<32x256xf32>
    %mul3A_166 = arith.constant 0.797884583 : f32
    %mul3A_167 = vector.broadcast %mul3A_166 : f32 to vector<32x256xf32>
    %mul3A_168 = arith.mulf %mul3A_167, %add3A_165 : vector<32x256xf32>
    %tanh3A_169 = math.tanh %mul3A_168 : vector<32x256xf32>
    %add3A_170 = arith.constant 1.000000e+00 : f32
    %add3A_171 = vector.broadcast %add3A_170 : f32 to vector<32x256xf32>
    %add3A_172 = arith.addf %add3A_171, %tanh3A_169 : vector<32x256xf32>
    %mul3A_173 = arith.constant 5.000000e-01 : f32
    %mul3A_174 = vector.broadcast %mul3A_173 : f32 to vector<32x256xf32>
    %mul3A_175 = arith.mulf %mul3A_174, %add3A_172 : vector<32x256xf32>
    %mul3A_176 = arith.mulf %dot_general3A_159, %mul3A_175 : vector<32x256xf32>
    %convert_element_type3A_177 = arith.truncf %mul3A_176 : vector<32x256xf32> to vector<32x256xbf16>
    %get3A_178 = arith.constant 4 : index
    %get3A_179 = arith.constant 0 : index
    %get3A_180 = arith.constant 0 : index
    %get3A_181 = vector.load %arg3[%get3A_178, %get3A_179, %get3A_180] : memref<8x256x768xbf16, #tpu.memory_space<vmem>>, vector<1x256x768xbf16>
    %get3A_182 = vector.shape_cast %get3A_181 : vector<1x256x768xbf16> to vector<256x768xbf16>
    %dot_general3A_183 = arith.constant dense<0.000000e+00> : vector<32x768xf32>
    %dot_general3A_184 = tpu.matmul %convert_element_type3A_177, %get3A_182, %dot_general3A_183 {dimension_numbers = #tpu.dot_dimension_numbers<[1], [0], [0], [1], [0, 0, 1, 1], [], []>, transpose_lhs_hint = false} : vector<32x256xbf16>, vector<256x768xbf16>, vector<32x768xf32> -> vector<32x768xf32>
    %slice3A_185 = vector.extract_strided_slice %dot_general3A_10 {offsets = [0, 4], sizes = [32, 1], strides = [1, 1]} : vector<32x8xf32> to vector<32x1xf32>
    %mul3A_186 = vector.broadcast %slice3A_185 : vector<32x1xf32> to vector<32x768xf32>
    %mul3A_187 = arith.mulf %dot_general3A_184, %mul3A_186 : vector<32x768xf32>
    %add3A_188 = arith.addf %add3A_152, %mul3A_187 : vector<32x768xf32>
    %get3A_189 = arith.constant 5 : index
    %get3A_190 = arith.constant 0 : index
    %get3A_191 = arith.constant 0 : index
    %get3A_192 = vector.load %arg2[%get3A_189, %get3A_190, %get3A_191] : memref<8x768x256xbf16, #tpu.memory_space<vmem>>, vector<1x768x256xbf16>
    %get3A_193 = vector.shape_cast %get3A_192 : vector<1x768x256xbf16> to vector<768x256xbf16>
    %dot_general3A_194 = arith.constant dense<0.000000e+00> : vector<32x256xf32>
    %dot_general3A_195 = tpu.matmul %convert_element_type3A, %get3A_193, %dot_general3A_194 {dimension_numbers = #tpu.dot_dimension_numbers<[1], [0], [0], [1], [0, 0, 1, 1], [], []>, transpose_lhs_hint = false} : vector<32x768xbf16>, vector<768x256xbf16>, vector<32x256xf32> -> vector<32x256xf32>
    %integer_pow3A_196 = arith.mulf %dot_general3A_195, %dot_general3A_195 : vector<32x256xf32>
    %integer_pow3A_197 = arith.mulf %dot_general3A_195, %integer_pow3A_196 : vector<32x256xf32>
    %mul3A_198 = arith.constant 4.471500e-02 : f32
    %mul3A_199 = vector.broadcast %mul3A_198 : f32 to vector<32x256xf32>
    %mul3A_200 = arith.mulf %mul3A_199, %integer_pow3A_197 : vector<32x256xf32>
    %add3A_201 = arith.addf %dot_general3A_195, %mul3A_200 : vector<32x256xf32>
    %mul3A_202 = arith.constant 0.797884583 : f32
    %mul3A_203 = vector.broadcast %mul3A_202 : f32 to vector<32x256xf32>
    %mul3A_204 = arith.mulf %mul3A_203, %add3A_201 : vector<32x256xf32>
    %tanh3A_205 = math.tanh %mul3A_204 : vector<32x256xf32>
    %add3A_206 = arith.constant 1.000000e+00 : f32
    %add3A_207 = vector.broadcast %add3A_206 : f32 to vector<32x256xf32>
    %add3A_208 = arith.addf %add3A_207, %tanh3A_205 : vector<32x256xf32>
    %mul3A_209 = arith.constant 5.000000e-01 : f32
    %mul3A_210 = vector.broadcast %mul3A_209 : f32 to vector<32x256xf32>
    %mul3A_211 = arith.mulf %mul3A_210, %add3A_208 : vector<32x256xf32>
    %mul3A_212 = arith.mulf %dot_general3A_195, %mul3A_211 : vector<32x256xf32>
    %convert_element_type3A_213 = arith.truncf %mul3A_212 : vector<32x256xf32> to vector<32x256xbf16>
    %get3A_214 = arith.constant 5 : index
    %get3A_215 = arith.constant 0 : index
    %get3A_216 = arith.constant 0 : index
    %get3A_217 = vector.load %arg3[%get3A_214, %get3A_215, %get3A_216] : memref<8x256x768xbf16, #tpu.memory_space<vmem>>, vector<1x256x768xbf16>
    %get3A_218 = vector.shape_cast %get3A_217 : vector<1x256x768xbf16> to vector<256x768xbf16>
    %dot_general3A_219 = arith.constant dense<0.000000e+00> : vector<32x768xf32>
    %dot_general3A_220 = tpu.matmul %convert_element_type3A_213, %get3A_218, %dot_general3A_219 {dimension_numbers = #tpu.dot_dimension_numbers<[1], [0], [0], [1], [0, 0, 1, 1], [], []>, transpose_lhs_hint = false} : vector<32x256xbf16>, vector<256x768xbf16>, vector<32x768xf32> -> vector<32x768xf32>
    %slice3A_221 = vector.extract_strided_slice %dot_general3A_10 {offsets = [0, 5], sizes = [32, 1], strides = [1, 1]} : vector<32x8xf32> to vector<32x1xf32>
    %mul3A_222 = vector.broadcast %slice3A_221 : vector<32x1xf32> to vector<32x768xf32>
    %mul3A_223 = arith.mulf %dot_general3A_220, %mul3A_222 : vector<32x768xf32>
    %add3A_224 = arith.addf %add3A_188, %mul3A_223 : vector<32x768xf32>
    %get3A_225 = arith.constant 6 : index
    %get3A_226 = arith.constant 0 : index
    %get3A_227 = arith.constant 0 : index
    %get3A_228 = vector.load %arg2[%get3A_225, %get3A_226, %get3A_227] : memref<8x768x256xbf16, #tpu.memory_space<vmem>>, vector<1x768x256xbf16>
    %get3A_229 = vector.shape_cast %get3A_228 : vector<1x768x256xbf16> to vector<768x256xbf16>
    %dot_general3A_230 = arith.constant dense<0.000000e+00> : vector<32x256xf32>
    %dot_general3A_231 = tpu.matmul %convert_element_type3A, %get3A_229, %dot_general3A_230 {dimension_numbers = #tpu.dot_dimension_numbers<[1], [0], [0], [1], [0, 0, 1, 1], [], []>, transpose_lhs_hint = false} : vector<32x768xbf16>, vector<768x256xbf16>, vector<32x256xf32> -> vector<32x256xf32>
    %integer_pow3A_232 = arith.mulf %dot_general3A_231, %dot_general3A_231 : vector<32x256xf32>
    %integer_pow3A_233 = arith.mulf %dot_general3A_231, %integer_pow3A_232 : vector<32x256xf32>
    %mul3A_234 = arith.constant 4.471500e-02 : f32
    %mul3A_235 = vector.broadcast %mul3A_234 : f32 to vector<32x256xf32>
    %mul3A_236 = arith.mulf %mul3A_235, %integer_pow3A_233 : vector<32x256xf32>
    %add3A_237 = arith.addf %dot_general3A_231, %mul3A_236 : vector<32x256xf32>
    %mul3A_238 = arith.constant 0.797884583 : f32
    %mul3A_239 = vector.broadcast %mul3A_238 : f32 to vector<32x256xf32>
    %mul3A_240 = arith.mulf %mul3A_239, %add3A_237 : vector<32x256xf32>
    %tanh3A_241 = math.tanh %mul3A_240 : vector<32x256xf32>
    %add3A_242 = arith.constant 1.000000e+00 : f32
    %add3A_243 = vector.broadcast %add3A_242 : f32 to vector<32x256xf32>
    %add3A_244 = arith.addf %add3A_243, %tanh3A_241 : vector<32x256xf32>
    %mul3A_245 = arith.constant 5.000000e-01 : f32
    %mul3A_246 = vector.broadcast %mul3A_245 : f32 to vector<32x256xf32>
    %mul3A_247 = arith.mulf %mul3A_246, %add3A_244 : vector<32x256xf32>
    %mul3A_248 = arith.mulf %dot_general3A_231, %mul3A_247 : vector<32x256xf32>
    %convert_element_type3A_249 = arith.truncf %mul3A_248 : vector<32x256xf32> to vector<32x256xbf16>
    %get3A_250 = arith.constant 6 : index
    %get3A_251 = arith.constant 0 : index
    %get3A_252 = arith.constant 0 : index
    %get3A_253 = vector.load %arg3[%get3A_250, %get3A_251, %get3A_252] : memref<8x256x768xbf16, #tpu.memory_space<vmem>>, vector<1x256x768xbf16>
    %get3A_254 = vector.shape_cast %get3A_253 : vector<1x256x768xbf16> to vector<256x768xbf16>
    %dot_general3A_255 = arith.constant dense<0.000000e+00> : vector<32x768xf32>
    %dot_general3A_256 = tpu.matmul %convert_element_type3A_249, %get3A_254, %dot_general3A_255 {dimension_numbers = #tpu.dot_dimension_numbers<[1], [0], [0], [1], [0, 0, 1, 1], [], []>, transpose_lhs_hint = false} : vector<32x256xbf16>, vector<256x768xbf16>, vector<32x768xf32> -> vector<32x768xf32>
    %slice3A_257 = vector.extract_strided_slice %dot_general3A_10 {offsets = [0, 6], sizes = [32, 1], strides = [1, 1]} : vector<32x8xf32> to vector<32x1xf32>
    %mul3A_258 = vector.broadcast %slice3A_257 : vector<32x1xf32> to vector<32x768xf32>
    %mul3A_259 = arith.mulf %dot_general3A_256, %mul3A_258 : vector<32x768xf32>
    %add3A_260 = arith.addf %add3A_224, %mul3A_259 : vector<32x768xf32>
    %get3A_261 = arith.constant 7 : index
    %get3A_262 = arith.constant 0 : index
    %get3A_263 = arith.constant 0 : index
    %get3A_264 = vector.load %arg2[%get3A_261, %get3A_262, %get3A_263] : memref<8x768x256xbf16, #tpu.memory_space<vmem>>, vector<1x768x256xbf16>
    %get3A_265 = vector.shape_cast %get3A_264 : vector<1x768x256xbf16> to vector<768x256xbf16>
    %dot_general3A_266 = arith.constant dense<0.000000e+00> : vector<32x256xf32>
    %dot_general3A_267 = tpu.matmul %convert_element_type3A, %get3A_265, %dot_general3A_266 {dimension_numbers = #tpu.dot_dimension_numbers<[1], [0], [0], [1], [0, 0, 1, 1], [], []>, transpose_lhs_hint = false} : vector<32x768xbf16>, vector<768x256xbf16>, vector<32x256xf32> -> vector<32x256xf32>
    %integer_pow3A_268 = arith.mulf %dot_general3A_267, %dot_general3A_267 : vector<32x256xf32>
    %integer_pow3A_269 = arith.mulf %dot_general3A_267, %integer_pow3A_268 : vector<32x256xf32>
    %mul3A_270 = arith.constant 4.471500e-02 : f32
    %mul3A_271 = vector.broadcast %mul3A_270 : f32 to vector<32x256xf32>
    %mul3A_272 = arith.mulf %mul3A_271, %integer_pow3A_269 : vector<32x256xf32>
    %add3A_273 = arith.addf %dot_general3A_267, %mul3A_272 : vector<32x256xf32>
    %mul3A_274 = arith.constant 0.797884583 : f32
    %mul3A_275 = vector.broadcast %mul3A_274 : f32 to vector<32x256xf32>
    %mul3A_276 = arith.mulf %mul3A_275, %add3A_273 : vector<32x256xf32>
    %tanh3A_277 = math.tanh %mul3A_276 : vector<32x256xf32>
    %add3A_278 = arith.constant 1.000000e+00 : f32
    %add3A_279 = vector.broadcast %add3A_278 : f32 to vector<32x256xf32>
    %add3A_280 = arith.addf %add3A_279, %tanh3A_277 : vector<32x256xf32>
    %mul3A_281 = arith.constant 5.000000e-01 : f32
    %mul3A_282 = vector.broadcast %mul3A_281 : f32 to vector<32x256xf32>
    %mul3A_283 = arith.mulf %mul3A_282, %add3A_280 : vector<32x256xf32>
    %mul3A_284 = arith.mulf %dot_general3A_267, %mul3A_283 : vector<32x256xf32>
    %convert_element_type3A_285 = arith.truncf %mul3A_284 : vector<32x256xf32> to vector<32x256xbf16>
    %get3A_286 = arith.constant 7 : index
    %get3A_287 = arith.constant 0 : index
    %get3A_288 = arith.constant 0 : index
    %get3A_289 = vector.load %arg3[%get3A_286, %get3A_287, %get3A_288] : memref<8x256x768xbf16, #tpu.memory_space<vmem>>, vector<1x256x768xbf16>
    %get3A_290 = vector.shape_cast %get3A_289 : vector<1x256x768xbf16> to vector<256x768xbf16>
    %dot_general3A_291 = arith.constant dense<0.000000e+00> : vector<32x768xf32>
    %dot_general3A_292 = tpu.matmul %convert_element_type3A_285, %get3A_290, %dot_general3A_291 {dimension_numbers = #tpu.dot_dimension_numbers<[1], [0], [0], [1], [0, 0, 1, 1], [], []>, transpose_lhs_hint = false} : vector<32x256xbf16>, vector<256x768xbf16>, vector<32x768xf32> -> vector<32x768xf32>
    %slice3A_293 = vector.extract_strided_slice %dot_general3A_10 {offsets = [0, 7], sizes = [32, 1], strides = [1, 1]} : vector<32x8xf32> to vector<32x1xf32>
    %mul3A_294 = vector.broadcast %slice3A_293 : vector<32x1xf32> to vector<32x768xf32>
    %mul3A_295 = arith.mulf %dot_general3A_292, %mul3A_294 : vector<32x768xf32>
    %add3A_296 = arith.addf %add3A_260, %mul3A_295 : vector<32x768xf32>
    %stack3A = vector.shape_cast %dot_general3A_41 : vector<32x768xf32> to vector<32x1x768xf32>
    %stack3A_297 = vector.shape_cast %dot_general3A_76 : vector<32x768xf32> to vector<32x1x768xf32>
    %stack3A_298 = vector.shape_cast %dot_general3A_112 : vector<32x768xf32> to vector<32x1x768xf32>
    %stack3A_299 = vector.shape_cast %dot_general3A_148 : vector<32x768xf32> to vector<32x1x768xf32>
    %stack3A_300 = vector.shape_cast %dot_general3A_184 : vector<32x768xf32> to vector<32x1x768xf32>
    %stack3A_301 = vector.shape_cast %dot_general3A_220 : vector<32x768xf32> to vector<32x1x768xf32>
    %stack3A_302 = vector.shape_cast %dot_general3A_256 : vector<32x768xf32> to vector<32x1x768xf32>
    %stack3A_303 = vector.shape_cast %dot_general3A_292 : vector<32x768xf32> to vector<32x1x768xf32>
    %stack3A_304 = tpu.concatenate %stack3A, %stack3A_297, %stack3A_298, %stack3A_299, %stack3A_300, %stack3A_301, %stack3A_302, %stack3A_303 in 1 : vector<32x1x768xf32>, vector<32x1x768xf32>, vector<32x1x768xf32>, vector<32x1x768xf32>, vector<32x1x768xf32>, vector<32x1x768xf32>, vector<32x1x768xf32>, vector<32x1x768xf32> -> vector<32x8x768xf32>
    %swap3A = arith.constant 0 : index
    %swap3A_305 = arith.constant 0 : index
    %swap3A_306 = arith.constant 0 : index
    %swap3A_307 = vector.load %arg6[%swap3A, %swap3A_305, %swap3A_306] : memref<32x8x768xf32, #tpu.memory_space<vmem>>, vector<32x8x768xf32>
    tpu.vector_store %arg6[%swap3A, %swap3A_305, %swap3A_306], %stack3A_304 {strides = array<i32>} : memref<32x8x768xf32, #tpu.memory_space<vmem>>, vector<32x8x768xf32>,
    %eq3A_308 = arith.constant 0 : i32
    %eq3A_309 = arith.cmpi eq, %arg0, %eq3A_308 : i32
    %convert_element_type3A_310 = arith.extui %eq3A_309 : i1 to i32
    %cond3A = arith.constant 0 : i32
    %cond3A_311 = arith.cmpi ne, %convert_element_type3A_310, %cond3A : i32
    scf.if %cond3A_311 {
      %broadcast_in_dim3A_319 = arith.constant 0.000000e+00 : f32
      %broadcast_in_dim3A_320 = vector.broadcast %broadcast_in_dim3A_319 : f32 to vector<32x768xf32>
      %swap3A_321 = arith.constant 0 : index
      %swap3A_322 = arith.constant 0 : index
      %swap3A_323 = vector.load %arg5[%swap3A_321, %swap3A_322] : memref<32x768xf32, #tpu.memory_space<vmem>>, vector<32x768xf32>
      tpu.vector_store %arg5[%swap3A_321, %swap3A_322], %broadcast_in_dim3A_320 {strides = array<i32>} : memref<32x768xf32, #tpu.memory_space<vmem>>, vector<32x768xf32>,
    } else {
    }
    %get3A_312 = arith.constant 0 : index
    %get3A_313 = arith.constant 0 : index
    %get3A_314 = vector.load %arg5[%get3A_312, %get3A_313] : memref<32x768xf32, #tpu.memory_space<vmem>>, vector<32x768xf32>
    %add3A_315 = arith.addf %get3A_314, %add3A_296 : vector<32x768xf32>
    %swap3A_316 = arith.constant 0 : index
    %swap3A_317 = arith.constant 0 : index
    %swap3A_318 = vector.load %arg5[%swap3A_316, %swap3A_317] : memref<32x768xf32, #tpu.memory_space<vmem>>, vector<32x768xf32>
    tpu.vector_store %arg5[%swap3A_316, %swap3A_317], %add3A_315 {strides = array<i32>} : memref<32x768xf32, #tpu.memory_space<vmem>>, vector<32x768xf32>,
    return
  }
  func.func @transform_0(%arg0: i32) -> (i32, i32) {
    %c0_i32 = arith.constant 0 : i32
    %c0_i32_0 = arith.constant 0 : i32
    %c0_i32_1 = arith.constant 0 : i32
    return %c0_i32, %c0_i32_0 : i32, i32
  }
  func.func @transform_1(%arg0: i32) -> (i32, i32, i32) {
    %c0_i32 = arith.constant 0 : i32
    %c0_i32_0 = arith.constant 0 : i32
    %c0_i32_1 = arith.constant 0 : i32
    return %arg0, %c0_i32, %c0_i32_0 : i32, i32, i32
  }
  func.func @transform_2(%arg0: i32) -> (i32, i32, i32) {
    %c0_i32 = arith.constant 0 : i32
    %c0_i32_0 = arith.constant 0 : i32
    %c0_i32_1 = arith.constant 0 : i32
    return %arg0, %c0_i32, %c0_i32_0 : i32, i32, i32
  }
  func.func @transform_3(%arg0: i32) -> (i32, i32) {
    %c0_i32 = arith.constant 0 : i32
    %c0_i32_0 = arith.constant 0 : i32
    %c0_i32_1 = arith.constant 0 : i32
    return %c0_i32, %c0_i32_0 : i32, i32
  }
  func.func @transform_4(%arg0: i32) -> (i32, i32) {
    %c0_i32 = arith.constant 0 : i32
    %c0_i32_0 = arith.constant 0 : i32
    %c0_i32_1 = arith.constant 0 : i32
    return %c0_i32, %c0_i32_0 : i32, i32
  }
  func.func @transform_5(%arg0: i32) -> (i32, i32, i32) {
    %c0_i32 = arith.constant 0 : i32
    %c0_i32_0 = arith.constant 0 : i32
    %c0_i32_1 = arith.constant 0 : i32
    return %c0_i32, %arg0, %c0_i32_0 : i32, i32, i32
  }
}

module attributes {stable_mosaic.version = 14 : i64} {
  func.func @_sparse_out_body(%arg0: i32, %arg1: memref<32x2x768xf32, #tpu.memory_space<vmem>>, %arg2: memref<32x2xf32, #tpu.memory_space<vmem>>, %arg3: memref<32x2xi32, #tpu.memory_space<smem>>, %arg4: memref<2048x64x768xf32, #tpu.memory_space<hbm>>, %arg5: memref<32x768xf32, #tpu.memory_space<vmem>>, %arg6: memref<32x64x768xf32, #tpu.memory_space<vmem>>) attributes {dimension_semantics = [#tpu.dimension_semantics<arbitrary>], iteration_bounds = array<i64: 63>, scalar_prefetch = 0 : i64, scratch_operands = 0 : i64, tpu.core_type = #tpu.core_type<tc>, window_params = [{transform_indices = @transform_0, window_bounds = array<i64: 32, 2, 768>}, {transform_indices = @transform_1, window_bounds = array<i64: 32, 2>}, {transform_indices = @transform_2, window_bounds = array<i64: 32, 2>}, {}, {transform_indices = @transform_4, window_bounds = array<i64: 32, 768>}, {transform_indices = @transform_5, window_bounds = array<i64: 32, 64, 768>}]} {
    %get3A = arith.constant 0 : index
    %get3A_0 = arith.constant 0 : index
    %get3A_1 = arith.constant 0 : index
    %get3A_2 = vector.load %arg1[%get3A, %get3A_0, %get3A_1] : memref<32x2x768xf32, #tpu.memory_space<vmem>>, vector<32x2x768xf32>
    %get3A_3 = arith.constant 0 : index
    %get3A_4 = arith.constant 0 : index
    %get3A_5 = vector.load %arg2[%get3A_3, %get3A_4] : memref<32x2xf32, #tpu.memory_space<vmem>>, vector<32x2xf32>
    %slice3A = vector.extract_strided_slice %get3A_2 {offsets = [0, 0, 0], sizes = [32, 1, 768], strides = [1, 1, 1]} : vector<32x2x768xf32> to vector<32x1x768xf32>
    %squeeze3A = vector.shape_cast %slice3A : vector<32x1x768xf32> to vector<32x768xf32>
    %slice3A_6 = vector.extract_strided_slice %get3A_5 {offsets = [0, 0], sizes = [32, 1], strides = [1, 1]} : vector<32x2xf32> to vector<32x1xf32>
    %mul3A = vector.broadcast %slice3A_6 : vector<32x1xf32> to vector<32x768xf32>
    %mul3A_7 = arith.mulf %squeeze3A, %mul3A : vector<32x768xf32>
    %slice3A_8 = vector.extract_strided_slice %get3A_2 {offsets = [0, 1, 0], sizes = [32, 1, 768], strides = [1, 1, 1]} : vector<32x2x768xf32> to vector<32x1x768xf32>
    %squeeze3A_9 = vector.shape_cast %slice3A_8 : vector<32x1x768xf32> to vector<32x768xf32>
    %slice3A_10 = vector.extract_strided_slice %get3A_5 {offsets = [0, 1], sizes = [32, 1], strides = [1, 1]} : vector<32x2xf32> to vector<32x1xf32>
    %mul3A_11 = vector.broadcast %slice3A_10 : vector<32x1xf32> to vector<32x768xf32>
    %mul3A_12 = arith.mulf %squeeze3A_9, %mul3A_11 : vector<32x768xf32>
    %add3A = arith.addf %mul3A_7, %mul3A_12 : vector<32x768xf32>
    %swap3A = arith.constant 0 : index
    %swap3A_13 = arith.constant 0 : index
    %swap3A_14 = vector.load %arg5[%swap3A, %swap3A_13] : memref<32x768xf32, #tpu.memory_space<vmem>>, vector<32x768xf32>
    tpu.vector_store %arg5[%swap3A, %swap3A_13], %add3A {strides = array<i32>} : memref<32x768xf32, #tpu.memory_space<vmem>>, vector<32x768xf32>,
    %broadcast_in_dim3A = arith.constant 0.000000e+00 : f32
    %broadcast_in_dim3A_15 = vector.broadcast %broadcast_in_dim3A : f32 to vector<32x64x768xf32>
    %swap3A_16 = arith.constant 0 : index
    %swap3A_17 = arith.constant 0 : index
    %swap3A_18 = arith.constant 0 : index
    %swap3A_19 = vector.load %arg6[%swap3A_16, %swap3A_17, %swap3A_18] : memref<32x64x768xf32, #tpu.memory_space<vmem>>, vector<32x64x768xf32>
    tpu.vector_store %arg6[%swap3A_16, %swap3A_17, %swap3A_18], %broadcast_in_dim3A_15 {strides = array<i32>} : memref<32x64x768xf32, #tpu.memory_space<vmem>>, vector<32x64x768xf32>,
    %get3A_20 = arith.constant 0 : index
    %get3A_21 = arith.constant 0 : index
    %get3A_22 = memref.load %arg3[%get3A_20, %get3A_21] : memref<32x2xi32, #tpu.memory_space<smem>>
    %get3A_23 = arith.constant 0 : index
    %get3A_24 = arith.constant 1 : index
    %get3A_25 = memref.load %arg3[%get3A_23, %get3A_24] : memref<32x2xi32, #tpu.memory_space<smem>>
    %eq3A = arith.cmpi eq, %get3A_22, %get3A_25 : i32
    %slice3A_26 = vector.extract_strided_slice %get3A_2 {offsets = [0, 0, 0], sizes = [1, 1, 768], strides = [1, 1, 1]} : vector<32x2x768xf32> to vector<1x1x768xf32>
    %squeeze3A_27 = vector.shape_cast %slice3A_26 : vector<1x1x768xf32> to vector<768xf32>
    %slice3A_28 = vector.extract_strided_slice %get3A_2 {offsets = [0, 1, 0], sizes = [1, 1, 768], strides = [1, 1, 1]} : vector<32x2x768xf32> to vector<1x1x768xf32>
    %squeeze3A_29 = vector.shape_cast %slice3A_28 : vector<1x1x768xf32> to vector<768xf32>
    %add3A_30 = arith.addf %squeeze3A_27, %squeeze3A_29 : vector<768xf32>
    %slice3A_31 = vector.extract_strided_slice %get3A_2 {offsets = [0, 0, 0], sizes = [1, 1, 768], strides = [1, 1, 1]} : vector<32x2x768xf32> to vector<1x1x768xf32>
    %squeeze3A_32 = vector.shape_cast %slice3A_31 : vector<1x1x768xf32> to vector<768xf32>
    %select_n3A = arith.select %eq3A, %add3A_30, %squeeze3A_32 : vector<768xf32>
    %slice3A_33 = vector.extract_strided_slice %get3A_2 {offsets = [0, 1, 0], sizes = [1, 1, 768], strides = [1, 1, 1]} : vector<32x2x768xf32> to vector<1x1x768xf32>
    %squeeze3A_34 = vector.shape_cast %slice3A_33 : vector<1x1x768xf32> to vector<768xf32>
    %select_n3A_35 = arith.select %eq3A, %add3A_30, %squeeze3A_34 : vector<768xf32>
    %swap3A_36 = arith.constant 0 : index
    %swap3A_37 = arith.index_cast %get3A_22 : i32 to index
    %swap3A_38 = arith.constant 0 : index
    %swap3A_39 = vector.load %arg6[%swap3A_36, %swap3A_37, %swap3A_38] : memref<32x64x768xf32, #tpu.memory_space<vmem>>, vector<1x1x768xf32>
    %swap3A_40 = vector.shape_cast %swap3A_39 : vector<1x1x768xf32> to vector<768xf32>
    %swap3A_41 = vector.shape_cast %select_n3A : vector<768xf32> to vector<1x1x768xf32>
    tpu.vector_store %arg6[%swap3A_36, %swap3A_37, %swap3A_38], %swap3A_41 {strides = array<i32>} : memref<32x64x768xf32, #tpu.memory_space<vmem>>, vector<1x1x768xf32>,
    %swap3A_42 = arith.constant 0 : index
    %swap3A_43 = arith.index_cast %get3A_25 : i32 to index
    %swap3A_44 = arith.constant 0 : index
    %swap3A_45 = vector.load %arg6[%swap3A_42, %swap3A_43, %swap3A_44] : memref<32x64x768xf32, #tpu.memory_space<vmem>>, vector<1x1x768xf32>
    %swap3A_46 = vector.shape_cast %swap3A_45 : vector<1x1x768xf32> to vector<768xf32>
    %swap3A_47 = vector.shape_cast %select_n3A_35 : vector<768xf32> to vector<1x1x768xf32>
    tpu.vector_store %arg6[%swap3A_42, %swap3A_43, %swap3A_44], %swap3A_47 {strides = array<i32>} : memref<32x64x768xf32, #tpu.memory_space<vmem>>, vector<1x1x768xf32>,
    %get3A_48 = arith.constant 1 : index
    %get3A_49 = arith.constant 0 : index
    %get3A_50 = memref.load %arg3[%get3A_48, %get3A_49] : memref<32x2xi32, #tpu.memory_space<smem>>
    %get3A_51 = arith.constant 1 : index
    %get3A_52 = arith.constant 1 : index
    %get3A_53 = memref.load %arg3[%get3A_51, %get3A_52] : memref<32x2xi32, #tpu.memory_space<smem>>
    %eq3A_54 = arith.cmpi eq, %get3A_50, %get3A_53 : i32
    %slice3A_55 = vector.extract_strided_slice %get3A_2 {offsets = [1, 0, 0], sizes = [1, 1, 768], strides = [1, 1, 1]} : vector<32x2x768xf32> to vector<1x1x768xf32>
    %squeeze3A_56 = vector.shape_cast %slice3A_55 : vector<1x1x768xf32> to vector<768xf32>
    %slice3A_57 = vector.extract_strided_slice %get3A_2 {offsets = [1, 1, 0], sizes = [1, 1, 768], strides = [1, 1, 1]} : vector<32x2x768xf32> to vector<1x1x768xf32>
    %squeeze3A_58 = vector.shape_cast %slice3A_57 : vector<1x1x768xf32> to vector<768xf32>
    %add3A_59 = arith.addf %squeeze3A_56, %squeeze3A_58 : vector<768xf32>
    %slice3A_60 = vector.extract_strided_slice %get3A_2 {offsets = [1, 0, 0], sizes = [1, 1, 768], strides = [1, 1, 1]} : vector<32x2x768xf32> to vector<1x1x768xf32>
    %squeeze3A_61 = vector.shape_cast %slice3A_60 : vector<1x1x768xf32> to vector<768xf32>
    %select_n3A_62 = arith.select %eq3A_54, %add3A_59, %squeeze3A_61 : vector<768xf32>
    %slice3A_63 = vector.extract_strided_slice %get3A_2 {offsets = [1, 1, 0], sizes = [1, 1, 768], strides = [1, 1, 1]} : vector<32x2x768xf32> to vector<1x1x768xf32>
    %squeeze3A_64 = vector.shape_cast %slice3A_63 : vector<1x1x768xf32> to vector<768xf32>
    %select_n3A_65 = arith.select %eq3A_54, %add3A_59, %squeeze3A_64 : vector<768xf32>
    %swap3A_66 = arith.constant 1 : index
    %swap3A_67 = arith.index_cast %get3A_50 : i32 to index
    %swap3A_68 = arith.constant 0 : index
    %swap3A_69 = vector.load %arg6[%swap3A_66, %swap3A_67, %swap3A_68] : memref<32x64x768xf32, #tpu.memory_space<vmem>>, vector<1x1x768xf32>
    %swap3A_70 = vector.shape_cast %swap3A_69 : vector<1x1x768xf32> to vector<768xf32>
    %swap3A_71 = vector.shape_cast %select_n3A_62 : vector<768xf32> to vector<1x1x768xf32>
    tpu.vector_store %arg6[%swap3A_66, %swap3A_67, %swap3A_68], %swap3A_71 {strides = array<i32>} : memref<32x64x768xf32, #tpu.memory_space<vmem>>, vector<1x1x768xf32>,
    %swap3A_72 = arith.constant 1 : index
    %swap3A_73 = arith.index_cast %get3A_53 : i32 to index
    %swap3A_74 = arith.constant 0 : index
    %swap3A_75 = vector.load %arg6[%swap3A_72, %swap3A_73, %swap3A_74] : memref<32x64x768xf32, #tpu.memory_space<vmem>>, vector<1x1x768xf32>
    %swap3A_76 = vector.shape_cast %swap3A_75 : vector<1x1x768xf32> to vector<768xf32>
    %swap3A_77 = vector.shape_cast %select_n3A_65 : vector<768xf32> to vector<1x1x768xf32>
    tpu.vector_store %arg6[%swap3A_72, %swap3A_73, %swap3A_74], %swap3A_77 {strides = array<i32>} : memref<32x64x768xf32, #tpu.memory_space<vmem>>, vector<1x1x768xf32>,
    %get3A_78 = arith.constant 2 : index
    %get3A_79 = arith.constant 0 : index
    %get3A_80 = memref.load %arg3[%get3A_78, %get3A_79] : memref<32x2xi32, #tpu.memory_space<smem>>
    %get3A_81 = arith.constant 2 : index
    %get3A_82 = arith.constant 1 : index
    %get3A_83 = memref.load %arg3[%get3A_81, %get3A_82] : memref<32x2xi32, #tpu.memory_space<smem>>
    %eq3A_84 = arith.cmpi eq, %get3A_80, %get3A_83 : i32
    %slice3A_85 = vector.extract_strided_slice %get3A_2 {offsets = [2, 0, 0], sizes = [1, 1, 768], strides = [1, 1, 1]} : vector<32x2x768xf32> to vector<1x1x768xf32>
    %squeeze3A_86 = vector.shape_cast %slice3A_85 : vector<1x1x768xf32> to vector<768xf32>
    %slice3A_87 = vector.extract_strided_slice %get3A_2 {offsets = [2, 1, 0], sizes = [1, 1, 768], strides = [1, 1, 1]} : vector<32x2x768xf32> to vector<1x1x768xf32>
    %squeeze3A_88 = vector.shape_cast %slice3A_87 : vector<1x1x768xf32> to vector<768xf32>
    %add3A_89 = arith.addf %squeeze3A_86, %squeeze3A_88 : vector<768xf32>
    %slice3A_90 = vector.extract_strided_slice %get3A_2 {offsets = [2, 0, 0], sizes = [1, 1, 768], strides = [1, 1, 1]} : vector<32x2x768xf32> to vector<1x1x768xf32>
    %squeeze3A_91 = vector.shape_cast %slice3A_90 : vector<1x1x768xf32> to vector<768xf32>
    %select_n3A_92 = arith.select %eq3A_84, %add3A_89, %squeeze3A_91 : vector<768xf32>
    %slice3A_93 = vector.extract_strided_slice %get3A_2 {offsets = [2, 1, 0], sizes = [1, 1, 768], strides = [1, 1, 1]} : vector<32x2x768xf32> to vector<1x1x768xf32>
    %squeeze3A_94 = vector.shape_cast %slice3A_93 : vector<1x1x768xf32> to vector<768xf32>
    %select_n3A_95 = arith.select %eq3A_84, %add3A_89, %squeeze3A_94 : vector<768xf32>
    %swap3A_96 = arith.constant 2 : index
    %swap3A_97 = arith.index_cast %get3A_80 : i32 to index
    %swap3A_98 = arith.constant 0 : index
    %swap3A_99 = vector.load %arg6[%swap3A_96, %swap3A_97, %swap3A_98] : memref<32x64x768xf32, #tpu.memory_space<vmem>>, vector<1x1x768xf32>
    %swap3A_100 = vector.shape_cast %swap3A_99 : vector<1x1x768xf32> to vector<768xf32>
    %swap3A_101 = vector.shape_cast %select_n3A_92 : vector<768xf32> to vector<1x1x768xf32>
    tpu.vector_store %arg6[%swap3A_96, %swap3A_97, %swap3A_98], %swap3A_101 {strides = array<i32>} : memref<32x64x768xf32, #tpu.memory_space<vmem>>, vector<1x1x768xf32>,
    %swap3A_102 = arith.constant 2 : index
    %swap3A_103 = arith.index_cast %get3A_83 : i32 to index
    %swap3A_104 = arith.constant 0 : index
    %swap3A_105 = vector.load %arg6[%swap3A_102, %swap3A_103, %swap3A_104] : memref<32x64x768xf32, #tpu.memory_space<vmem>>, vector<1x1x768xf32>
    %swap3A_106 = vector.shape_cast %swap3A_105 : vector<1x1x768xf32> to vector<768xf32>
    %swap3A_107 = vector.shape_cast %select_n3A_95 : vector<768xf32> to vector<1x1x768xf32>
    tpu.vector_store %arg6[%swap3A_102, %swap3A_103, %swap3A_104], %swap3A_107 {strides = array<i32>} : memref<32x64x768xf32, #tpu.memory_space<vmem>>, vector<1x1x768xf32>,
    %get3A_108 = arith.constant 3 : index
    %get3A_109 = arith.constant 0 : index
    %get3A_110 = memref.load %arg3[%get3A_108, %get3A_109] : memref<32x2xi32, #tpu.memory_space<smem>>
    %get3A_111 = arith.constant 3 : index
    %get3A_112 = arith.constant 1 : index
    %get3A_113 = memref.load %arg3[%get3A_111, %get3A_112] : memref<32x2xi32, #tpu.memory_space<smem>>
    %eq3A_114 = arith.cmpi eq, %get3A_110, %get3A_113 : i32
    %slice3A_115 = vector.extract_strided_slice %get3A_2 {offsets = [3, 0, 0], sizes = [1, 1, 768], strides = [1, 1, 1]} : vector<32x2x768xf32> to vector<1x1x768xf32>
    %squeeze3A_116 = vector.shape_cast %slice3A_115 : vector<1x1x768xf32> to vector<768xf32>
    %slice3A_117 = vector.extract_strided_slice %get3A_2 {offsets = [3, 1, 0], sizes = [1, 1, 768], strides = [1, 1, 1]} : vector<32x2x768xf32> to vector<1x1x768xf32>
    %squeeze3A_118 = vector.shape_cast %slice3A_117 : vector<1x1x768xf32> to vector<768xf32>
    %add3A_119 = arith.addf %squeeze3A_116, %squeeze3A_118 : vector<768xf32>
    %slice3A_120 = vector.extract_strided_slice %get3A_2 {offsets = [3, 0, 0], sizes = [1, 1, 768], strides = [1, 1, 1]} : vector<32x2x768xf32> to vector<1x1x768xf32>
    %squeeze3A_121 = vector.shape_cast %slice3A_120 : vector<1x1x768xf32> to vector<768xf32>
    %select_n3A_122 = arith.select %eq3A_114, %add3A_119, %squeeze3A_121 : vector<768xf32>
    %slice3A_123 = vector.extract_strided_slice %get3A_2 {offsets = [3, 1, 0], sizes = [1, 1, 768], strides = [1, 1, 1]} : vector<32x2x768xf32> to vector<1x1x768xf32>
    %squeeze3A_124 = vector.shape_cast %slice3A_123 : vector<1x1x768xf32> to vector<768xf32>
    %select_n3A_125 = arith.select %eq3A_114, %add3A_119, %squeeze3A_124 : vector<768xf32>
    %swap3A_126 = arith.constant 3 : index
    %swap3A_127 = arith.index_cast %get3A_110 : i32 to index
    %swap3A_128 = arith.constant 0 : index
    %swap3A_129 = vector.load %arg6[%swap3A_126, %swap3A_127, %swap3A_128] : memref<32x64x768xf32, #tpu.memory_space<vmem>>, vector<1x1x768xf32>
    %swap3A_130 = vector.shape_cast %swap3A_129 : vector<1x1x768xf32> to vector<768xf32>
    %swap3A_131 = vector.shape_cast %select_n3A_122 : vector<768xf32> to vector<1x1x768xf32>
    tpu.vector_store %arg6[%swap3A_126, %swap3A_127, %swap3A_128], %swap3A_131 {strides = array<i32>} : memref<32x64x768xf32, #tpu.memory_space<vmem>>, vector<1x1x768xf32>,
    %swap3A_132 = arith.constant 3 : index
    %swap3A_133 = arith.index_cast %get3A_113 : i32 to index
    %swap3A_134 = arith.constant 0 : index
    %swap3A_135 = vector.load %arg6[%swap3A_132, %swap3A_133, %swap3A_134] : memref<32x64x768xf32, #tpu.memory_space<vmem>>, vector<1x1x768xf32>
    %swap3A_136 = vector.shape_cast %swap3A_135 : vector<1x1x768xf32> to vector<768xf32>
    %swap3A_137 = vector.shape_cast %select_n3A_125 : vector<768xf32> to vector<1x1x768xf32>
    tpu.vector_store %arg6[%swap3A_132, %swap3A_133, %swap3A_134], %swap3A_137 {strides = array<i32>} : memref<32x64x768xf32, #tpu.memory_space<vmem>>, vector<1x1x768xf32>,
    %get3A_138 = arith.constant 4 : index
    %get3A_139 = arith.constant 0 : index
    %get3A_140 = memref.load %arg3[%get3A_138, %get3A_139] : memref<32x2xi32, #tpu.memory_space<smem>>
    %get3A_141 = arith.constant 4 : index
    %get3A_142 = arith.constant 1 : index
    %get3A_143 = memref.load %arg3[%get3A_141, %get3A_142] : memref<32x2xi32, #tpu.memory_space<smem>>
    %eq3A_144 = arith.cmpi eq, %get3A_140, %get3A_143 : i32
    %slice3A_145 = vector.extract_strided_slice %get3A_2 {offsets = [4, 0, 0], sizes = [1, 1, 768], strides = [1, 1, 1]} : vector<32x2x768xf32> to vector<1x1x768xf32>
    %squeeze3A_146 = vector.shape_cast %slice3A_145 : vector<1x1x768xf32> to vector<768xf32>
    %slice3A_147 = vector.extract_strided_slice %get3A_2 {offsets = [4, 1, 0], sizes = [1, 1, 768], strides = [1, 1, 1]} : vector<32x2x768xf32> to vector<1x1x768xf32>
    %squeeze3A_148 = vector.shape_cast %slice3A_147 : vector<1x1x768xf32> to vector<768xf32>
    %add3A_149 = arith.addf %squeeze3A_146, %squeeze3A_148 : vector<768xf32>
    %slice3A_150 = vector.extract_strided_slice %get3A_2 {offsets = [4, 0, 0], sizes = [1, 1, 768], strides = [1, 1, 1]} : vector<32x2x768xf32> to vector<1x1x768xf32>
    %squeeze3A_151 = vector.shape_cast %slice3A_150 : vector<1x1x768xf32> to vector<768xf32>
    %select_n3A_152 = arith.select %eq3A_144, %add3A_149, %squeeze3A_151 : vector<768xf32>
    %slice3A_153 = vector.extract_strided_slice %get3A_2 {offsets = [4, 1, 0], sizes = [1, 1, 768], strides = [1, 1, 1]} : vector<32x2x768xf32> to vector<1x1x768xf32>
    %squeeze3A_154 = vector.shape_cast %slice3A_153 : vector<1x1x768xf32> to vector<768xf32>
    %select_n3A_155 = arith.select %eq3A_144, %add3A_149, %squeeze3A_154 : vector<768xf32>
    %swap3A_156 = arith.constant 4 : index
    %swap3A_157 = arith.index_cast %get3A_140 : i32 to index
    %swap3A_158 = arith.constant 0 : index
    %swap3A_159 = vector.load %arg6[%swap3A_156, %swap3A_157, %swap3A_158] : memref<32x64x768xf32, #tpu.memory_space<vmem>>, vector<1x1x768xf32>
    %swap3A_160 = vector.shape_cast %swap3A_159 : vector<1x1x768xf32> to vector<768xf32>
    %swap3A_161 = vector.shape_cast %select_n3A_152 : vector<768xf32> to vector<1x1x768xf32>
    tpu.vector_store %arg6[%swap3A_156, %swap3A_157, %swap3A_158], %swap3A_161 {strides = array<i32>} : memref<32x64x768xf32, #tpu.memory_space<vmem>>, vector<1x1x768xf32>,
    %swap3A_162 = arith.constant 4 : index
    %swap3A_163 = arith.index_cast %get3A_143 : i32 to index
    %swap3A_164 = arith.constant 0 : index
    %swap3A_165 = vector.load %arg6[%swap3A_162, %swap3A_163, %swap3A_164] : memref<32x64x768xf32, #tpu.memory_space<vmem>>, vector<1x1x768xf32>
    %swap3A_166 = vector.shape_cast %swap3A_165 : vector<1x1x768xf32> to vector<768xf32>
    %swap3A_167 = vector.shape_cast %select_n3A_155 : vector<768xf32> to vector<1x1x768xf32>
    tpu.vector_store %arg6[%swap3A_162, %swap3A_163, %swap3A_164], %swap3A_167 {strides = array<i32>} : memref<32x64x768xf32, #tpu.memory_space<vmem>>, vector<1x1x768xf32>,
    %get3A_168 = arith.constant 5 : index
    %get3A_169 = arith.constant 0 : index
    %get3A_170 = memref.load %arg3[%get3A_168, %get3A_169] : memref<32x2xi32, #tpu.memory_space<smem>>
    %get3A_171 = arith.constant 5 : index
    %get3A_172 = arith.constant 1 : index
    %get3A_173 = memref.load %arg3[%get3A_171, %get3A_172] : memref<32x2xi32, #tpu.memory_space<smem>>
    %eq3A_174 = arith.cmpi eq, %get3A_170, %get3A_173 : i32
    %slice3A_175 = vector.extract_strided_slice %get3A_2 {offsets = [5, 0, 0], sizes = [1, 1, 768], strides = [1, 1, 1]} : vector<32x2x768xf32> to vector<1x1x768xf32>
    %squeeze3A_176 = vector.shape_cast %slice3A_175 : vector<1x1x768xf32> to vector<768xf32>
    %slice3A_177 = vector.extract_strided_slice %get3A_2 {offsets = [5, 1, 0], sizes = [1, 1, 768], strides = [1, 1, 1]} : vector<32x2x768xf32> to vector<1x1x768xf32>
    %squeeze3A_178 = vector.shape_cast %slice3A_177 : vector<1x1x768xf32> to vector<768xf32>
    %add3A_179 = arith.addf %squeeze3A_176, %squeeze3A_178 : vector<768xf32>
    %slice3A_180 = vector.extract_strided_slice %get3A_2 {offsets = [5, 0, 0], sizes = [1, 1, 768], strides = [1, 1, 1]} : vector<32x2x768xf32> to vector<1x1x768xf32>
    %squeeze3A_181 = vector.shape_cast %slice3A_180 : vector<1x1x768xf32> to vector<768xf32>
    %select_n3A_182 = arith.select %eq3A_174, %add3A_179, %squeeze3A_181 : vector<768xf32>
    %slice3A_183 = vector.extract_strided_slice %get3A_2 {offsets = [5, 1, 0], sizes = [1, 1, 768], strides = [1, 1, 1]} : vector<32x2x768xf32> to vector<1x1x768xf32>
    %squeeze3A_184 = vector.shape_cast %slice3A_183 : vector<1x1x768xf32> to vector<768xf32>
    %select_n3A_185 = arith.select %eq3A_174, %add3A_179, %squeeze3A_184 : vector<768xf32>
    %swap3A_186 = arith.constant 5 : index
    %swap3A_187 = arith.index_cast %get3A_170 : i32 to index
    %swap3A_188 = arith.constant 0 : index
    %swap3A_189 = vector.load %arg6[%swap3A_186, %swap3A_187, %swap3A_188] : memref<32x64x768xf32, #tpu.memory_space<vmem>>, vector<1x1x768xf32>
    %swap3A_190 = vector.shape_cast %swap3A_189 : vector<1x1x768xf32> to vector<768xf32>
    %swap3A_191 = vector.shape_cast %select_n3A_182 : vector<768xf32> to vector<1x1x768xf32>
    tpu.vector_store %arg6[%swap3A_186, %swap3A_187, %swap3A_188], %swap3A_191 {strides = array<i32>} : memref<32x64x768xf32, #tpu.memory_space<vmem>>, vector<1x1x768xf32>,
    %swap3A_192 = arith.constant 5 : index
    %swap3A_193 = arith.index_cast %get3A_173 : i32 to index
    %swap3A_194 = arith.constant 0 : index
    %swap3A_195 = vector.load %arg6[%swap3A_192, %swap3A_193, %swap3A_194] : memref<32x64x768xf32, #tpu.memory_space<vmem>>, vector<1x1x768xf32>
    %swap3A_196 = vector.shape_cast %swap3A_195 : vector<1x1x768xf32> to vector<768xf32>
    %swap3A_197 = vector.shape_cast %select_n3A_185 : vector<768xf32> to vector<1x1x768xf32>
    tpu.vector_store %arg6[%swap3A_192, %swap3A_193, %swap3A_194], %swap3A_197 {strides = array<i32>} : memref<32x64x768xf32, #tpu.memory_space<vmem>>, vector<1x1x768xf32>,
    %get3A_198 = arith.constant 6 : index
    %get3A_199 = arith.constant 0 : index
    %get3A_200 = memref.load %arg3[%get3A_198, %get3A_199] : memref<32x2xi32, #tpu.memory_space<smem>>
    %get3A_201 = arith.constant 6 : index
    %get3A_202 = arith.constant 1 : index
    %get3A_203 = memref.load %arg3[%get3A_201, %get3A_202] : memref<32x2xi32, #tpu.memory_space<smem>>
    %eq3A_204 = arith.cmpi eq, %get3A_200, %get3A_203 : i32
    %slice3A_205 = vector.extract_strided_slice %get3A_2 {offsets = [6, 0, 0], sizes = [1, 1, 768], strides = [1, 1, 1]} : vector<32x2x768xf32> to vector<1x1x768xf32>
    %squeeze3A_206 = vector.shape_cast %slice3A_205 : vector<1x1x768xf32> to vector<768xf32>
    %slice3A_207 = vector.extract_strided_slice %get3A_2 {offsets = [6, 1, 0], sizes = [1, 1, 768], strides = [1, 1, 1]} : vector<32x2x768xf32> to vector<1x1x768xf32>
    %squeeze3A_208 = vector.shape_cast %slice3A_207 : vector<1x1x768xf32> to vector<768xf32>
    %add3A_209 = arith.addf %squeeze3A_206, %squeeze3A_208 : vector<768xf32>
    %slice3A_210 = vector.extract_strided_slice %get3A_2 {offsets = [6, 0, 0], sizes = [1, 1, 768], strides = [1, 1, 1]} : vector<32x2x768xf32> to vector<1x1x768xf32>
    %squeeze3A_211 = vector.shape_cast %slice3A_210 : vector<1x1x768xf32> to vector<768xf32>
    %select_n3A_212 = arith.select %eq3A_204, %add3A_209, %squeeze3A_211 : vector<768xf32>
    %slice3A_213 = vector.extract_strided_slice %get3A_2 {offsets = [6, 1, 0], sizes = [1, 1, 768], strides = [1, 1, 1]} : vector<32x2x768xf32> to vector<1x1x768xf32>
    %squeeze3A_214 = vector.shape_cast %slice3A_213 : vector<1x1x768xf32> to vector<768xf32>
    %select_n3A_215 = arith.select %eq3A_204, %add3A_209, %squeeze3A_214 : vector<768xf32>
    %swap3A_216 = arith.constant 6 : index
    %swap3A_217 = arith.index_cast %get3A_200 : i32 to index
    %swap3A_218 = arith.constant 0 : index
    %swap3A_219 = vector.load %arg6[%swap3A_216, %swap3A_217, %swap3A_218] : memref<32x64x768xf32, #tpu.memory_space<vmem>>, vector<1x1x768xf32>
    %swap3A_220 = vector.shape_cast %swap3A_219 : vector<1x1x768xf32> to vector<768xf32>
    %swap3A_221 = vector.shape_cast %select_n3A_212 : vector<768xf32> to vector<1x1x768xf32>
    tpu.vector_store %arg6[%swap3A_216, %swap3A_217, %swap3A_218], %swap3A_221 {strides = array<i32>} : memref<32x64x768xf32, #tpu.memory_space<vmem>>, vector<1x1x768xf32>,
    %swap3A_222 = arith.constant 6 : index
    %swap3A_223 = arith.index_cast %get3A_203 : i32 to index
    %swap3A_224 = arith.constant 0 : index
    %swap3A_225 = vector.load %arg6[%swap3A_222, %swap3A_223, %swap3A_224] : memref<32x64x768xf32, #tpu.memory_space<vmem>>, vector<1x1x768xf32>
    %swap3A_226 = vector.shape_cast %swap3A_225 : vector<1x1x768xf32> to vector<768xf32>
    %swap3A_227 = vector.shape_cast %select_n3A_215 : vector<768xf32> to vector<1x1x768xf32>
    tpu.vector_store %arg6[%swap3A_222, %swap3A_223, %swap3A_224], %swap3A_227 {strides = array<i32>} : memref<32x64x768xf32, #tpu.memory_space<vmem>>, vector<1x1x768xf32>,
    %get3A_228 = arith.constant 7 : index
    %get3A_229 = arith.constant 0 : index
    %get3A_230 = memref.load %arg3[%get3A_228, %get3A_229] : memref<32x2xi32, #tpu.memory_space<smem>>
    %get3A_231 = arith.constant 7 : index
    %get3A_232 = arith.constant 1 : index
    %get3A_233 = memref.load %arg3[%get3A_231, %get3A_232] : memref<32x2xi32, #tpu.memory_space<smem>>
    %eq3A_234 = arith.cmpi eq, %get3A_230, %get3A_233 : i32
    %slice3A_235 = vector.extract_strided_slice %get3A_2 {offsets = [7, 0, 0], sizes = [1, 1, 768], strides = [1, 1, 1]} : vector<32x2x768xf32> to vector<1x1x768xf32>
    %squeeze3A_236 = vector.shape_cast %slice3A_235 : vector<1x1x768xf32> to vector<768xf32>
    %slice3A_237 = vector.extract_strided_slice %get3A_2 {offsets = [7, 1, 0], sizes = [1, 1, 768], strides = [1, 1, 1]} : vector<32x2x768xf32> to vector<1x1x768xf32>
    %squeeze3A_238 = vector.shape_cast %slice3A_237 : vector<1x1x768xf32> to vector<768xf32>
    %add3A_239 = arith.addf %squeeze3A_236, %squeeze3A_238 : vector<768xf32>
    %slice3A_240 = vector.extract_strided_slice %get3A_2 {offsets = [7, 0, 0], sizes = [1, 1, 768], strides = [1, 1, 1]} : vector<32x2x768xf32> to vector<1x1x768xf32>
    %squeeze3A_241 = vector.shape_cast %slice3A_240 : vector<1x1x768xf32> to vector<768xf32>
    %select_n3A_242 = arith.select %eq3A_234, %add3A_239, %squeeze3A_241 : vector<768xf32>
    %slice3A_243 = vector.extract_strided_slice %get3A_2 {offsets = [7, 1, 0], sizes = [1, 1, 768], strides = [1, 1, 1]} : vector<32x2x768xf32> to vector<1x1x768xf32>
    %squeeze3A_244 = vector.shape_cast %slice3A_243 : vector<1x1x768xf32> to vector<768xf32>
    %select_n3A_245 = arith.select %eq3A_234, %add3A_239, %squeeze3A_244 : vector<768xf32>
    %swap3A_246 = arith.constant 7 : index
    %swap3A_247 = arith.index_cast %get3A_230 : i32 to index
    %swap3A_248 = arith.constant 0 : index
    %swap3A_249 = vector.load %arg6[%swap3A_246, %swap3A_247, %swap3A_248] : memref<32x64x768xf32, #tpu.memory_space<vmem>>, vector<1x1x768xf32>
    %swap3A_250 = vector.shape_cast %swap3A_249 : vector<1x1x768xf32> to vector<768xf32>
    %swap3A_251 = vector.shape_cast %select_n3A_242 : vector<768xf32> to vector<1x1x768xf32>
    tpu.vector_store %arg6[%swap3A_246, %swap3A_247, %swap3A_248], %swap3A_251 {strides = array<i32>} : memref<32x64x768xf32, #tpu.memory_space<vmem>>, vector<1x1x768xf32>,
    %swap3A_252 = arith.constant 7 : index
    %swap3A_253 = arith.index_cast %get3A_233 : i32 to index
    %swap3A_254 = arith.constant 0 : index
    %swap3A_255 = vector.load %arg6[%swap3A_252, %swap3A_253, %swap3A_254] : memref<32x64x768xf32, #tpu.memory_space<vmem>>, vector<1x1x768xf32>
    %swap3A_256 = vector.shape_cast %swap3A_255 : vector<1x1x768xf32> to vector<768xf32>
    %swap3A_257 = vector.shape_cast %select_n3A_245 : vector<768xf32> to vector<1x1x768xf32>
    tpu.vector_store %arg6[%swap3A_252, %swap3A_253, %swap3A_254], %swap3A_257 {strides = array<i32>} : memref<32x64x768xf32, #tpu.memory_space<vmem>>, vector<1x1x768xf32>,
    %get3A_258 = arith.constant 8 : index
    %get3A_259 = arith.constant 0 : index
    %get3A_260 = memref.load %arg3[%get3A_258, %get3A_259] : memref<32x2xi32, #tpu.memory_space<smem>>
    %get3A_261 = arith.constant 8 : index
    %get3A_262 = arith.constant 1 : index
    %get3A_263 = memref.load %arg3[%get3A_261, %get3A_262] : memref<32x2xi32, #tpu.memory_space<smem>>
    %eq3A_264 = arith.cmpi eq, %get3A_260, %get3A_263 : i32
    %slice3A_265 = vector.extract_strided_slice %get3A_2 {offsets = [8, 0, 0], sizes = [1, 1, 768], strides = [1, 1, 1]} : vector<32x2x768xf32> to vector<1x1x768xf32>
    %squeeze3A_266 = vector.shape_cast %slice3A_265 : vector<1x1x768xf32> to vector<768xf32>
    %slice3A_267 = vector.extract_strided_slice %get3A_2 {offsets = [8, 1, 0], sizes = [1, 1, 768], strides = [1, 1, 1]} : vector<32x2x768xf32> to vector<1x1x768xf32>
    %squeeze3A_268 = vector.shape_cast %slice3A_267 : vector<1x1x768xf32> to vector<768xf32>
    %add3A_269 = arith.addf %squeeze3A_266, %squeeze3A_268 : vector<768xf32>
    %slice3A_270 = vector.extract_strided_slice %get3A_2 {offsets = [8, 0, 0], sizes = [1, 1, 768], strides = [1, 1, 1]} : vector<32x2x768xf32> to vector<1x1x768xf32>
    %squeeze3A_271 = vector.shape_cast %slice3A_270 : vector<1x1x768xf32> to vector<768xf32>
    %select_n3A_272 = arith.select %eq3A_264, %add3A_269, %squeeze3A_271 : vector<768xf32>
    %slice3A_273 = vector.extract_strided_slice %get3A_2 {offsets = [8, 1, 0], sizes = [1, 1, 768], strides = [1, 1, 1]} : vector<32x2x768xf32> to vector<1x1x768xf32>
    %squeeze3A_274 = vector.shape_cast %slice3A_273 : vector<1x1x768xf32> to vector<768xf32>
    %select_n3A_275 = arith.select %eq3A_264, %add3A_269, %squeeze3A_274 : vector<768xf32>
    %swap3A_276 = arith.constant 8 : index
    %swap3A_277 = arith.index_cast %get3A_260 : i32 to index
    %swap3A_278 = arith.constant 0 : index
    %swap3A_279 = vector.load %arg6[%swap3A_276, %swap3A_277, %swap3A_278] : memref<32x64x768xf32, #tpu.memory_space<vmem>>, vector<1x1x768xf32>
    %swap3A_280 = vector.shape_cast %swap3A_279 : vector<1x1x768xf32> to vector<768xf32>
    %swap3A_281 = vector.shape_cast %select_n3A_272 : vector<768xf32> to vector<1x1x768xf32>
    tpu.vector_store %arg6[%swap3A_276, %swap3A_277, %swap3A_278], %swap3A_281 {strides = array<i32>} : memref<32x64x768xf32, #tpu.memory_space<vmem>>, vector<1x1x768xf32>,
    %swap3A_282 = arith.constant 8 : index
    %swap3A_283 = arith.index_cast %get3A_263 : i32 to index
    %swap3A_284 = arith.constant 0 : index
    %swap3A_285 = vector.load %arg6[%swap3A_282, %swap3A_283, %swap3A_284] : memref<32x64x768xf32, #tpu.memory_space<vmem>>, vector<1x1x768xf32>
    %swap3A_286 = vector.shape_cast %swap3A_285 : vector<1x1x768xf32> to vector<768xf32>
    %swap3A_287 = vector.shape_cast %select_n3A_275 : vector<768xf32> to vector<1x1x768xf32>
    tpu.vector_store %arg6[%swap3A_282, %swap3A_283, %swap3A_284], %swap3A_287 {strides = array<i32>} : memref<32x64x768xf32, #tpu.memory_space<vmem>>, vector<1x1x768xf32>,
    %get3A_288 = arith.constant 9 : index
    %get3A_289 = arith.constant 0 : index
    %get3A_290 = memref.load %arg3[%get3A_288, %get3A_289] : memref<32x2xi32, #tpu.memory_space<smem>>
    %get3A_291 = arith.constant 9 : index
    %get3A_292 = arith.constant 1 : index
    %get3A_293 = memref.load %arg3[%get3A_291, %get3A_292] : memref<32x2xi32, #tpu.memory_space<smem>>
    %eq3A_294 = arith.cmpi eq, %get3A_290, %get3A_293 : i32
    %slice3A_295 = vector.extract_strided_slice %get3A_2 {offsets = [9, 0, 0], sizes = [1, 1, 768], strides = [1, 1, 1]} : vector<32x2x768xf32> to vector<1x1x768xf32>
    %squeeze3A_296 = vector.shape_cast %slice3A_295 : vector<1x1x768xf32> to vector<768xf32>
    %slice3A_297 = vector.extract_strided_slice %get3A_2 {offsets = [9, 1, 0], sizes = [1, 1, 768], strides = [1, 1, 1]} : vector<32x2x768xf32> to vector<1x1x768xf32>
    %squeeze3A_298 = vector.shape_cast %slice3A_297 : vector<1x1x768xf32> to vector<768xf32>
    %add3A_299 = arith.addf %squeeze3A_296, %squeeze3A_298 : vector<768xf32>
    %slice3A_300 = vector.extract_strided_slice %get3A_2 {offsets = [9, 0, 0], sizes = [1, 1, 768], strides = [1, 1, 1]} : vector<32x2x768xf32> to vector<1x1x768xf32>
    %squeeze3A_301 = vector.shape_cast %slice3A_300 : vector<1x1x768xf32> to vector<768xf32>
    %select_n3A_302 = arith.select %eq3A_294, %add3A_299, %squeeze3A_301 : vector<768xf32>
    %slice3A_303 = vector.extract_strided_slice %get3A_2 {offsets = [9, 1, 0], sizes = [1, 1, 768], strides = [1, 1, 1]} : vector<32x2x768xf32> to vector<1x1x768xf32>
    %squeeze3A_304 = vector.shape_cast %slice3A_303 : vector<1x1x768xf32> to vector<768xf32>
    %select_n3A_305 = arith.select %eq3A_294, %add3A_299, %squeeze3A_304 : vector<768xf32>
    %swap3A_306 = arith.constant 9 : index
    %swap3A_307 = arith.index_cast %get3A_290 : i32 to index
    %swap3A_308 = arith.constant 0 : index
    %swap3A_309 = vector.load %arg6[%swap3A_306, %swap3A_307, %swap3A_308] : memref<32x64x768xf32, #tpu.memory_space<vmem>>, vector<1x1x768xf32>
    %swap3A_310 = vector.shape_cast %swap3A_309 : vector<1x1x768xf32> to vector<768xf32>
    %swap3A_311 = vector.shape_cast %select_n3A_302 : vector<768xf32> to vector<1x1x768xf32>
    tpu.vector_store %arg6[%swap3A_306, %swap3A_307, %swap3A_308], %swap3A_311 {strides = array<i32>} : memref<32x64x768xf32, #tpu.memory_space<vmem>>, vector<1x1x768xf32>,
    %swap3A_312 = arith.constant 9 : index
    %swap3A_313 = arith.index_cast %get3A_293 : i32 to index
    %swap3A_314 = arith.constant 0 : index
    %swap3A_315 = vector.load %arg6[%swap3A_312, %swap3A_313, %swap3A_314] : memref<32x64x768xf32, #tpu.memory_space<vmem>>, vector<1x1x768xf32>
    %swap3A_316 = vector.shape_cast %swap3A_315 : vector<1x1x768xf32> to vector<768xf32>
    %swap3A_317 = vector.shape_cast %select_n3A_305 : vector<768xf32> to vector<1x1x768xf32>
    tpu.vector_store %arg6[%swap3A_312, %swap3A_313, %swap3A_314], %swap3A_317 {strides = array<i32>} : memref<32x64x768xf32, #tpu.memory_space<vmem>>, vector<1x1x768xf32>,
    %get3A_318 = arith.constant 10 : index
    %get3A_319 = arith.constant 0 : index
    %get3A_320 = memref.load %arg3[%get3A_318, %get3A_319] : memref<32x2xi32, #tpu.memory_space<smem>>
    %get3A_321 = arith.constant 10 : index
    %get3A_322 = arith.constant 1 : index
    %get3A_323 = memref.load %arg3[%get3A_321, %get3A_322] : memref<32x2xi32, #tpu.memory_space<smem>>
    %eq3A_324 = arith.cmpi eq, %get3A_320, %get3A_323 : i32
    %slice3A_325 = vector.extract_strided_slice %get3A_2 {offsets = [10, 0, 0], sizes = [1, 1, 768], strides = [1, 1, 1]} : vector<32x2x768xf32> to vector<1x1x768xf32>
    %squeeze3A_326 = vector.shape_cast %slice3A_325 : vector<1x1x768xf32> to vector<768xf32>
    %slice3A_327 = vector.extract_strided_slice %get3A_2 {offsets = [10, 1, 0], sizes = [1, 1, 768], strides = [1, 1, 1]} : vector<32x2x768xf32> to vector<1x1x768xf32>
    %squeeze3A_328 = vector.shape_cast %slice3A_327 : vector<1x1x768xf32> to vector<768xf32>
    %add3A_329 = arith.addf %squeeze3A_326, %squeeze3A_328 : vector<768xf32>
    %slice3A_330 = vector.extract_strided_slice %get3A_2 {offsets = [10, 0, 0], sizes = [1, 1, 768], strides = [1, 1, 1]} : vector<32x2x768xf32> to vector<1x1x768xf32>
    %squeeze3A_331 = vector.shape_cast %slice3A_330 : vector<1x1x768xf32> to vector<768xf32>
    %select_n3A_332 = arith.select %eq3A_324, %add3A_329, %squeeze3A_331 : vector<768xf32>
    %slice3A_333 = vector.extract_strided_slice %get3A_2 {offsets = [10, 1, 0], sizes = [1, 1, 768], strides = [1, 1, 1]} : vector<32x2x768xf32> to vector<1x1x768xf32>
    %squeeze3A_334 = vector.shape_cast %slice3A_333 : vector<1x1x768xf32> to vector<768xf32>
    %select_n3A_335 = arith.select %eq3A_324, %add3A_329, %squeeze3A_334 : vector<768xf32>
    %swap3A_336 = arith.constant 10 : index
    %swap3A_337 = arith.index_cast %get3A_320 : i32 to index
    %swap3A_338 = arith.constant 0 : index
    %swap3A_339 = vector.load %arg6[%swap3A_336, %swap3A_337, %swap3A_338] : memref<32x64x768xf32, #tpu.memory_space<vmem>>, vector<1x1x768xf32>
    %swap3A_340 = vector.shape_cast %swap3A_339 : vector<1x1x768xf32> to vector<768xf32>
    %swap3A_341 = vector.shape_cast %select_n3A_332 : vector<768xf32> to vector<1x1x768xf32>
    tpu.vector_store %arg6[%swap3A_336, %swap3A_337, %swap3A_338], %swap3A_341 {strides = array<i32>} : memref<32x64x768xf32, #tpu.memory_space<vmem>>, vector<1x1x768xf32>,
    %swap3A_342 = arith.constant 10 : index
    %swap3A_343 = arith.index_cast %get3A_323 : i32 to index
    %swap3A_344 = arith.constant 0 : index
    %swap3A_345 = vector.load %arg6[%swap3A_342, %swap3A_343, %swap3A_344] : memref<32x64x768xf32, #tpu.memory_space<vmem>>, vector<1x1x768xf32>
    %swap3A_346 = vector.shape_cast %swap3A_345 : vector<1x1x768xf32> to vector<768xf32>
    %swap3A_347 = vector.shape_cast %select_n3A_335 : vector<768xf32> to vector<1x1x768xf32>
    tpu.vector_store %arg6[%swap3A_342, %swap3A_343, %swap3A_344], %swap3A_347 {strides = array<i32>} : memref<32x64x768xf32, #tpu.memory_space<vmem>>, vector<1x1x768xf32>,
    %get3A_348 = arith.constant 11 : index
    %get3A_349 = arith.constant 0 : index
    %get3A_350 = memref.load %arg3[%get3A_348, %get3A_349] : memref<32x2xi32, #tpu.memory_space<smem>>
    %get3A_351 = arith.constant 11 : index
    %get3A_352 = arith.constant 1 : index
    %get3A_353 = memref.load %arg3[%get3A_351, %get3A_352] : memref<32x2xi32, #tpu.memory_space<smem>>
    %eq3A_354 = arith.cmpi eq, %get3A_350, %get3A_353 : i32
    %slice3A_355 = vector.extract_strided_slice %get3A_2 {offsets = [11, 0, 0], sizes = [1, 1, 768], strides = [1, 1, 1]} : vector<32x2x768xf32> to vector<1x1x768xf32>
    %squeeze3A_356 = vector.shape_cast %slice3A_355 : vector<1x1x768xf32> to vector<768xf32>
    %slice3A_357 = vector.extract_strided_slice %get3A_2 {offsets = [11, 1, 0], sizes = [1, 1, 768], strides = [1, 1, 1]} : vector<32x2x768xf32> to vector<1x1x768xf32>
    %squeeze3A_358 = vector.shape_cast %slice3A_357 : vector<1x1x768xf32> to vector<768xf32>
    %add3A_359 = arith.addf %squeeze3A_356, %squeeze3A_358 : vector<768xf32>
    %slice3A_360 = vector.extract_strided_slice %get3A_2 {offsets = [11, 0, 0], sizes = [1, 1, 768], strides = [1, 1, 1]} : vector<32x2x768xf32> to vector<1x1x768xf32>
    %squeeze3A_361 = vector.shape_cast %slice3A_360 : vector<1x1x768xf32> to vector<768xf32>
    %select_n3A_362 = arith.select %eq3A_354, %add3A_359, %squeeze3A_361 : vector<768xf32>
    %slice3A_363 = vector.extract_strided_slice %get3A_2 {offsets = [11, 1, 0], sizes = [1, 1, 768], strides = [1, 1, 1]} : vector<32x2x768xf32> to vector<1x1x768xf32>
    %squeeze3A_364 = vector.shape_cast %slice3A_363 : vector<1x1x768xf32> to vector<768xf32>
    %select_n3A_365 = arith.select %eq3A_354, %add3A_359, %squeeze3A_364 : vector<768xf32>
    %swap3A_366 = arith.constant 11 : index
    %swap3A_367 = arith.index_cast %get3A_350 : i32 to index
    %swap3A_368 = arith.constant 0 : index
    %swap3A_369 = vector.load %arg6[%swap3A_366, %swap3A_367, %swap3A_368] : memref<32x64x768xf32, #tpu.memory_space<vmem>>, vector<1x1x768xf32>
    %swap3A_370 = vector.shape_cast %swap3A_369 : vector<1x1x768xf32> to vector<768xf32>
    %swap3A_371 = vector.shape_cast %select_n3A_362 : vector<768xf32> to vector<1x1x768xf32>
    tpu.vector_store %arg6[%swap3A_366, %swap3A_367, %swap3A_368], %swap3A_371 {strides = array<i32>} : memref<32x64x768xf32, #tpu.memory_space<vmem>>, vector<1x1x768xf32>,
    %swap3A_372 = arith.constant 11 : index
    %swap3A_373 = arith.index_cast %get3A_353 : i32 to index
    %swap3A_374 = arith.constant 0 : index
    %swap3A_375 = vector.load %arg6[%swap3A_372, %swap3A_373, %swap3A_374] : memref<32x64x768xf32, #tpu.memory_space<vmem>>, vector<1x1x768xf32>
    %swap3A_376 = vector.shape_cast %swap3A_375 : vector<1x1x768xf32> to vector<768xf32>
    %swap3A_377 = vector.shape_cast %select_n3A_365 : vector<768xf32> to vector<1x1x768xf32>
    tpu.vector_store %arg6[%swap3A_372, %swap3A_373, %swap3A_374], %swap3A_377 {strides = array<i32>} : memref<32x64x768xf32, #tpu.memory_space<vmem>>, vector<1x1x768xf32>,
    %get3A_378 = arith.constant 12 : index
    %get3A_379 = arith.constant 0 : index
    %get3A_380 = memref.load %arg3[%get3A_378, %get3A_379] : memref<32x2xi32, #tpu.memory_space<smem>>
    %get3A_381 = arith.constant 12 : index
    %get3A_382 = arith.constant 1 : index
    %get3A_383 = memref.load %arg3[%get3A_381, %get3A_382] : memref<32x2xi32, #tpu.memory_space<smem>>
    %eq3A_384 = arith.cmpi eq, %get3A_380, %get3A_383 : i32
    %slice3A_385 = vector.extract_strided_slice %get3A_2 {offsets = [12, 0, 0], sizes = [1, 1, 768], strides = [1, 1, 1]} : vector<32x2x768xf32> to vector<1x1x768xf32>
    %squeeze3A_386 = vector.shape_cast %slice3A_385 : vector<1x1x768xf32> to vector<768xf32>
    %slice3A_387 = vector.extract_strided_slice %get3A_2 {offsets = [12, 1, 0], sizes = [1, 1, 768], strides = [1, 1, 1]} : vector<32x2x768xf32> to vector<1x1x768xf32>
    %squeeze3A_388 = vector.shape_cast %slice3A_387 : vector<1x1x768xf32> to vector<768xf32>
    %add3A_389 = arith.addf %squeeze3A_386, %squeeze3A_388 : vector<768xf32>
    %slice3A_390 = vector.extract_strided_slice %get3A_2 {offsets = [12, 0, 0], sizes = [1, 1, 768], strides = [1, 1, 1]} : vector<32x2x768xf32> to vector<1x1x768xf32>
    %squeeze3A_391 = vector.shape_cast %slice3A_390 : vector<1x1x768xf32> to vector<768xf32>
    %select_n3A_392 = arith.select %eq3A_384, %add3A_389, %squeeze3A_391 : vector<768xf32>
    %slice3A_393 = vector.extract_strided_slice %get3A_2 {offsets = [12, 1, 0], sizes = [1, 1, 768], strides = [1, 1, 1]} : vector<32x2x768xf32> to vector<1x1x768xf32>
    %squeeze3A_394 = vector.shape_cast %slice3A_393 : vector<1x1x768xf32> to vector<768xf32>
    %select_n3A_395 = arith.select %eq3A_384, %add3A_389, %squeeze3A_394 : vector<768xf32>
    %swap3A_396 = arith.constant 12 : index
    %swap3A_397 = arith.index_cast %get3A_380 : i32 to index
    %swap3A_398 = arith.constant 0 : index
    %swap3A_399 = vector.load %arg6[%swap3A_396, %swap3A_397, %swap3A_398] : memref<32x64x768xf32, #tpu.memory_space<vmem>>, vector<1x1x768xf32>
    %swap3A_400 = vector.shape_cast %swap3A_399 : vector<1x1x768xf32> to vector<768xf32>
    %swap3A_401 = vector.shape_cast %select_n3A_392 : vector<768xf32> to vector<1x1x768xf32>
    tpu.vector_store %arg6[%swap3A_396, %swap3A_397, %swap3A_398], %swap3A_401 {strides = array<i32>} : memref<32x64x768xf32, #tpu.memory_space<vmem>>, vector<1x1x768xf32>,
    %swap3A_402 = arith.constant 12 : index
    %swap3A_403 = arith.index_cast %get3A_383 : i32 to index
    %swap3A_404 = arith.constant 0 : index
    %swap3A_405 = vector.load %arg6[%swap3A_402, %swap3A_403, %swap3A_404] : memref<32x64x768xf32, #tpu.memory_space<vmem>>, vector<1x1x768xf32>
    %swap3A_406 = vector.shape_cast %swap3A_405 : vector<1x1x768xf32> to vector<768xf32>
    %swap3A_407 = vector.shape_cast %select_n3A_395 : vector<768xf32> to vector<1x1x768xf32>
    tpu.vector_store %arg6[%swap3A_402, %swap3A_403, %swap3A_404], %swap3A_407 {strides = array<i32>} : memref<32x64x768xf32, #tpu.memory_space<vmem>>, vector<1x1x768xf32>,
    %get3A_408 = arith.constant 13 : index
    %get3A_409 = arith.constant 0 : index
    %get3A_410 = memref.load %arg3[%get3A_408, %get3A_409] : memref<32x2xi32, #tpu.memory_space<smem>>
    %get3A_411 = arith.constant 13 : index
    %get3A_412 = arith.constant 1 : index
    %get3A_413 = memref.load %arg3[%get3A_411, %get3A_412] : memref<32x2xi32, #tpu.memory_space<smem>>
    %eq3A_414 = arith.cmpi eq, %get3A_410, %get3A_413 : i32
    %slice3A_415 = vector.extract_strided_slice %get3A_2 {offsets = [13, 0, 0], sizes = [1, 1, 768], strides = [1, 1, 1]} : vector<32x2x768xf32> to vector<1x1x768xf32>
    %squeeze3A_416 = vector.shape_cast %slice3A_415 : vector<1x1x768xf32> to vector<768xf32>
    %slice3A_417 = vector.extract_strided_slice %get3A_2 {offsets = [13, 1, 0], sizes = [1, 1, 768], strides = [1, 1, 1]} : vector<32x2x768xf32> to vector<1x1x768xf32>
    %squeeze3A_418 = vector.shape_cast %slice3A_417 : vector<1x1x768xf32> to vector<768xf32>
    %add3A_419 = arith.addf %squeeze3A_416, %squeeze3A_418 : vector<768xf32>
    %slice3A_420 = vector.extract_strided_slice %get3A_2 {offsets = [13, 0, 0], sizes = [1, 1, 768], strides = [1, 1, 1]} : vector<32x2x768xf32> to vector<1x1x768xf32>
    %squeeze3A_421 = vector.shape_cast %slice3A_420 : vector<1x1x768xf32> to vector<768xf32>
    %select_n3A_422 = arith.select %eq3A_414, %add3A_419, %squeeze3A_421 : vector<768xf32>
    %slice3A_423 = vector.extract_strided_slice %get3A_2 {offsets = [13, 1, 0], sizes = [1, 1, 768], strides = [1, 1, 1]} : vector<32x2x768xf32> to vector<1x1x768xf32>
    %squeeze3A_424 = vector.shape_cast %slice3A_423 : vector<1x1x768xf32> to vector<768xf32>
    %select_n3A_425 = arith.select %eq3A_414, %add3A_419, %squeeze3A_424 : vector<768xf32>
    %swap3A_426 = arith.constant 13 : index
    %swap3A_427 = arith.index_cast %get3A_410 : i32 to index
    %swap3A_428 = arith.constant 0 : index
    %swap3A_429 = vector.load %arg6[%swap3A_426, %swap3A_427, %swap3A_428] : memref<32x64x768xf32, #tpu.memory_space<vmem>>, vector<1x1x768xf32>
    %swap3A_430 = vector.shape_cast %swap3A_429 : vector<1x1x768xf32> to vector<768xf32>
    %swap3A_431 = vector.shape_cast %select_n3A_422 : vector<768xf32> to vector<1x1x768xf32>
    tpu.vector_store %arg6[%swap3A_426, %swap3A_427, %swap3A_428], %swap3A_431 {strides = array<i32>} : memref<32x64x768xf32, #tpu.memory_space<vmem>>, vector<1x1x768xf32>,
    %swap3A_432 = arith.constant 13 : index
    %swap3A_433 = arith.index_cast %get3A_413 : i32 to index
    %swap3A_434 = arith.constant 0 : index
    %swap3A_435 = vector.load %arg6[%swap3A_432, %swap3A_433, %swap3A_434] : memref<32x64x768xf32, #tpu.memory_space<vmem>>, vector<1x1x768xf32>
    %swap3A_436 = vector.shape_cast %swap3A_435 : vector<1x1x768xf32> to vector<768xf32>
    %swap3A_437 = vector.shape_cast %select_n3A_425 : vector<768xf32> to vector<1x1x768xf32>
    tpu.vector_store %arg6[%swap3A_432, %swap3A_433, %swap3A_434], %swap3A_437 {strides = array<i32>} : memref<32x64x768xf32, #tpu.memory_space<vmem>>, vector<1x1x768xf32>,
    %get3A_438 = arith.constant 14 : index
    %get3A_439 = arith.constant 0 : index
    %get3A_440 = memref.load %arg3[%get3A_438, %get3A_439] : memref<32x2xi32, #tpu.memory_space<smem>>
    %get3A_441 = arith.constant 14 : index
    %get3A_442 = arith.constant 1 : index
    %get3A_443 = memref.load %arg3[%get3A_441, %get3A_442] : memref<32x2xi32, #tpu.memory_space<smem>>
    %eq3A_444 = arith.cmpi eq, %get3A_440, %get3A_443 : i32
    %slice3A_445 = vector.extract_strided_slice %get3A_2 {offsets = [14, 0, 0], sizes = [1, 1, 768], strides = [1, 1, 1]} : vector<32x2x768xf32> to vector<1x1x768xf32>
    %squeeze3A_446 = vector.shape_cast %slice3A_445 : vector<1x1x768xf32> to vector<768xf32>
    %slice3A_447 = vector.extract_strided_slice %get3A_2 {offsets = [14, 1, 0], sizes = [1, 1, 768], strides = [1, 1, 1]} : vector<32x2x768xf32> to vector<1x1x768xf32>
    %squeeze3A_448 = vector.shape_cast %slice3A_447 : vector<1x1x768xf32> to vector<768xf32>
    %add3A_449 = arith.addf %squeeze3A_446, %squeeze3A_448 : vector<768xf32>
    %slice3A_450 = vector.extract_strided_slice %get3A_2 {offsets = [14, 0, 0], sizes = [1, 1, 768], strides = [1, 1, 1]} : vector<32x2x768xf32> to vector<1x1x768xf32>
    %squeeze3A_451 = vector.shape_cast %slice3A_450 : vector<1x1x768xf32> to vector<768xf32>
    %select_n3A_452 = arith.select %eq3A_444, %add3A_449, %squeeze3A_451 : vector<768xf32>
    %slice3A_453 = vector.extract_strided_slice %get3A_2 {offsets = [14, 1, 0], sizes = [1, 1, 768], strides = [1, 1, 1]} : vector<32x2x768xf32> to vector<1x1x768xf32>
    %squeeze3A_454 = vector.shape_cast %slice3A_453 : vector<1x1x768xf32> to vector<768xf32>
    %select_n3A_455 = arith.select %eq3A_444, %add3A_449, %squeeze3A_454 : vector<768xf32>
    %swap3A_456 = arith.constant 14 : index
    %swap3A_457 = arith.index_cast %get3A_440 : i32 to index
    %swap3A_458 = arith.constant 0 : index
    %swap3A_459 = vector.load %arg6[%swap3A_456, %swap3A_457, %swap3A_458] : memref<32x64x768xf32, #tpu.memory_space<vmem>>, vector<1x1x768xf32>
    %swap3A_460 = vector.shape_cast %swap3A_459 : vector<1x1x768xf32> to vector<768xf32>
    %swap3A_461 = vector.shape_cast %select_n3A_452 : vector<768xf32> to vector<1x1x768xf32>
    tpu.vector_store %arg6[%swap3A_456, %swap3A_457, %swap3A_458], %swap3A_461 {strides = array<i32>} : memref<32x64x768xf32, #tpu.memory_space<vmem>>, vector<1x1x768xf32>,
    %swap3A_462 = arith.constant 14 : index
    %swap3A_463 = arith.index_cast %get3A_443 : i32 to index
    %swap3A_464 = arith.constant 0 : index
    %swap3A_465 = vector.load %arg6[%swap3A_462, %swap3A_463, %swap3A_464] : memref<32x64x768xf32, #tpu.memory_space<vmem>>, vector<1x1x768xf32>
    %swap3A_466 = vector.shape_cast %swap3A_465 : vector<1x1x768xf32> to vector<768xf32>
    %swap3A_467 = vector.shape_cast %select_n3A_455 : vector<768xf32> to vector<1x1x768xf32>
    tpu.vector_store %arg6[%swap3A_462, %swap3A_463, %swap3A_464], %swap3A_467 {strides = array<i32>} : memref<32x64x768xf32, #tpu.memory_space<vmem>>, vector<1x1x768xf32>,
    %get3A_468 = arith.constant 15 : index
    %get3A_469 = arith.constant 0 : index
    %get3A_470 = memref.load %arg3[%get3A_468, %get3A_469] : memref<32x2xi32, #tpu.memory_space<smem>>
    %get3A_471 = arith.constant 15 : index
    %get3A_472 = arith.constant 1 : index
    %get3A_473 = memref.load %arg3[%get3A_471, %get3A_472] : memref<32x2xi32, #tpu.memory_space<smem>>
    %eq3A_474 = arith.cmpi eq, %get3A_470, %get3A_473 : i32
    %slice3A_475 = vector.extract_strided_slice %get3A_2 {offsets = [15, 0, 0], sizes = [1, 1, 768], strides = [1, 1, 1]} : vector<32x2x768xf32> to vector<1x1x768xf32>
    %squeeze3A_476 = vector.shape_cast %slice3A_475 : vector<1x1x768xf32> to vector<768xf32>
    %slice3A_477 = vector.extract_strided_slice %get3A_2 {offsets = [15, 1, 0], sizes = [1, 1, 768], strides = [1, 1, 1]} : vector<32x2x768xf32> to vector<1x1x768xf32>
    %squeeze3A_478 = vector.shape_cast %slice3A_477 : vector<1x1x768xf32> to vector<768xf32>
    %add3A_479 = arith.addf %squeeze3A_476, %squeeze3A_478 : vector<768xf32>
    %slice3A_480 = vector.extract_strided_slice %get3A_2 {offsets = [15, 0, 0], sizes = [1, 1, 768], strides = [1, 1, 1]} : vector<32x2x768xf32> to vector<1x1x768xf32>
    %squeeze3A_481 = vector.shape_cast %slice3A_480 : vector<1x1x768xf32> to vector<768xf32>
    %select_n3A_482 = arith.select %eq3A_474, %add3A_479, %squeeze3A_481 : vector<768xf32>
    %slice3A_483 = vector.extract_strided_slice %get3A_2 {offsets = [15, 1, 0], sizes = [1, 1, 768], strides = [1, 1, 1]} : vector<32x2x768xf32> to vector<1x1x768xf32>
    %squeeze3A_484 = vector.shape_cast %slice3A_483 : vector<1x1x768xf32> to vector<768xf32>
    %select_n3A_485 = arith.select %eq3A_474, %add3A_479, %squeeze3A_484 : vector<768xf32>
    %swap3A_486 = arith.constant 15 : index
    %swap3A_487 = arith.index_cast %get3A_470 : i32 to index
    %swap3A_488 = arith.constant 0 : index
    %swap3A_489 = vector.load %arg6[%swap3A_486, %swap3A_487, %swap3A_488] : memref<32x64x768xf32, #tpu.memory_space<vmem>>, vector<1x1x768xf32>
    %swap3A_490 = vector.shape_cast %swap3A_489 : vector<1x1x768xf32> to vector<768xf32>
    %swap3A_491 = vector.shape_cast %select_n3A_482 : vector<768xf32> to vector<1x1x768xf32>
    tpu.vector_store %arg6[%swap3A_486, %swap3A_487, %swap3A_488], %swap3A_491 {strides = array<i32>} : memref<32x64x768xf32, #tpu.memory_space<vmem>>, vector<1x1x768xf32>,
    %swap3A_492 = arith.constant 15 : index
    %swap3A_493 = arith.index_cast %get3A_473 : i32 to index
    %swap3A_494 = arith.constant 0 : index
    %swap3A_495 = vector.load %arg6[%swap3A_492, %swap3A_493, %swap3A_494] : memref<32x64x768xf32, #tpu.memory_space<vmem>>, vector<1x1x768xf32>
    %swap3A_496 = vector.shape_cast %swap3A_495 : vector<1x1x768xf32> to vector<768xf32>
    %swap3A_497 = vector.shape_cast %select_n3A_485 : vector<768xf32> to vector<1x1x768xf32>
    tpu.vector_store %arg6[%swap3A_492, %swap3A_493, %swap3A_494], %swap3A_497 {strides = array<i32>} : memref<32x64x768xf32, #tpu.memory_space<vmem>>, vector<1x1x768xf32>,
    %get3A_498 = arith.constant 16 : index
    %get3A_499 = arith.constant 0 : index
    %get3A_500 = memref.load %arg3[%get3A_498, %get3A_499] : memref<32x2xi32, #tpu.memory_space<smem>>
    %get3A_501 = arith.constant 16 : index
    %get3A_502 = arith.constant 1 : index
    %get3A_503 = memref.load %arg3[%get3A_501, %get3A_502] : memref<32x2xi32, #tpu.memory_space<smem>>
    %eq3A_504 = arith.cmpi eq, %get3A_500, %get3A_503 : i32
    %slice3A_505 = vector.extract_strided_slice %get3A_2 {offsets = [16, 0, 0], sizes = [1, 1, 768], strides = [1, 1, 1]} : vector<32x2x768xf32> to vector<1x1x768xf32>
    %squeeze3A_506 = vector.shape_cast %slice3A_505 : vector<1x1x768xf32> to vector<768xf32>
    %slice3A_507 = vector.extract_strided_slice %get3A_2 {offsets = [16, 1, 0], sizes = [1, 1, 768], strides = [1, 1, 1]} : vector<32x2x768xf32> to vector<1x1x768xf32>
    %squeeze3A_508 = vector.shape_cast %slice3A_507 : vector<1x1x768xf32> to vector<768xf32>
    %add3A_509 = arith.addf %squeeze3A_506, %squeeze3A_508 : vector<768xf32>
    %slice3A_510 = vector.extract_strided_slice %get3A_2 {offsets = [16, 0, 0], sizes = [1, 1, 768], strides = [1, 1, 1]} : vector<32x2x768xf32> to vector<1x1x768xf32>
    %squeeze3A_511 = vector.shape_cast %slice3A_510 : vector<1x1x768xf32> to vector<768xf32>
    %select_n3A_512 = arith.select %eq3A_504, %add3A_509, %squeeze3A_511 : vector<768xf32>
    %slice3A_513 = vector.extract_strided_slice %get3A_2 {offsets = [16, 1, 0], sizes = [1, 1, 768], strides = [1, 1, 1]} : vector<32x2x768xf32> to vector<1x1x768xf32>
    %squeeze3A_514 = vector.shape_cast %slice3A_513 : vector<1x1x768xf32> to vector<768xf32>
    %select_n3A_515 = arith.select %eq3A_504, %add3A_509, %squeeze3A_514 : vector<768xf32>
    %swap3A_516 = arith.constant 16 : index
    %swap3A_517 = arith.index_cast %get3A_500 : i32 to index
    %swap3A_518 = arith.constant 0 : index
    %swap3A_519 = vector.load %arg6[%swap3A_516, %swap3A_517, %swap3A_518] : memref<32x64x768xf32, #tpu.memory_space<vmem>>, vector<1x1x768xf32>
    %swap3A_520 = vector.shape_cast %swap3A_519 : vector<1x1x768xf32> to vector<768xf32>
    %swap3A_521 = vector.shape_cast %select_n3A_512 : vector<768xf32> to vector<1x1x768xf32>
    tpu.vector_store %arg6[%swap3A_516, %swap3A_517, %swap3A_518], %swap3A_521 {strides = array<i32>} : memref<32x64x768xf32, #tpu.memory_space<vmem>>, vector<1x1x768xf32>,
    %swap3A_522 = arith.constant 16 : index
    %swap3A_523 = arith.index_cast %get3A_503 : i32 to index
    %swap3A_524 = arith.constant 0 : index
    %swap3A_525 = vector.load %arg6[%swap3A_522, %swap3A_523, %swap3A_524] : memref<32x64x768xf32, #tpu.memory_space<vmem>>, vector<1x1x768xf32>
    %swap3A_526 = vector.shape_cast %swap3A_525 : vector<1x1x768xf32> to vector<768xf32>
    %swap3A_527 = vector.shape_cast %select_n3A_515 : vector<768xf32> to vector<1x1x768xf32>
    tpu.vector_store %arg6[%swap3A_522, %swap3A_523, %swap3A_524], %swap3A_527 {strides = array<i32>} : memref<32x64x768xf32, #tpu.memory_space<vmem>>, vector<1x1x768xf32>,
    %get3A_528 = arith.constant 17 : index
    %get3A_529 = arith.constant 0 : index
    %get3A_530 = memref.load %arg3[%get3A_528, %get3A_529] : memref<32x2xi32, #tpu.memory_space<smem>>
    %get3A_531 = arith.constant 17 : index
    %get3A_532 = arith.constant 1 : index
    %get3A_533 = memref.load %arg3[%get3A_531, %get3A_532] : memref<32x2xi32, #tpu.memory_space<smem>>
    %eq3A_534 = arith.cmpi eq, %get3A_530, %get3A_533 : i32
    %slice3A_535 = vector.extract_strided_slice %get3A_2 {offsets = [17, 0, 0], sizes = [1, 1, 768], strides = [1, 1, 1]} : vector<32x2x768xf32> to vector<1x1x768xf32>
    %squeeze3A_536 = vector.shape_cast %slice3A_535 : vector<1x1x768xf32> to vector<768xf32>
    %slice3A_537 = vector.extract_strided_slice %get3A_2 {offsets = [17, 1, 0], sizes = [1, 1, 768], strides = [1, 1, 1]} : vector<32x2x768xf32> to vector<1x1x768xf32>
    %squeeze3A_538 = vector.shape_cast %slice3A_537 : vector<1x1x768xf32> to vector<768xf32>
    %add3A_539 = arith.addf %squeeze3A_536, %squeeze3A_538 : vector<768xf32>
    %slice3A_540 = vector.extract_strided_slice %get3A_2 {offsets = [17, 0, 0], sizes = [1, 1, 768], strides = [1, 1, 1]} : vector<32x2x768xf32> to vector<1x1x768xf32>
    %squeeze3A_541 = vector.shape_cast %slice3A_540 : vector<1x1x768xf32> to vector<768xf32>
    %select_n3A_542 = arith.select %eq3A_534, %add3A_539, %squeeze3A_541 : vector<768xf32>
    %slice3A_543 = vector.extract_strided_slice %get3A_2 {offsets = [17, 1, 0], sizes = [1, 1, 768], strides = [1, 1, 1]} : vector<32x2x768xf32> to vector<1x1x768xf32>
    %squeeze3A_544 = vector.shape_cast %slice3A_543 : vector<1x1x768xf32> to vector<768xf32>
    %select_n3A_545 = arith.select %eq3A_534, %add3A_539, %squeeze3A_544 : vector<768xf32>
    %swap3A_546 = arith.constant 17 : index
    %swap3A_547 = arith.index_cast %get3A_530 : i32 to index
    %swap3A_548 = arith.constant 0 : index
    %swap3A_549 = vector.load %arg6[%swap3A_546, %swap3A_547, %swap3A_548] : memref<32x64x768xf32, #tpu.memory_space<vmem>>, vector<1x1x768xf32>
    %swap3A_550 = vector.shape_cast %swap3A_549 : vector<1x1x768xf32> to vector<768xf32>
    %swap3A_551 = vector.shape_cast %select_n3A_542 : vector<768xf32> to vector<1x1x768xf32>
    tpu.vector_store %arg6[%swap3A_546, %swap3A_547, %swap3A_548], %swap3A_551 {strides = array<i32>} : memref<32x64x768xf32, #tpu.memory_space<vmem>>, vector<1x1x768xf32>,
    %swap3A_552 = arith.constant 17 : index
    %swap3A_553 = arith.index_cast %get3A_533 : i32 to index
    %swap3A_554 = arith.constant 0 : index
    %swap3A_555 = vector.load %arg6[%swap3A_552, %swap3A_553, %swap3A_554] : memref<32x64x768xf32, #tpu.memory_space<vmem>>, vector<1x1x768xf32>
    %swap3A_556 = vector.shape_cast %swap3A_555 : vector<1x1x768xf32> to vector<768xf32>
    %swap3A_557 = vector.shape_cast %select_n3A_545 : vector<768xf32> to vector<1x1x768xf32>
    tpu.vector_store %arg6[%swap3A_552, %swap3A_553, %swap3A_554], %swap3A_557 {strides = array<i32>} : memref<32x64x768xf32, #tpu.memory_space<vmem>>, vector<1x1x768xf32>,
    %get3A_558 = arith.constant 18 : index
    %get3A_559 = arith.constant 0 : index
    %get3A_560 = memref.load %arg3[%get3A_558, %get3A_559] : memref<32x2xi32, #tpu.memory_space<smem>>
    %get3A_561 = arith.constant 18 : index
    %get3A_562 = arith.constant 1 : index
    %get3A_563 = memref.load %arg3[%get3A_561, %get3A_562] : memref<32x2xi32, #tpu.memory_space<smem>>
    %eq3A_564 = arith.cmpi eq, %get3A_560, %get3A_563 : i32
    %slice3A_565 = vector.extract_strided_slice %get3A_2 {offsets = [18, 0, 0], sizes = [1, 1, 768], strides = [1, 1, 1]} : vector<32x2x768xf32> to vector<1x1x768xf32>
    %squeeze3A_566 = vector.shape_cast %slice3A_565 : vector<1x1x768xf32> to vector<768xf32>
    %slice3A_567 = vector.extract_strided_slice %get3A_2 {offsets = [18, 1, 0], sizes = [1, 1, 768], strides = [1, 1, 1]} : vector<32x2x768xf32> to vector<1x1x768xf32>
    %squeeze3A_568 = vector.shape_cast %slice3A_567 : vector<1x1x768xf32> to vector<768xf32>
    %add3A_569 = arith.addf %squeeze3A_566, %squeeze3A_568 : vector<768xf32>
    %slice3A_570 = vector.extract_strided_slice %get3A_2 {offsets = [18, 0, 0], sizes = [1, 1, 768], strides = [1, 1, 1]} : vector<32x2x768xf32> to vector<1x1x768xf32>
    %squeeze3A_571 = vector.shape_cast %slice3A_570 : vector<1x1x768xf32> to vector<768xf32>
    %select_n3A_572 = arith.select %eq3A_564, %add3A_569, %squeeze3A_571 : vector<768xf32>
    %slice3A_573 = vector.extract_strided_slice %get3A_2 {offsets = [18, 1, 0], sizes = [1, 1, 768], strides = [1, 1, 1]} : vector<32x2x768xf32> to vector<1x1x768xf32>
    %squeeze3A_574 = vector.shape_cast %slice3A_573 : vector<1x1x768xf32> to vector<768xf32>
    %select_n3A_575 = arith.select %eq3A_564, %add3A_569, %squeeze3A_574 : vector<768xf32>
    %swap3A_576 = arith.constant 18 : index
    %swap3A_577 = arith.index_cast %get3A_560 : i32 to index
    %swap3A_578 = arith.constant 0 : index
    %swap3A_579 = vector.load %arg6[%swap3A_576, %swap3A_577, %swap3A_578] : memref<32x64x768xf32, #tpu.memory_space<vmem>>, vector<1x1x768xf32>
    %swap3A_580 = vector.shape_cast %swap3A_579 : vector<1x1x768xf32> to vector<768xf32>
    %swap3A_581 = vector.shape_cast %select_n3A_572 : vector<768xf32> to vector<1x1x768xf32>
    tpu.vector_store %arg6[%swap3A_576, %swap3A_577, %swap3A_578], %swap3A_581 {strides = array<i32>} : memref<32x64x768xf32, #tpu.memory_space<vmem>>, vector<1x1x768xf32>,
    %swap3A_582 = arith.constant 18 : index
    %swap3A_583 = arith.index_cast %get3A_563 : i32 to index
    %swap3A_584 = arith.constant 0 : index
    %swap3A_585 = vector.load %arg6[%swap3A_582, %swap3A_583, %swap3A_584] : memref<32x64x768xf32, #tpu.memory_space<vmem>>, vector<1x1x768xf32>
    %swap3A_586 = vector.shape_cast %swap3A_585 : vector<1x1x768xf32> to vector<768xf32>
    %swap3A_587 = vector.shape_cast %select_n3A_575 : vector<768xf32> to vector<1x1x768xf32>
    tpu.vector_store %arg6[%swap3A_582, %swap3A_583, %swap3A_584], %swap3A_587 {strides = array<i32>} : memref<32x64x768xf32, #tpu.memory_space<vmem>>, vector<1x1x768xf32>,
    %get3A_588 = arith.constant 19 : index
    %get3A_589 = arith.constant 0 : index
    %get3A_590 = memref.load %arg3[%get3A_588, %get3A_589] : memref<32x2xi32, #tpu.memory_space<smem>>
    %get3A_591 = arith.constant 19 : index
    %get3A_592 = arith.constant 1 : index
    %get3A_593 = memref.load %arg3[%get3A_591, %get3A_592] : memref<32x2xi32, #tpu.memory_space<smem>>
    %eq3A_594 = arith.cmpi eq, %get3A_590, %get3A_593 : i32
    %slice3A_595 = vector.extract_strided_slice %get3A_2 {offsets = [19, 0, 0], sizes = [1, 1, 768], strides = [1, 1, 1]} : vector<32x2x768xf32> to vector<1x1x768xf32>
    %squeeze3A_596 = vector.shape_cast %slice3A_595 : vector<1x1x768xf32> to vector<768xf32>
    %slice3A_597 = vector.extract_strided_slice %get3A_2 {offsets = [19, 1, 0], sizes = [1, 1, 768], strides = [1, 1, 1]} : vector<32x2x768xf32> to vector<1x1x768xf32>
    %squeeze3A_598 = vector.shape_cast %slice3A_597 : vector<1x1x768xf32> to vector<768xf32>
    %add3A_599 = arith.addf %squeeze3A_596, %squeeze3A_598 : vector<768xf32>
    %slice3A_600 = vector.extract_strided_slice %get3A_2 {offsets = [19, 0, 0], sizes = [1, 1, 768], strides = [1, 1, 1]} : vector<32x2x768xf32> to vector<1x1x768xf32>
    %squeeze3A_601 = vector.shape_cast %slice3A_600 : vector<1x1x768xf32> to vector<768xf32>
    %select_n3A_602 = arith.select %eq3A_594, %add3A_599, %squeeze3A_601 : vector<768xf32>
    %slice3A_603 = vector.extract_strided_slice %get3A_2 {offsets = [19, 1, 0], sizes = [1, 1, 768], strides = [1, 1, 1]} : vector<32x2x768xf32> to vector<1x1x768xf32>
    %squeeze3A_604 = vector.shape_cast %slice3A_603 : vector<1x1x768xf32> to vector<768xf32>
    %select_n3A_605 = arith.select %eq3A_594, %add3A_599, %squeeze3A_604 : vector<768xf32>
    %swap3A_606 = arith.constant 19 : index
    %swap3A_607 = arith.index_cast %get3A_590 : i32 to index
    %swap3A_608 = arith.constant 0 : index
    %swap3A_609 = vector.load %arg6[%swap3A_606, %swap3A_607, %swap3A_608] : memref<32x64x768xf32, #tpu.memory_space<vmem>>, vector<1x1x768xf32>
    %swap3A_610 = vector.shape_cast %swap3A_609 : vector<1x1x768xf32> to vector<768xf32>
    %swap3A_611 = vector.shape_cast %select_n3A_602 : vector<768xf32> to vector<1x1x768xf32>
    tpu.vector_store %arg6[%swap3A_606, %swap3A_607, %swap3A_608], %swap3A_611 {strides = array<i32>} : memref<32x64x768xf32, #tpu.memory_space<vmem>>, vector<1x1x768xf32>,
    %swap3A_612 = arith.constant 19 : index
    %swap3A_613 = arith.index_cast %get3A_593 : i32 to index
    %swap3A_614 = arith.constant 0 : index
    %swap3A_615 = vector.load %arg6[%swap3A_612, %swap3A_613, %swap3A_614] : memref<32x64x768xf32, #tpu.memory_space<vmem>>, vector<1x1x768xf32>
    %swap3A_616 = vector.shape_cast %swap3A_615 : vector<1x1x768xf32> to vector<768xf32>
    %swap3A_617 = vector.shape_cast %select_n3A_605 : vector<768xf32> to vector<1x1x768xf32>
    tpu.vector_store %arg6[%swap3A_612, %swap3A_613, %swap3A_614], %swap3A_617 {strides = array<i32>} : memref<32x64x768xf32, #tpu.memory_space<vmem>>, vector<1x1x768xf32>,
    %get3A_618 = arith.constant 20 : index
    %get3A_619 = arith.constant 0 : index
    %get3A_620 = memref.load %arg3[%get3A_618, %get3A_619] : memref<32x2xi32, #tpu.memory_space<smem>>
    %get3A_621 = arith.constant 20 : index
    %get3A_622 = arith.constant 1 : index
    %get3A_623 = memref.load %arg3[%get3A_621, %get3A_622] : memref<32x2xi32, #tpu.memory_space<smem>>
    %eq3A_624 = arith.cmpi eq, %get3A_620, %get3A_623 : i32
    %slice3A_625 = vector.extract_strided_slice %get3A_2 {offsets = [20, 0, 0], sizes = [1, 1, 768], strides = [1, 1, 1]} : vector<32x2x768xf32> to vector<1x1x768xf32>
    %squeeze3A_626 = vector.shape_cast %slice3A_625 : vector<1x1x768xf32> to vector<768xf32>
    %slice3A_627 = vector.extract_strided_slice %get3A_2 {offsets = [20, 1, 0], sizes = [1, 1, 768], strides = [1, 1, 1]} : vector<32x2x768xf32> to vector<1x1x768xf32>
    %squeeze3A_628 = vector.shape_cast %slice3A_627 : vector<1x1x768xf32> to vector<768xf32>
    %add3A_629 = arith.addf %squeeze3A_626, %squeeze3A_628 : vector<768xf32>
    %slice3A_630 = vector.extract_strided_slice %get3A_2 {offsets = [20, 0, 0], sizes = [1, 1, 768], strides = [1, 1, 1]} : vector<32x2x768xf32> to vector<1x1x768xf32>
    %squeeze3A_631 = vector.shape_cast %slice3A_630 : vector<1x1x768xf32> to vector<768xf32>
    %select_n3A_632 = arith.select %eq3A_624, %add3A_629, %squeeze3A_631 : vector<768xf32>
    %slice3A_633 = vector.extract_strided_slice %get3A_2 {offsets = [20, 1, 0], sizes = [1, 1, 768], strides = [1, 1, 1]} : vector<32x2x768xf32> to vector<1x1x768xf32>
    %squeeze3A_634 = vector.shape_cast %slice3A_633 : vector<1x1x768xf32> to vector<768xf32>
    %select_n3A_635 = arith.select %eq3A_624, %add3A_629, %squeeze3A_634 : vector<768xf32>
    %swap3A_636 = arith.constant 20 : index
    %swap3A_637 = arith.index_cast %get3A_620 : i32 to index
    %swap3A_638 = arith.constant 0 : index
    %swap3A_639 = vector.load %arg6[%swap3A_636, %swap3A_637, %swap3A_638] : memref<32x64x768xf32, #tpu.memory_space<vmem>>, vector<1x1x768xf32>
    %swap3A_640 = vector.shape_cast %swap3A_639 : vector<1x1x768xf32> to vector<768xf32>
    %swap3A_641 = vector.shape_cast %select_n3A_632 : vector<768xf32> to vector<1x1x768xf32>
    tpu.vector_store %arg6[%swap3A_636, %swap3A_637, %swap3A_638], %swap3A_641 {strides = array<i32>} : memref<32x64x768xf32, #tpu.memory_space<vmem>>, vector<1x1x768xf32>,
    %swap3A_642 = arith.constant 20 : index
    %swap3A_643 = arith.index_cast %get3A_623 : i32 to index
    %swap3A_644 = arith.constant 0 : index
    %swap3A_645 = vector.load %arg6[%swap3A_642, %swap3A_643, %swap3A_644] : memref<32x64x768xf32, #tpu.memory_space<vmem>>, vector<1x1x768xf32>
    %swap3A_646 = vector.shape_cast %swap3A_645 : vector<1x1x768xf32> to vector<768xf32>
    %swap3A_647 = vector.shape_cast %select_n3A_635 : vector<768xf32> to vector<1x1x768xf32>
    tpu.vector_store %arg6[%swap3A_642, %swap3A_643, %swap3A_644], %swap3A_647 {strides = array<i32>} : memref<32x64x768xf32, #tpu.memory_space<vmem>>, vector<1x1x768xf32>,
    %get3A_648 = arith.constant 21 : index
    %get3A_649 = arith.constant 0 : index
    %get3A_650 = memref.load %arg3[%get3A_648, %get3A_649] : memref<32x2xi32, #tpu.memory_space<smem>>
    %get3A_651 = arith.constant 21 : index
    %get3A_652 = arith.constant 1 : index
    %get3A_653 = memref.load %arg3[%get3A_651, %get3A_652] : memref<32x2xi32, #tpu.memory_space<smem>>
    %eq3A_654 = arith.cmpi eq, %get3A_650, %get3A_653 : i32
    %slice3A_655 = vector.extract_strided_slice %get3A_2 {offsets = [21, 0, 0], sizes = [1, 1, 768], strides = [1, 1, 1]} : vector<32x2x768xf32> to vector<1x1x768xf32>
    %squeeze3A_656 = vector.shape_cast %slice3A_655 : vector<1x1x768xf32> to vector<768xf32>
    %slice3A_657 = vector.extract_strided_slice %get3A_2 {offsets = [21, 1, 0], sizes = [1, 1, 768], strides = [1, 1, 1]} : vector<32x2x768xf32> to vector<1x1x768xf32>
    %squeeze3A_658 = vector.shape_cast %slice3A_657 : vector<1x1x768xf32> to vector<768xf32>
    %add3A_659 = arith.addf %squeeze3A_656, %squeeze3A_658 : vector<768xf32>
    %slice3A_660 = vector.extract_strided_slice %get3A_2 {offsets = [21, 0, 0], sizes = [1, 1, 768], strides = [1, 1, 1]} : vector<32x2x768xf32> to vector<1x1x768xf32>
    %squeeze3A_661 = vector.shape_cast %slice3A_660 : vector<1x1x768xf32> to vector<768xf32>
    %select_n3A_662 = arith.select %eq3A_654, %add3A_659, %squeeze3A_661 : vector<768xf32>
    %slice3A_663 = vector.extract_strided_slice %get3A_2 {offsets = [21, 1, 0], sizes = [1, 1, 768], strides = [1, 1, 1]} : vector<32x2x768xf32> to vector<1x1x768xf32>
    %squeeze3A_664 = vector.shape_cast %slice3A_663 : vector<1x1x768xf32> to vector<768xf32>
    %select_n3A_665 = arith.select %eq3A_654, %add3A_659, %squeeze3A_664 : vector<768xf32>
    %swap3A_666 = arith.constant 21 : index
    %swap3A_667 = arith.index_cast %get3A_650 : i32 to index
    %swap3A_668 = arith.constant 0 : index
    %swap3A_669 = vector.load %arg6[%swap3A_666, %swap3A_667, %swap3A_668] : memref<32x64x768xf32, #tpu.memory_space<vmem>>, vector<1x1x768xf32>
    %swap3A_670 = vector.shape_cast %swap3A_669 : vector<1x1x768xf32> to vector<768xf32>
    %swap3A_671 = vector.shape_cast %select_n3A_662 : vector<768xf32> to vector<1x1x768xf32>
    tpu.vector_store %arg6[%swap3A_666, %swap3A_667, %swap3A_668], %swap3A_671 {strides = array<i32>} : memref<32x64x768xf32, #tpu.memory_space<vmem>>, vector<1x1x768xf32>,
    %swap3A_672 = arith.constant 21 : index
    %swap3A_673 = arith.index_cast %get3A_653 : i32 to index
    %swap3A_674 = arith.constant 0 : index
    %swap3A_675 = vector.load %arg6[%swap3A_672, %swap3A_673, %swap3A_674] : memref<32x64x768xf32, #tpu.memory_space<vmem>>, vector<1x1x768xf32>
    %swap3A_676 = vector.shape_cast %swap3A_675 : vector<1x1x768xf32> to vector<768xf32>
    %swap3A_677 = vector.shape_cast %select_n3A_665 : vector<768xf32> to vector<1x1x768xf32>
    tpu.vector_store %arg6[%swap3A_672, %swap3A_673, %swap3A_674], %swap3A_677 {strides = array<i32>} : memref<32x64x768xf32, #tpu.memory_space<vmem>>, vector<1x1x768xf32>,
    %get3A_678 = arith.constant 22 : index
    %get3A_679 = arith.constant 0 : index
    %get3A_680 = memref.load %arg3[%get3A_678, %get3A_679] : memref<32x2xi32, #tpu.memory_space<smem>>
    %get3A_681 = arith.constant 22 : index
    %get3A_682 = arith.constant 1 : index
    %get3A_683 = memref.load %arg3[%get3A_681, %get3A_682] : memref<32x2xi32, #tpu.memory_space<smem>>
    %eq3A_684 = arith.cmpi eq, %get3A_680, %get3A_683 : i32
    %slice3A_685 = vector.extract_strided_slice %get3A_2 {offsets = [22, 0, 0], sizes = [1, 1, 768], strides = [1, 1, 1]} : vector<32x2x768xf32> to vector<1x1x768xf32>
    %squeeze3A_686 = vector.shape_cast %slice3A_685 : vector<1x1x768xf32> to vector<768xf32>
    %slice3A_687 = vector.extract_strided_slice %get3A_2 {offsets = [22, 1, 0], sizes = [1, 1, 768], strides = [1, 1, 1]} : vector<32x2x768xf32> to vector<1x1x768xf32>
    %squeeze3A_688 = vector.shape_cast %slice3A_687 : vector<1x1x768xf32> to vector<768xf32>
    %add3A_689 = arith.addf %squeeze3A_686, %squeeze3A_688 : vector<768xf32>
    %slice3A_690 = vector.extract_strided_slice %get3A_2 {offsets = [22, 0, 0], sizes = [1, 1, 768], strides = [1, 1, 1]} : vector<32x2x768xf32> to vector<1x1x768xf32>
    %squeeze3A_691 = vector.shape_cast %slice3A_690 : vector<1x1x768xf32> to vector<768xf32>
    %select_n3A_692 = arith.select %eq3A_684, %add3A_689, %squeeze3A_691 : vector<768xf32>
    %slice3A_693 = vector.extract_strided_slice %get3A_2 {offsets = [22, 1, 0], sizes = [1, 1, 768], strides = [1, 1, 1]} : vector<32x2x768xf32> to vector<1x1x768xf32>
    %squeeze3A_694 = vector.shape_cast %slice3A_693 : vector<1x1x768xf32> to vector<768xf32>
    %select_n3A_695 = arith.select %eq3A_684, %add3A_689, %squeeze3A_694 : vector<768xf32>
    %swap3A_696 = arith.constant 22 : index
    %swap3A_697 = arith.index_cast %get3A_680 : i32 to index
    %swap3A_698 = arith.constant 0 : index
    %swap3A_699 = vector.load %arg6[%swap3A_696, %swap3A_697, %swap3A_698] : memref<32x64x768xf32, #tpu.memory_space<vmem>>, vector<1x1x768xf32>
    %swap3A_700 = vector.shape_cast %swap3A_699 : vector<1x1x768xf32> to vector<768xf32>
    %swap3A_701 = vector.shape_cast %select_n3A_692 : vector<768xf32> to vector<1x1x768xf32>
    tpu.vector_store %arg6[%swap3A_696, %swap3A_697, %swap3A_698], %swap3A_701 {strides = array<i32>} : memref<32x64x768xf32, #tpu.memory_space<vmem>>, vector<1x1x768xf32>,
    %swap3A_702 = arith.constant 22 : index
    %swap3A_703 = arith.index_cast %get3A_683 : i32 to index
    %swap3A_704 = arith.constant 0 : index
    %swap3A_705 = vector.load %arg6[%swap3A_702, %swap3A_703, %swap3A_704] : memref<32x64x768xf32, #tpu.memory_space<vmem>>, vector<1x1x768xf32>
    %swap3A_706 = vector.shape_cast %swap3A_705 : vector<1x1x768xf32> to vector<768xf32>
    %swap3A_707 = vector.shape_cast %select_n3A_695 : vector<768xf32> to vector<1x1x768xf32>
    tpu.vector_store %arg6[%swap3A_702, %swap3A_703, %swap3A_704], %swap3A_707 {strides = array<i32>} : memref<32x64x768xf32, #tpu.memory_space<vmem>>, vector<1x1x768xf32>,
    %get3A_708 = arith.constant 23 : index
    %get3A_709 = arith.constant 0 : index
    %get3A_710 = memref.load %arg3[%get3A_708, %get3A_709] : memref<32x2xi32, #tpu.memory_space<smem>>
    %get3A_711 = arith.constant 23 : index
    %get3A_712 = arith.constant 1 : index
    %get3A_713 = memref.load %arg3[%get3A_711, %get3A_712] : memref<32x2xi32, #tpu.memory_space<smem>>
    %eq3A_714 = arith.cmpi eq, %get3A_710, %get3A_713 : i32
    %slice3A_715 = vector.extract_strided_slice %get3A_2 {offsets = [23, 0, 0], sizes = [1, 1, 768], strides = [1, 1, 1]} : vector<32x2x768xf32> to vector<1x1x768xf32>
    %squeeze3A_716 = vector.shape_cast %slice3A_715 : vector<1x1x768xf32> to vector<768xf32>
    %slice3A_717 = vector.extract_strided_slice %get3A_2 {offsets = [23, 1, 0], sizes = [1, 1, 768], strides = [1, 1, 1]} : vector<32x2x768xf32> to vector<1x1x768xf32>
    %squeeze3A_718 = vector.shape_cast %slice3A_717 : vector<1x1x768xf32> to vector<768xf32>
    %add3A_719 = arith.addf %squeeze3A_716, %squeeze3A_718 : vector<768xf32>
    %slice3A_720 = vector.extract_strided_slice %get3A_2 {offsets = [23, 0, 0], sizes = [1, 1, 768], strides = [1, 1, 1]} : vector<32x2x768xf32> to vector<1x1x768xf32>
    %squeeze3A_721 = vector.shape_cast %slice3A_720 : vector<1x1x768xf32> to vector<768xf32>
    %select_n3A_722 = arith.select %eq3A_714, %add3A_719, %squeeze3A_721 : vector<768xf32>
    %slice3A_723 = vector.extract_strided_slice %get3A_2 {offsets = [23, 1, 0], sizes = [1, 1, 768], strides = [1, 1, 1]} : vector<32x2x768xf32> to vector<1x1x768xf32>
    %squeeze3A_724 = vector.shape_cast %slice3A_723 : vector<1x1x768xf32> to vector<768xf32>
    %select_n3A_725 = arith.select %eq3A_714, %add3A_719, %squeeze3A_724 : vector<768xf32>
    %swap3A_726 = arith.constant 23 : index
    %swap3A_727 = arith.index_cast %get3A_710 : i32 to index
    %swap3A_728 = arith.constant 0 : index
    %swap3A_729 = vector.load %arg6[%swap3A_726, %swap3A_727, %swap3A_728] : memref<32x64x768xf32, #tpu.memory_space<vmem>>, vector<1x1x768xf32>
    %swap3A_730 = vector.shape_cast %swap3A_729 : vector<1x1x768xf32> to vector<768xf32>
    %swap3A_731 = vector.shape_cast %select_n3A_722 : vector<768xf32> to vector<1x1x768xf32>
    tpu.vector_store %arg6[%swap3A_726, %swap3A_727, %swap3A_728], %swap3A_731 {strides = array<i32>} : memref<32x64x768xf32, #tpu.memory_space<vmem>>, vector<1x1x768xf32>,
    %swap3A_732 = arith.constant 23 : index
    %swap3A_733 = arith.index_cast %get3A_713 : i32 to index
    %swap3A_734 = arith.constant 0 : index
    %swap3A_735 = vector.load %arg6[%swap3A_732, %swap3A_733, %swap3A_734] : memref<32x64x768xf32, #tpu.memory_space<vmem>>, vector<1x1x768xf32>
    %swap3A_736 = vector.shape_cast %swap3A_735 : vector<1x1x768xf32> to vector<768xf32>
    %swap3A_737 = vector.shape_cast %select_n3A_725 : vector<768xf32> to vector<1x1x768xf32>
    tpu.vector_store %arg6[%swap3A_732, %swap3A_733, %swap3A_734], %swap3A_737 {strides = array<i32>} : memref<32x64x768xf32, #tpu.memory_space<vmem>>, vector<1x1x768xf32>,
    %get3A_738 = arith.constant 24 : index
    %get3A_739 = arith.constant 0 : index
    %get3A_740 = memref.load %arg3[%get3A_738, %get3A_739] : memref<32x2xi32, #tpu.memory_space<smem>>
    %get3A_741 = arith.constant 24 : index
    %get3A_742 = arith.constant 1 : index
    %get3A_743 = memref.load %arg3[%get3A_741, %get3A_742] : memref<32x2xi32, #tpu.memory_space<smem>>
    %eq3A_744 = arith.cmpi eq, %get3A_740, %get3A_743 : i32
    %slice3A_745 = vector.extract_strided_slice %get3A_2 {offsets = [24, 0, 0], sizes = [1, 1, 768], strides = [1, 1, 1]} : vector<32x2x768xf32> to vector<1x1x768xf32>
    %squeeze3A_746 = vector.shape_cast %slice3A_745 : vector<1x1x768xf32> to vector<768xf32>
    %slice3A_747 = vector.extract_strided_slice %get3A_2 {offsets = [24, 1, 0], sizes = [1, 1, 768], strides = [1, 1, 1]} : vector<32x2x768xf32> to vector<1x1x768xf32>
    %squeeze3A_748 = vector.shape_cast %slice3A_747 : vector<1x1x768xf32> to vector<768xf32>
    %add3A_749 = arith.addf %squeeze3A_746, %squeeze3A_748 : vector<768xf32>
    %slice3A_750 = vector.extract_strided_slice %get3A_2 {offsets = [24, 0, 0], sizes = [1, 1, 768], strides = [1, 1, 1]} : vector<32x2x768xf32> to vector<1x1x768xf32>
    %squeeze3A_751 = vector.shape_cast %slice3A_750 : vector<1x1x768xf32> to vector<768xf32>
    %select_n3A_752 = arith.select %eq3A_744, %add3A_749, %squeeze3A_751 : vector<768xf32>
    %slice3A_753 = vector.extract_strided_slice %get3A_2 {offsets = [24, 1, 0], sizes = [1, 1, 768], strides = [1, 1, 1]} : vector<32x2x768xf32> to vector<1x1x768xf32>
    %squeeze3A_754 = vector.shape_cast %slice3A_753 : vector<1x1x768xf32> to vector<768xf32>
    %select_n3A_755 = arith.select %eq3A_744, %add3A_749, %squeeze3A_754 : vector<768xf32>
    %swap3A_756 = arith.constant 24 : index
    %swap3A_757 = arith.index_cast %get3A_740 : i32 to index
    %swap3A_758 = arith.constant 0 : index
    %swap3A_759 = vector.load %arg6[%swap3A_756, %swap3A_757, %swap3A_758] : memref<32x64x768xf32, #tpu.memory_space<vmem>>, vector<1x1x768xf32>
    %swap3A_760 = vector.shape_cast %swap3A_759 : vector<1x1x768xf32> to vector<768xf32>
    %swap3A_761 = vector.shape_cast %select_n3A_752 : vector<768xf32> to vector<1x1x768xf32>
    tpu.vector_store %arg6[%swap3A_756, %swap3A_757, %swap3A_758], %swap3A_761 {strides = array<i32>} : memref<32x64x768xf32, #tpu.memory_space<vmem>>, vector<1x1x768xf32>,
    %swap3A_762 = arith.constant 24 : index
    %swap3A_763 = arith.index_cast %get3A_743 : i32 to index
    %swap3A_764 = arith.constant 0 : index
    %swap3A_765 = vector.load %arg6[%swap3A_762, %swap3A_763, %swap3A_764] : memref<32x64x768xf32, #tpu.memory_space<vmem>>, vector<1x1x768xf32>
    %swap3A_766 = vector.shape_cast %swap3A_765 : vector<1x1x768xf32> to vector<768xf32>
    %swap3A_767 = vector.shape_cast %select_n3A_755 : vector<768xf32> to vector<1x1x768xf32>
    tpu.vector_store %arg6[%swap3A_762, %swap3A_763, %swap3A_764], %swap3A_767 {strides = array<i32>} : memref<32x64x768xf32, #tpu.memory_space<vmem>>, vector<1x1x768xf32>,
    %get3A_768 = arith.constant 25 : index
    %get3A_769 = arith.constant 0 : index
    %get3A_770 = memref.load %arg3[%get3A_768, %get3A_769] : memref<32x2xi32, #tpu.memory_space<smem>>
    %get3A_771 = arith.constant 25 : index
    %get3A_772 = arith.constant 1 : index
    %get3A_773 = memref.load %arg3[%get3A_771, %get3A_772] : memref<32x2xi32, #tpu.memory_space<smem>>
    %eq3A_774 = arith.cmpi eq, %get3A_770, %get3A_773 : i32
    %slice3A_775 = vector.extract_strided_slice %get3A_2 {offsets = [25, 0, 0], sizes = [1, 1, 768], strides = [1, 1, 1]} : vector<32x2x768xf32> to vector<1x1x768xf32>
    %squeeze3A_776 = vector.shape_cast %slice3A_775 : vector<1x1x768xf32> to vector<768xf32>
    %slice3A_777 = vector.extract_strided_slice %get3A_2 {offsets = [25, 1, 0], sizes = [1, 1, 768], strides = [1, 1, 1]} : vector<32x2x768xf32> to vector<1x1x768xf32>
    %squeeze3A_778 = vector.shape_cast %slice3A_777 : vector<1x1x768xf32> to vector<768xf32>
    %add3A_779 = arith.addf %squeeze3A_776, %squeeze3A_778 : vector<768xf32>
    %slice3A_780 = vector.extract_strided_slice %get3A_2 {offsets = [25, 0, 0], sizes = [1, 1, 768], strides = [1, 1, 1]} : vector<32x2x768xf32> to vector<1x1x768xf32>
    %squeeze3A_781 = vector.shape_cast %slice3A_780 : vector<1x1x768xf32> to vector<768xf32>
    %select_n3A_782 = arith.select %eq3A_774, %add3A_779, %squeeze3A_781 : vector<768xf32>
    %slice3A_783 = vector.extract_strided_slice %get3A_2 {offsets = [25, 1, 0], sizes = [1, 1, 768], strides = [1, 1, 1]} : vector<32x2x768xf32> to vector<1x1x768xf32>
    %squeeze3A_784 = vector.shape_cast %slice3A_783 : vector<1x1x768xf32> to vector<768xf32>
    %select_n3A_785 = arith.select %eq3A_774, %add3A_779, %squeeze3A_784 : vector<768xf32>
    %swap3A_786 = arith.constant 25 : index
    %swap3A_787 = arith.index_cast %get3A_770 : i32 to index
    %swap3A_788 = arith.constant 0 : index
    %swap3A_789 = vector.load %arg6[%swap3A_786, %swap3A_787, %swap3A_788] : memref<32x64x768xf32, #tpu.memory_space<vmem>>, vector<1x1x768xf32>
    %swap3A_790 = vector.shape_cast %swap3A_789 : vector<1x1x768xf32> to vector<768xf32>
    %swap3A_791 = vector.shape_cast %select_n3A_782 : vector<768xf32> to vector<1x1x768xf32>
    tpu.vector_store %arg6[%swap3A_786, %swap3A_787, %swap3A_788], %swap3A_791 {strides = array<i32>} : memref<32x64x768xf32, #tpu.memory_space<vmem>>, vector<1x1x768xf32>,
    %swap3A_792 = arith.constant 25 : index
    %swap3A_793 = arith.index_cast %get3A_773 : i32 to index
    %swap3A_794 = arith.constant 0 : index
    %swap3A_795 = vector.load %arg6[%swap3A_792, %swap3A_793, %swap3A_794] : memref<32x64x768xf32, #tpu.memory_space<vmem>>, vector<1x1x768xf32>
    %swap3A_796 = vector.shape_cast %swap3A_795 : vector<1x1x768xf32> to vector<768xf32>
    %swap3A_797 = vector.shape_cast %select_n3A_785 : vector<768xf32> to vector<1x1x768xf32>
    tpu.vector_store %arg6[%swap3A_792, %swap3A_793, %swap3A_794], %swap3A_797 {strides = array<i32>} : memref<32x64x768xf32, #tpu.memory_space<vmem>>, vector<1x1x768xf32>,
    %get3A_798 = arith.constant 26 : index
    %get3A_799 = arith.constant 0 : index
    %get3A_800 = memref.load %arg3[%get3A_798, %get3A_799] : memref<32x2xi32, #tpu.memory_space<smem>>
    %get3A_801 = arith.constant 26 : index
    %get3A_802 = arith.constant 1 : index
    %get3A_803 = memref.load %arg3[%get3A_801, %get3A_802] : memref<32x2xi32, #tpu.memory_space<smem>>
    %eq3A_804 = arith.cmpi eq, %get3A_800, %get3A_803 : i32
    %slice3A_805 = vector.extract_strided_slice %get3A_2 {offsets = [26, 0, 0], sizes = [1, 1, 768], strides = [1, 1, 1]} : vector<32x2x768xf32> to vector<1x1x768xf32>
    %squeeze3A_806 = vector.shape_cast %slice3A_805 : vector<1x1x768xf32> to vector<768xf32>
    %slice3A_807 = vector.extract_strided_slice %get3A_2 {offsets = [26, 1, 0], sizes = [1, 1, 768], strides = [1, 1, 1]} : vector<32x2x768xf32> to vector<1x1x768xf32>
    %squeeze3A_808 = vector.shape_cast %slice3A_807 : vector<1x1x768xf32> to vector<768xf32>
    %add3A_809 = arith.addf %squeeze3A_806, %squeeze3A_808 : vector<768xf32>
    %slice3A_810 = vector.extract_strided_slice %get3A_2 {offsets = [26, 0, 0], sizes = [1, 1, 768], strides = [1, 1, 1]} : vector<32x2x768xf32> to vector<1x1x768xf32>
    %squeeze3A_811 = vector.shape_cast %slice3A_810 : vector<1x1x768xf32> to vector<768xf32>
    %select_n3A_812 = arith.select %eq3A_804, %add3A_809, %squeeze3A_811 : vector<768xf32>
    %slice3A_813 = vector.extract_strided_slice %get3A_2 {offsets = [26, 1, 0], sizes = [1, 1, 768], strides = [1, 1, 1]} : vector<32x2x768xf32> to vector<1x1x768xf32>
    %squeeze3A_814 = vector.shape_cast %slice3A_813 : vector<1x1x768xf32> to vector<768xf32>
    %select_n3A_815 = arith.select %eq3A_804, %add3A_809, %squeeze3A_814 : vector<768xf32>
    %swap3A_816 = arith.constant 26 : index
    %swap3A_817 = arith.index_cast %get3A_800 : i32 to index
    %swap3A_818 = arith.constant 0 : index
    %swap3A_819 = vector.load %arg6[%swap3A_816, %swap3A_817, %swap3A_818] : memref<32x64x768xf32, #tpu.memory_space<vmem>>, vector<1x1x768xf32>
    %swap3A_820 = vector.shape_cast %swap3A_819 : vector<1x1x768xf32> to vector<768xf32>
    %swap3A_821 = vector.shape_cast %select_n3A_812 : vector<768xf32> to vector<1x1x768xf32>
    tpu.vector_store %arg6[%swap3A_816, %swap3A_817, %swap3A_818], %swap3A_821 {strides = array<i32>} : memref<32x64x768xf32, #tpu.memory_space<vmem>>, vector<1x1x768xf32>,
    %swap3A_822 = arith.constant 26 : index
    %swap3A_823 = arith.index_cast %get3A_803 : i32 to index
    %swap3A_824 = arith.constant 0 : index
    %swap3A_825 = vector.load %arg6[%swap3A_822, %swap3A_823, %swap3A_824] : memref<32x64x768xf32, #tpu.memory_space<vmem>>, vector<1x1x768xf32>
    %swap3A_826 = vector.shape_cast %swap3A_825 : vector<1x1x768xf32> to vector<768xf32>
    %swap3A_827 = vector.shape_cast %select_n3A_815 : vector<768xf32> to vector<1x1x768xf32>
    tpu.vector_store %arg6[%swap3A_822, %swap3A_823, %swap3A_824], %swap3A_827 {strides = array<i32>} : memref<32x64x768xf32, #tpu.memory_space<vmem>>, vector<1x1x768xf32>,
    %get3A_828 = arith.constant 27 : index
    %get3A_829 = arith.constant 0 : index
    %get3A_830 = memref.load %arg3[%get3A_828, %get3A_829] : memref<32x2xi32, #tpu.memory_space<smem>>
    %get3A_831 = arith.constant 27 : index
    %get3A_832 = arith.constant 1 : index
    %get3A_833 = memref.load %arg3[%get3A_831, %get3A_832] : memref<32x2xi32, #tpu.memory_space<smem>>
    %eq3A_834 = arith.cmpi eq, %get3A_830, %get3A_833 : i32
    %slice3A_835 = vector.extract_strided_slice %get3A_2 {offsets = [27, 0, 0], sizes = [1, 1, 768], strides = [1, 1, 1]} : vector<32x2x768xf32> to vector<1x1x768xf32>
    %squeeze3A_836 = vector.shape_cast %slice3A_835 : vector<1x1x768xf32> to vector<768xf32>
    %slice3A_837 = vector.extract_strided_slice %get3A_2 {offsets = [27, 1, 0], sizes = [1, 1, 768], strides = [1, 1, 1]} : vector<32x2x768xf32> to vector<1x1x768xf32>
    %squeeze3A_838 = vector.shape_cast %slice3A_837 : vector<1x1x768xf32> to vector<768xf32>
    %add3A_839 = arith.addf %squeeze3A_836, %squeeze3A_838 : vector<768xf32>
    %slice3A_840 = vector.extract_strided_slice %get3A_2 {offsets = [27, 0, 0], sizes = [1, 1, 768], strides = [1, 1, 1]} : vector<32x2x768xf32> to vector<1x1x768xf32>
    %squeeze3A_841 = vector.shape_cast %slice3A_840 : vector<1x1x768xf32> to vector<768xf32>
    %select_n3A_842 = arith.select %eq3A_834, %add3A_839, %squeeze3A_841 : vector<768xf32>
    %slice3A_843 = vector.extract_strided_slice %get3A_2 {offsets = [27, 1, 0], sizes = [1, 1, 768], strides = [1, 1, 1]} : vector<32x2x768xf32> to vector<1x1x768xf32>
    %squeeze3A_844 = vector.shape_cast %slice3A_843 : vector<1x1x768xf32> to vector<768xf32>
    %select_n3A_845 = arith.select %eq3A_834, %add3A_839, %squeeze3A_844 : vector<768xf32>
    %swap3A_846 = arith.constant 27 : index
    %swap3A_847 = arith.index_cast %get3A_830 : i32 to index
    %swap3A_848 = arith.constant 0 : index
    %swap3A_849 = vector.load %arg6[%swap3A_846, %swap3A_847, %swap3A_848] : memref<32x64x768xf32, #tpu.memory_space<vmem>>, vector<1x1x768xf32>
    %swap3A_850 = vector.shape_cast %swap3A_849 : vector<1x1x768xf32> to vector<768xf32>
    %swap3A_851 = vector.shape_cast %select_n3A_842 : vector<768xf32> to vector<1x1x768xf32>
    tpu.vector_store %arg6[%swap3A_846, %swap3A_847, %swap3A_848], %swap3A_851 {strides = array<i32>} : memref<32x64x768xf32, #tpu.memory_space<vmem>>, vector<1x1x768xf32>,
    %swap3A_852 = arith.constant 27 : index
    %swap3A_853 = arith.index_cast %get3A_833 : i32 to index
    %swap3A_854 = arith.constant 0 : index
    %swap3A_855 = vector.load %arg6[%swap3A_852, %swap3A_853, %swap3A_854] : memref<32x64x768xf32, #tpu.memory_space<vmem>>, vector<1x1x768xf32>
    %swap3A_856 = vector.shape_cast %swap3A_855 : vector<1x1x768xf32> to vector<768xf32>
    %swap3A_857 = vector.shape_cast %select_n3A_845 : vector<768xf32> to vector<1x1x768xf32>
    tpu.vector_store %arg6[%swap3A_852, %swap3A_853, %swap3A_854], %swap3A_857 {strides = array<i32>} : memref<32x64x768xf32, #tpu.memory_space<vmem>>, vector<1x1x768xf32>,
    %get3A_858 = arith.constant 28 : index
    %get3A_859 = arith.constant 0 : index
    %get3A_860 = memref.load %arg3[%get3A_858, %get3A_859] : memref<32x2xi32, #tpu.memory_space<smem>>
    %get3A_861 = arith.constant 28 : index
    %get3A_862 = arith.constant 1 : index
    %get3A_863 = memref.load %arg3[%get3A_861, %get3A_862] : memref<32x2xi32, #tpu.memory_space<smem>>
    %eq3A_864 = arith.cmpi eq, %get3A_860, %get3A_863 : i32
    %slice3A_865 = vector.extract_strided_slice %get3A_2 {offsets = [28, 0, 0], sizes = [1, 1, 768], strides = [1, 1, 1]} : vector<32x2x768xf32> to vector<1x1x768xf32>
    %squeeze3A_866 = vector.shape_cast %slice3A_865 : vector<1x1x768xf32> to vector<768xf32>
    %slice3A_867 = vector.extract_strided_slice %get3A_2 {offsets = [28, 1, 0], sizes = [1, 1, 768], strides = [1, 1, 1]} : vector<32x2x768xf32> to vector<1x1x768xf32>
    %squeeze3A_868 = vector.shape_cast %slice3A_867 : vector<1x1x768xf32> to vector<768xf32>
    %add3A_869 = arith.addf %squeeze3A_866, %squeeze3A_868 : vector<768xf32>
    %slice3A_870 = vector.extract_strided_slice %get3A_2 {offsets = [28, 0, 0], sizes = [1, 1, 768], strides = [1, 1, 1]} : vector<32x2x768xf32> to vector<1x1x768xf32>
    %squeeze3A_871 = vector.shape_cast %slice3A_870 : vector<1x1x768xf32> to vector<768xf32>
    %select_n3A_872 = arith.select %eq3A_864, %add3A_869, %squeeze3A_871 : vector<768xf32>
    %slice3A_873 = vector.extract_strided_slice %get3A_2 {offsets = [28, 1, 0], sizes = [1, 1, 768], strides = [1, 1, 1]} : vector<32x2x768xf32> to vector<1x1x768xf32>
    %squeeze3A_874 = vector.shape_cast %slice3A_873 : vector<1x1x768xf32> to vector<768xf32>
    %select_n3A_875 = arith.select %eq3A_864, %add3A_869, %squeeze3A_874 : vector<768xf32>
    %swap3A_876 = arith.constant 28 : index
    %swap3A_877 = arith.index_cast %get3A_860 : i32 to index
    %swap3A_878 = arith.constant 0 : index
    %swap3A_879 = vector.load %arg6[%swap3A_876, %swap3A_877, %swap3A_878] : memref<32x64x768xf32, #tpu.memory_space<vmem>>, vector<1x1x768xf32>
    %swap3A_880 = vector.shape_cast %swap3A_879 : vector<1x1x768xf32> to vector<768xf32>
    %swap3A_881 = vector.shape_cast %select_n3A_872 : vector<768xf32> to vector<1x1x768xf32>
    tpu.vector_store %arg6[%swap3A_876, %swap3A_877, %swap3A_878], %swap3A_881 {strides = array<i32>} : memref<32x64x768xf32, #tpu.memory_space<vmem>>, vector<1x1x768xf32>,
    %swap3A_882 = arith.constant 28 : index
    %swap3A_883 = arith.index_cast %get3A_863 : i32 to index
    %swap3A_884 = arith.constant 0 : index
    %swap3A_885 = vector.load %arg6[%swap3A_882, %swap3A_883, %swap3A_884] : memref<32x64x768xf32, #tpu.memory_space<vmem>>, vector<1x1x768xf32>
    %swap3A_886 = vector.shape_cast %swap3A_885 : vector<1x1x768xf32> to vector<768xf32>
    %swap3A_887 = vector.shape_cast %select_n3A_875 : vector<768xf32> to vector<1x1x768xf32>
    tpu.vector_store %arg6[%swap3A_882, %swap3A_883, %swap3A_884], %swap3A_887 {strides = array<i32>} : memref<32x64x768xf32, #tpu.memory_space<vmem>>, vector<1x1x768xf32>,
    %get3A_888 = arith.constant 29 : index
    %get3A_889 = arith.constant 0 : index
    %get3A_890 = memref.load %arg3[%get3A_888, %get3A_889] : memref<32x2xi32, #tpu.memory_space<smem>>
    %get3A_891 = arith.constant 29 : index
    %get3A_892 = arith.constant 1 : index
    %get3A_893 = memref.load %arg3[%get3A_891, %get3A_892] : memref<32x2xi32, #tpu.memory_space<smem>>
    %eq3A_894 = arith.cmpi eq, %get3A_890, %get3A_893 : i32
    %slice3A_895 = vector.extract_strided_slice %get3A_2 {offsets = [29, 0, 0], sizes = [1, 1, 768], strides = [1, 1, 1]} : vector<32x2x768xf32> to vector<1x1x768xf32>
    %squeeze3A_896 = vector.shape_cast %slice3A_895 : vector<1x1x768xf32> to vector<768xf32>
    %slice3A_897 = vector.extract_strided_slice %get3A_2 {offsets = [29, 1, 0], sizes = [1, 1, 768], strides = [1, 1, 1]} : vector<32x2x768xf32> to vector<1x1x768xf32>
    %squeeze3A_898 = vector.shape_cast %slice3A_897 : vector<1x1x768xf32> to vector<768xf32>
    %add3A_899 = arith.addf %squeeze3A_896, %squeeze3A_898 : vector<768xf32>
    %slice3A_900 = vector.extract_strided_slice %get3A_2 {offsets = [29, 0, 0], sizes = [1, 1, 768], strides = [1, 1, 1]} : vector<32x2x768xf32> to vector<1x1x768xf32>
    %squeeze3A_901 = vector.shape_cast %slice3A_900 : vector<1x1x768xf32> to vector<768xf32>
    %select_n3A_902 = arith.select %eq3A_894, %add3A_899, %squeeze3A_901 : vector<768xf32>
    %slice3A_903 = vector.extract_strided_slice %get3A_2 {offsets = [29, 1, 0], sizes = [1, 1, 768], strides = [1, 1, 1]} : vector<32x2x768xf32> to vector<1x1x768xf32>
    %squeeze3A_904 = vector.shape_cast %slice3A_903 : vector<1x1x768xf32> to vector<768xf32>
    %select_n3A_905 = arith.select %eq3A_894, %add3A_899, %squeeze3A_904 : vector<768xf32>
    %swap3A_906 = arith.constant 29 : index
    %swap3A_907 = arith.index_cast %get3A_890 : i32 to index
    %swap3A_908 = arith.constant 0 : index
    %swap3A_909 = vector.load %arg6[%swap3A_906, %swap3A_907, %swap3A_908] : memref<32x64x768xf32, #tpu.memory_space<vmem>>, vector<1x1x768xf32>
    %swap3A_910 = vector.shape_cast %swap3A_909 : vector<1x1x768xf32> to vector<768xf32>
    %swap3A_911 = vector.shape_cast %select_n3A_902 : vector<768xf32> to vector<1x1x768xf32>
    tpu.vector_store %arg6[%swap3A_906, %swap3A_907, %swap3A_908], %swap3A_911 {strides = array<i32>} : memref<32x64x768xf32, #tpu.memory_space<vmem>>, vector<1x1x768xf32>,
    %swap3A_912 = arith.constant 29 : index
    %swap3A_913 = arith.index_cast %get3A_893 : i32 to index
    %swap3A_914 = arith.constant 0 : index
    %swap3A_915 = vector.load %arg6[%swap3A_912, %swap3A_913, %swap3A_914] : memref<32x64x768xf32, #tpu.memory_space<vmem>>, vector<1x1x768xf32>
    %swap3A_916 = vector.shape_cast %swap3A_915 : vector<1x1x768xf32> to vector<768xf32>
    %swap3A_917 = vector.shape_cast %select_n3A_905 : vector<768xf32> to vector<1x1x768xf32>
    tpu.vector_store %arg6[%swap3A_912, %swap3A_913, %swap3A_914], %swap3A_917 {strides = array<i32>} : memref<32x64x768xf32, #tpu.memory_space<vmem>>, vector<1x1x768xf32>,
    %get3A_918 = arith.constant 30 : index
    %get3A_919 = arith.constant 0 : index
    %get3A_920 = memref.load %arg3[%get3A_918, %get3A_919] : memref<32x2xi32, #tpu.memory_space<smem>>
    %get3A_921 = arith.constant 30 : index
    %get3A_922 = arith.constant 1 : index
    %get3A_923 = memref.load %arg3[%get3A_921, %get3A_922] : memref<32x2xi32, #tpu.memory_space<smem>>
    %eq3A_924 = arith.cmpi eq, %get3A_920, %get3A_923 : i32
    %slice3A_925 = vector.extract_strided_slice %get3A_2 {offsets = [30, 0, 0], sizes = [1, 1, 768], strides = [1, 1, 1]} : vector<32x2x768xf32> to vector<1x1x768xf32>
    %squeeze3A_926 = vector.shape_cast %slice3A_925 : vector<1x1x768xf32> to vector<768xf32>
    %slice3A_927 = vector.extract_strided_slice %get3A_2 {offsets = [30, 1, 0], sizes = [1, 1, 768], strides = [1, 1, 1]} : vector<32x2x768xf32> to vector<1x1x768xf32>
    %squeeze3A_928 = vector.shape_cast %slice3A_927 : vector<1x1x768xf32> to vector<768xf32>
    %add3A_929 = arith.addf %squeeze3A_926, %squeeze3A_928 : vector<768xf32>
    %slice3A_930 = vector.extract_strided_slice %get3A_2 {offsets = [30, 0, 0], sizes = [1, 1, 768], strides = [1, 1, 1]} : vector<32x2x768xf32> to vector<1x1x768xf32>
    %squeeze3A_931 = vector.shape_cast %slice3A_930 : vector<1x1x768xf32> to vector<768xf32>
    %select_n3A_932 = arith.select %eq3A_924, %add3A_929, %squeeze3A_931 : vector<768xf32>
    %slice3A_933 = vector.extract_strided_slice %get3A_2 {offsets = [30, 1, 0], sizes = [1, 1, 768], strides = [1, 1, 1]} : vector<32x2x768xf32> to vector<1x1x768xf32>
    %squeeze3A_934 = vector.shape_cast %slice3A_933 : vector<1x1x768xf32> to vector<768xf32>
    %select_n3A_935 = arith.select %eq3A_924, %add3A_929, %squeeze3A_934 : vector<768xf32>
    %swap3A_936 = arith.constant 30 : index
    %swap3A_937 = arith.index_cast %get3A_920 : i32 to index
    %swap3A_938 = arith.constant 0 : index
    %swap3A_939 = vector.load %arg6[%swap3A_936, %swap3A_937, %swap3A_938] : memref<32x64x768xf32, #tpu.memory_space<vmem>>, vector<1x1x768xf32>
    %swap3A_940 = vector.shape_cast %swap3A_939 : vector<1x1x768xf32> to vector<768xf32>
    %swap3A_941 = vector.shape_cast %select_n3A_932 : vector<768xf32> to vector<1x1x768xf32>
    tpu.vector_store %arg6[%swap3A_936, %swap3A_937, %swap3A_938], %swap3A_941 {strides = array<i32>} : memref<32x64x768xf32, #tpu.memory_space<vmem>>, vector<1x1x768xf32>,
    %swap3A_942 = arith.constant 30 : index
    %swap3A_943 = arith.index_cast %get3A_923 : i32 to index
    %swap3A_944 = arith.constant 0 : index
    %swap3A_945 = vector.load %arg6[%swap3A_942, %swap3A_943, %swap3A_944] : memref<32x64x768xf32, #tpu.memory_space<vmem>>, vector<1x1x768xf32>
    %swap3A_946 = vector.shape_cast %swap3A_945 : vector<1x1x768xf32> to vector<768xf32>
    %swap3A_947 = vector.shape_cast %select_n3A_935 : vector<768xf32> to vector<1x1x768xf32>
    tpu.vector_store %arg6[%swap3A_942, %swap3A_943, %swap3A_944], %swap3A_947 {strides = array<i32>} : memref<32x64x768xf32, #tpu.memory_space<vmem>>, vector<1x1x768xf32>,
    %get3A_948 = arith.constant 31 : index
    %get3A_949 = arith.constant 0 : index
    %get3A_950 = memref.load %arg3[%get3A_948, %get3A_949] : memref<32x2xi32, #tpu.memory_space<smem>>
    %get3A_951 = arith.constant 31 : index
    %get3A_952 = arith.constant 1 : index
    %get3A_953 = memref.load %arg3[%get3A_951, %get3A_952] : memref<32x2xi32, #tpu.memory_space<smem>>
    %eq3A_954 = arith.cmpi eq, %get3A_950, %get3A_953 : i32
    %slice3A_955 = vector.extract_strided_slice %get3A_2 {offsets = [31, 0, 0], sizes = [1, 1, 768], strides = [1, 1, 1]} : vector<32x2x768xf32> to vector<1x1x768xf32>
    %squeeze3A_956 = vector.shape_cast %slice3A_955 : vector<1x1x768xf32> to vector<768xf32>
    %slice3A_957 = vector.extract_strided_slice %get3A_2 {offsets = [31, 1, 0], sizes = [1, 1, 768], strides = [1, 1, 1]} : vector<32x2x768xf32> to vector<1x1x768xf32>
    %squeeze3A_958 = vector.shape_cast %slice3A_957 : vector<1x1x768xf32> to vector<768xf32>
    %add3A_959 = arith.addf %squeeze3A_956, %squeeze3A_958 : vector<768xf32>
    %slice3A_960 = vector.extract_strided_slice %get3A_2 {offsets = [31, 0, 0], sizes = [1, 1, 768], strides = [1, 1, 1]} : vector<32x2x768xf32> to vector<1x1x768xf32>
    %squeeze3A_961 = vector.shape_cast %slice3A_960 : vector<1x1x768xf32> to vector<768xf32>
    %select_n3A_962 = arith.select %eq3A_954, %add3A_959, %squeeze3A_961 : vector<768xf32>
    %slice3A_963 = vector.extract_strided_slice %get3A_2 {offsets = [31, 1, 0], sizes = [1, 1, 768], strides = [1, 1, 1]} : vector<32x2x768xf32> to vector<1x1x768xf32>
    %squeeze3A_964 = vector.shape_cast %slice3A_963 : vector<1x1x768xf32> to vector<768xf32>
    %select_n3A_965 = arith.select %eq3A_954, %add3A_959, %squeeze3A_964 : vector<768xf32>
    %swap3A_966 = arith.constant 31 : index
    %swap3A_967 = arith.index_cast %get3A_950 : i32 to index
    %swap3A_968 = arith.constant 0 : index
    %swap3A_969 = vector.load %arg6[%swap3A_966, %swap3A_967, %swap3A_968] : memref<32x64x768xf32, #tpu.memory_space<vmem>>, vector<1x1x768xf32>
    %swap3A_970 = vector.shape_cast %swap3A_969 : vector<1x1x768xf32> to vector<768xf32>
    %swap3A_971 = vector.shape_cast %select_n3A_962 : vector<768xf32> to vector<1x1x768xf32>
    tpu.vector_store %arg6[%swap3A_966, %swap3A_967, %swap3A_968], %swap3A_971 {strides = array<i32>} : memref<32x64x768xf32, #tpu.memory_space<vmem>>, vector<1x1x768xf32>,
    %swap3A_972 = arith.constant 31 : index
    %swap3A_973 = arith.index_cast %get3A_953 : i32 to index
    %swap3A_974 = arith.constant 0 : index
    %swap3A_975 = vector.load %arg6[%swap3A_972, %swap3A_973, %swap3A_974] : memref<32x64x768xf32, #tpu.memory_space<vmem>>, vector<1x1x768xf32>
    %swap3A_976 = vector.shape_cast %swap3A_975 : vector<1x1x768xf32> to vector<768xf32>
    %swap3A_977 = vector.shape_cast %select_n3A_965 : vector<768xf32> to vector<1x1x768xf32>
    tpu.vector_store %arg6[%swap3A_972, %swap3A_973, %swap3A_974], %swap3A_977 {strides = array<i32>} : memref<32x64x768xf32, #tpu.memory_space<vmem>>, vector<1x1x768xf32>,
    return
  }
  func.func @transform_0(%arg0: i32) -> (i32, i32, i32) {
    %c0_i32 = arith.constant 0 : i32
    %c0_i32_0 = arith.constant 0 : i32
    %c0_i32_1 = arith.constant 0 : i32
    return %arg0, %c0_i32, %c0_i32_0 : i32, i32, i32
  }
  func.func @transform_1(%arg0: i32) -> (i32, i32) {
    %c0_i32 = arith.constant 0 : i32
    %c0_i32_0 = arith.constant 0 : i32
    return %arg0, %c0_i32 : i32, i32
  }
  func.func @transform_2(%arg0: i32) -> (i32, i32) {
    %c0_i32 = arith.constant 0 : i32
    %c0_i32_0 = arith.constant 0 : i32
    return %arg0, %c0_i32 : i32, i32
  }
  func.func @transform_4(%arg0: i32) -> (i32, i32) {
    %c0_i32 = arith.constant 0 : i32
    %c0_i32_0 = arith.constant 0 : i32
    return %arg0, %c0_i32 : i32, i32
  }
  func.func @transform_5(%arg0: i32) -> (i32, i32, i32) {
    %add3A = arith.constant 1 : i32
    %add3A_0 = arith.addi %arg0, %add3A : i32
    %c0_i32 = arith.constant 0 : i32
    %c0_i32_1 = arith.constant 0 : i32
    %c0_i32_2 = arith.constant 0 : i32
    return %add3A_0, %c0_i32, %c0_i32_1 : i32, i32, i32
  }
}

</mosaic_0001>

<sc_bundles>
// kernel: kernel.11.cloned.1.call-start
scs
__scs_entry_jumppad:
0x0: {  	(pc) =	sbr.rel $0x88, $3  }
0x1: {  	(tag) =	ssettag $0x0;
	lr =	simm.s32 $0x1  }
0x2: {  	[smem:$0x3F9B] =	sst lr;
	_ =	strace $0xD0000000  }
0x3: {  	_ = 	snop  }
0x4: {  	_ = 	snop  }
0x5: {  	_ = 	snop  }
0x6: {  	_ = 	snop  }
0x7: {  	_ = 	snop  }
__scs_overlays_trampoline_lowered:
0x8: {  	[smem:$0x3FAA] =	sst s0  }
0x9: {  	[smem:$0x3FAB] =	sst s1  }
0xa: {  	[smem:$0x3FAC] =	sst s2  }
0xb: {  	[smem:$0x3FAD] =	sst s3  }
0xc: {  	[smem:$0x3FAE] =	sst s4  }
0xd: {  	[smem:$0x3FAF] =	sst s5  }
0xe: {  	[smem:$0x3FB0] =	sst s6  }
0xf: {  	[smem:$0x3FB1] =	sst s7  }
0x10: {  	[smem:$0x3FB2] =	sst s8  }
0x11: {  	[smem:$0x3FB3] =	sst s9;
	s0 =	simm.s32 @!p0 $0x0  }
0x12: {  	s1 =	sld [smem:$0x3F99];
	s0 =	simm.s32 @p0 $0x1  }
0x13: {  	[smem:$0x3FB4] =	sst s0;
	s0 =	simm.s32 @!p1 $0x0  }
0x14: {  	s2 =	sld [smem:$0x3F98];
	s0 =	simm.s32 @p1 $0x1  }
0x15: {  	[smem:$0x3FB5] =	sst s0;
	s0 =	simm.s32 @!p2 $0x0  }
0x16: {  	s3 =	sld [smem:$0x3FDB];
	s0 =	simm.s32 @p2 $0x1  }
0x17: {  	s4 =	simm.s32 $0x1BF5;
	[smem:$0x3FB7] =	sst s0  }
0x18: {  	s0 =	sld [smem:$0x3F9A];
	_ =	swait.ge [sflag:s4], $0x0  }
0x19: {  	s7 =	sld [smem:$0x3F9B]  }
0x1a: {  	s8 =	sadd.s32 $0xFFFFE003, lr  }
0x1b: {  	s9 =	sadd.s32 $0xFFFFFEF7, lr;
	s5 =	simm.s32 $0xFFFFFFFF;
	p2 =	slt.u32 s8, $0xFFFFF086  }
0x1c: {  	p1 =	slt.u32 s9, $0xF7A;
	s5 =	simm.s32 @!p2 $0x0  }
0x1d: {  	s5 =	simm.s32 @p1 $0x1;
	p0 =	seq.s32 s7, s2  }
0x1e: {  	s7 =	smul.u32 @!p0 $0xF7A, s2;
	p2 =	seq.s32 @!p0 s5, $0x0  }
0x1f: {  	s9 =	smul.u32 $0xF7A, s1;
	s8 =	simm.s32 @!p0 $0x1BF5;
	p2 =	por !p2, p0  }
0x20: {  	[sflag:s8] =	ssyncset.s32 @!p0 $0xFFFFF086;
	s6 =	sadd.s32 @!p0 s3, s7;
	s7 =	simm.s32 @!p0 $0x108  }
0x21: {  	s3 =	sadd.s32 s3, s9;
	s6 =	sadd.s32 @!p0 $0x88, s6;
	s7 =	simm.s32 @p2 $0x1082  }
0x22: {  	[simem:s7], [sflag:s8] =	dma.local @!p0 [hbm:s6], $0xF7A  }
0x23: {  	s9 =	sor.u32 $0xD0000000, s2;
	s6 =	simm.s32 $0x108;
	_ =	swait.ge @!p0 [sflag:s8], $0x0  }
0x24: {  	s3 =	sadd.s32 $0x88, s3;
	s6 =	simm.s32 @!p1 $0x1082;
	[sflag:s4] =	ssyncset.s32 $0xFFFFF086  }
0x25: {  	[simem:s6], [sflag:s4] =	dma.local [hbm:s3], $0xF7A  }
0x26: {  	[smem:$0x3F9B] =	sst s1;
	(tag) =	ssettag s2;
	_ =	strace s9  }
0x27: {  	s1 =	sld [smem:$0x3FAB]  }
0x28: {  	s2 =	sld [smem:$0x3FAC]  }
0x29: {  	s4 =	sld [smem:$0x3FAE]  }
0x2a: {  	p0 =	seq.s32 s5, $0x0;
	s5 =	sld [smem:$0x3FAF]  }
0x2b: {  	s6 =	sld [smem:$0x3FB0]  }
0x2c: {  	s7 =	sld [smem:$0x3FB1]  }
0x2d: {  	s3 =	simm.s32 $0x108;
	s8 =	sld [smem:$0x3FB2]  }
0x2e: {  	s3 =	simm.s32 @!p0 $0x1082;
	s9 =	sld [smem:$0x3FB3]  }
0x2f: {  	lr =	sadd.s32 s0, s3;
	s0 =	sld [smem:$0x3FAA]  }
0x30: {  	s3 =	sld [smem:$0x3FAD]  }
0x31: {  	[smem:$0x3FB6] =	sst s10  }
0x32: {  	s10 =	sld [smem:$0x3FB4];
	_ =	sdelay $0x3  }
0x33: {  	p0 =	seq.s32 s10, $0x1;
	s10 =	sld [smem:$0x3FB6];
	_ =	sdelay $0x3  }
0x34: {  	[smem:$0x3FB6] =	sst s10  }
0x35: {  	s10 =	sld [smem:$0x3FB5];
	_ =	sdelay $0x3  }
0x36: {  	p1 =	seq.s32 s10, $0x1;
	s10 =	sld [smem:$0x3FB6];
	_ =	sdelay $0x3  }
0x37: {  	[smem:$0x3FB6] =	sst s10  }
0x38: {  	s10 =	sld [smem:$0x3FB7]  }
0x39: {  	_ = 	snop;
	(pc) =	sbr.ind lr, $3  }
0x3a: {  	_ = 	snop  }
0x3b: {  	_ = 	snop  }
0x3c: {  	p2 =	seq.s32 s10, $0x1;
	s10 =	sld [smem:$0x3FB6]  }
0x3d: {  	_ =	shalt  }
0x3e: {  	_ =	shalt  }
0x3f: {  	_ =	shalt  }
0x40: {  	_ =	shalt  }
0x41: {  	_ =	shalt  }
0x42: {  	_ =	shalt  }
0x43: {  	_ =	shalt  }
0x44: {  	_ =	shalt  }
0x45: {  	_ =	shalt  }
0x46: {  	_ =	shalt  }
0x47: {  	_ =	shalt  }
0x48: {  	_ =	shalt  }
0x49: {  	_ =	shalt  }
0x4a: {  	_ =	shalt  }
0x4b: {  	_ =	shalt  }
0x4c: {  	_ =	shalt  }
0x4d: {  	_ =	shalt  }
0x4e: {  	_ =	shalt  }
0x4f: {  	_ =	shalt  }
0x50: {  	_ =	shalt  }
0x51: {  	_ =	shalt  }
0x52: {  	_ =	shalt  }
0x53: {  	_ =	shalt  }
0x54: {  	_ =	shalt  }
0x55: {  	_ =	shalt  }
0x56: {  	_ =	shalt  }
0x57: {  	_ =	shalt  }
0x58: {  	_ =	shalt  }
0x59: {  	_ =	shalt  }
0x5a: {  	_ =	shalt  }
0x5b: {  	_ =	shalt  }
0x5c: {  	_ =	shalt  }
0x5d: {  	_ =	shalt  }
0x5e: {  	_ =	shalt  }
0x5f: {  	_ =	shalt  }
0x60: {  	_ =	shalt  }
0x61: {  	_ =	shalt  }
0x62: {  	_ =	shalt  }
0x63: {  	_ =	shalt  }
0x64: {  	_ =	shalt  }
0x65: {  	_ =	shalt  }
0x66: {  	_ =	shalt  }
0x67: {  	_ =	shalt  }
0x68: {  	_ =	shalt  }
0x69: {  	_ =	shalt  }
0x6a: {  	_ =	shalt  }
0x6b: {  	_ =	shalt  }
0x6c: {  	_ =	shalt  }
0x6d: {  	_ =	shalt  }
0x6e: {  	_ =	shalt  }
0x6f: {  	_ =	shalt  }
0x70: {  	_ =	shalt  }
0x71: {  	_ =	shalt  }
0x72: {  	_ =	shalt  }
0x73: {  	_ =	shalt  }
0x74: {  	_ =	shalt  }
0x75: {  	_ =	shalt  }
0x76: {  	_ =	shalt  }
0x77: {  	_ =	shalt  }
0x78: {  	_ =	shalt  }
0x79: {  	_ =	shalt  }
0x7a: {  	_ =	shalt  }
0x7b: {  	_ =	shalt  }
0x7c: {  	_ =	shalt  }
0x7d: {  	_ =	shalt  }
0x7e: {  	_ =	shalt  }
0x7f: {  	_ =	shalt  }
0x80: {  	_ =	shalt  }
0x81: {  	_ =	shalt  }
0x82: {  	_ =	shalt  }
0x83: {  	_ =	shalt  }
0x84: {  	_ =	shalt  }
0x85: {  	_ =	shalt  }
0x86: {  	_ =	shalt  }
0x87: {  	_ =	shalt  }
.Lfunc_end0:
.L_simem_size_0:
called_computation.1_lowered:
.L_overlay_start_0:
0x88: {  	s2 =	sld [smem:$0x3FD9]  }
0x89: {  	s3 =	sld [smem:$0x3FFE];
	_ =	sdelay $0x1  }
0x8a: {  	s1 =	srdreg.scid  }
0x8b: {  	s0 =	sand.u32 $0x1, s1  }
0x8c: {  	s14 =	sshll.u32 s0, $0xA;
	s2 =	sadd.s32 s3, s2  }
0x8d: {  	s2 =	sadd.s32 s2, s14  }
0x8e: {  	[smem:$0x3FC2] =	sst s2  }
0x8f: {  	_ = 	snop  }
0x90: {  	s2 =	sld [smem:$0x3FD0];
	_ =	sdelay $0x2  }
0x91: {  	s15 =	simm.s32 $0xA;
	s4 =	simm.s32 $0x10  }
0x92: {  	[smem:s4], [sflag:s15] =	dma.local [hbm:s2], $0x1  }
0x93: {  	_ =	swait.eq [sflag:s15], $0x1  }
0x94: {  	[sflag:s15] =	ssyncset.done $0x0  }
0x95: {  	s16 =	sld [smem:$0x10];
	[sflag:s15] =	ssyncadd.s32 $0xFFFFFFFF  }
0x96: {  	s17 =	sld [smem:$0x12];
	(tm) =	ssettm $0x1  }
0x97: {  	s18 =	sld [smem:$0x3FFB];
	_ =	sdelay $0x3  }
0x98: {  	_ =	strace s18  }
0x99: {  	s4 =	sld [smem:$0x3FFC];
	_ =	sdelay $0x3  }
0x9a: {  	_ =	strace s4  }
0x9b: {  	s4 =	sld [smem:$0x3FFD];
	_ =	sdelay $0x3  }
0x9c: {  	_ =	strace s4  }
0x9d: {  	_ =	strace $0x8FFFFFFF  }
0x9e: {  	s19 =	sld [smem:$0x3FDB];
	_ =	sdelay $0x1  }
0x9f: {  	s5 =	simm.s32 $_scs_section_size  }
0xa0: {  	s6 =	simm.s32 $_size__tile_overlayer_lowered;
	s7 =	simm.s32 $_tile_overlayer_lowered  }
0xa1: {  	s22 =	simm.s32 $0x1BFF;
	s21 =	sshll.u32 s7, $0x1;
	s4 =	sadd.s32 s5, s19  }
0xa2: {  	s8 =	simm.s32 $0x0;
	s20 =	sshll.u32 s6, $0x1;
	s6 =	sadd.s32 s21, s4  }
0xa3: {  	[timem:s8], [sflag:s22] =	dma.local [hbm:s6], s20  }
0xa4: {  	_ =	swait.ge [sflag:s22], s20  }
0xa5: {  	s5 =	ssub.s32 $0x0, s20;
	[sflag:s22] =	ssyncset.done $0x0  }
0xa6: {  	[sflag:s22] =	ssyncadd.s32 s5;
	_ =	sdelay $0x1  }
0xa7: {  	s23 =	simm.s32 $0x1B8B  }
0xa8: {  	_ =	swait.ge [sflag:s23], $0x1  }
0xa9: {  	[sflag:s23] =	ssyncset.done $0x0  }
0xaa: {  	s25 =	simm.s32 $0x1B8E;
	s24 =	sld [smem:$0x3FFE];
	[sflag:s23] =	ssyncadd.s32 $0xFFFFFFFF  }
0xab: {  	s26 =	simm.s32 $execute0_lowered;
	[smem:$0x3FD2] =	sst s25  }
0xac: {  	s6 =	sshll.u32 s26, $0x1;
	_ =	strace $0x80000049;
	[dreg:$0x1] =	wrdreg $0xFFFFFFFF  }
0xad: {  	s28 =	simm.s32 $_size_execute0_lowered;
	s4 =	sadd.s32 s4, s6;
	[dreg:$0x0] =	wrdreg $0x0  }
0xae: {  	s6 =	sshll.u32 s28, $0x1;
	[dreg:$0x2] =	wrdreg s4  }
0xaf: {  	[dreg:$0x3] =	wrdreg s6  }
0xb0: {  	[dreg:$0x4] =	wrdreg $0xC0  }
0xb1: {  	_ =	task [dreg:s8], $0x5FFFF  }
0xb2: {  	[dreg:$0x1] =	wrdreg $0xFFFFFFFF  }
0xb3: {  	[dreg:$0x0] =	wrdreg $0x60  }
0xb4: {  	[dreg:$0x2] =	wrdreg s16  }
0xb5: {  	[dreg:$0x3] =	wrdreg s24  }
0xb6: {  	[dreg:$0x4] =	wrdreg s17  }
0xb7: {  	[dreg:$0x5] =	wrdreg $0x9  }
0xb8: {  	_ =	task.clear_ibuf [dreg:s8], $0x6FFFF;
	_ =	strace $0x90000049  }
0xb9: {  	s29 =	simm.s32 $0x9;
	_ =	strace $0x8000004B  }
0xba: {  	_ =	swait.ge [sflag:s29], $0x1  }
0xbb: {  	[sflag:s29] =	ssyncadd.s32 $0xFFFFFFFF  }
0xbc: {  	_ =	strace $0x9000004B  }
0xbd: {  	_ =	sfence  }
0xbe: {  	s30 =	sld [smem:$0x0];
	_ =	sdelay $0x2  }
0xbf: {  	s31 =	sshll.u32 s1, $0xD;
	s1 =	sshrl.u32 s1, $0x2  }
0xc0: {  	s3 =	sand.u32 $0x4000, s31;
	s1 =	sadd.s32 s1, s30  }
0xc1: {  	s0 =	sor.u32 s3, s0;
	s1 =	sshll.u32 s1, $0x11  }
0xc2: {  	s0 =	sor.u32 s1, s0  }
0xc3: {  	s0 =	sadd.s32 $0x8F2B, s0  }
0xc4: {  	[sflag:s0] =	ssyncadd.remote.s32 $0x1  }
0xc5: {  	_ =	sfence.sel $0xFFFF  }
0xc6: {  	[dreg:$0x0] =	wrdreg $0xFFFFFFFF;
	(pc) =	sbr.abs _section_cstart, $3  }
0xc7: {  	[dreg:$0x1] =	wrdreg $0xFFFFFFFF  }
0xc8: {  	_ =	task.clear_ibuf [dreg:s8], $0x2FFFF;
	_ =	strace $0x9FFFFFFF  }
0xc9: {  	(tm) =	ssettm $0x7FFFFFFF  }
tec
execute0_lowered:
.L_overlay_start_1:
0x0: {  	(tag) =	ssettag $0x1  }
0x1: {  	s1 =	rddreg [dreg:$0x0]  }
0x2: {  	s0 =	rddreg [dreg:$0x1]  }
0x3: {  	s2 =	rddreg [dreg:$0x2]  }
0x4: {  	s3 =	srdreg.scid;
	s5 =	stileid.u32;
	s10 =	simm.s32 $0x880  }
0x5: {  	s11 =	simm.s32 $0x1080;
	s12 =	simm.s32 $0x1880;
	s13 =	simm.s32 $0x2080  }
0x6: {  	s14 =	simm.s32 $0x2880;
	s15 =	simm.s32 $0x3080;
	s16 =	simm.s32 $0x3880  }
0x7: {  	s17 =	simm.s32 $0x4080;
	s18 =	simm.s32 $0x4880;
	s19 =	simm.s32 $0x5080  }
0x8: {  	s20 =	simm.s32 $0x5880;
	s21 =	simm.s32 $0x6080;
	s22 =	simm.s32 $0x6880  }
0x9: {  	s23 =	simm.s32 $0x7080;
	s28 =	simm.s32 $0x9080;
	s29 =	simm.s32 $0x9880  }
0xa: {  	s30 =	simm.s32 $0xA080;
	s31 =	simm.s32 $0xA880;
	s4 =	sand.u32 $0x1, s3  }
0xb: {  	s3 =	simm.s32 $0x0;
	s5 =	sshll.u32 s5, $0x6;
	s0 =	sadd.s32 $0xA200, s0  }
0xc: {  	s6 =	sshll.u32 s4, $0x5;
	[smem:$0x7FF] =	sst s3;
	s4 =	ssub.s32 $0x2, s4  }
0xd: {  	s5 =	sor.u32 s6, s5;
	_ =	strace $0x8000004A;
	s8 =	sshrl.u32 s4, $0x1  }
0xe: {  	s6 =	smul.u32 $0x300, s5;
	s7 =	sadd.s32 s0, s5;
	s5 =	sor.u32 $0x10, s5  }
0xf: {  	s25 =	ssub.s32 s4, s8;
	s4 =	sadd.s32 $0x100, s1;
	s8 =	simm.s32 $0xB880  }
0x10: {  	[dreg:$0x4] =	wrdreg s7;
	s24 =	smul.u32 $0x300, s5;
	s0 =	sadd.s32 s0, s5  }
0x11: {  	s5 =	sadd.s32 $0x200, s1;
	s6 =	sadd.s32 s2, s6;
	[dreg:$0x6] =	wrdreg s0  }
0x12: {  	v2 =	vlaneseq.u32;
	s7 =	simm.s32 $0x2;
	[dreg:$0x5] =	wrdreg s6;
	s26 =	sadd.s32 s2, s24  }
0x13: {  	vm0 =	vmmov $0xffff;
	v1 =	vshrl.u32 v2, $0x3;
	s6 =	smax.u32 s25, $0x1;
	s2 =	simm.s32 $0x1;
	s24 =	simm.s32 $0x7880  }
0x14: {  	v0 =	vand.u32 $0x7, v2;
	v2 =	vor.u32 $0x8, v2;
	v1 =	vmul.u32 $0x8, v1;
	s25 =	simm.s32 $0x8080;
	[dreg:$0x7] =	wrdreg s26;
	s26 =	simm.s32 $0x8880  }
.LBB2_1:
0x15: {  	s9 =	rddreg [dreg:$0x4]  }
0x16: {  	[tilespmem:s3], [sflag:$0x2] =	stream.linear.gather [hbm4b:s9+s3], $0x80, $0x38;
	[tilespmem:$0x18080] =	vst v63  }
0x17: {  	_ =	swait.ge [sflag:s7], $0x80  }
0x18: {  	[sflag:s7] =	ssyncset.done $0x0  }
0x19: {  	[sflag:s7] =	ssyncadd.s32 $0xFFFFFF80  }
0x1a: {  	v3 =	vld [tilespmem:$0x0];
	_ =	sdelay $0x4  }
0x1b: {  	v4 =	vshrl.u32 v3, $0x3  }
0x1c: {  	v4 =	vmul.u32 $0x30, v4  }
0x1d: {  	v3 =	vand.u32 $0x7, v3  }
0x1e: {  	v3 =	vor.u32 v3, v4  }
0x1f: {  	v4 =	vperm.xlane v3, v0;
	_ =	sdelay $0x1  }
0x20: {  	v4 =	vadd.s32 v1, v4;
	_ =	sdelay $0x3  }
0x21: {  	s0 =	simm.s32 $0x80;
	v3 =	vperm.xlane v3, v2  }
0x22: {  	[tilespmem:s0], [sflag:$0x1] =	stream.indirect_vreg.gather [hbm4b:s1+s3], $0x80, v4, vm0, $0xb8;
	[tilespmem:$0x18080] =	vst v63  }
0x23: {  	v3 =	vadd.s32 v1, v3  }
0x24: {  	[tilespmem:s10], [sflag:$0x1] =	stream.indirect_vreg.gather [hbm4b:s4+s3], $0x80, v4, vm0, $0xb8;
	[tilespmem:$0x18080] =	vst v63  }
0x25: {  	_ = 	snop  }
0x26: {  	[tilespmem:s11], [sflag:$0x1] =	stream.indirect_vreg.gather [hbm4b:s5+s3], $0x80, v4, vm0, $0xb8;
	[tilespmem:$0x18080] =	vst v63  }
0x27: {  	_ = 	snop  }
0x28: {  	[tilespmem:s12], [sflag:$0x1] =	stream.indirect_vreg.gather [hbm4b:s1+s3], $0x80, v3, vm0, $0xb8;
	[tilespmem:$0x18080] =	vst v63  }
0x29: {  	_ = 	snop  }
0x2a: {  	[tilespmem:s13], [sflag:$0x1] =	stream.indirect_vreg.gather [hbm4b:s4+s3], $0x80, v3, vm0, $0xb8;
	[tilespmem:$0x18080] =	vst v63  }
0x2b: {  	_ = 	snop  }
0x2c: {  	[tilespmem:s14], [sflag:$0x1] =	stream.indirect_vreg.gather [hbm4b:s5+s3], $0x80, v3, vm0, $0xb8;
	[tilespmem:$0x18080] =	vst v63  }
0x2d: {  	v3 =	vld [tilespmem:$0x10];
	_ =	sdelay $0x4  }
0x2e: {  	v49 =	vshrl.u32 v3, $0x3  }
0x2f: {  	v4 =	vmul.u32 $0x30, v49  }
0x30: {  	v3 =	vand.u32 $0x7, v3  }
0x31: {  	v3 =	vor.u32 v3, v4  }
0x32: {  	v4 =	vperm.xlane v3, v0;
	_ =	sdelay $0x1  }
0x33: {  	v4 =	vadd.s32 v1, v4;
	_ =	sdelay $0x3  }
0x34: {  	v3 =	vperm.xlane v3, v2  }
0x35: {  	[tilespmem:s15], [sflag:$0x1] =	stream.indirect_vreg.gather [hbm4b:s1+s3], $0x80, v4, vm0, $0xb8;
	[tilespmem:$0x18080] =	vst v63  }
0x36: {  	v3 =	vadd.s32 v1, v3  }
0x37: {  	[tilespmem:s16], [sflag:$0x1] =	stream.indirect_vreg.gather [hbm4b:s4+s3], $0x80, v4, vm0, $0xb8;
	[tilespmem:$0x18080] =	vst v63  }
0x38: {  	_ = 	snop  }
0x39: {  	[tilespmem:s17], [sflag:$0x1] =	stream.indirect_vreg.gather [hbm4b:s5+s3], $0x80, v4, vm0, $0xb8;
	[tilespmem:$0x18080] =	vst v63  }
0x3a: {  	_ = 	snop  }
0x3b: {  	[tilespmem:s18], [sflag:$0x1] =	stream.indirect_vreg.gather [hbm4b:s1+s3], $0x80, v3, vm0, $0xb8;
	[tilespmem:$0x18080] =	vst v63  }
0x3c: {  	_ = 	snop  }
0x3d: {  	[tilespmem:s19], [sflag:$0x1] =	stream.indirect_vreg.gather [hbm4b:s4+s3], $0x80, v3, vm0, $0xb8;
	[tilespmem:$0x18080] =	vst v63  }
0x3e: {  	_ = 	snop  }
0x3f: {  	[tilespmem:s20], [sflag:$0x1] =	stream.indirect_vreg.gather [hbm4b:s5+s3], $0x80, v3, vm0, $0xb8;
	[tilespmem:$0x18080] =	vst v63  }
0x40: {  	v3 =	vld [tilespmem:$0x20];
	_ =	sdelay $0x4  }
0x41: {  	v50 =	vshrl.u32 v3, $0x3  }
0x42: {  	v4 =	vmul.u32 $0x30, v50  }
0x43: {  	v3 =	vand.u32 $0x7, v3  }
0x44: {  	v3 =	vor.u32 v3, v4  }
0x45: {  	v4 =	vperm.xlane v3, v0;
	_ =	sdelay $0x1  }
0x46: {  	v4 =	vadd.s32 v1, v4;
	_ =	sdelay $0x3  }
0x47: {  	v3 =	vperm.xlane v3, v2  }
0x48: {  	[tilespmem:s21], [sflag:$0x1] =	stream.indirect_vreg.gather [hbm4b:s1+s3], $0x80, v4, vm0, $0xb8;
	[tilespmem:$0x18080] =	vst v63  }
0x49: {  	v3 =	vadd.s32 v1, v3  }
0x4a: {  	[tilespmem:s22], [sflag:$0x1] =	stream.indirect_vreg.gather [hbm4b:s4+s3], $0x80, v4, vm0, $0xb8;
	[tilespmem:$0x18080] =	vst v63  }
0x4b: {  	_ = 	snop  }
0x4c: {  	[tilespmem:s23], [sflag:$0x1] =	stream.indirect_vreg.gather [hbm4b:s5+s3], $0x80, v4, vm0, $0xb8;
	[tilespmem:$0x18080] =	vst v63  }
0x4d: {  	_ = 	snop  }
0x4e: {  	[tilespmem:s24], [sflag:$0x1] =	stream.indirect_vreg.gather [hbm4b:s1+s3], $0x80, v3, vm0, $0xb8;
	[tilespmem:$0x18080] =	vst v63  }
0x4f: {  	_ = 	snop  }
0x50: {  	[tilespmem:s25], [sflag:$0x1] =	stream.indirect_vreg.gather [hbm4b:s4+s3], $0x80, v3, vm0, $0xb8;
	[tilespmem:$0x18080] =	vst v63  }
0x51: {  	_ = 	snop  }
0x52: {  	[tilespmem:s26], [sflag:$0x1] =	stream.indirect_vreg.gather [hbm4b:s5+s3], $0x80, v3, vm0, $0xb8;
	[tilespmem:$0x18080] =	vst v63  }
0x53: {  	v3 =	vld [tilespmem:$0x30];
	_ =	sdelay $0x4  }
0x54: {  	v51 =	vshrl.u32 v3, $0x3  }
0x55: {  	v4 =	vmul.u32 $0x30, v51  }
0x56: {  	v3 =	vand.u32 $0x7, v3  }
0x57: {  	v3 =	vor.u32 v3, v4  }
0x58: {  	v4 =	vperm.xlane v3, v0;
	_ =	sdelay $0x1  }
0x59: {  	v4 =	vadd.s32 v1, v4;
	_ =	sdelay $0x3  }
0x5a: {  	v3 =	vperm.xlane v3, v2  }
0x5b: {  	[tilespmem:s28], [sflag:$0x1] =	stream.indirect_vreg.gather [hbm4b:s1+s3], $0x80, v4, vm0, $0xb8;
	[tilespmem:$0x18080] =	vst v63  }
0x5c: {  	v3 =	vadd.s32 v1, v3  }
0x5d: {  	[tilespmem:s29], [sflag:$0x1] =	stream.indirect_vreg.gather [hbm4b:s4+s3], $0x80, v4, vm0, $0xb8;
	[tilespmem:$0x18080] =	vst v63  }
0x5e: {  	_ = 	snop  }
0x5f: {  	[tilespmem:s30], [sflag:$0x1] =	stream.indirect_vreg.gather [hbm4b:s5+s3], $0x80, v4, vm0, $0xb8;
	[tilespmem:$0x18080] =	vst v63  }
0x60: {  	_ = 	snop  }
0x61: {  	[tilespmem:s31], [sflag:$0x1] =	stream.indirect_vreg.gather [hbm4b:s1+s3], $0x80, v3, vm0, $0xb8;
	[tilespmem:$0x18080] =	vst v63  }
0x62: {  	s9 =	simm.s32 $0xB080  }
0x63: {  	[tilespmem:s9], [sflag:$0x1] =	stream.indirect_vreg.gather [hbm4b:s4+s3], $0x80, v3, vm0, $0xb8;
	[tilespmem:$0x18080] =	vst v63  }
0x64: {  	_ = 	snop  }
0x65: {  	[tilespmem:s8], [sflag:$0x1] =	stream.indirect_vreg.gather [hbm4b:s5+s3], $0x80, v3, vm0, $0xb8;
	[tilespmem:$0x18080] =	vst v63  }
0x66: {  	v3 =	vld [tilespmem:$0x40];
	_ =	sdelay $0x4  }
0x67: {  	v52 =	vshrl.u32 v3, $0x3  }
0x68: {  	v4 =	vmul.u32 $0x30, v52  }
0x69: {  	v3 =	vand.u32 $0x7, v3  }
0x6a: {  	v3 =	vor.u32 v3, v4  }
0x6b: {  	v4 =	vperm.xlane v3, v0;
	_ =	sdelay $0x1  }
0x6c: {  	v4 =	vadd.s32 v1, v4;
	_ =	sdelay $0x3  }
0x6d: {  	s9 =	simm.s32 $0xC080;
	v3 =	vperm.xlane v3, v2  }
0x6e: {  	[tilespmem:s9], [sflag:$0x1] =	stream.indirect_vreg.gather [hbm4b:s1+s3], $0x80, v4, vm0, $0xb8;
	[tilespmem:$0x18080] =	vst v63  }
0x6f: {  	v3 =	vadd.s32 v1, v3;
	s9 =	simm.s32 $0xC880  }
0x70: {  	[tilespmem:s9], [sflag:$0x1] =	stream.indirect_vreg.gather [hbm4b:s4+s3], $0x80, v4, vm0, $0xb8;
	[tilespmem:$0x18080] =	vst v63  }
0x71: {  	s9 =	simm.s32 $0xD080  }
0x72: {  	[tilespmem:s9], [sflag:$0x1] =	stream.indirect_vreg.gather [hbm4b:s5+s3], $0x80, v4, vm0, $0xb8;
	[tilespmem:$0x18080] =	vst v63  }
0x73: {  	s9 =	simm.s32 $0xD880  }
0x74: {  	[tilespmem:s9], [sflag:$0x1] =	stream.indirect_vreg.gather [hbm4b:s1+s3], $0x80, v3, vm0, $0xb8;
	[tilespmem:$0x18080] =	vst v63  }
0x75: {  	s9 =	simm.s32 $0xE080  }
0x76: {  	[tilespmem:s9], [sflag:$0x1] =	stream.indirect_vreg.gather [hbm4b:s4+s3], $0x80, v3, vm0, $0xb8;
	[tilespmem:$0x18080] =	vst v63  }
0x77: {  	s9 =	simm.s32 $0xE880  }
0x78: {  	[tilespmem:s9], [sflag:$0x1] =	stream.indirect_vreg.gather [hbm4b:s5+s3], $0x80, v3, vm0, $0xb8;
	[tilespmem:$0x18080] =	vst v63  }
0x79: {  	v3 =	vld [tilespmem:$0x50];
	_ =	sdelay $0x4  }
0x7a: {  	v53 =	vshrl.u32 v3, $0x3  }
0x7b: {  	v4 =	vmul.u32 $0x30, v53  }
0x7c: {  	v3 =	vand.u32 $0x7, v3  }
0x7d: {  	v3 =	vor.u32 v3, v4  }
0x7e: {  	v4 =	vperm.xlane v3, v0;
	_ =	sdelay $0x1  }
0x7f: {  	v4 =	vadd.s32 v1, v4;
	_ =	sdelay $0x3  }
0x80: {  	s9 =	simm.s32 $0xF080;
	v3 =	vperm.xlane v3, v2  }
0x81: {  	[tilespmem:s9], [sflag:$0x1] =	stream.indirect_vreg.gather [hbm4b:s1+s3], $0x80, v4, vm0, $0xb8;
	[tilespmem:$0x18080] =	vst v63  }
0x82: {  	v3 =	vadd.s32 v1, v3;
	s9 =	simm.s32 $0xF880  }
0x83: {  	[tilespmem:s9], [sflag:$0x1] =	stream.indirect_vreg.gather [hbm4b:s4+s3], $0x80, v4, vm0, $0xb8;
	[tilespmem:$0x18080] =	vst v63  }
0x84: {  	s9 =	simm.s32 $0x10080  }
0x85: {  	[tilespmem:s9], [sflag:$0x1] =	stream.indirect_vreg.gather [hbm4b:s5+s3], $0x80, v4, vm0, $0xb8;
	[tilespmem:$0x18080] =	vst v63  }
0x86: {  	s9 =	simm.s32 $0x10880  }
0x87: {  	[tilespmem:s9], [sflag:$0x1] =	stream.indirect_vreg.gather [hbm4b:s1+s3], $0x80, v3, vm0, $0xb8;
	[tilespmem:$0x18080] =	vst v63  }
0x88: {  	s9 =	simm.s32 $0x11080  }
0x89: {  	[tilespmem:s9], [sflag:$0x1] =	stream.indirect_vreg.gather [hbm4b:s4+s3], $0x80, v3, vm0, $0xb8;
	[tilespmem:$0x18080] =	vst v63  }
0x8a: {  	s9 =	simm.s32 $0x11880  }
0x8b: {  	[tilespmem:s9], [sflag:$0x1] =	stream.indirect_vreg.gather [hbm4b:s5+s3], $0x80, v3, vm0, $0xb8;
	[tilespmem:$0x18080] =	vst v63  }
0x8c: {  	v3 =	vld [tilespmem:$0x60];
	_ =	sdelay $0x4  }
0x8d: {  	v54 =	vshrl.u32 v3, $0x3  }
0x8e: {  	v4 =	vmul.u32 $0x30, v54  }
0x8f: {  	v3 =	vand.u32 $0x7, v3  }
0x90: {  	v3 =	vor.u32 v3, v4  }
0x91: {  	v4 =	vperm.xlane v3, v0;
	_ =	sdelay $0x1  }
0x92: {  	v4 =	vadd.s32 v1, v4;
	_ =	sdelay $0x3  }
0x93: {  	s9 =	simm.s32 $0x12080;
	v3 =	vperm.xlane v3, v2  }
0x94: {  	[tilespmem:s9], [sflag:$0x1] =	stream.indirect_vreg.gather [hbm4b:s1+s3], $0x80, v4, vm0, $0xb8;
	[tilespmem:$0x18080] =	vst v63  }
0x95: {  	v3 =	vadd.s32 v1, v3;
	s9 =	simm.s32 $0x12880  }
0x96: {  	[tilespmem:s9], [sflag:$0x1] =	stream.indirect_vreg.gather [hbm4b:s4+s3], $0x80, v4, vm0, $0xb8;
	[tilespmem:$0x18080] =	vst v63  }
0x97: {  	s9 =	simm.s32 $0x13080  }
0x98: {  	[tilespmem:s9], [sflag:$0x1] =	stream.indirect_vreg.gather [hbm4b:s5+s3], $0x80, v4, vm0, $0xb8;
	[tilespmem:$0x18080] =	vst v63  }
0x99: {  	s9 =	simm.s32 $0x13880  }
0x9a: {  	[tilespmem:s9], [sflag:$0x1] =	stream.indirect_vreg.gather [hbm4b:s1+s3], $0x80, v3, vm0, $0xb8;
	[tilespmem:$0x18080] =	vst v63  }
0x9b: {  	s9 =	simm.s32 $0x14080  }
0x9c: {  	[tilespmem:s9], [sflag:$0x1] =	stream.indirect_vreg.gather [hbm4b:s4+s3], $0x80, v3, vm0, $0xb8;
	[tilespmem:$0x18080] =	vst v63  }
0x9d: {  	s9 =	simm.s32 $0x14880  }
0x9e: {  	[tilespmem:s9], [sflag:$0x1] =	stream.indirect_vreg.gather [hbm4b:s5+s3], $0x80, v3, vm0, $0xb8;
	[tilespmem:$0x18080] =	vst v63  }
0x9f: {  	v3 =	vld [tilespmem:$0x70];
	_ =	sdelay $0x4  }
0xa0: {  	v55 =	vshrl.u32 v3, $0x3  }
0xa1: {  	v4 =	vmul.u32 $0x30, v55  }
0xa2: {  	v3 =	vand.u32 $0x7, v3  }
0xa3: {  	v3 =	vor.u32 v3, v4  }
0xa4: {  	v4 =	vperm.xlane v3, v0;
	_ =	sdelay $0x1  }
0xa5: {  	v4 =	vadd.s32 v1, v4;
	_ =	sdelay $0x3  }
0xa6: {  	s9 =	simm.s32 $0x15080;
	v3 =	vperm.xlane v3, v2  }
0xa7: {  	[tilespmem:s9], [sflag:$0x1] =	stream.indirect_vreg.gather [hbm4b:s1+s3], $0x80, v4, vm0, $0xb8;
	[tilespmem:$0x18080] =	vst v63  }
0xa8: {  	v3 =	vadd.s32 v1, v3;
	s9 =	simm.s32 $0x15880  }
0xa9: {  	[tilespmem:s9], [sflag:$0x1] =	stream.indirect_vreg.gather [hbm4b:s4+s3], $0x80, v4, vm0, $0xb8;
	[tilespmem:$0x18080] =	vst v63  }
0xaa: {  	s9 =	simm.s32 $0x16080  }
0xab: {  	[tilespmem:s9], [sflag:$0x1] =	stream.indirect_vreg.gather [hbm4b:s5+s3], $0x80, v4, vm0, $0xb8;
	[tilespmem:$0x18080] =	vst v63  }
0xac: {  	s9 =	simm.s32 $0x16880  }
0xad: {  	[tilespmem:s9], [sflag:$0x1] =	stream.indirect_vreg.gather [hbm4b:s1+s3], $0x80, v3, vm0, $0xb8;
	[tilespmem:$0x18080] =	vst v63  }
0xae: {  	s9 =	simm.s32 $0x17080  }
0xaf: {  	[tilespmem:s9], [sflag:$0x1] =	stream.indirect_vreg.gather [hbm4b:s4+s3], $0x80, v3, vm0, $0xb8;
	[tilespmem:$0x18080] =	vst v63  }
0xb0: {  	s9 =	simm.s32 $0x17880  }
0xb1: {  	[tilespmem:s9], [sflag:$0x1] =	stream.indirect_vreg.gather [hbm4b:s5+s3], $0x80, v3, vm0, $0xb8;
	[tilespmem:$0x18080] =	vst v63  }
0xb2: {  	_ =	swait.ge [sflag:s2], $0x18000  }
0xb3: {  	[sflag:s2] =	ssyncset.done $0x0  }
0xb4: {  	s0 =	simm.s32 $0x80;
	s9 =	rddreg [dreg:$0x5];
	[sflag:s2] =	ssyncadd.s32 $0xFFFE8000  }
0xb5: {  	[hbm4b:s9+s3] =	stream.linear.scatter [tilespmem:s0], [sflag:$0x2], $0x18000, $0x38;
	[tilespmem:$0x18080] =	vst v63  }
0xb6: {  	_ =	swait.ge [sflag:s7], $0x18000  }
0xb7: {  	[sflag:s7] =	ssyncset.done $0x0  }
0xb8: {  	s9 =	rddreg [dreg:$0x6];
	[sflag:s7] =	ssyncadd.s32 $0xFFFE8000  }
0xb9: {  	[tilespmem:s3], [sflag:$0x2] =	stream.linear.gather [hbm4b:s9+s3], $0x80, $0x38;
	[tilespmem:$0x18080] =	vst v63  }
0xba: {  	_ =	swait.ge [sflag:s7], $0x80  }
0xbb: {  	[sflag:s7] =	ssyncset.done $0x0  }
0xbc: {  	[sflag:s7] =	ssyncadd.s32 $0xFFFFFF80  }
0xbd: {  	v3 =	vld [tilespmem:$0x0];
	_ =	sdelay $0x4  }
0xbe: {  	v56 =	vshrl.u32 v3, $0x3  }
0xbf: {  	v4 =	vmul.u32 $0x30, v56  }
0xc0: {  	v3 =	vand.u32 $0x7, v3  }
0xc1: {  	v3 =	vor.u32 v3, v4  }
0xc2: {  	v4 =	vperm.xlane v3, v0;
	_ =	sdelay $0x1  }
0xc3: {  	v4 =	vadd.s32 v1, v4;
	_ =	sdelay $0x3  }
0xc4: {  	v3 =	vperm.xlane v3, v2  }
0xc5: {  	[tilespmem:s0], [sflag:$0x1] =	stream.indirect_vreg.gather [hbm4b:s1+s3], $0x80, v4, vm0, $0xb8;
	[tilespmem:$0x18080] =	vst v63  }
0xc6: {  	v3 =	vadd.s32 v1, v3  }
0xc7: {  	[tilespmem:s10], [sflag:$0x1] =	stream.indirect_vreg.gather [hbm4b:s4+s3], $0x80, v4, vm0, $0xb8;
	[tilespmem:$0x18080] =	vst v63  }
0xc8: {  	_ = 	snop  }
0xc9: {  	[tilespmem:s11], [sflag:$0x1] =	stream.indirect_vreg.gather [hbm4b:s5+s3], $0x80, v4, vm0, $0xb8;
	[tilespmem:$0x18080] =	vst v63  }
0xca: {  	_ = 	snop  }
0xcb: {  	[tilespmem:s12], [sflag:$0x1] =	stream.indirect_vreg.gather [hbm4b:s1+s3], $0x80, v3, vm0, $0xb8;
	[tilespmem:$0x18080] =	vst v63  }
0xcc: {  	_ = 	snop  }
0xcd: {  	[tilespmem:s13], [sflag:$0x1] =	stream.indirect_vreg.gather [hbm4b:s4+s3], $0x80, v3, vm0, $0xb8;
	[tilespmem:$0x18080] =	vst v63  }
0xce: {  	_ = 	snop  }
0xcf: {  	[tilespmem:s14], [sflag:$0x1] =	stream.indirect_vreg.gather [hbm4b:s5+s3], $0x80, v3, vm0, $0xb8;
	[tilespmem:$0x18080] =	vst v63  }
0xd0: {  	v3 =	vld [tilespmem:$0x10];
	_ =	sdelay $0x4  }
0xd1: {  	v57 =	vshrl.u32 v3, $0x3  }
0xd2: {  	v4 =	vmul.u32 $0x30, v57  }
0xd3: {  	v3 =	vand.u32 $0x7, v3  }
0xd4: {  	v3 =	vor.u32 v3, v4  }
0xd5: {  	v4 =	vperm.xlane v3, v0;
	_ =	sdelay $0x1  }
0xd6: {  	v4 =	vadd.s32 v1, v4;
	_ =	sdelay $0x3  }
0xd7: {  	v3 =	vperm.xlane v3, v2  }
0xd8: {  	[tilespmem:s15], [sflag:$0x1] =	stream.indirect_vreg.gather [hbm4b:s1+s3], $0x80, v4, vm0, $0xb8;
	[tilespmem:$0x18080] =	vst v63  }
0xd9: {  	v3 =	vadd.s32 v1, v3  }
0xda: {  	[tilespmem:s16], [sflag:$0x1] =	stream.indirect_vreg.gather [hbm4b:s4+s3], $0x80, v4, vm0, $0xb8;
	[tilespmem:$0x18080] =	vst v63  }
0xdb: {  	_ = 	snop  }
0xdc: {  	[tilespmem:s17], [sflag:$0x1] =	stream.indirect_vreg.gather [hbm4b:s5+s3], $0x80, v4, vm0, $0xb8;
	[tilespmem:$0x18080] =	vst v63  }
0xdd: {  	_ = 	snop  }
0xde: {  	[tilespmem:s18], [sflag:$0x1] =	stream.indirect_vreg.gather [hbm4b:s1+s3], $0x80, v3, vm0, $0xb8;
	[tilespmem:$0x18080] =	vst v63  }
0xdf: {  	_ = 	snop  }
0xe0: {  	[tilespmem:s19], [sflag:$0x1] =	stream.indirect_vreg.gather [hbm4b:s4+s3], $0x80, v3, vm0, $0xb8;
	[tilespmem:$0x18080] =	vst v63  }
0xe1: {  	_ = 	snop  }
0xe2: {  	[tilespmem:s20], [sflag:$0x1] =	stream.indirect_vreg.gather [hbm4b:s5+s3], $0x80, v3, vm0, $0xb8;
	[tilespmem:$0x18080] =	vst v63  }
0xe3: {  	v3 =	vld [tilespmem:$0x20];
	_ =	sdelay $0x4  }
0xe4: {  	v58 =	vshrl.u32 v3, $0x3  }
0xe5: {  	v4 =	vmul.u32 $0x30, v58  }
0xe6: {  	v3 =	vand.u32 $0x7, v3  }
0xe7: {  	v3 =	vor.u32 v3, v4  }
0xe8: {  	v4 =	vperm.xlane v3, v0;
	_ =	sdelay $0x1  }
0xe9: {  	v4 =	vadd.s32 v1, v4;
	_ =	sdelay $0x3  }
0xea: {  	v3 =	vperm.xlane v3, v2  }
0xeb: {  	[tilespmem:s21], [sflag:$0x1] =	stream.indirect_vreg.gather [hbm4b:s1+s3], $0x80, v4, vm0, $0xb8;
	[tilespmem:$0x18080] =	vst v63  }
0xec: {  	v3 =	vadd.s32 v1, v3  }
0xed: {  	[tilespmem:s22], [sflag:$0x1] =	stream.indirect_vreg.gather [hbm4b:s4+s3], $0x80, v4, vm0, $0xb8;
	[tilespmem:$0x18080] =	vst v63  }
0xee: {  	_ = 	snop  }
0xef: {  	[tilespmem:s23], [sflag:$0x1] =	stream.indirect_vreg.gather [hbm4b:s5+s3], $0x80, v4, vm0, $0xb8;
	[tilespmem:$0x18080] =	vst v63  }
0xf0: {  	_ = 	snop  }
0xf1: {  	[tilespmem:s24], [sflag:$0x1] =	stream.indirect_vreg.gather [hbm4b:s1+s3], $0x80, v3, vm0, $0xb8;
	[tilespmem:$0x18080] =	vst v63  }
0xf2: {  	_ = 	snop  }
0xf3: {  	[tilespmem:s25], [sflag:$0x1] =	stream.indirect_vreg.gather [hbm4b:s4+s3], $0x80, v3, vm0, $0xb8;
	[tilespmem:$0x18080] =	vst v63  }
0xf4: {  	_ = 	snop  }
0xf5: {  	[tilespmem:s26], [sflag:$0x1] =	stream.indirect_vreg.gather [hbm4b:s5+s3], $0x80, v3, vm0, $0xb8;
	[tilespmem:$0x18080] =	vst v63  }
0xf6: {  	v3 =	vld [tilespmem:$0x30];
	_ =	sdelay $0x4  }
0xf7: {  	v59 =	vshrl.u32 v3, $0x3  }
0xf8: {  	v4 =	vmul.u32 $0x30, v59  }
0xf9: {  	v3 =	vand.u32 $0x7, v3  }
0xfa: {  	v3 =	vor.u32 v3, v4  }
0xfb: {  	v4 =	vperm.xlane v3, v0;
	_ =	sdelay $0x1  }
0xfc: {  	v4 =	vadd.s32 v1, v4;
	_ =	sdelay $0x3  }
0xfd: {  	v3 =	vperm.xlane v3, v2  }
0xfe: {  	[tilespmem:s28], [sflag:$0x1] =	stream.indirect_vreg.gather [hbm4b:s1+s3], $0x80, v4, vm0, $0xb8;
	[tilespmem:$0x18080] =	vst v63  }
0xff: {  	v3 =	vadd.s32 v1, v3  }
0x100: {  	[tilespmem:s29], [sflag:$0x1] =	stream.indirect_vreg.gather [hbm4b:s4+s3], $0x80, v4, vm0, $0xb8;
	[tilespmem:$0x18080] =	vst v63  }
0x101: {  	_ = 	snop  }
0x102: {  	[tilespmem:s30], [sflag:$0x1] =	stream.indirect_vreg.gather [hbm4b:s5+s3], $0x80, v4, vm0, $0xb8;
	[tilespmem:$0x18080] =	vst v63  }
0x103: {  	_ = 	snop  }
0x104: {  	[tilespmem:s31], [sflag:$0x1] =	stream.indirect_vreg.gather [hbm4b:s1+s3], $0x80, v3, vm0, $0xb8;
	[tilespmem:$0x18080] =	vst v63  }
0x105: {  	s9 =	simm.s32 $0xB080  }
0x106: {  	[tilespmem:s9], [sflag:$0x1] =	stream.indirect_vreg.gather [hbm4b:s4+s3], $0x80, v3, vm0, $0xb8;
	[tilespmem:$0x18080] =	vst v63  }
0x107: {  	_ = 	snop  }
0x108: {  	[tilespmem:s8], [sflag:$0x1] =	stream.indirect_vreg.gather [hbm4b:s5+s3], $0x80, v3, vm0, $0xb8;
	[tilespmem:$0x18080] =	vst v63  }
0x109: {  	v3 =	vld [tilespmem:$0x40];
	_ =	sdelay $0x4  }
0x10a: {  	v60 =	vshrl.u32 v3, $0x3  }
0x10b: {  	v4 =	vmul.u32 $0x30, v60  }
0x10c: {  	v3 =	vand.u32 $0x7, v3  }
0x10d: {  	v3 =	vor.u32 v3, v4  }
0x10e: {  	v4 =	vperm.xlane v3, v0;
	_ =	sdelay $0x1  }
0x10f: {  	v4 =	vadd.s32 v1, v4;
	_ =	sdelay $0x3  }
0x110: {  	s9 =	simm.s32 $0xC080;
	v3 =	vperm.xlane v3, v2  }
0x111: {  	[tilespmem:s9], [sflag:$0x1] =	stream.indirect_vreg.gather [hbm4b:s1+s3], $0x80, v4, vm0, $0xb8;
	[tilespmem:$0x18080] =	vst v63  }
0x112: {  	v3 =	vadd.s32 v1, v3;
	s9 =	simm.s32 $0xC880  }
0x113: {  	[tilespmem:s9], [sflag:$0x1] =	stream.indirect_vreg.gather [hbm4b:s4+s3], $0x80, v4, vm0, $0xb8;
	[tilespmem:$0x18080] =	vst v63  }
0x114: {  	s9 =	simm.s32 $0xD080  }
0x115: {  	[tilespmem:s9], [sflag:$0x1] =	stream.indirect_vreg.gather [hbm4b:s5+s3], $0x80, v4, vm0, $0xb8;
	[tilespmem:$0x18080] =	vst v63  }
0x116: {  	s9 =	simm.s32 $0xD880  }
0x117: {  	[tilespmem:s9], [sflag:$0x1] =	stream.indirect_vreg.gather [hbm4b:s1+s3], $0x80, v3, vm0, $0xb8;
	[tilespmem:$0x18080] =	vst v63  }
0x118: {  	s9 =	simm.s32 $0xE080  }
0x119: {  	[tilespmem:s9], [sflag:$0x1] =	stream.indirect_vreg.gather [hbm4b:s4+s3], $0x80, v3, vm0, $0xb8;
	[tilespmem:$0x18080] =	vst v63  }
0x11a: {  	s9 =	simm.s32 $0xE880  }
0x11b: {  	[tilespmem:s9], [sflag:$0x1] =	stream.indirect_vreg.gather [hbm4b:s5+s3], $0x80, v3, vm0, $0xb8;
	[tilespmem:$0x18080] =	vst v63  }
0x11c: {  	v3 =	vld [tilespmem:$0x50];
	_ =	sdelay $0x4  }
0x11d: {  	v61 =	vshrl.u32 v3, $0x3  }
0x11e: {  	v4 =	vmul.u32 $0x30, v61  }
0x11f: {  	v3 =	vand.u32 $0x7, v3  }
0x120: {  	v3 =	vor.u32 v3, v4  }
0x121: {  	v4 =	vperm.xlane v3, v0;
	_ =	sdelay $0x1  }
0x122: {  	v4 =	vadd.s32 v1, v4;
	_ =	sdelay $0x3  }
0x123: {  	s9 =	simm.s32 $0xF080;
	v3 =	vperm.xlane v3, v2  }
0x124: {  	[tilespmem:s9], [sflag:$0x1] =	stream.indirect_vreg.gather [hbm4b:s1+s3], $0x80, v4, vm0, $0xb8;
	[tilespmem:$0x18080] =	vst v63  }
0x125: {  	v3 =	vadd.s32 v1, v3;
	s9 =	simm.s32 $0xF880  }
0x126: {  	[tilespmem:s9], [sflag:$0x1] =	stream.indirect_vreg.gather [hbm4b:s4+s3], $0x80, v4, vm0, $0xb8;
	[tilespmem:$0x18080] =	vst v63  }
0x127: {  	s9 =	simm.s32 $0x10080  }
0x128: {  	[tilespmem:s9], [sflag:$0x1] =	stream.indirect_vreg.gather [hbm4b:s5+s3], $0x80, v4, vm0, $0xb8;
	[tilespmem:$0x18080] =	vst v63  }
0x129: {  	s9 =	simm.s32 $0x10880  }
0x12a: {  	[tilespmem:s9], [sflag:$0x1] =	stream.indirect_vreg.gather [hbm4b:s1+s3], $0x80, v3, vm0, $0xb8;
	[tilespmem:$0x18080] =	vst v63  }
0x12b: {  	s9 =	simm.s32 $0x11080  }
0x12c: {  	[tilespmem:s9], [sflag:$0x1] =	stream.indirect_vreg.gather [hbm4b:s4+s3], $0x80, v3, vm0, $0xb8;
	[tilespmem:$0x18080] =	vst v63  }
0x12d: {  	s9 =	simm.s32 $0x11880  }
0x12e: {  	[tilespmem:s9], [sflag:$0x1] =	stream.indirect_vreg.gather [hbm4b:s5+s3], $0x80, v3, vm0, $0xb8;
	[tilespmem:$0x18080] =	vst v63  }
0x12f: {  	v3 =	vld [tilespmem:$0x60];
	_ =	sdelay $0x4  }
0x130: {  	v62 =	vshrl.u32 v3, $0x3  }
0x131: {  	v4 =	vmul.u32 $0x30, v62  }
0x132: {  	v3 =	vand.u32 $0x7, v3  }
0x133: {  	v3 =	vor.u32 v3, v4  }
0x134: {  	v4 =	vperm.xlane v3, v0;
	_ =	sdelay $0x1  }
0x135: {  	v4 =	vadd.s32 v1, v4;
	_ =	sdelay $0x3  }
0x136: {  	s9 =	simm.s32 $0x12080;
	v3 =	vperm.xlane v3, v2  }
0x137: {  	[tilespmem:s9], [sflag:$0x1] =	stream.indirect_vreg.gather [hbm4b:s1+s3], $0x80, v4, vm0, $0xb8;
	[tilespmem:$0x18080] =	vst v63  }
0x138: {  	v3 =	vadd.s32 v1, v3;
	s9 =	simm.s32 $0x12880  }
0x139: {  	[tilespmem:s9], [sflag:$0x1] =	stream.indirect_vreg.gather [hbm4b:s4+s3], $0x80, v4, vm0, $0xb8;
	[tilespmem:$0x18080] =	vst v63  }
0x13a: {  	s9 =	simm.s32 $0x13080  }
0x13b: {  	[tilespmem:s9], [sflag:$0x1] =	stream.indirect_vreg.gather [hbm4b:s5+s3], $0x80, v4, vm0, $0xb8;
	[tilespmem:$0x18080] =	vst v63  }
0x13c: {  	s9 =	simm.s32 $0x13880  }
0x13d: {  	[tilespmem:s9], [sflag:$0x1] =	stream.indirect_vreg.gather [hbm4b:s1+s3], $0x80, v3, vm0, $0xb8;
	[tilespmem:$0x18080] =	vst v63  }
0x13e: {  	s9 =	simm.s32 $0x14080  }
0x13f: {  	[tilespmem:s9], [sflag:$0x1] =	stream.indirect_vreg.gather [hbm4b:s4+s3], $0x80, v3, vm0, $0xb8;
	[tilespmem:$0x18080] =	vst v63  }
0x140: {  	s9 =	simm.s32 $0x14880  }
0x141: {  	[tilespmem:s9], [sflag:$0x1] =	stream.indirect_vreg.gather [hbm4b:s5+s3], $0x80, v3, vm0, $0xb8;
	[tilespmem:$0x18080] =	vst v63  }
0x142: {  	v3 =	vld [tilespmem:$0x70];
	_ =	sdelay $0x4  }
0x143: {  	v63 =	vshrl.u32 v3, $0x3  }
0x144: {  	v4 =	vmul.u32 $0x30, v63  }
0x145: {  	v3 =	vand.u32 $0x7, v3  }
0x146: {  	v3 =	vor.u32 v3, v4  }
0x147: {  	v4 =	vperm.xlane v3, v0;
	_ =	sdelay $0x1  }
0x148: {  	v4 =	vadd.s32 v1, v4;
	_ =	sdelay $0x3  }
0x149: {  	s9 =	simm.s32 $0x15080;
	v3 =	vperm.xlane v3, v2  }
0x14a: {  	[tilespmem:s9], [sflag:$0x1] =	stream.indirect_vreg.gather [hbm4b:s1+s3], $0x80, v4, vm0, $0xb8;
	[tilespmem:$0x18080] =	vst v63  }
0x14b: {  	v3 =	vadd.s32 v1, v3;
	s9 =	simm.s32 $0x15880  }
0x14c: {  	[tilespmem:s9], [sflag:$0x1] =	stream.indirect_vreg.gather [hbm4b:s4+s3], $0x80, v4, vm0, $0xb8;
	[tilespmem:$0x18080] =	vst v63  }
0x14d: {  	s9 =	simm.s32 $0x16080  }
0x14e: {  	[tilespmem:s9], [sflag:$0x1] =	stream.indirect_vreg.gather [hbm4b:s5+s3], $0x80, v4, vm0, $0xb8;
	[tilespmem:$0x18080] =	vst v63  }
0x14f: {  	s9 =	simm.s32 $0x16880  }
0x150: {  	[tilespmem:s9], [sflag:$0x1] =	stream.indirect_vreg.gather [hbm4b:s1+s3], $0x80, v3, vm0, $0xb8;
	[tilespmem:$0x18080] =	vst v63  }
0x151: {  	s9 =	simm.s32 $0x17080  }
0x152: {  	[tilespmem:s9], [sflag:$0x1] =	stream.indirect_vreg.gather [hbm4b:s4+s3], $0x80, v3, vm0, $0xb8;
	[tilespmem:$0x18080] =	vst v63  }
0x153: {  	s9 =	simm.s32 $0x17880  }
0x154: {  	[tilespmem:s9], [sflag:$0x1] =	stream.indirect_vreg.gather [hbm4b:s5+s3], $0x80, v3, vm0, $0xb8;
	[tilespmem:$0x18080] =	vst v63  }
0x155: {  	_ =	swait.ge [sflag:s2], $0x18000  }
0x156: {  	p0 =	sne.s32 s6, $0x1;
	s0 =	simm.s32 $0x80;
	[sflag:s2] =	ssyncset.done $0x0  }
.Ltmp0:
0x157: {  	s9 =	rddreg [dreg:$0x7];
	[sflag:s2] =	ssyncadd.s32 $0xFFFE8000;
	(pc) =	sbr.rel @p0 .LBB2_1-.Ltmp0, $4  }
0x158: {  	[hbm4b:s9+s3] =	stream.linear.scatter [tilespmem:s0], [sflag:$0x2], $0x18000, $0x38;
	[tilespmem:$0x18080] =	vst v63  }
0x159: {  	_ =	swait.ge [sflag:s7], $0x18000  }
0x15a: {  	[sflag:s7] =	ssyncset.done $0x0  }
0x15b: {  	s6 =	sadd.s32 $0xFFFFFFFF, s6;
	[sflag:s7] =	ssyncadd.s32 $0xFFFE8000  }
0x15c: {  	_ =	sfence.sel $0x180000  }
0x15d: {  	[bflag:$0x0] =	sbarrier.arrive $0xFFFF  }
0x15e: {  	_ =	strace $0x9000004A  }
0x15f: {  	s0 =	stileid.u32;
	[bflag:$0x2] =	sbarrier.arrive $0xFFFF  }
0x160: {  	p0 =	sne.s32 s0, $0x0;
	s0 =	rddreg [dreg:$0x3]  }
0x161: {  	s0 =	sadd.s32 @!p0 $0x100000, s0  }
0x162: {  	[sflag:s0] =	ssyncadd.tile.s32 @!p0 $0x1;
	_ =	shalt  }
.Lfunc_end2:
_tile_overlayer_lowered:
.L_overlay_start_2:
0x163: {  	(tag) =	ssettag $0x2  }
0x164: {  	s0 =	rddreg [dreg:$0x0];
	s2 =	stileid.u32  }
0x165: {  	s1 =	rddreg [dreg:$0x1];
	p0 =	sne.s32 s2, $0x0  }
0x166: {  	s3 =	rddreg [dreg:$0x2];
	[bflag:$0x3] =	sbarrier.arrive $0xFFFF;
	s2 =	simm.s32 @!p0 $0x1C02  }
0x167: {  	[timem:s3], [sflag:s2] =	dma.local @!p0 [hbm:s0], s1  }
0x168: {  	s0 =	simm.s32 @!p0 $0x2  }
0x169: {  	_ =	swait.ge @!p0 [sflag:s0], s1  }
0x16a: {  	s1 =	ssub.s32 @!p0 $0x0, s1;
	[sflag:s0] =	ssyncset.done @!p0 $0x0  }
0x16b: {  	[sflag:s0] =	ssyncadd.s32 @!p0 s1  }
0x16c: {  	[bflag:$0x3] =	sbarrier.arrive $0xFFFF  }
0x16d: {  	_ =	shalt  }

// kernel: kernel.14.cloned.1.call-start
scs
__scs_entry_jumppad:
0x0: {  	(pc) =	sbr.rel $0x88, $3  }
0x1: {  	(tag) =	ssettag $0x0;
	lr =	simm.s32 $0x1  }
0x2: {  	[smem:$0x3F9B] =	sst lr;
	_ =	strace $0xD0000000  }
0x3: {  	_ = 	snop  }
0x4: {  	_ = 	snop  }
0x5: {  	_ = 	snop  }
0x6: {  	_ = 	snop  }
0x7: {  	_ = 	snop  }
__scs_overlays_trampoline_lowered:
0x8: {  	[smem:$0x3FAA] =	sst s0  }
0x9: {  	[smem:$0x3FAB] =	sst s1  }
0xa: {  	[smem:$0x3FAC] =	sst s2  }
0xb: {  	[smem:$0x3FAD] =	sst s3  }
0xc: {  	[smem:$0x3FAE] =	sst s4  }
0xd: {  	[smem:$0x3FAF] =	sst s5  }
0xe: {  	[smem:$0x3FB0] =	sst s6  }
0xf: {  	[smem:$0x3FB1] =	sst s7  }
0x10: {  	[smem:$0x3FB2] =	sst s8  }
0x11: {  	[smem:$0x3FB3] =	sst s9;
	s0 =	simm.s32 @!p0 $0x0  }
0x12: {  	s1 =	sld [smem:$0x3F99];
	s0 =	simm.s32 @p0 $0x1  }
0x13: {  	[smem:$0x3FB4] =	sst s0;
	s0 =	simm.s32 @!p1 $0x0  }
0x14: {  	s2 =	sld [smem:$0x3F98];
	s0 =	simm.s32 @p1 $0x1  }
0x15: {  	[smem:$0x3FB5] =	sst s0;
	s0 =	simm.s32 @!p2 $0x0  }
0x16: {  	s3 =	sld [smem:$0x3FDB];
	s0 =	simm.s32 @p2 $0x1  }
0x17: {  	s4 =	simm.s32 $0x1BF5;
	[smem:$0x3FB7] =	sst s0  }
0x18: {  	s0 =	sld [smem:$0x3F9A];
	_ =	swait.ge [sflag:s4], $0x0  }
0x19: {  	s7 =	sld [smem:$0x3F9B]  }
0x1a: {  	s8 =	sadd.s32 $0xFFFFE003, lr  }
0x1b: {  	s9 =	sadd.s32 $0xFFFFFEF7, lr;
	s5 =	simm.s32 $0xFFFFFFFF;
	p2 =	slt.u32 s8, $0xFFFFF086  }
0x1c: {  	p1 =	slt.u32 s9, $0xF7A;
	s5 =	simm.s32 @!p2 $0x0  }
0x1d: {  	s5 =	simm.s32 @p1 $0x1;
	p0 =	seq.s32 s7, s2  }
0x1e: {  	s7 =	smul.u32 @!p0 $0xF7A, s2;
	p2 =	seq.s32 @!p0 s5, $0x0  }
0x1f: {  	s9 =	smul.u32 $0xF7A, s1;
	s8 =	simm.s32 @!p0 $0x1BF5;
	p2 =	por !p2, p0  }
0x20: {  	[sflag:s8] =	ssyncset.s32 @!p0 $0xFFFFF086;
	s6 =	sadd.s32 @!p0 s3, s7;
	s7 =	simm.s32 @!p0 $0x108  }
0x21: {  	s3 =	sadd.s32 s3, s9;
	s6 =	sadd.s32 @!p0 $0x88, s6;
	s7 =	simm.s32 @p2 $0x1082  }
0x22: {  	[simem:s7], [sflag:s8] =	dma.local @!p0 [hbm:s6], $0xF7A  }
0x23: {  	s9 =	sor.u32 $0xD0000000, s2;
	s6 =	simm.s32 $0x108;
	_ =	swait.ge @!p0 [sflag:s8], $0x0  }
0x24: {  	s3 =	sadd.s32 $0x88, s3;
	s6 =	simm.s32 @!p1 $0x1082;
	[sflag:s4] =	ssyncset.s32 $0xFFFFF086  }
0x25: {  	[simem:s6], [sflag:s4] =	dma.local [hbm:s3], $0xF7A  }
0x26: {  	[smem:$0x3F9B] =	sst s1;
	(tag) =	ssettag s2;
	_ =	strace s9  }
0x27: {  	s1 =	sld [smem:$0x3FAB]  }
0x28: {  	s2 =	sld [smem:$0x3FAC]  }
0x29: {  	s4 =	sld [smem:$0x3FAE]  }
0x2a: {  	p0 =	seq.s32 s5, $0x0;
	s5 =	sld [smem:$0x3FAF]  }
0x2b: {  	s6 =	sld [smem:$0x3FB0]  }
0x2c: {  	s7 =	sld [smem:$0x3FB1]  }
0x2d: {  	s3 =	simm.s32 $0x108;
	s8 =	sld [smem:$0x3FB2]  }
0x2e: {  	s3 =	simm.s32 @!p0 $0x1082;
	s9 =	sld [smem:$0x3FB3]  }
0x2f: {  	lr =	sadd.s32 s0, s3;
	s0 =	sld [smem:$0x3FAA]  }
0x30: {  	s3 =	sld [smem:$0x3FAD]  }
0x31: {  	[smem:$0x3FB6] =	sst s10  }
0x32: {  	s10 =	sld [smem:$0x3FB4];
	_ =	sdelay $0x3  }
0x33: {  	p0 =	seq.s32 s10, $0x1;
	s10 =	sld [smem:$0x3FB6];
	_ =	sdelay $0x3  }
0x34: {  	[smem:$0x3FB6] =	sst s10  }
0x35: {  	s10 =	sld [smem:$0x3FB5];
	_ =	sdelay $0x3  }
0x36: {  	p1 =	seq.s32 s10, $0x1;
	s10 =	sld [smem:$0x3FB6];
	_ =	sdelay $0x3  }
0x37: {  	[smem:$0x3FB6] =	sst s10  }
0x38: {  	s10 =	sld [smem:$0x3FB7]  }
0x39: {  	_ = 	snop;
	(pc) =	sbr.ind lr, $3  }
0x3a: {  	_ = 	snop  }
0x3b: {  	_ = 	snop  }
0x3c: {  	p2 =	seq.s32 s10, $0x1;
	s10 =	sld [smem:$0x3FB6]  }
0x3d: {  	_ =	shalt  }
0x3e: {  	_ =	shalt  }
0x3f: {  	_ =	shalt  }
0x40: {  	_ =	shalt  }
0x41: {  	_ =	shalt  }
0x42: {  	_ =	shalt  }
0x43: {  	_ =	shalt  }
0x44: {  	_ =	shalt  }
0x45: {  	_ =	shalt  }
0x46: {  	_ =	shalt  }
0x47: {  	_ =	shalt  }
0x48: {  	_ =	shalt  }
0x49: {  	_ =	shalt  }
0x4a: {  	_ =	shalt  }
0x4b: {  	_ =	shalt  }
0x4c: {  	_ =	shalt  }
0x4d: {  	_ =	shalt  }
0x4e: {  	_ =	shalt  }
0x4f: {  	_ =	shalt  }
0x50: {  	_ =	shalt  }
0x51: {  	_ =	shalt  }
0x52: {  	_ =	shalt  }
0x53: {  	_ =	shalt  }
0x54: {  	_ =	shalt  }
0x55: {  	_ =	shalt  }
0x56: {  	_ =	shalt  }
0x57: {  	_ =	shalt  }
0x58: {  	_ =	shalt  }
0x59: {  	_ =	shalt  }
0x5a: {  	_ =	shalt  }
0x5b: {  	_ =	shalt  }
0x5c: {  	_ =	shalt  }
0x5d: {  	_ =	shalt  }
0x5e: {  	_ =	shalt  }
0x5f: {  	_ =	shalt  }
0x60: {  	_ =	shalt  }
0x61: {  	_ =	shalt  }
0x62: {  	_ =	shalt  }
0x63: {  	_ =	shalt  }
0x64: {  	_ =	shalt  }
0x65: {  	_ =	shalt  }
0x66: {  	_ =	shalt  }
0x67: {  	_ =	shalt  }
0x68: {  	_ =	shalt  }
0x69: {  	_ =	shalt  }
0x6a: {  	_ =	shalt  }
0x6b: {  	_ =	shalt  }
0x6c: {  	_ =	shalt  }
0x6d: {  	_ =	shalt  }
0x6e: {  	_ =	shalt  }
0x6f: {  	_ =	shalt  }
0x70: {  	_ =	shalt  }
0x71: {  	_ =	shalt  }
0x72: {  	_ =	shalt  }
0x73: {  	_ =	shalt  }
0x74: {  	_ =	shalt  }
0x75: {  	_ =	shalt  }
0x76: {  	_ =	shalt  }
0x77: {  	_ =	shalt  }
0x78: {  	_ =	shalt  }
0x79: {  	_ =	shalt  }
0x7a: {  	_ =	shalt  }
0x7b: {  	_ =	shalt  }
0x7c: {  	_ =	shalt  }
0x7d: {  	_ =	shalt  }
0x7e: {  	_ =	shalt  }
0x7f: {  	_ =	shalt  }
0x80: {  	_ =	shalt  }
0x81: {  	_ =	shalt  }
0x82: {  	_ =	shalt  }
0x83: {  	_ =	shalt  }
0x84: {  	_ =	shalt  }
0x85: {  	_ =	shalt  }
0x86: {  	_ =	shalt  }
0x87: {  	_ =	shalt  }
.Lfunc_end0:
.L_simem_size_0:
called_computation.2_lowered:
.L_overlay_start_0:
0x88: {  	s2 =	sld [smem:$0x3FD9]  }
0x89: {  	s3 =	sld [smem:$0x3FFE];
	_ =	sdelay $0x1  }
0x8a: {  	s1 =	srdreg.scid  }
0x8b: {  	s0 =	sand.u32 $0x1, s1  }
0x8c: {  	s16 =	sshll.u32 s0, $0xA;
	s2 =	sadd.s32 s3, s2  }
0x8d: {  	s2 =	sadd.s32 s2, s16  }
0x8e: {  	[smem:$0x3FC2] =	sst s2  }
0x8f: {  	_ = 	snop  }
0x90: {  	(tm) =	ssettm $0x1  }
0x91: {  	s17 =	sld [smem:$0x3FFB];
	_ =	sdelay $0x3  }
0x92: {  	_ =	strace s17  }
0x93: {  	s2 =	sld [smem:$0x3FFC];
	_ =	sdelay $0x3  }
0x94: {  	_ =	strace s2  }
0x95: {  	s2 =	sld [smem:$0x3FFD];
	_ =	sdelay $0x3  }
0x96: {  	_ =	strace s2  }
0x97: {  	_ =	strace $0x8FFFFFFF  }
0x98: {  	s18 =	sld [smem:$0x3FDB];
	_ =	sdelay $0x1  }
0x99: {  	s19 =	simm.s32 $_scs_section_size  }
0x9a: {  	s4 =	simm.s32 $_size__tile_overlayer_lowered;
	s5 =	simm.s32 $_tile_overlayer_lowered  }
0x9b: {  	s22 =	simm.s32 $0x1BFF;
	s21 =	sshll.u32 s5, $0x1;
	s2 =	sadd.s32 s19, s18  }
0x9c: {  	s6 =	simm.s32 $0x0;
	s20 =	sshll.u32 s4, $0x1;
	s4 =	sadd.s32 s21, s2  }
0x9d: {  	[timem:s6], [sflag:s22] =	dma.local [hbm:s4], s20  }
0x9e: {  	_ =	swait.ge [sflag:s22], s20  }
0x9f: {  	s3 =	ssub.s32 $0x0, s20;
	[sflag:s22] =	ssyncset.done $0x0  }
0xa0: {  	[sflag:s22] =	ssyncadd.s32 s3;
	_ =	sdelay $0x1  }
0xa1: {  	s23 =	simm.s32 $0x1B8B  }
0xa2: {  	_ =	swait.ge [sflag:s23], $0x1  }
0xa3: {  	[sflag:s23] =	ssyncset.done $0x0  }
0xa4: {  	s25 =	simm.s32 $0x1B8E;
	s24 =	sld [smem:$0x3FFE];
	[sflag:s23] =	ssyncadd.s32 $0xFFFFFFFF  }
0xa5: {  	s26 =	simm.s32 $execute0_lowered;
	[smem:$0x3FD2] =	sst s25  }
0xa6: {  	s4 =	sshll.u32 s26, $0x1;
	_ =	strace $0x8000004C;
	[dreg:$0x1] =	wrdreg $0xFFFFFFFF  }
0xa7: {  	s28 =	simm.s32 $_size_execute0_lowered;
	s2 =	sadd.s32 s2, s4;
	[dreg:$0x0] =	wrdreg $0x0  }
0xa8: {  	s4 =	sshll.u32 s28, $0x1;
	[dreg:$0x2] =	wrdreg s2  }
0xa9: {  	[dreg:$0x3] =	wrdreg s4  }
0xaa: {  	[dreg:$0x4] =	wrdreg $0xC0  }
0xab: {  	_ =	task [dreg:s6], $0x5FFFF  }
0xac: {  	[dreg:$0x1] =	wrdreg $0xFFFFFFFF  }
0xad: {  	[dreg:$0x0] =	wrdreg $0x60  }
0xae: {  	[dreg:$0x2] =	wrdreg s24  }
0xaf: {  	[dreg:$0x3] =	wrdreg $0x9  }
0xb0: {  	_ =	task.clear_ibuf [dreg:s6], $0x4FFFF;
	_ =	strace $0x9000004C  }
0xb1: {  	s29 =	simm.s32 $0x9;
	_ =	strace $0x8000004E  }
0xb2: {  	_ =	swait.ge [sflag:s29], $0x1  }
0xb3: {  	[sflag:s29] =	ssyncadd.s32 $0xFFFFFFFF  }
0xb4: {  	_ =	strace $0x9000004E  }
0xb5: {  	_ =	sfence  }
0xb6: {  	s30 =	sld [smem:$0x0];
	_ =	sdelay $0x2  }
0xb7: {  	s31 =	sshll.u32 s1, $0xD;
	s1 =	sshrl.u32 s1, $0x2  }
0xb8: {  	s3 =	sand.u32 $0x4000, s31;
	s1 =	sadd.s32 s1, s30  }
0xb9: {  	s0 =	sor.u32 s3, s0;
	s1 =	sshll.u32 s1, $0x11  }
0xba: {  	s0 =	sor.u32 s1, s0  }
0xbb: {  	s0 =	sadd.s32 $0x8F2B, s0  }
0xbc: {  	[sflag:s0] =	ssyncadd.remote.s32 $0x1  }
0xbd: {  	_ =	sfence.sel $0xFFFF  }
0xbe: {  	[dreg:$0x0] =	wrdreg $0xFFFFFFFF;
	(pc) =	sbr.abs _section_cstart, $3  }
0xbf: {  	[dreg:$0x1] =	wrdreg $0xFFFFFFFF  }
0xc0: {  	_ =	task.clear_ibuf [dreg:s6], $0x2FFFF;
	_ =	strace $0x9FFFFFFF  }
0xc1: {  	(tm) =	ssettm $0x7FFFFFFF  }
tec
execute0_lowered:
.L_overlay_start_1:
0x0: {  	(tag) =	ssettag $0x1  }
0x1: {  	s1 =	srdreg.scid  }
0x2: {  	s0 =	stileid.u32;
	s1 =	sand.u32 $0x1, s1  }
0x3: {  	s2 =	sshll.u32 s0, $0x5;
	s3 =	sshll.u32 s1, $0x4  }
0x4: {  	s5 =	rddreg [dreg:$0x0];
	s3 =	sor.u32 s3, s2;
	s2 =	simm.s32 $0x0  }
0x5: {  	s26 =	simm.s32 $0x880;
	[smem:$0x7FF] =	sst s2  }
0x6: {  	s0 =	simm.s32 $0x1080;
	_ =	strace $0x8000004D;
	[dreg:$0x4] =	wrdreg s26  }
0x7: {  	s6 =	simm.s32 $0x2080;
	[dreg:$0x5] =	wrdreg s0  }
0x8: {  	s7 =	simm.s32 $0x2880;
	[dreg:$0x7] =	wrdreg s6  }
0x9: {  	s8 =	simm.s32 $0x3080;
	[dreg:$0x8] =	wrdreg s7  }
0xa: {  	s9 =	simm.s32 $0x3880;
	[dreg:$0x9] =	wrdreg s8  }
0xb: {  	s10 =	simm.s32 $0x4080;
	[dreg:$0xa] =	wrdreg s9  }
0xc: {  	s11 =	simm.s32 $0x4880;
	[dreg:$0xb] =	wrdreg s10  }
0xd: {  	s12 =	simm.s32 $0x5080;
	[dreg:$0xc] =	wrdreg s11  }
0xe: {  	s13 =	simm.s32 $0x5880;
	[dreg:$0xd] =	wrdreg s12  }
0xf: {  	s14 =	simm.s32 $0x6080;
	[dreg:$0xe] =	wrdreg s13  }
0x10: {  	s15 =	simm.s32 $0x6880;
	[dreg:$0xf] =	wrdreg s14  }
0x11: {  	s16 =	simm.s32 $0x7080;
	[dreg:$0x10] =	wrdreg s15  }
0x12: {  	s17 =	simm.s32 $0x7880;
	s18 =	simm.s32 $0x8080;
	[dreg:$0x11] =	wrdreg s16  }
0x13: {  	s19 =	simm.s32 $0x8880;
	s20 =	simm.s32 $0x9080;
	[dreg:$0x12] =	wrdreg s17  }
0x14: {  	s21 =	simm.s32 $0x9880;
	s22 =	simm.s32 $0xA080;
	[dreg:$0x13] =	wrdreg s18  }
0x15: {  	s23 =	simm.s32 $0xA880;
	s24 =	simm.s32 $0xB880;
	[dreg:$0x14] =	wrdreg s19  }
0x16: {  	s28 =	simm.s32 $0x16080;
	s29 =	simm.s32 $0x16880;
	[dreg:$0x15] =	wrdreg s20  }
0x17: {  	s30 =	simm.s32 $0x17080;
	s31 =	simm.s32 $0x17880;
	[dreg:$0x16] =	wrdreg s21  }
0x18: {  	s4 =	smul.u32 $0x300, s3;
	s3 =	sadd.s32 s3, s5;
	[dreg:$0x17] =	wrdreg s22  }
0x19: {  	s1 =	ssub.s32 $0x2, s1;
	s3 =	sadd.s32 $0xA800, s3;
	[dreg:$0x18] =	wrdreg s23  }
0x1a: {  	s6 =	sshrl.u32 s1, $0x1;
	s7 =	simm.s32 $0xB080;
	[dreg:$0x1a] =	wrdreg s24  }
0x1b: {  	s8 =	simm.s32 $0x80;
	s26 =	simm.s32 $0xC880;
	s10 =	simm.s32 $0xD880  }
0x1c: {  	s11 =	simm.s32 $0xE080;
	s12 =	simm.s32 $0xE880;
	s13 =	simm.s32 $0xF080  }
0x1d: {  	s14 =	simm.s32 $0xF880;
	s15 =	simm.s32 $0x10080;
	s16 =	simm.s32 $0x10880  }
0x1e: {  	s17 =	simm.s32 $0x11080;
	s18 =	simm.s32 $0x11880;
	s19 =	simm.s32 $0x12080  }
0x1f: {  	s20 =	simm.s32 $0x12880;
	s21 =	simm.s32 $0x13080;
	s22 =	simm.s32 $0x13880  }
0x20: {  	s23 =	simm.s32 $0x14080;
	s24 =	simm.s32 $0x14880;
	[dreg:$0x2] =	wrdreg s3  }
0x21: {  	s4 =	sadd.s32 s4, s5;
	s3 =	sadd.s32 $0x18AA00, s5;
	[dreg:$0x19] =	wrdreg s7  }
0x22: {  	s1 =	ssub.s32 s1, s6;
	s7 =	simm.s32 $0x2;
	[dreg:$0x1c] =	wrdreg s26  }
0x23: {  	s26 =	simm.s32 $0x15880;
	s25 =	sadd.s32 $0x24AA00, s4;
	s4 =	simm.s32 $0x1880  }
0x24: {  	v2 =	vlaneseq.u32;
	s6 =	smax.u32 s1, $0x1;
	s1 =	simm.s32 $0x1;
	[dreg:$0x3] =	wrdreg s25  }
0x25: {  	vm0 =	vmmov $0xffff;
	v1 =	vshrl.u32 v2, $0x3;
	[dreg:$0x6] =	wrdreg s4;
	s4 =	sadd.s32 $0x18AB00, s5;
	s25 =	simm.s32 $0xC080  }
0x26: {  	v0 =	vand.u32 $0x7, v2;
	v2 =	vor.u32 $0x8, v2;
	v1 =	vmul.u32 $0x8, v1;
	s5 =	sadd.s32 $0x18AC00, s5;
	[dreg:$0x1b] =	wrdreg s25;
	s25 =	simm.s32 $0x15080  }
.LBB2_1:
0x27: {  	s0 =	rddreg [dreg:$0x2]  }
0x28: {  	[tilespmem:s2], [sflag:$0x2] =	stream.linear.gather [hbm4b:s0+s2], $0x80, $0x38;
	[tilespmem:$0x18080] =	vst v63  }
0x29: {  	_ =	swait.ge [sflag:s7], $0x80  }
0x2a: {  	[sflag:s7] =	ssyncset.done $0x0  }
0x2b: {  	[sflag:s7] =	ssyncadd.s32 $0xFFFFFF80  }
0x2c: {  	v3 =	vld [tilespmem:$0x0];
	_ =	sdelay $0x4  }
0x2d: {  	v4 =	vshrl.u32 v3, $0x3  }
0x2e: {  	v4 =	vmul.u32 $0x30, v4  }
0x2f: {  	v3 =	vand.u32 $0x7, v3  }
0x30: {  	v3 =	vor.u32 v3, v4  }
0x31: {  	v4 =	vperm.xlane v3, v0;
	_ =	sdelay $0x1  }
0x32: {  	v4 =	vadd.s32 v1, v4;
	_ =	sdelay $0x3  }
0x33: {  	v3 =	vperm.xlane v3, v2  }
0x34: {  	[tilespmem:s8], [sflag:$0x1] =	stream.indirect_vreg.gather [hbm4b:s3+s2], $0x80, v4, vm0, $0xb8;
	[tilespmem:$0x18080] =	vst v63  }
0x35: {  	s0 =	rddreg [dreg:$0x4];
	v3 =	vadd.s32 v1, v3  }
0x36: {  	[tilespmem:s0], [sflag:$0x1] =	stream.indirect_vreg.gather [hbm4b:s4+s2], $0x80, v4, vm0, $0xb8;
	[tilespmem:$0x18080] =	vst v63  }
0x37: {  	s9 =	rddreg [dreg:$0x5]  }
0x38: {  	[tilespmem:s9], [sflag:$0x1] =	stream.indirect_vreg.gather [hbm4b:s5+s2], $0x80, v4, vm0, $0xb8;
	[tilespmem:$0x18080] =	vst v63  }
0x39: {  	s0 =	rddreg [dreg:$0x6]  }
0x3a: {  	[tilespmem:s0], [sflag:$0x1] =	stream.indirect_vreg.gather [hbm4b:s3+s2], $0x80, v3, vm0, $0xb8;
	[tilespmem:$0x18080] =	vst v63  }
0x3b: {  	s9 =	rddreg [dreg:$0x7]  }
0x3c: {  	[tilespmem:s9], [sflag:$0x1] =	stream.indirect_vreg.gather [hbm4b:s4+s2], $0x80, v3, vm0, $0xb8;
	[tilespmem:$0x18080] =	vst v63  }
0x3d: {  	s0 =	rddreg [dreg:$0x8]  }
0x3e: {  	[tilespmem:s0], [sflag:$0x1] =	stream.indirect_vreg.gather [hbm4b:s5+s2], $0x80, v3, vm0, $0xb8;
	[tilespmem:$0x18080] =	vst v63  }
0x3f: {  	v3 =	vld [tilespmem:$0x10];
	_ =	sdelay $0x4  }
0x40: {  	v57 =	vshrl.u32 v3, $0x3  }
0x41: {  	v4 =	vmul.u32 $0x30, v57  }
0x42: {  	v3 =	vand.u32 $0x7, v3  }
0x43: {  	v3 =	vor.u32 v3, v4  }
0x44: {  	v4 =	vperm.xlane v3, v0;
	_ =	sdelay $0x1  }
0x45: {  	v4 =	vadd.s32 v1, v4;
	_ =	sdelay $0x3  }
0x46: {  	s0 =	rddreg [dreg:$0x9];
	v3 =	vperm.xlane v3, v2  }
0x47: {  	[tilespmem:s0], [sflag:$0x1] =	stream.indirect_vreg.gather [hbm4b:s3+s2], $0x80, v4, vm0, $0xb8;
	[tilespmem:$0x18080] =	vst v63  }
0x48: {  	s9 =	rddreg [dreg:$0xa];
	v3 =	vadd.s32 v1, v3  }
0x49: {  	[tilespmem:s9], [sflag:$0x1] =	stream.indirect_vreg.gather [hbm4b:s4+s2], $0x80, v4, vm0, $0xb8;
	[tilespmem:$0x18080] =	vst v63  }
0x4a: {  	s0 =	rddreg [dreg:$0xb]  }
0x4b: {  	[tilespmem:s0], [sflag:$0x1] =	stream.indirect_vreg.gather [hbm4b:s5+s2], $0x80, v4, vm0, $0xb8;
	[tilespmem:$0x18080] =	vst v63  }
0x4c: {  	s9 =	rddreg [dreg:$0xc]  }
0x4d: {  	[tilespmem:s9], [sflag:$0x1] =	stream.indirect_vreg.gather [hbm4b:s3+s2], $0x80, v3, vm0, $0xb8;
	[tilespmem:$0x18080] =	vst v63  }
0x4e: {  	s0 =	rddreg [dreg:$0xd]  }
0x4f: {  	[tilespmem:s0], [sflag:$0x1] =	stream.indirect_vreg.gather [hbm4b:s4+s2], $0x80, v3, vm0, $0xb8;
	[tilespmem:$0x18080] =	vst v63  }
0x50: {  	s9 =	rddreg [dreg:$0xe]  }
0x51: {  	[tilespmem:s9], [sflag:$0x1] =	stream.indirect_vreg.gather [hbm4b:s5+s2], $0x80, v3, vm0, $0xb8;
	[tilespmem:$0x18080] =	vst v63  }
0x52: {  	v3 =	vld [tilespmem:$0x20];
	_ =	sdelay $0x4  }
0x53: {  	v58 =	vshrl.u32 v3, $0x3  }
0x54: {  	v4 =	vmul.u32 $0x30, v58  }
0x55: {  	v3 =	vand.u32 $0x7, v3  }
0x56: {  	v3 =	vor.u32 v3, v4  }
0x57: {  	v4 =	vperm.xlane v3, v0;
	_ =	sdelay $0x1  }
0x58: {  	v4 =	vadd.s32 v1, v4;
	_ =	sdelay $0x3  }
0x59: {  	s0 =	rddreg [dreg:$0xf];
	v3 =	vperm.xlane v3, v2  }
0x5a: {  	[tilespmem:s0], [sflag:$0x1] =	stream.indirect_vreg.gather [hbm4b:s3+s2], $0x80, v4, vm0, $0xb8;
	[tilespmem:$0x18080] =	vst v63  }
0x5b: {  	s9 =	rddreg [dreg:$0x10];
	v3 =	vadd.s32 v1, v3  }
0x5c: {  	[tilespmem:s9], [sflag:$0x1] =	stream.indirect_vreg.gather [hbm4b:s4+s2], $0x80, v4, vm0, $0xb8;
	[tilespmem:$0x18080] =	vst v63  }
0x5d: {  	s0 =	rddreg [dreg:$0x11]  }
0x5e: {  	[tilespmem:s0], [sflag:$0x1] =	stream.indirect_vreg.gather [hbm4b:s5+s2], $0x80, v4, vm0, $0xb8;
	[tilespmem:$0x18080] =	vst v63  }
0x5f: {  	s9 =	rddreg [dreg:$0x12]  }
0x60: {  	[tilespmem:s9], [sflag:$0x1] =	stream.indirect_vreg.gather [hbm4b:s3+s2], $0x80, v3, vm0, $0xb8;
	[tilespmem:$0x18080] =	vst v63  }
0x61: {  	s0 =	rddreg [dreg:$0x13]  }
0x62: {  	[tilespmem:s0], [sflag:$0x1] =	stream.indirect_vreg.gather [hbm4b:s4+s2], $0x80, v3, vm0, $0xb8;
	[tilespmem:$0x18080] =	vst v63  }
0x63: {  	s9 =	rddreg [dreg:$0x14]  }
0x64: {  	[tilespmem:s9], [sflag:$0x1] =	stream.indirect_vreg.gather [hbm4b:s5+s2], $0x80, v3, vm0, $0xb8;
	[tilespmem:$0x18080] =	vst v63  }
0x65: {  	v3 =	vld [tilespmem:$0x30];
	_ =	sdelay $0x4  }
0x66: {  	v59 =	vshrl.u32 v3, $0x3  }
0x67: {  	v4 =	vmul.u32 $0x30, v59  }
0x68: {  	v3 =	vand.u32 $0x7, v3  }
0x69: {  	v3 =	vor.u32 v3, v4  }
0x6a: {  	v4 =	vperm.xlane v3, v0;
	_ =	sdelay $0x1  }
0x6b: {  	v4 =	vadd.s32 v1, v4;
	_ =	sdelay $0x3  }
0x6c: {  	s0 =	rddreg [dreg:$0x15];
	v3 =	vperm.xlane v3, v2  }
0x6d: {  	[tilespmem:s0], [sflag:$0x1] =	stream.indirect_vreg.gather [hbm4b:s3+s2], $0x80, v4, vm0, $0xb8;
	[tilespmem:$0x18080] =	vst v63  }
0x6e: {  	s9 =	rddreg [dreg:$0x16];
	v3 =	vadd.s32 v1, v3  }
0x6f: {  	[tilespmem:s9], [sflag:$0x1] =	stream.indirect_vreg.gather [hbm4b:s4+s2], $0x80, v4, vm0, $0xb8;
	[tilespmem:$0x18080] =	vst v63  }
0x70: {  	s0 =	rddreg [dreg:$0x17]  }
0x71: {  	[tilespmem:s0], [sflag:$0x1] =	stream.indirect_vreg.gather [hbm4b:s5+s2], $0x80, v4, vm0, $0xb8;
	[tilespmem:$0x18080] =	vst v63  }
0x72: {  	s9 =	rddreg [dreg:$0x18]  }
0x73: {  	[tilespmem:s9], [sflag:$0x1] =	stream.indirect_vreg.gather [hbm4b:s3+s2], $0x80, v3, vm0, $0xb8;
	[tilespmem:$0x18080] =	vst v63  }
0x74: {  	s0 =	rddreg [dreg:$0x19]  }
0x75: {  	[tilespmem:s0], [sflag:$0x1] =	stream.indirect_vreg.gather [hbm4b:s4+s2], $0x80, v3, vm0, $0xb8;
	[tilespmem:$0x18080] =	vst v63  }
0x76: {  	s9 =	rddreg [dreg:$0x1a]  }
0x77: {  	[tilespmem:s9], [sflag:$0x1] =	stream.indirect_vreg.gather [hbm4b:s5+s2], $0x80, v3, vm0, $0xb8;
	[tilespmem:$0x18080] =	vst v63  }
0x78: {  	v3 =	vld [tilespmem:$0x40];
	_ =	sdelay $0x4  }
0x79: {  	v60 =	vshrl.u32 v3, $0x3  }
0x7a: {  	v4 =	vmul.u32 $0x30, v60  }
0x7b: {  	v3 =	vand.u32 $0x7, v3  }
0x7c: {  	v3 =	vor.u32 v3, v4  }
0x7d: {  	v4 =	vperm.xlane v3, v0;
	_ =	sdelay $0x1  }
0x7e: {  	v4 =	vadd.s32 v1, v4;
	_ =	sdelay $0x3  }
0x7f: {  	s0 =	rddreg [dreg:$0x1b];
	v3 =	vperm.xlane v3, v2  }
0x80: {  	[tilespmem:s0], [sflag:$0x1] =	stream.indirect_vreg.gather [hbm4b:s3+s2], $0x80, v4, vm0, $0xb8;
	[tilespmem:$0x18080] =	vst v63  }
0x81: {  	s9 =	rddreg [dreg:$0x1c];
	v3 =	vadd.s32 v1, v3  }
0x82: {  	[tilespmem:s9], [sflag:$0x1] =	stream.indirect_vreg.gather [hbm4b:s4+s2], $0x80, v4, vm0, $0xb8;
	[tilespmem:$0x18080] =	vst v63  }
0x83: {  	s9 =	simm.s32 $0xD080  }
0x84: {  	[tilespmem:s9], [sflag:$0x1] =	stream.indirect_vreg.gather [hbm4b:s5+s2], $0x80, v4, vm0, $0xb8;
	[tilespmem:$0x18080] =	vst v63  }
0x85: {  	_ = 	snop  }
0x86: {  	[tilespmem:s10], [sflag:$0x1] =	stream.indirect_vreg.gather [hbm4b:s3+s2], $0x80, v3, vm0, $0xb8;
	[tilespmem:$0x18080] =	vst v63  }
0x87: {  	_ = 	snop  }
0x88: {  	[tilespmem:s11], [sflag:$0x1] =	stream.indirect_vreg.gather [hbm4b:s4+s2], $0x80, v3, vm0, $0xb8;
	[tilespmem:$0x18080] =	vst v63  }
0x89: {  	_ = 	snop  }
0x8a: {  	[tilespmem:s12], [sflag:$0x1] =	stream.indirect_vreg.gather [hbm4b:s5+s2], $0x80, v3, vm0, $0xb8;
	[tilespmem:$0x18080] =	vst v63  }
0x8b: {  	v3 =	vld [tilespmem:$0x50];
	_ =	sdelay $0x4  }
0x8c: {  	v61 =	vshrl.u32 v3, $0x3  }
0x8d: {  	v4 =	vmul.u32 $0x30, v61  }
0x8e: {  	v3 =	vand.u32 $0x7, v3  }
0x8f: {  	v3 =	vor.u32 v3, v4  }
0x90: {  	v4 =	vperm.xlane v3, v0;
	_ =	sdelay $0x1  }
0x91: {  	v4 =	vadd.s32 v1, v4;
	_ =	sdelay $0x3  }
0x92: {  	v3 =	vperm.xlane v3, v2  }
0x93: {  	[tilespmem:s13], [sflag:$0x1] =	stream.indirect_vreg.gather [hbm4b:s3+s2], $0x80, v4, vm0, $0xb8;
	[tilespmem:$0x18080] =	vst v63  }
0x94: {  	v3 =	vadd.s32 v1, v3  }
0x95: {  	[tilespmem:s14], [sflag:$0x1] =	stream.indirect_vreg.gather [hbm4b:s4+s2], $0x80, v4, vm0, $0xb8;
	[tilespmem:$0x18080] =	vst v63  }
0x96: {  	_ = 	snop  }
0x97: {  	[tilespmem:s15], [sflag:$0x1] =	stream.indirect_vreg.gather [hbm4b:s5+s2], $0x80, v4, vm0, $0xb8;
	[tilespmem:$0x18080] =	vst v63  }
0x98: {  	_ = 	snop  }
0x99: {  	[tilespmem:s16], [sflag:$0x1] =	stream.indirect_vreg.gather [hbm4b:s3+s2], $0x80, v3, vm0, $0xb8;
	[tilespmem:$0x18080] =	vst v63  }
0x9a: {  	_ = 	snop  }
0x9b: {  	[tilespmem:s17], [sflag:$0x1] =	stream.indirect_vreg.gather [hbm4b:s4+s2], $0x80, v3, vm0, $0xb8;
	[tilespmem:$0x18080] =	vst v63  }
0x9c: {  	_ = 	snop  }
0x9d: {  	[tilespmem:s18], [sflag:$0x1] =	stream.indirect_vreg.gather [hbm4b:s5+s2], $0x80, v3, vm0, $0xb8;
	[tilespmem:$0x18080] =	vst v63  }
0x9e: {  	v3 =	vld [tilespmem:$0x60];
	_ =	sdelay $0x4  }
0x9f: {  	v62 =	vshrl.u32 v3, $0x3  }
0xa0: {  	v4 =	vmul.u32 $0x30, v62  }
0xa1: {  	v3 =	vand.u32 $0x7, v3  }
0xa2: {  	v3 =	vor.u32 v3, v4  }
0xa3: {  	v4 =	vperm.xlane v3, v0;
	_ =	sdelay $0x1  }
0xa4: {  	v4 =	vadd.s32 v1, v4;
	_ =	sdelay $0x3  }
0xa5: {  	v3 =	vperm.xlane v3, v2  }
0xa6: {  	[tilespmem:s19], [sflag:$0x1] =	stream.indirect_vreg.gather [hbm4b:s3+s2], $0x80, v4, vm0, $0xb8;
	[tilespmem:$0x18080] =	vst v63  }
0xa7: {  	v3 =	vadd.s32 v1, v3  }
0xa8: {  	[tilespmem:s20], [sflag:$0x1] =	stream.indirect_vreg.gather [hbm4b:s4+s2], $0x80, v4, vm0, $0xb8;
	[tilespmem:$0x18080] =	vst v63  }
0xa9: {  	_ = 	snop  }
0xaa: {  	[tilespmem:s21], [sflag:$0x1] =	stream.indirect_vreg.gather [hbm4b:s5+s2], $0x80, v4, vm0, $0xb8;
	[tilespmem:$0x18080] =	vst v63  }
0xab: {  	_ = 	snop  }
0xac: {  	[tilespmem:s22], [sflag:$0x1] =	stream.indirect_vreg.gather [hbm4b:s3+s2], $0x80, v3, vm0, $0xb8;
	[tilespmem:$0x18080] =	vst v63  }
0xad: {  	_ = 	snop  }
0xae: {  	[tilespmem:s23], [sflag:$0x1] =	stream.indirect_vreg.gather [hbm4b:s4+s2], $0x80, v3, vm0, $0xb8;
	[tilespmem:$0x18080] =	vst v63  }
0xaf: {  	_ = 	snop  }
0xb0: {  	[tilespmem:s24], [sflag:$0x1] =	stream.indirect_vreg.gather [hbm4b:s5+s2], $0x80, v3, vm0, $0xb8;
	[tilespmem:$0x18080] =	vst v63  }
0xb1: {  	v3 =	vld [tilespmem:$0x70];
	_ =	sdelay $0x4  }
0xb2: {  	v63 =	vshrl.u32 v3, $0x3  }
0xb3: {  	v4 =	vmul.u32 $0x30, v63  }
0xb4: {  	v3 =	vand.u32 $0x7, v3  }
0xb5: {  	v3 =	vor.u32 v3, v4  }
0xb6: {  	v4 =	vperm.xlane v3, v0;
	_ =	sdelay $0x1  }
0xb7: {  	v4 =	vadd.s32 v1, v4;
	_ =	sdelay $0x3  }
0xb8: {  	v3 =	vperm.xlane v3, v2  }
0xb9: {  	[tilespmem:s25], [sflag:$0x1] =	stream.indirect_vreg.gather [hbm4b:s3+s2], $0x80, v4, vm0, $0xb8;
	[tilespmem:$0x18080] =	vst v63  }
0xba: {  	v3 =	vadd.s32 v1, v3  }
0xbb: {  	[tilespmem:s26], [sflag:$0x1] =	stream.indirect_vreg.gather [hbm4b:s4+s2], $0x80, v4, vm0, $0xb8;
	[tilespmem:$0x18080] =	vst v63  }
0xbc: {  	_ = 	snop  }
0xbd: {  	[tilespmem:s28], [sflag:$0x1] =	stream.indirect_vreg.gather [hbm4b:s5+s2], $0x80, v4, vm0, $0xb8;
	[tilespmem:$0x18080] =	vst v63  }
0xbe: {  	_ = 	snop  }
0xbf: {  	[tilespmem:s29], [sflag:$0x1] =	stream.indirect_vreg.gather [hbm4b:s3+s2], $0x80, v3, vm0, $0xb8;
	[tilespmem:$0x18080] =	vst v63  }
0xc0: {  	_ = 	snop  }
0xc1: {  	[tilespmem:s30], [sflag:$0x1] =	stream.indirect_vreg.gather [hbm4b:s4+s2], $0x80, v3, vm0, $0xb8;
	[tilespmem:$0x18080] =	vst v63  }
0xc2: {  	_ = 	snop  }
0xc3: {  	[tilespmem:s31], [sflag:$0x1] =	stream.indirect_vreg.gather [hbm4b:s5+s2], $0x80, v3, vm0, $0xb8;
	[tilespmem:$0x18080] =	vst v63  }
0xc4: {  	_ =	swait.ge [sflag:s1], $0x18000  }
0xc5: {  	p0 =	sne.s32 s6, $0x1;
	[sflag:s1] =	ssyncset.done $0x0  }
.Ltmp0:
0xc6: {  	s9 =	rddreg [dreg:$0x3];
	[sflag:s1] =	ssyncadd.s32 $0xFFFE8000;
	(pc) =	sbr.rel @p0 .LBB2_1-.Ltmp0, $4  }
0xc7: {  	[hbm4b:s9+s2] =	stream.linear.scatter [tilespmem:s8], [sflag:$0x2], $0x18000, $0x38;
	[tilespmem:$0x18080] =	vst v63  }
0xc8: {  	_ =	swait.ge [sflag:s7], $0x18000  }
0xc9: {  	[sflag:s7] =	ssyncset.done $0x0  }
0xca: {  	s6 =	sadd.s32 $0xFFFFFFFF, s6;
	[sflag:s7] =	ssyncadd.s32 $0xFFFE8000  }
0xcb: {  	_ =	sfence.sel $0x180000  }
0xcc: {  	[bflag:$0x0] =	sbarrier.arrive $0xFFFF  }
0xcd: {  	_ =	strace $0x9000004D  }
0xce: {  	s0 =	stileid.u32;
	[bflag:$0x2] =	sbarrier.arrive $0xFFFF  }
0xcf: {  	p0 =	sne.s32 s0, $0x0;
	s0 =	rddreg [dreg:$0x1]  }
0xd0: {  	s0 =	sadd.s32 @!p0 $0x100000, s0  }
0xd1: {  	[sflag:s0] =	ssyncadd.tile.s32 @!p0 $0x1;
	_ =	shalt  }
.Lfunc_end2:
_tile_overlayer_lowered:
.L_overlay_start_2:
0xd2: {  	(tag) =	ssettag $0x2  }
0xd3: {  	s0 =	rddreg [dreg:$0x0];
	s2 =	stileid.u32  }
0xd4: {  	s1 =	rddreg [dreg:$0x1];
	p0 =	sne.s32 s2, $0x0  }
0xd5: {  	s3 =	rddreg [dreg:$0x2];
	[bflag:$0x3] =	sbarrier.arrive $0xFFFF;
	s2 =	simm.s32 @!p0 $0x1C02  }
0xd6: {  	[timem:s3], [sflag:s2] =	dma.local @!p0 [hbm:s0], s1  }
0xd7: {  	s0 =	simm.s32 @!p0 $0x2  }
0xd8: {  	_ =	swait.ge @!p0 [sflag:s0], s1  }
0xd9: {  	s1 =	ssub.s32 @!p0 $0x0, s1;
	[sflag:s0] =	ssyncset.done @!p0 $0x0  }
0xda: {  	[sflag:s0] =	ssyncadd.s32 @!p0 s1  }
0xdb: {  	[bflag:$0x3] =	sbarrier.arrive $0xFFFF  }
0xdc: {  	_ =	shalt  }

// kernel: kernel.8.cloned.1.call-start
scs
__scs_entry_jumppad:
0x0: {  	(pc) =	sbr.rel $0x88, $3  }
0x1: {  	(tag) =	ssettag $0x0;
	lr =	simm.s32 $0x1  }
0x2: {  	[smem:$0x3F9B] =	sst lr;
	_ =	strace $0xD0000000  }
0x3: {  	_ = 	snop  }
0x4: {  	_ = 	snop  }
0x5: {  	_ = 	snop  }
0x6: {  	_ = 	snop  }
0x7: {  	_ = 	snop  }
__scs_overlays_trampoline_lowered:
0x8: {  	[smem:$0x3FAA] =	sst s0  }
0x9: {  	[smem:$0x3FAB] =	sst s1  }
0xa: {  	[smem:$0x3FAC] =	sst s2  }
0xb: {  	[smem:$0x3FAD] =	sst s3  }
0xc: {  	[smem:$0x3FAE] =	sst s4  }
0xd: {  	[smem:$0x3FAF] =	sst s5  }
0xe: {  	[smem:$0x3FB0] =	sst s6  }
0xf: {  	[smem:$0x3FB1] =	sst s7  }
0x10: {  	[smem:$0x3FB2] =	sst s8  }
0x11: {  	[smem:$0x3FB3] =	sst s9;
	s0 =	simm.s32 @!p0 $0x0  }
0x12: {  	s1 =	sld [smem:$0x3F99];
	s0 =	simm.s32 @p0 $0x1  }
0x13: {  	[smem:$0x3FB4] =	sst s0;
	s0 =	simm.s32 @!p1 $0x0  }
0x14: {  	s2 =	sld [smem:$0x3F98];
	s0 =	simm.s32 @p1 $0x1  }
0x15: {  	[smem:$0x3FB5] =	sst s0;
	s0 =	simm.s32 @!p2 $0x0  }
0x16: {  	s3 =	sld [smem:$0x3FDB];
	s0 =	simm.s32 @p2 $0x1  }
0x17: {  	s4 =	simm.s32 $0x1BF5;
	[smem:$0x3FB7] =	sst s0  }
0x18: {  	s0 =	sld [smem:$0x3F9A];
	_ =	swait.ge [sflag:s4], $0x0  }
0x19: {  	s7 =	sld [smem:$0x3F9B]  }
0x1a: {  	s8 =	sadd.s32 $0xFFFFE003, lr  }
0x1b: {  	s9 =	sadd.s32 $0xFFFFFEF7, lr;
	s5 =	simm.s32 $0xFFFFFFFF;
	p2 =	slt.u32 s8, $0xFFFFF086  }
0x1c: {  	p1 =	slt.u32 s9, $0xF7A;
	s5 =	simm.s32 @!p2 $0x0  }
0x1d: {  	s5 =	simm.s32 @p1 $0x1;
	p0 =	seq.s32 s7, s2  }
0x1e: {  	s7 =	smul.u32 @!p0 $0xF7A, s2;
	p2 =	seq.s32 @!p0 s5, $0x0  }
0x1f: {  	s9 =	smul.u32 $0xF7A, s1;
	s8 =	simm.s32 @!p0 $0x1BF5;
	p2 =	por !p2, p0  }
0x20: {  	[sflag:s8] =	ssyncset.s32 @!p0 $0xFFFFF086;
	s6 =	sadd.s32 @!p0 s3, s7;
	s7 =	simm.s32 @!p0 $0x108  }
0x21: {  	s3 =	sadd.s32 s3, s9;
	s6 =	sadd.s32 @!p0 $0x88, s6;
	s7 =	simm.s32 @p2 $0x1082  }
0x22: {  	[simem:s7], [sflag:s8] =	dma.local @!p0 [hbm:s6], $0xF7A  }
0x23: {  	s9 =	sor.u32 $0xD0000000, s2;
	s6 =	simm.s32 $0x108;
	_ =	swait.ge @!p0 [sflag:s8], $0x0  }
0x24: {  	s3 =	sadd.s32 $0x88, s3;
	s6 =	simm.s32 @!p1 $0x1082;
	[sflag:s4] =	ssyncset.s32 $0xFFFFF086  }
0x25: {  	[simem:s6], [sflag:s4] =	dma.local [hbm:s3], $0xF7A  }
0x26: {  	[smem:$0x3F9B] =	sst s1;
	(tag) =	ssettag s2;
	_ =	strace s9  }
0x27: {  	s1 =	sld [smem:$0x3FAB]  }
0x28: {  	s2 =	sld [smem:$0x3FAC]  }
0x29: {  	s4 =	sld [smem:$0x3FAE]  }
0x2a: {  	p0 =	seq.s32 s5, $0x0;
	s5 =	sld [smem:$0x3FAF]  }
0x2b: {  	s6 =	sld [smem:$0x3FB0]  }
0x2c: {  	s7 =	sld [smem:$0x3FB1]  }
0x2d: {  	s3 =	simm.s32 $0x108;
	s8 =	sld [smem:$0x3FB2]  }
0x2e: {  	s3 =	simm.s32 @!p0 $0x1082;
	s9 =	sld [smem:$0x3FB3]  }
0x2f: {  	lr =	sadd.s32 s0, s3;
	s0 =	sld [smem:$0x3FAA]  }
0x30: {  	s3 =	sld [smem:$0x3FAD]  }
0x31: {  	[smem:$0x3FB6] =	sst s10  }
0x32: {  	s10 =	sld [smem:$0x3FB4];
	_ =	sdelay $0x3  }
0x33: {  	p0 =	seq.s32 s10, $0x1;
	s10 =	sld [smem:$0x3FB6];
	_ =	sdelay $0x3  }
0x34: {  	[smem:$0x3FB6] =	sst s10  }
0x35: {  	s10 =	sld [smem:$0x3FB5];
	_ =	sdelay $0x3  }
0x36: {  	p1 =	seq.s32 s10, $0x1;
	s10 =	sld [smem:$0x3FB6];
	_ =	sdelay $0x3  }
0x37: {  	[smem:$0x3FB6] =	sst s10  }
0x38: {  	s10 =	sld [smem:$0x3FB7]  }
0x39: {  	_ = 	snop;
	(pc) =	sbr.ind lr, $3  }
0x3a: {  	_ = 	snop  }
0x3b: {  	_ = 	snop  }
0x3c: {  	p2 =	seq.s32 s10, $0x1;
	s10 =	sld [smem:$0x3FB6]  }
0x3d: {  	_ =	shalt  }
0x3e: {  	_ =	shalt  }
0x3f: {  	_ =	shalt  }
0x40: {  	_ =	shalt  }
0x41: {  	_ =	shalt  }
0x42: {  	_ =	shalt  }
0x43: {  	_ =	shalt  }
0x44: {  	_ =	shalt  }
0x45: {  	_ =	shalt  }
0x46: {  	_ =	shalt  }
0x47: {  	_ =	shalt  }
0x48: {  	_ =	shalt  }
0x49: {  	_ =	shalt  }
0x4a: {  	_ =	shalt  }
0x4b: {  	_ =	shalt  }
0x4c: {  	_ =	shalt  }
0x4d: {  	_ =	shalt  }
0x4e: {  	_ =	shalt  }
0x4f: {  	_ =	shalt  }
0x50: {  	_ =	shalt  }
0x51: {  	_ =	shalt  }
0x52: {  	_ =	shalt  }
0x53: {  	_ =	shalt  }
0x54: {  	_ =	shalt  }
0x55: {  	_ =	shalt  }
0x56: {  	_ =	shalt  }
0x57: {  	_ =	shalt  }
0x58: {  	_ =	shalt  }
0x59: {  	_ =	shalt  }
0x5a: {  	_ =	shalt  }
0x5b: {  	_ =	shalt  }
0x5c: {  	_ =	shalt  }
0x5d: {  	_ =	shalt  }
0x5e: {  	_ =	shalt  }
0x5f: {  	_ =	shalt  }
0x60: {  	_ =	shalt  }
0x61: {  	_ =	shalt  }
0x62: {  	_ =	shalt  }
0x63: {  	_ =	shalt  }
0x64: {  	_ =	shalt  }
0x65: {  	_ =	shalt  }
0x66: {  	_ =	shalt  }
0x67: {  	_ =	shalt  }
0x68: {  	_ =	shalt  }
0x69: {  	_ =	shalt  }
0x6a: {  	_ =	shalt  }
0x6b: {  	_ =	shalt  }
0x6c: {  	_ =	shalt  }
0x6d: {  	_ =	shalt  }
0x6e: {  	_ =	shalt  }
0x6f: {  	_ =	shalt  }
0x70: {  	_ =	shalt  }
0x71: {  	_ =	shalt  }
0x72: {  	_ =	shalt  }
0x73: {  	_ =	shalt  }
0x74: {  	_ =	shalt  }
0x75: {  	_ =	shalt  }
0x76: {  	_ =	shalt  }
0x77: {  	_ =	shalt  }
0x78: {  	_ =	shalt  }
0x79: {  	_ =	shalt  }
0x7a: {  	_ =	shalt  }
0x7b: {  	_ =	shalt  }
0x7c: {  	_ =	shalt  }
0x7d: {  	_ =	shalt  }
0x7e: {  	_ =	shalt  }
0x7f: {  	_ =	shalt  }
0x80: {  	_ =	shalt  }
0x81: {  	_ =	shalt  }
0x82: {  	_ =	shalt  }
0x83: {  	_ =	shalt  }
0x84: {  	_ =	shalt  }
0x85: {  	_ =	shalt  }
0x86: {  	_ =	shalt  }
0x87: {  	_ =	shalt  }
.Lfunc_end0:
.L_simem_size_0:
called_computation_lowered:
.L_overlay_start_0:
0x88: {  	s2 =	sld [smem:$0x3FD9]  }
0x89: {  	s3 =	sld [smem:$0x3FFE];
	_ =	sdelay $0x1  }
0x8a: {  	s1 =	srdreg.scid  }
0x8b: {  	s0 =	sand.u32 $0x1, s1  }
0x8c: {  	s14 =	sshll.u32 s0, $0xA;
	s2 =	sadd.s32 s3, s2  }
0x8d: {  	s2 =	sadd.s32 s2, s14  }
0x8e: {  	[smem:$0x3FC2] =	sst s2  }
0x8f: {  	_ = 	snop  }
0x90: {  	s2 =	sld [smem:$0x3FD0];
	_ =	sdelay $0x2  }
0x91: {  	s15 =	simm.s32 $0xA;
	s4 =	simm.s32 $0x10  }
0x92: {  	[smem:s4], [sflag:s15] =	dma.local [hbm:s2], $0x1  }
0x93: {  	_ =	swait.eq [sflag:s15], $0x1  }
0x94: {  	[sflag:s15] =	ssyncset.done $0x0  }
0x95: {  	[sflag:s15] =	ssyncadd.s32 $0xFFFFFFFF  }
0x96: {  	s16 =	sld [smem:$0x12];
	(tm) =	ssettm $0x1  }
0x97: {  	s17 =	sld [smem:$0x3FFB];
	_ =	sdelay $0x3  }
0x98: {  	_ =	strace s17  }
0x99: {  	s3 =	sld [smem:$0x3FFC];
	_ =	sdelay $0x3  }
0x9a: {  	_ =	strace s3  }
0x9b: {  	s3 =	sld [smem:$0x3FFD];
	_ =	sdelay $0x3  }
0x9c: {  	_ =	strace s3  }
0x9d: {  	_ =	strace $0x8FFFFFFF  }
0x9e: {  	s18 =	sld [smem:$0x3FDB];
	_ =	sdelay $0x1  }
0x9f: {  	s19 =	simm.s32 $_scs_section_size  }
0xa0: {  	s5 =	simm.s32 $_size__tile_overlayer_lowered;
	s6 =	simm.s32 $_tile_overlayer_lowered  }
0xa1: {  	s22 =	simm.s32 $0x1BFF;
	s21 =	sshll.u32 s6, $0x1;
	s3 =	sadd.s32 s19, s18  }
0xa2: {  	s7 =	simm.s32 $0x0;
	s20 =	sshll.u32 s5, $0x1;
	s5 =	sadd.s32 s21, s3  }
0xa3: {  	[timem:s7], [sflag:s22] =	dma.local [hbm:s5], s20  }
0xa4: {  	_ =	swait.ge [sflag:s22], s20  }
0xa5: {  	s4 =	ssub.s32 $0x0, s20;
	[sflag:s22] =	ssyncset.done $0x0  }
0xa6: {  	[sflag:s22] =	ssyncadd.s32 s4;
	_ =	sdelay $0x1  }
0xa7: {  	s23 =	simm.s32 $0x1B8B  }
0xa8: {  	_ =	swait.ge [sflag:s23], $0x1  }
0xa9: {  	[sflag:s23] =	ssyncset.done $0x0  }
0xaa: {  	s25 =	simm.s32 $0x1B8E;
	s24 =	sld [smem:$0x3FFE];
	[sflag:s23] =	ssyncadd.s32 $0xFFFFFFFF  }
0xab: {  	s26 =	simm.s32 $execute0_lowered;
	[smem:$0x3FD2] =	sst s25  }
0xac: {  	s5 =	sshll.u32 s26, $0x1;
	_ =	strace $0x80000046;
	[dreg:$0x1] =	wrdreg $0xFFFFFFFF  }
0xad: {  	s28 =	simm.s32 $_size_execute0_lowered;
	s3 =	sadd.s32 s3, s5;
	[dreg:$0x0] =	wrdreg $0x0  }
0xae: {  	s5 =	sshll.u32 s28, $0x1;
	[dreg:$0x2] =	wrdreg s3  }
0xaf: {  	[dreg:$0x3] =	wrdreg s5  }
0xb0: {  	[dreg:$0x4] =	wrdreg $0xC0  }
0xb1: {  	_ =	task [dreg:s7], $0x5FFFF  }
0xb2: {  	[dreg:$0x1] =	wrdreg $0xFFFFFFFF  }
0xb3: {  	[dreg:$0x0] =	wrdreg $0x60  }
0xb4: {  	[dreg:$0x2] =	wrdreg s16  }
0xb5: {  	[dreg:$0x3] =	wrdreg s24  }
0xb6: {  	[dreg:$0x4] =	wrdreg $0x9  }
0xb7: {  	_ =	task.clear_ibuf [dreg:s7], $0x5FFFF;
	_ =	strace $0x90000046  }
0xb8: {  	s29 =	simm.s32 $0x9;
	_ =	strace $0x80000048  }
0xb9: {  	_ =	swait.ge [sflag:s29], $0x1  }
0xba: {  	[sflag:s29] =	ssyncadd.s32 $0xFFFFFFFF  }
0xbb: {  	_ =	strace $0x90000048  }
0xbc: {  	_ =	sfence  }
0xbd: {  	s30 =	sld [smem:$0x0];
	_ =	sdelay $0x2  }
0xbe: {  	s31 =	sshll.u32 s1, $0xD;
	s1 =	sshrl.u32 s1, $0x2  }
0xbf: {  	s3 =	sand.u32 $0x4000, s31;
	s1 =	sadd.s32 s1, s30  }
0xc0: {  	s0 =	sor.u32 s3, s0;
	s1 =	sshll.u32 s1, $0x11  }
0xc1: {  	s0 =	sor.u32 s1, s0  }
0xc2: {  	s0 =	sadd.s32 $0x8F2B, s0  }
0xc3: {  	[sflag:s0] =	ssyncadd.remote.s32 $0x1  }
0xc4: {  	_ =	sfence.sel $0xFFFF  }
0xc5: {  	[dreg:$0x0] =	wrdreg $0xFFFFFFFF;
	(pc) =	sbr.abs _section_cstart, $3  }
0xc6: {  	[dreg:$0x1] =	wrdreg $0xFFFFFFFF  }
0xc7: {  	_ =	task.clear_ibuf [dreg:s7], $0x2FFFF;
	_ =	strace $0x9FFFFFFF  }
0xc8: {  	(tm) =	ssettm $0x7FFFFFFF  }
0xc9: {  	_ =	shalt  }
tec
execute0_lowered:
.L_overlay_start_1:
0x0: {  	(tag) =	ssettag $0x1  }
0x1: {  	s0 =	srdreg.scid  }
0x2: {  	s3 =	sand.u32 $0x1, s0;
	s0 =	stileid.u32  }
0x3: {  	s4 =	sshll.u32 s0, $0x1;
	s6 =	ssub.s32 $0x0, s3  }
0x4: {  	p0 =	sne.s32 s4, s6  }
.Ltmp0:
0x5: {  	_ = 	snop;
	(pc) =	sbr.rel @p0 .LBB2_27-.Ltmp0, $4  }
0x6: {  	_ = 	snop  }
0x7: {  	s2 =	rddreg [dreg:$0x0]  }
0x8: {  	s5 =	rddreg [dreg:$0x1]  }
0x9: {  	s1 =	rddreg [dreg:$0x2];
	_ =	strace $0x80000047  }
0xa: {  	s6 =	ssub.s32 $0x2, s3;
	s3 =	sadd.s32 $0xA600, s5;
	s4 =	sadd.s32 $0xA800, s5  }
0xb: {  	s5 =	sadd.s32 $0xA200, s5;
	s8 =	simm.s32 $0x1;
	s9 =	simm.s32 $0x1000  }
0xc: {  	s10 =	simm.s32 $0x1200;
	s11 =	simm.s32 $0x1100;
	s12 =	simm.s32 $0x1180  }
0xd: {  	v0 =	vlaneseq.u32;
	s13 =	simm.s32 $0x1080;
	s14 =	simm.s32 $0x2280;
	s7 =	sshrl.u32 s6, $0x1  }
0xe: {  	v1 =	vimm.s32 $0x0;
	v2 =	vimm.s32 $0x2F;
	s15 =	simm.s32 $0x4280;
	s16 =	simm.s32 $0x1280;
	v3 =	vadd.s32 $0x1, v0;
	s6 =	ssub.s32 s6, s7  }
0xf: {  	s17 =	simm.s32 $0x0;
	v4 =	vadd.s32 $0x11, v0;
	v5 =	vadd.s32 $0x21, v0;
	v6 =	vadd.s32 $0x31, v0;
	s7 =	simm.s32 $0x0;
	s6 =	smax.u32 s6, $0x1  }
.LBB2_2:
0x10: {  	[tilespmem:s7], [sflag:$0x1] =	stream.linear.gather [hbm4b:s2+s7], $0x1000, $0x38;
	[tilespmem:$0x6380] =	vst v63  }
0x11: {  	_ =	swait.ge [sflag:s8], $0x1000  }
0x12: {  	v7 =	vor.u32 s7, v0;
	[sflag:s8] =	ssyncset.done $0x0  }
0x13: {  	v7 =	vand.u32 $0x3FF, v7;
	[sflag:s8] =	ssyncadd.s32 $0xFFFFF000  }
0x14: {  	s18 =	simm.s32 $0x10;
	s19 =	simm.s32 $0x2280;
	[tilespmem:s14+$0x0] =	vst v7  }
.LBB2_3:
0x15: {  	p0 =	sne.s32 s18, $0x1FF0  }
.Ltmp1:
0x16: {  	_ = 	snop;
	(pc) =	sbr.rel @p0 .LBB2_3-.Ltmp1, $4  }
0x17: {  	_ = 	snop  }
0x18: {  	v7 =	vor.u32 s18, v0;
	s18 =	sadd.s32 $0x10, s18  }
0x19: {  	s19 =	sadd.s32 $0x10, s19;
	v7 =	vand.u32 $0x3FF, v7  }
0x1a: {  	[tilespmem:s19+$0x0] =	vst v7  }
0x1b: {  	[tilespmem:$0x1000] =	vst v1  }
0x1c: {  	[tilespmem:$0x1180] =	vst v1  }
0x1d: {  	[tilespmem:$0x1010] =	vst v1  }
0x1e: {  	[tilespmem:$0x1190] =	vst v1  }
0x1f: {  	[tilespmem:$0x1020] =	vst v1  }
0x20: {  	[tilespmem:$0x11A0] =	vst v1  }
0x21: {  	[tilespmem:$0x1030] =	vst v1  }
0x22: {  	[tilespmem:$0x11B0] =	vst v1  }
0x23: {  	[tilespmem:$0x1200] =	vst v1  }
0x24: {  	[tilespmem:$0x1210] =	vst v1  }
0x25: {  	[tilespmem:$0x1220] =	vst v1  }
0x26: {  	[tilespmem:$0x2240] =	vst v1  }
0x27: {  	[tilespmem:$0x2250] =	vst v1  }
0x28: {  	[tilespmem:$0x2260] =	vst v1  }
0x29: {  	[tilespmem:$0x2270] =	vst v1;
	s18 =	simm.s32 $0x0;
	s19 =	simm.s32 $0x0;
	s20 =	simm.s32 $0x0  }
.LBB2_5:
0x2a: {  	s21 =	sadd.s32 $0x0, s19  }
0x2b: {  	v9 =	vmov s21;
	_ =	sdelay $0x2  }
0x2c: {  	s21 =	sshll.u32 s20, $0x4  }
0x2d: {  	s24 =	sadd.s32 $0x1, s19;
	v7 =	vld [tilespmem:s21+$0x0]  }
0x2e: {  	v12 =	vmov s24;
	v10 =	vld.idx.msk [tilespmem:v9+s7+$0x0], $0xffff;
	_ =	sdelay $0x2  }
0x2f: {  	v8 =	vimm.s32 $0x0;
	s22 =	simm.s32 $0x1;
	s23 =	simm.s32 $0x2;
	v11 =	vmov s18;
	v9 =	vimm.s32 $0x0  }
.LBB2_6:
0x30: {  	s24 =	sadd.s32 s23, s19  }
0x31: {  	p0 =	sne.s32 s23, $0xF;
	vm0 =	veq.s32 v7, v10;
	v10 =	vld.idx.msk [tilespmem:v12+s7+$0x0], $0xffff;
	vm1 =	vlt.u32 v11, v0;
	vm2 =	vgt.u32 v11, v0;
	s25 =	smov.u32 s23;
	s23 =	sadd.s32 $0x1, s23  }
.Ltmp2:
0x32: {  	v12 =	vmov s24;
	vm1 =	vmand vm1, vm0;
	vm0 =	vmand vm2, vm0;
	(pc) =	sbr.rel @p0 .LBB2_6-.Ltmp2, $3  }
0x33: {  	v11 =	vsel vm1, $0x1, v1;
	v13 =	vsel vm0, $0x1, v1  }
0x34: {  	v8 =	vadd.s32 v11, v8;
	v9 =	vadd.s32 v13, v9;
	_ =	sdelay $0x1  }
0x35: {  	v11 =	vmov s22;
	s22 =	smov.u32 s25  }
0x36: {  	_ =	sdelay $0x3  }
0x37: {  	v12 =	vld.idx.msk [tilespmem:v12+s7+$0x0], $0xffff;
	_ =	sdelay $0x3  }
0x38: {  	vm0 =	veq.s32 v7, v10;
	vm1 =	vgt.u32 v11, v0;
	v58 =	vmov s22  }
0x39: {  	vm1 =	vmand vm1, vm0;
	vm3 =	vgt.u32 v58, v0;
	vm2 =	veq.s32 v7, v12  }
0x3a: {  	v59 =	vsel vm1, $0x1, v1;
	vm11 =	vmand vm3, vm2  }
0x3b: {  	v9 =	vadd.s32 v59, v9;
	v60 =	vsel vm11, $0x1, v1  }
0x3c: {  	vm12 =	vlt.u32 v11, v0;
	v61 =	vld.idx.msk [tilespmem:v7+s9+$0x0], $0xffff;
	v9 =	vadd.s32 v60, v9  }
0x3d: {  	vm0 =	vmand vm12, vm0;
	vm13 =	vlt.u32 v58, v0;
	vm14 =	veq.s32 v9, $0x0  }
0x3e: {  	v62 =	vsel vm0, $0x1, v1;
	vm15 =	vmand vm13, vm2  }
0x3f: {  	s20 =	sadd.s32 $0x1, s20;
	v8 =	vadd.s32 v62, v8;
	v63 =	vsel vm15, $0x1, v1  }
0x40: {  	p0 =	sne.s32 s20, $0xFC;
	v8 =	vadd.s32 v63, v8  }
.Ltmp3:
0x41: {  	v9 =	vadd.s32 v61, v8;
	(pc) =	sbr.rel @p0 .LBB2_5-.Ltmp3, $4  }
0x42: {  	v9 =	vadd.s32 $0x1, v9  }
0x43: {  	[tilespmem:v7+s9+$0x0] =	vst.idx.msk vm14, v9  }
0x44: {  	v7 =	vsel vm14, $0x1, v1;
	[tilespmem:s21+$0x4380] =	vst v8  }
0x45: {  	s19 =	sadd.s32 $0x10, s19;
	[tilespmem:s21+$0x5380] =	vst v7  }
0x46: {  	v7 =	vld [tilespmem:$0x1000];
	_ =	sdelay $0x4  }
0x47: {  	v7 =	vadd.s32 $0x3F, v7  }
0x48: {  	v8 =	vand.u32 $0xFFFFFFC0, v7  }
0x49: {  	[tilespmem:$0x1210] =	vst v8  }
0x4a: {  	v9 =	vld [tilespmem:$0x120F];
	_ =	sdelay $0x4  }
0x4b: {  	v9 =	vadd.s32 v9, v8  }
0x4c: {  	[tilespmem:$0x1210] =	vst v9  }
0x4d: {  	v10 =	vld [tilespmem:$0x120E];
	_ =	sdelay $0x4  }
0x4e: {  	v9 =	vadd.s32 v9, v10  }
0x4f: {  	[tilespmem:$0x1210] =	vst v9  }
0x50: {  	v10 =	vld [tilespmem:$0x120C];
	_ =	sdelay $0x4  }
0x51: {  	v9 =	vadd.s32 v9, v10  }
0x52: {  	[tilespmem:$0x1210] =	vst v9  }
0x53: {  	v10 =	vld [tilespmem:$0x1208];
	_ =	sdelay $0x4  }
0x54: {  	v9 =	vadd.s32 v9, v10  }
0x55: {  	[tilespmem:$0x1220] =	vst v9;
	v8 =	vsub.s32 v9, v8  }
0x56: {  	v7 =	vshra.s32 v7, $0x6;
	[tilespmem:$0x1080] =	vst v8  }
0x57: {  	v8 =	vld.idx.msk [tilespmem:v2+s10+$0x0], $0xffff;
	[tilespmem:$0x1210] =	vst v7  }
0x58: {  	v9 =	vld [tilespmem:$0x120F];
	_ =	sdelay $0x4  }
0x59: {  	v9 =	vadd.s32 v7, v9  }
0x5a: {  	[tilespmem:$0x1210] =	vst v9  }
0x5b: {  	v10 =	vld [tilespmem:$0x120E];
	_ =	sdelay $0x4  }
0x5c: {  	v9 =	vadd.s32 v9, v10  }
0x5d: {  	[tilespmem:$0x1210] =	vst v9  }
0x5e: {  	v10 =	vld [tilespmem:$0x120C];
	_ =	sdelay $0x4  }
0x5f: {  	v9 =	vadd.s32 v9, v10  }
0x60: {  	[tilespmem:$0x1210] =	vst v9  }
0x61: {  	v10 =	vld [tilespmem:$0x1208];
	_ =	sdelay $0x1  }
0x62: {  	v11 =	vld [tilespmem:$0x1010];
	_ =	sdelay $0x2  }
0x63: {  	v9 =	vadd.s32 v9, v10  }
0x64: {  	v7 =	vsub.s32 v9, v7  }
0x65: {  	[tilespmem:$0x1100] =	vst v7;
	v7 =	vadd.s32 $0x3F, v11  }
0x66: {  	[tilespmem:$0x1220] =	vst v9;
	v10 =	vand.u32 $0xFFFFFFC0, v7  }
0x67: {  	v9 =	vld.idx.msk [tilespmem:v2+s10+$0x0], $0xffff;
	[tilespmem:$0x1210] =	vst v10  }
0x68: {  	v11 =	vld [tilespmem:$0x120F];
	_ =	sdelay $0x4  }
0x69: {  	v11 =	vadd.s32 v11, v10  }
0x6a: {  	[tilespmem:$0x1210] =	vst v11  }
0x6b: {  	v12 =	vld [tilespmem:$0x120E];
	_ =	sdelay $0x4  }
0x6c: {  	v11 =	vadd.s32 v11, v12  }
0x6d: {  	[tilespmem:$0x1210] =	vst v11  }
0x6e: {  	v42 =	vld [tilespmem:$0x120C];
	_ =	sdelay $0x4  }
0x6f: {  	v11 =	vadd.s32 v11, v42  }
0x70: {  	[tilespmem:$0x1210] =	vst v11  }
0x71: {  	v43 =	vld [tilespmem:$0x1208];
	_ =	sdelay $0x4  }
0x72: {  	v10 =	vsub.s32 v8, v10;
	v11 =	vadd.s32 v11, v43  }
0x73: {  	[tilespmem:$0x1220] =	vst v11;
	v10 =	vadd.s32 v11, v10  }
0x74: {  	v7 =	vshra.s32 v7, $0x6;
	[tilespmem:$0x1090] =	vst v10  }
0x75: {  	v10 =	vld.idx.msk [tilespmem:v2+s10+$0x0], $0xffff;
	[tilespmem:$0x1210] =	vst v7  }
0x76: {  	v11 =	vld [tilespmem:$0x120F];
	_ =	sdelay $0x4  }
0x77: {  	v11 =	vadd.s32 v7, v11  }
0x78: {  	[tilespmem:$0x1210] =	vst v11  }
0x79: {  	v44 =	vld [tilespmem:$0x120E];
	_ =	sdelay $0x4  }
0x7a: {  	v11 =	vadd.s32 v11, v44  }
0x7b: {  	[tilespmem:$0x1210] =	vst v11  }
0x7c: {  	v45 =	vld [tilespmem:$0x120C];
	_ =	sdelay $0x4  }
0x7d: {  	v11 =	vadd.s32 v11, v45  }
0x7e: {  	[tilespmem:$0x1210] =	vst v11  }
0x7f: {  	v46 =	vld [tilespmem:$0x1208];
	_ =	sdelay $0x1  }
0x80: {  	v13 =	vld [tilespmem:$0x1020];
	_ =	sdelay $0x2  }
0x81: {  	v7 =	vsub.s32 v9, v7;
	v11 =	vadd.s32 v11, v46  }
0x82: {  	v7 =	vadd.s32 v11, v7  }
0x83: {  	[tilespmem:$0x1110] =	vst v7;
	v7 =	vadd.s32 $0x3F, v13  }
0x84: {  	[tilespmem:$0x1220] =	vst v11;
	v47 =	vand.u32 $0xFFFFFFC0, v7  }
0x85: {  	v11 =	vld.idx.msk [tilespmem:v2+s10+$0x0], $0xffff;
	[tilespmem:$0x1210] =	vst v47  }
0x86: {  	v48 =	vld [tilespmem:$0x120F];
	_ =	sdelay $0x4  }
0x87: {  	v13 =	vadd.s32 v48, v47  }
0x88: {  	[tilespmem:$0x1210] =	vst v13  }
0x89: {  	v14 =	vld [tilespmem:$0x120E];
	_ =	sdelay $0x4  }
0x8a: {  	v13 =	vadd.s32 v13, v14  }
0x8b: {  	[tilespmem:$0x1210] =	vst v13  }
0x8c: {  	v49 =	vld [tilespmem:$0x120C];
	_ =	sdelay $0x4  }
0x8d: {  	v13 =	vadd.s32 v13, v49  }
0x8e: {  	[tilespmem:$0x1210] =	vst v13  }
0x8f: {  	v50 =	vld [tilespmem:$0x1208];
	_ =	sdelay $0x3  }
0x90: {  	v8 =	vadd.s32 v8, v10  }
0x91: {  	v12 =	vsub.s32 v8, v47;
	v10 =	vadd.s32 v13, v50  }
0x92: {  	[tilespmem:$0x1220] =	vst v10;
	v10 =	vadd.s32 v10, v12  }
0x93: {  	v7 =	vshra.s32 v7, $0x6;
	[tilespmem:$0x10A0] =	vst v10  }
0x94: {  	v10 =	vld.idx.msk [tilespmem:v2+s10+$0x0], $0xffff;
	[tilespmem:$0x1210] =	vst v7  }
0x95: {  	v51 =	vld [tilespmem:$0x120F];
	_ =	sdelay $0x4  }
0x96: {  	v12 =	vadd.s32 v7, v51  }
0x97: {  	[tilespmem:$0x1210] =	vst v12  }
0x98: {  	v52 =	vld [tilespmem:$0x120E];
	_ =	sdelay $0x4  }
0x99: {  	v12 =	vadd.s32 v12, v52  }
0x9a: {  	[tilespmem:$0x1210] =	vst v12  }
0x9b: {  	v53 =	vld [tilespmem:$0x120C];
	_ =	sdelay $0x4  }
0x9c: {  	v12 =	vadd.s32 v12, v53  }
0x9d: {  	[tilespmem:$0x1210] =	vst v12  }
0x9e: {  	v54 =	vld [tilespmem:$0x1208];
	_ =	sdelay $0x1  }
0x9f: {  	v55 =	vld [tilespmem:$0x1030];
	_ =	sdelay $0x1  }
0xa0: {  	v9 =	vadd.s32 v9, v11  }
0xa1: {  	v7 =	vsub.s32 v9, v7;
	v11 =	vadd.s32 v12, v54  }
0xa2: {  	v7 =	vadd.s32 v11, v7  }
0xa3: {  	[tilespmem:$0x1120] =	vst v7;
	v7 =	vadd.s32 $0x3F, v55  }
0xa4: {  	[tilespmem:$0x1220] =	vst v11;
	v56 =	vand.u32 $0xFFFFFFC0, v7  }
0xa5: {  	v11 =	vld.idx.msk [tilespmem:v2+s10+$0x0], $0xffff;
	[tilespmem:$0x1210] =	vst v56  }
0xa6: {  	v57 =	vld [tilespmem:$0x120F];
	_ =	sdelay $0x4  }
0xa7: {  	v13 =	vadd.s32 v57, v56  }
0xa8: {  	[tilespmem:$0x1210] =	vst v13  }
0xa9: {  	v58 =	vld [tilespmem:$0x120E];
	_ =	sdelay $0x4  }
0xaa: {  	v13 =	vadd.s32 v13, v58  }
0xab: {  	[tilespmem:$0x1210] =	vst v13  }
0xac: {  	v59 =	vld [tilespmem:$0x120C];
	_ =	sdelay $0x4  }
0xad: {  	v13 =	vadd.s32 v13, v59  }
0xae: {  	v60 =	vshra.s32 v7, $0x6;
	[tilespmem:$0x1210] =	vst v13  }
0xaf: {  	v7 =	vld [tilespmem:$0x1208];
	[tilespmem:$0x1210] =	vst v60  }
0xb0: {  	v15 =	vld [tilespmem:$0x120F];
	_ =	sdelay $0x4  }
0xb1: {  	v15 =	vadd.s32 v60, v15  }
0xb2: {  	[tilespmem:$0x1210] =	vst v15  }
0xb3: {  	v16 =	vld [tilespmem:$0x120E];
	_ =	sdelay $0x4  }
0xb4: {  	v15 =	vadd.s32 v15, v16  }
0xb5: {  	[tilespmem:$0x1210] =	vst v15  }
0xb6: {  	v61 =	vld [tilespmem:$0x120C];
	_ =	sdelay $0x4  }
0xb7: {  	v15 =	vadd.s32 v15, v61  }
0xb8: {  	[tilespmem:$0x1210] =	vst v15  }
0xb9: {  	v62 =	vld [tilespmem:$0x1208];
	_ =	sdelay $0x1  }
0xba: {  	s18 =	simm.s32 $0x0;
	v8 =	vadd.s32 v8, v10  }
0xbb: {  	v63 =	vmov s18;
	v8 =	vsub.s32 v8, v56;
	v10 =	vadd.s32 v13, v7  }
0xbc: {  	v7 =	vadd.s32 v9, v11;
	v8 =	vadd.s32 v10, v8  }
0xbd: {  	v9 =	vsub.s32 v7, v60;
	[tilespmem:$0x10B0] =	vst v8;
	v8 =	vadd.s32 v15, v62  }
0xbe: {  	[tilespmem:$0x1220] =	vst v8;
	v8 =	vadd.s32 v8, v9  }
0xbf: {  	s31 =	simm.s32 $0x1;
	[tilespmem:$0x1130] =	vst v8  }
0xc0: {  	v10 =	vmov s31;
	v11 =	vld.idx.msk [tilespmem:v63+s11+$0x0], $0xffff;
	_ =	sdelay $0x3  }
0xc1: {  	v8 =	vld.idx.msk [tilespmem:v2+s10+$0x0], $0xffff  }
0xc2: {  	s18 =	simm.s32 $0x2;
	v9 =	vimm.s32 $0xFFFFFFFF;
	v10 =	vld.idx.msk [tilespmem:v10+s11+$0x0], $0xffff;
	vm0 =	vlt.s32 v11, v3  }
.LBB2_9:
0xc3: {  	v11 =	vmov s18;
	p0 =	sne.s32 s18, $0x3F;
	s18 =	sadd.s32 $0x1, s18;
	v12 =	vsel vm0, $0x1, v1  }
.Ltmp4:
0xc4: {  	v9 =	vadd.s32 v12, v9;
	(pc) =	sbr.rel @p0 .LBB2_9-.Ltmp4, $2  }
0xc5: {  	_ =	sdelay $0x2  }
0xc6: {  	vm0 =	vlt.s32 v10, v3;
	v10 =	vld.idx.msk [tilespmem:v11+s11+$0x0], $0xffff  }
0xc7: {  	_ =	sdelay $0x1  }
0xc8: {  	s18 =	simm.s32 $0x0  }
0xc9: {  	v11 =	vmov s18  }
0xca: {  	v12 =	vsel vm0, $0x1, v1;
	vm0 =	vlt.s32 v10, v3  }
0xcb: {  	v9 =	vadd.s32 v12, v9;
	v10 =	vsel vm0, $0x1, v1  }
0xcc: {  	v9 =	vadd.s32 v10, v9  }
0xcd: {  	s31 =	simm.s32 $0x1;
	[tilespmem:$0x4280] =	vst v9  }
0xce: {  	v10 =	vmov s31;
	v11 =	vld.idx.msk [tilespmem:v11+s11+$0x0], $0xffff;
	_ =	sdelay $0x4  }
0xcf: {  	s18 =	simm.s32 $0x2;
	v9 =	vimm.s32 $0xFFFFFFFF;
	v10 =	vld.idx.msk [tilespmem:v10+s11+$0x0], $0xffff;
	vm0 =	vlt.s32 v11, v4  }
.LBB2_11:
0xd0: {  	v11 =	vmov s18;
	p0 =	sne.s32 s18, $0x3F;
	s18 =	sadd.s32 $0x1, s18;
	v12 =	vsel vm0, $0x1, v1  }
.Ltmp5:
0xd1: {  	v9 =	vadd.s32 v12, v9;
	(pc) =	sbr.rel @p0 .LBB2_11-.Ltmp5, $2  }
0xd2: {  	_ =	sdelay $0x2  }
0xd3: {  	vm0 =	vlt.s32 v10, v4;
	v10 =	vld.idx.msk [tilespmem:v11+s11+$0x0], $0xffff  }
0xd4: {  	_ =	sdelay $0x1  }
0xd5: {  	s18 =	simm.s32 $0x0  }
0xd6: {  	v11 =	vmov s18  }
0xd7: {  	v12 =	vsel vm0, $0x1, v1;
	vm0 =	vlt.s32 v10, v4  }
0xd8: {  	v9 =	vadd.s32 v12, v9;
	v10 =	vsel vm0, $0x1, v1  }
0xd9: {  	v9 =	vadd.s32 v10, v9  }
0xda: {  	s31 =	simm.s32 $0x1;
	[tilespmem:$0x4290] =	vst v9  }
0xdb: {  	v10 =	vmov s31;
	v11 =	vld.idx.msk [tilespmem:v11+s11+$0x0], $0xffff;
	_ =	sdelay $0x4  }
0xdc: {  	s18 =	simm.s32 $0x2;
	v9 =	vimm.s32 $0xFFFFFFFF;
	v10 =	vld.idx.msk [tilespmem:v10+s11+$0x0], $0xffff;
	vm0 =	vlt.s32 v11, v5  }
.LBB2_13:
0xdd: {  	v11 =	vmov s18;
	p0 =	sne.s32 s18, $0x3F;
	s18 =	sadd.s32 $0x1, s18;
	v12 =	vsel vm0, $0x1, v1  }
.Ltmp6:
0xde: {  	v9 =	vadd.s32 v12, v9;
	(pc) =	sbr.rel @p0 .LBB2_13-.Ltmp6, $2  }
0xdf: {  	_ =	sdelay $0x2  }
0xe0: {  	vm0 =	vlt.s32 v10, v5;
	v10 =	vld.idx.msk [tilespmem:v11+s11+$0x0], $0xffff  }
0xe1: {  	_ =	sdelay $0x1  }
0xe2: {  	s18 =	simm.s32 $0x0  }
0xe3: {  	v11 =	vmov s18  }
0xe4: {  	v12 =	vsel vm0, $0x1, v1;
	vm0 =	vlt.s32 v10, v5  }
0xe5: {  	v9 =	vadd.s32 v12, v9;
	v10 =	vsel vm0, $0x1, v1  }
0xe6: {  	v9 =	vadd.s32 v10, v9  }
0xe7: {  	s31 =	simm.s32 $0x1;
	[tilespmem:$0x42A0] =	vst v9  }
0xe8: {  	v10 =	vmov s31;
	v11 =	vld.idx.msk [tilespmem:v11+s11+$0x0], $0xffff;
	_ =	sdelay $0x4  }
0xe9: {  	s18 =	simm.s32 $0x2;
	v9 =	vimm.s32 $0xFFFFFFFF;
	v10 =	vld.idx.msk [tilespmem:v10+s11+$0x0], $0xffff;
	vm0 =	vlt.s32 v11, v6  }
.LBB2_15:
0xea: {  	v11 =	vmov s18;
	p0 =	sne.s32 s18, $0x3F;
	s18 =	sadd.s32 $0x1, s18;
	v12 =	vsel vm0, $0x1, v1  }
.Ltmp7:
0xeb: {  	v9 =	vadd.s32 v12, v9;
	(pc) =	sbr.rel @p0 .LBB2_15-.Ltmp7, $2  }
0xec: {  	_ =	sdelay $0x2  }
0xed: {  	vm0 =	vlt.s32 v10, v6;
	v10 =	vld.idx.msk [tilespmem:v11+s11+$0x0], $0xffff  }
0xee: {  	_ =	sdelay $0x1  }
0xef: {  	s18 =	simm.s32 $0x0  }
0xf0: {  	v11 =	vmov s18  }
0xf1: {  	v12 =	vsel vm0, $0x1, v1;
	vm0 =	vlt.s32 v10, v6  }
0xf2: {  	v9 =	vadd.s32 v12, v9;
	v10 =	vsel vm0, $0x1, v1  }
0xf3: {  	v9 =	vadd.s32 v10, v9  }
0xf4: {  	s31 =	simm.s32 $0x1;
	[tilespmem:$0x42B0] =	vst v9  }
0xf5: {  	v63 =	vld.idx.msk [tilespmem:v11+s11+$0x0], $0xffff;
	v11 =	vmov s31;
	_ =	sdelay $0x3  }
0xf6: {  	v9 =	vadd.s32 $0x41, v0  }
0xf7: {  	s18 =	simm.s32 $0x2;
	v10 =	vimm.s32 $0xFFFFFFFF;
	v11 =	vld.idx.msk [tilespmem:v11+s11+$0x0], $0xffff;
	vm0 =	vlt.s32 v63, v9  }
.LBB2_17:
0xf8: {  	v12 =	vmov s18;
	p0 =	sne.s32 s18, $0x3F;
	s18 =	sadd.s32 $0x1, s18;
	v13 =	vsel vm0, $0x1, v1  }
.Ltmp8:
0xf9: {  	v10 =	vadd.s32 v13, v10;
	(pc) =	sbr.rel @p0 .LBB2_17-.Ltmp8, $2  }
0xfa: {  	_ =	sdelay $0x2  }
0xfb: {  	vm0 =	vlt.s32 v11, v9;
	v11 =	vld.idx.msk [tilespmem:v12+s11+$0x0], $0xffff  }
0xfc: {  	_ =	sdelay $0x1  }
0xfd: {  	s18 =	simm.s32 $0x0  }
0xfe: {  	v12 =	vmov s18  }
0xff: {  	v13 =	vsel vm0, $0x1, v1;
	vm0 =	vlt.s32 v11, v9  }
0x100: {  	v9 =	vadd.s32 v13, v10;
	v10 =	vsel vm0, $0x1, v1  }
0x101: {  	v9 =	vadd.s32 v10, v9  }
0x102: {  	s31 =	simm.s32 $0x1;
	[tilespmem:$0x42C0] =	vst v9  }
0x103: {  	v11 =	vmov s31;
	v12 =	vld.idx.msk [tilespmem:v12+s11+$0x0], $0xffff;
	_ =	sdelay $0x3  }
0x104: {  	v9 =	vadd.s32 $0x51, v0  }
0x105: {  	s18 =	simm.s32 $0x2;
	v10 =	vimm.s32 $0xFFFFFFFF;
	v11 =	vld.idx.msk [tilespmem:v11+s11+$0x0], $0xffff;
	vm0 =	vlt.s32 v12, v9  }
.LBB2_19:
0x106: {  	v12 =	vmov s18;
	p0 =	sne.s32 s18, $0x3F;
	s18 =	sadd.s32 $0x1, s18;
	v13 =	vsel vm0, $0x1, v1  }
.Ltmp9:
0x107: {  	v10 =	vadd.s32 v13, v10;
	(pc) =	sbr.rel @p0 .LBB2_19-.Ltmp9, $2  }
0x108: {  	_ =	sdelay $0x2  }
0x109: {  	vm0 =	vlt.s32 v11, v9;
	v11 =	vld.idx.msk [tilespmem:v12+s11+$0x0], $0xffff  }
0x10a: {  	_ =	sdelay $0x1  }
0x10b: {  	s18 =	simm.s32 $0x0  }
0x10c: {  	v12 =	vmov s18  }
0x10d: {  	v13 =	vsel vm0, $0x1, v1;
	vm0 =	vlt.s32 v11, v9  }
0x10e: {  	v9 =	vadd.s32 v13, v10;
	v10 =	vsel vm0, $0x1, v1  }
0x10f: {  	v9 =	vadd.s32 v10, v9  }
0x110: {  	s31 =	simm.s32 $0x1;
	[tilespmem:$0x42D0] =	vst v9  }
0x111: {  	v11 =	vmov s31;
	v12 =	vld.idx.msk [tilespmem:v12+s11+$0x0], $0xffff;
	_ =	sdelay $0x3  }
0x112: {  	v9 =	vadd.s32 $0x61, v0  }
0x113: {  	s18 =	simm.s32 $0x2;
	v10 =	vimm.s32 $0xFFFFFFFF;
	v11 =	vld.idx.msk [tilespmem:v11+s11+$0x0], $0xffff;
	vm0 =	vlt.s32 v12, v9  }
.LBB2_21:
0x114: {  	v12 =	vmov s18;
	p0 =	sne.s32 s18, $0x3F;
	s18 =	sadd.s32 $0x1, s18;
	v13 =	vsel vm0, $0x1, v1  }
.Ltmp10:
0x115: {  	v10 =	vadd.s32 v13, v10;
	(pc) =	sbr.rel @p0 .LBB2_21-.Ltmp10, $2  }
0x116: {  	_ =	sdelay $0x2  }
0x117: {  	vm0 =	vlt.s32 v11, v9;
	v11 =	vld.idx.msk [tilespmem:v12+s11+$0x0], $0xffff  }
0x118: {  	_ =	sdelay $0x1  }
0x119: {  	s18 =	simm.s32 $0x0  }
0x11a: {  	v12 =	vmov s18  }
0x11b: {  	v13 =	vsel vm0, $0x1, v1;
	vm0 =	vlt.s32 v11, v9  }
0x11c: {  	v9 =	vadd.s32 v13, v10;
	v10 =	vsel vm0, $0x1, v1  }
0x11d: {  	v9 =	vadd.s32 v10, v9  }
0x11e: {  	s31 =	simm.s32 $0x1;
	[tilespmem:$0x42E0] =	vst v9  }
0x11f: {  	v11 =	vmov s31;
	v12 =	vld.idx.msk [tilespmem:v12+s11+$0x0], $0xffff;
	_ =	sdelay $0x3  }
0x120: {  	v9 =	vadd.s32 $0x71, v0  }
0x121: {  	s18 =	simm.s32 $0x2;
	v10 =	vimm.s32 $0xFFFFFFFF;
	v11 =	vld.idx.msk [tilespmem:v11+s11+$0x0], $0xffff;
	vm0 =	vlt.s32 v12, v9  }
.LBB2_23:
0x122: {  	v12 =	vmov s18;
	p0 =	sne.s32 s18, $0x3F;
	s18 =	sadd.s32 $0x1, s18;
	v13 =	vsel vm0, $0x1, v1  }
.Ltmp11:
0x123: {  	v10 =	vadd.s32 v13, v10;
	(pc) =	sbr.rel @p0 .LBB2_23-.Ltmp11, $2  }
0x124: {  	_ =	sdelay $0x2  }
0x125: {  	vm0 =	vlt.s32 v11, v9;
	v11 =	vld.idx.msk [tilespmem:v12+s11+$0x0], $0xffff  }
0x126: {  	_ =	sdelay $0x3  }
0x127: {  	v12 =	vsel vm0, $0x1, v1;
	vm15 =	vlt.s32 v11, v9  }
0x128: {  	v7 =	vadd.s32 v7, v8;
	v62 =	vadd.s32 v12, v10;
	v63 =	vsel vm15, $0x1, v1  }
0x129: {  	s18 =	simm.s32 $0x0;
	s19 =	simm.s32 $0x4380;
	[tilespmem:$0x4300] =	vst v7;
	v9 =	vadd.s32 v63, v62  }
0x12a: {  	s20 =	simm.s32 $0x5380;
	s21 =	simm.s32 $0x1280;
	s22 =	simm.s32 $0x0;
	[tilespmem:$0x42F0] =	vst v9  }
.LBB2_25:
0x12b: {  	v7 =	vld [tilespmem:s18+$0x0];
	_ =	sdelay $0x3  }
0x12c: {  	v8 =	vld [tilespmem:s20+$0x0];
	_ =	sdelay $0x2  }
0x12d: {  	v9 =	vld [tilespmem:s19+$0x0]  }
0x12e: {  	v10 =	vld.idx.msk [tilespmem:v7+s12+$0x0], $0xffff  }
0x12f: {  	vm0 =	veq.s32 v8, $0x1;
	_ =	sdelay $0x3  }
0x130: {  	v8 =	vadd.s32 v9, v10  }
0x131: {  	v9 =	vadd.s32 $0x1, v8  }
0x132: {  	[tilespmem:v7+s12+$0x0] =	vst.idx.msk vm0, v9  }
0x133: {  	v7 =	vld.idx.msk [tilespmem:v7+s13+$0x0], $0xffff;
	_ =	sdelay $0x4  }
0x134: {  	p0 =	sne.s32 s22, $0xFB0;
	v7 =	vadd.s32 v8, v7  }
.Ltmp12:
0x135: {  	_ = 	snop;
	(pc) =	sbr.rel @p0 .LBB2_25-.Ltmp12, $4  }
0x136: {  	_ = 	snop  }
0x137: {  	v8 =	vor.u32 s22, v0  }
0x138: {  	s18 =	sadd.s32 $0x10, s18;
	s19 =	sadd.s32 $0x10, s19;
	[tilespmem:s21+$0x0] =	vst v7;
	v8 =	vshrl.u32 v8, $0x1  }
0x139: {  	s20 =	sadd.s32 $0x10, s20;
	s22 =	sadd.s32 $0x10, s22;
	s21 =	sadd.s32 $0x10, s21;
	[tilespmem:v7+s14+$0x0] =	vst.idx.msk $0xffff, v8  }
0x13a: {  	[hbm4b:s3+s7] =	stream.linear.scatter [tilespmem:s15], [sflag:$0x1], $0x100, $0x38;
	[tilespmem:$0x6380] =	vst v63  }
0x13b: {  	_ =	swait.ge [sflag:s8], $0x100  }
0x13c: {  	[sflag:s8] =	ssyncset.done $0x0  }
0x13d: {  	[sflag:s8] =	ssyncadd.s32 $0xFFFFFF00  }
0x13e: {  	[hbm4b:s4+s7] =	stream.linear.scatter [tilespmem:s16], [sflag:$0x1], $0x1000, $0x38;
	[tilespmem:$0x6380] =	vst v63  }
0x13f: {  	s17 =	sadd.s32 $0x1, s17;
	_ =	swait.ge [sflag:s8], $0x1000  }
0x140: {  	p0 =	sne.s32 s17, s6;
	[sflag:s8] =	ssyncset.done $0x0  }
.Ltmp13:
0x141: {  	[sflag:s8] =	ssyncadd.s32 $0xFFFFF000;
	(pc) =	sbr.rel @p0 .LBB2_2-.Ltmp13, $4  }
0x142: {  	[hbm4b:s5+s7] =	stream.linear.scatter [tilespmem:s14], [sflag:$0x1], $0x2000, $0x38;
	[tilespmem:$0x6380] =	vst v63  }
0x143: {  	_ =	swait.ge [sflag:s8], $0x2000  }
0x144: {  	[sflag:s8] =	ssyncset.done $0x0  }
0x145: {  	[sflag:s8] =	ssyncadd.s32 $0xFFFFE000  }
.LBB2_27:
0x146: {  	_ =	sfence.sel $0x180000  }
0x147: {  	[bflag:$0x0] =	sbarrier.arrive $0xFFFF  }
0x148: {  	p0 =	sne.s32 s0, $0x0;
	_ =	strace $0x90000047  }
0x149: {  	s0 =	sadd.s32 @!p0 $0x100000, s1;
	[bflag:$0x2] =	sbarrier.arrive $0xFFFF  }
0x14a: {  	[sflag:s0] =	ssyncadd.tile.s32 @!p0 $0x1;
	_ =	shalt  }
.Lfunc_end2:
_tile_overlayer_lowered:
.L_overlay_start_2:
0x14b: {  	(tag) =	ssettag $0x2  }
0x14c: {  	s0 =	rddreg [dreg:$0x0];
	s2 =	stileid.u32  }
0x14d: {  	s1 =	rddreg [dreg:$0x1];
	p0 =	sne.s32 s2, $0x0  }
0x14e: {  	s3 =	rddreg [dreg:$0x2];
	[bflag:$0x3] =	sbarrier.arrive $0xFFFF;
	s2 =	simm.s32 @!p0 $0x1C01  }
0x14f: {  	[timem:s3], [sflag:s2] =	dma.local @!p0 [hbm:s0], s1  }
0x150: {  	s0 =	simm.s32 @!p0 $0x1  }
0x151: {  	_ =	swait.ge @!p0 [sflag:s0], s1  }
0x152: {  	s1 =	ssub.s32 @!p0 $0x0, s1;
	[sflag:s0] =	ssyncset.done @!p0 $0x0  }
0x153: {  	[sflag:s0] =	ssyncadd.s32 @!p0 s1  }
0x154: {  	[bflag:$0x3] =	sbarrier.arrive $0xFFFF  }
0x155: {  	_ =	shalt  }

</sc_bundles>
